<compile_context>
chip_gen: v7x
topology: tpu7x:2x2x1
jax: 0.10.2.dev20260603
libtpu: 0.0.44.dev20260713+nightly
codegen_flags: <defaults>
</compile_context>

<pallas_src>
import jax
import jax.numpy as jnp
from jax import lax
from jax.experimental import pallas as pl
from jax.experimental.pallas import tpu as pltpu
from jax.experimental.pallas import tpu_sc as plsc

NUM_CORES = 2
NUM_SUBCORES = 16
NW = NUM_CORES * NUM_SUBCORES

D = 64
RPW = 512
RPC = 16
CPW = RPW // RPC
NB = 3


def _gather_kernel(lab_hbm, table_hbm, out_hbm,
                   idx_v, rows0, rows1, rows2,
                   sg0, sg1, sg2, so0, so1, so2):
    W = lab_hbm.shape[1]
    rows = (rows0, rows1, rows2)
    sg = (sg0, sg1, sg2)
    so = (so0, so1, so2)
    wid = lax.axis_index("s") * NUM_CORES + lax.axis_index("c")
    r_base = wid * RPW

    def start_gather(c, b):
        for k in range(RPC):
            pltpu.async_copy(
                table_hbm.at[idx_v.at[c * RPC + k]], rows[b].at[k], sg[b])

    def wait_gather(c, b):
        for k in range(RPC):
            pltpu.make_async_copy(
                table_hbm.at[idx_v.at[c * RPC + k]], rows[b].at[k], sg[b]
            ).wait()

    def start_out(c, b):
        pltpu.async_copy(
            rows[b], out_hbm.at[pl.ds(r_base + c * RPC, RPC)], so[b])

    def wait_out(b):
        pltpu.make_async_copy(
            rows[b], out_hbm.at[pl.ds(r_base, RPC)], so[b]).wait()

    pltpu.sync_copy(lab_hbm.at[pl.ds(r_base, RPW)], idx_v)

    start_gather(0, 0)
    start_gather(1, 1)
    wait_gather(0, 0); start_out(0, 0); start_gather(2, 2)
    wait_gather(1, 1); start_out(1, 1); wait_out(0); start_gather(3, 0)
    wait_gather(2, 2); start_out(2, 2); wait_out(1); start_gather(4, 1)

    def body(i, _):
        for b in range(NB):
            c = NB * i + b
            wait_gather(c, b)
            start_out(c, b)
            wait_out((b + 2) % NB)
            start_gather(c + 2, (b + 2) % NB)
        return _

    lax.fori_loop(1, (CPW - 2) // NB, body, None)

    c0, c1 = CPW - 2, CPW - 1
    b0, b1 = c0 % NB, c1 % NB
    wait_gather(c0, b0); start_out(c0, b0)
    wait_gather(c1, b1); start_out(c1, b1)
    wait_out((b1 + 1) % NB); wait_out(b0); wait_out(b1)


def kernel(labels, label_embed_weight):
    B0, B1 = labels.shape
    assert B0 == NW * RPW and CPW % NB == 2 % NB

    run = pl.kernel(
        _gather_kernel,
        out_type=jax.ShapeDtypeStruct((B0, B1, D), jnp.float32),
        mesh=plsc.VectorSubcoreMesh(
            core_axis_name="c", subcore_axis_name="s",
            num_cores=NUM_CORES, num_subcores=NUM_SUBCORES,
        ),
        scratch_types=[
            pltpu.VMEM((RPW, B1), jnp.int32),
            pltpu.VMEM((RPC, B1, D), jnp.float32),
            pltpu.VMEM((RPC, B1, D), jnp.float32),
            pltpu.VMEM((RPC, B1, D), jnp.float32),
            pltpu.SemaphoreType.DMA,
            pltpu.SemaphoreType.DMA,
            pltpu.SemaphoreType.DMA,
            pltpu.SemaphoreType.DMA,
            pltpu.SemaphoreType.DMA,
            pltpu.SemaphoreType.DMA,
        ],
        compiler_params=pltpu.CompilerParams(use_tc_tiling_on_sc=False),
    )
    return run(labels, label_embed_weight)

# --- scband reference (transcript-rebuilt; emitter-appended) ---
"""Pipeline reference for scband-label-encoder-79010218377646 (READ-ONLY COPY).

The authoritative reference and input builder live on the scoring server;
editing this copy changes nothing except your own understanding.
"""

import jax, jax.numpy as jnp
import numpy as np

NUM_CLASSES = 1000000
NUM_FEATS = 64

def setup_inputs(seed: int = 0) -> dict:
    key = jax.random.key(seed)
    k1, k2 = jax.random.split(key)
    labels = jax.random.randint(k1, (16384, 26), 0, NUM_CLASSES, dtype=jnp.int64 if jax.config.jax_enable_x64 else jnp.int32)
    # nn.init.uniform_ -> U[0, 1)
    label_embed_weight = jax.random.uniform(k2, (NUM_CLASSES, NUM_FEATS), dtype=jnp.float32)
    return {"labels": labels, "label_embed_weight": label_embed_weight}

def reference(labels, label_embed_weight):
    # emb = self.label_embed.weight[labels]
    emb = jnp.take(label_embed_weight, labels, axis=0)
    return emb

if __name__ == "__main__":
    import jax
    _d = setup_inputs()
    print(jax.jit(kernel)(*tuple(_d.values())))

</pallas_src>

<mosaic_0001>
#map = affine_map<(d0, d1) -> (0, 0)>
#map1 = affine_map<(d0, d1) -> (0, 0, 0)>
module attributes {stable_mosaic.version = 14 : i64} {
  func.func @_gather_kernel(%arg0: i32, %arg1: i32, %arg2: memref<16384x26xi32, #tpu.memory_space<hbm>>, %arg3: memref<1000000x64xf32, #tpu.memory_space<hbm>>, %arg4: memref<16384x26x64xf32, #tpu.memory_space<hbm>>, %arg5: memref<512x26xi32, #tpu.memory_space<vmem>>, %arg6: memref<16x26x64xf32, #tpu.memory_space<vmem>>, %arg7: memref<16x26x64xf32, #tpu.memory_space<vmem>>, %arg8: memref<16x26x64xf32, #tpu.memory_space<vmem>>, %arg9: memref<!tpu.dma_semaphore, #tpu.memory_space<semaphore_mem>>, %arg10: memref<!tpu.dma_semaphore, #tpu.memory_space<semaphore_mem>>, %arg11: memref<!tpu.dma_semaphore, #tpu.memory_space<semaphore_mem>>, %arg12: memref<!tpu.dma_semaphore, #tpu.memory_space<semaphore_mem>>, %arg13: memref<!tpu.dma_semaphore, #tpu.memory_space<semaphore_mem>>, %arg14: memref<!tpu.dma_semaphore, #tpu.memory_space<semaphore_mem>>) attributes {dimension_semantics = [#tpu.dimension_semantics<core_parallel>, #tpu.dimension_semantics<subcore_parallel>], iteration_bounds = array<i64: 2, 16>, scalar_prefetch = 0 : i64, scratch_operands = 10 : i64, tpu.core_type = #tpu.core_type<sc_vector_subcore>, window_params = [{transform_indices = #map}, {transform_indices = #map}, {transform_indices = #map1}]} {
    %mul3A = arith.constant 2 : i32
    %mul3A_0 = arith.muli %arg1, %mul3A : i32
    %add3A = arith.addi %mul3A_0, %arg0 : i32
    %mul3A_1 = arith.constant 512 : i32
    %mul3A_2 = arith.muli %add3A, %mul3A_1 : i32
    "tpu.region"() ({
      %run_scoped3A = tpu.sem_alloc : memref<!tpu.dma_semaphore, #tpu.memory_space<semaphore_mem>>
      %dma_start3A_1995 = arith.constant 0 : i32
      %dma_start3A_1996 = tpu.memref_slice %arg2[%mul3A_2, %dma_start3A_1995] : memref<16384x26xi32, #tpu.memory_space<hbm>> -> memref<512x26xi32, #tpu.memory_space<hbm>>
      %dma_start3A_1997 = arith.constant 0 : i32
      %dma_start3A_1998 = tpu.memref_slice %arg2[%mul3A_2, %dma_start3A_1997] : memref<16384x26xi32, #tpu.memory_space<hbm>> -> memref<512x26xi32, #tpu.memory_space<hbm>>
      tpu.enqueue_dma source(%dma_start3A_1998 : memref<512x26xi32, #tpu.memory_space<hbm>>) target(%arg5 : memref<512x26xi32, #tpu.memory_space<vmem>>) target_semaphore(%run_scoped3A : memref<!tpu.dma_semaphore, #tpu.memory_space<semaphore_mem>>)
      %dma_wait3A_1999 = arith.constant 0 : i32
      %dma_wait3A_2000 = tpu.memref_slice %arg2[%mul3A_2, %dma_wait3A_1999] : memref<16384x26xi32, #tpu.memory_space<hbm>> -> memref<512x26xi32, #tpu.memory_space<hbm>>
      %dma_wait3A_2001 = arith.constant 0 : i32
      %dma_wait3A_2002 = tpu.memref_slice %arg2[%mul3A_2, %dma_wait3A_2001] : memref<16384x26xi32, #tpu.memory_space<hbm>> -> memref<512x26xi32, #tpu.memory_space<hbm>>
      tpu.wait_dma2 semaphore(%run_scoped3A : memref<!tpu.dma_semaphore, #tpu.memory_space<semaphore_mem>>) src(%dma_wait3A_2002 : memref<512x26xi32, #tpu.memory_space<hbm>>) dst(%arg5 : memref<512x26xi32, #tpu.memory_space<vmem>>)
      tpu.yield
    }) : () -> ()
    %dma_start3A = arith.constant 0 : i32
    %dma_start3A_3 = arith.constant 0 : i32
    %dma_start3A_4 = arith.constant 0 : i32
    %dma_start3A_5 = arith.constant 0 : i32
    %dma_start3A_6 = tpu.memref_slice %arg6[%dma_start3A_3, %dma_start3A_4, %dma_start3A_5] : memref<16x26x64xf32, #tpu.memory_space<vmem>> -> memref<1x26x64xf32, #tpu.memory_space<vmem>>
    %dma_start3A_7 = tpu.memref_squeeze %dma_start3A_6 : memref<1x26x64xf32, #tpu.memory_space<vmem>> -> memref<26x64xf32, #tpu.memory_space<vmem>>
    %dma_start3A_8 = arith.constant 0 : i32
    %dma_start3A_9 = tpu.memref_slice %arg5[%dma_start3A, %dma_start3A_8] : memref<512x26xi32, #tpu.memory_space<vmem>> -> memref<1x26xi32, #tpu.memory_space<vmem>>
    %dma_start3A_10 = tpu.memref_squeeze %dma_start3A_9 : memref<1x26xi32, #tpu.memory_space<vmem>> -> memref<26xi32, #tpu.memory_space<vmem>>
    %dma_start3A_11 = arith.constant 0 : i32
    %dma_start3A_12 = arith.constant 0 : i32
    %dma_start3A_13 = tpu.memref_slice %arg3[%dma_start3A_11, %dma_start3A_12] : memref<1000000x64xf32, #tpu.memory_space<hbm>> -> memref<1000000x64xf32, #tpu.memory_space<hbm>>
    tpu.enqueue_indirect_dma source(%dma_start3A_13 : memref<1000000x64xf32, #tpu.memory_space<hbm>>) target(%dma_start3A_7 : memref<26x64xf32, #tpu.memory_space<vmem>>) offsets(%dma_start3A_10 : memref<26xi32, #tpu.memory_space<vmem>>) semaphore(%arg9 : memref<!tpu.dma_semaphore, #tpu.memory_space<semaphore_mem>>)
    %dma_start3A_14 = arith.constant 1 : i32
    %dma_start3A_15 = arith.constant 1 : i32
    %dma_start3A_16 = arith.constant 0 : i32
    %dma_start3A_17 = arith.constant 0 : i32
    %dma_start3A_18 = tpu.memref_slice %arg6[%dma_start3A_15, %dma_start3A_16, %dma_start3A_17] : memref<16x26x64xf32, #tpu.memory_space<vmem>> -> memref<1x26x64xf32, #tpu.memory_space<vmem>>
    %dma_start3A_19 = tpu.memref_squeeze %dma_start3A_18 : memref<1x26x64xf32, #tpu.memory_space<vmem>> -> memref<26x64xf32, #tpu.memory_space<vmem>>
    %dma_start3A_20 = arith.constant 0 : i32
    %dma_start3A_21 = tpu.memref_slice %arg5[%dma_start3A_14, %dma_start3A_20] : memref<512x26xi32, #tpu.memory_space<vmem>> -> memref<1x26xi32, #tpu.memory_space<vmem>>
    %dma_start3A_22 = tpu.memref_squeeze %dma_start3A_21 : memref<1x26xi32, #tpu.memory_space<vmem>> -> memref<26xi32, #tpu.memory_space<vmem>>
    %dma_start3A_23 = arith.constant 0 : i32
    %dma_start3A_24 = arith.constant 0 : i32
    %dma_start3A_25 = tpu.memref_slice %arg3[%dma_start3A_23, %dma_start3A_24] : memref<1000000x64xf32, #tpu.memory_space<hbm>> -> memref<1000000x64xf32, #tpu.memory_space<hbm>>
    tpu.enqueue_indirect_dma source(%dma_start3A_25 : memref<1000000x64xf32, #tpu.memory_space<hbm>>) target(%dma_start3A_19 : memref<26x64xf32, #tpu.memory_space<vmem>>) offsets(%dma_start3A_22 : memref<26xi32, #tpu.memory_space<vmem>>) semaphore(%arg9 : memref<!tpu.dma_semaphore, #tpu.memory_space<semaphore_mem>>)
    %dma_start3A_26 = arith.constant 2 : i32
    %dma_start3A_27 = arith.constant 2 : i32
    %dma_start3A_28 = arith.constant 0 : i32
    %dma_start3A_29 = arith.constant 0 : i32
    %dma_start3A_30 = tpu.memref_slice %arg6[%dma_start3A_27, %dma_start3A_28, %dma_start3A_29] : memref<16x26x64xf32, #tpu.memory_space<vmem>> -> memref<1x26x64xf32, #tpu.memory_space<vmem>>
    %dma_start3A_31 = tpu.memref_squeeze %dma_start3A_30 : memref<1x26x64xf32, #tpu.memory_space<vmem>> -> memref<26x64xf32, #tpu.memory_space<vmem>>
    %dma_start3A_32 = arith.constant 0 : i32
    %dma_start3A_33 = tpu.memref_slice %arg5[%dma_start3A_26, %dma_start3A_32] : memref<512x26xi32, #tpu.memory_space<vmem>> -> memref<1x26xi32, #tpu.memory_space<vmem>>
    %dma_start3A_34 = tpu.memref_squeeze %dma_start3A_33 : memref<1x26xi32, #tpu.memory_space<vmem>> -> memref<26xi32, #tpu.memory_space<vmem>>
    %dma_start3A_35 = arith.constant 0 : i32
    %dma_start3A_36 = arith.constant 0 : i32
    %dma_start3A_37 = tpu.memref_slice %arg3[%dma_start3A_35, %dma_start3A_36] : memref<1000000x64xf32, #tpu.memory_space<hbm>> -> memref<1000000x64xf32, #tpu.memory_space<hbm>>
    tpu.enqueue_indirect_dma source(%dma_start3A_37 : memref<1000000x64xf32, #tpu.memory_space<hbm>>) target(%dma_start3A_31 : memref<26x64xf32, #tpu.memory_space<vmem>>) offsets(%dma_start3A_34 : memref<26xi32, #tpu.memory_space<vmem>>) semaphore(%arg9 : memref<!tpu.dma_semaphore, #tpu.memory_space<semaphore_mem>>)
    %dma_start3A_38 = arith.constant 3 : i32
    %dma_start3A_39 = arith.constant 3 : i32
    %dma_start3A_40 = arith.constant 0 : i32
    %dma_start3A_41 = arith.constant 0 : i32
    %dma_start3A_42 = tpu.memref_slice %arg6[%dma_start3A_39, %dma_start3A_40, %dma_start3A_41] : memref<16x26x64xf32, #tpu.memory_space<vmem>> -> memref<1x26x64xf32, #tpu.memory_space<vmem>>
    %dma_start3A_43 = tpu.memref_squeeze %dma_start3A_42 : memref<1x26x64xf32, #tpu.memory_space<vmem>> -> memref<26x64xf32, #tpu.memory_space<vmem>>
    %dma_start3A_44 = arith.constant 0 : i32
    %dma_start3A_45 = tpu.memref_slice %arg5[%dma_start3A_38, %dma_start3A_44] : memref<512x26xi32, #tpu.memory_space<vmem>> -> memref<1x26xi32, #tpu.memory_space<vmem>>
    %dma_start3A_46 = tpu.memref_squeeze %dma_start3A_45 : memref<1x26xi32, #tpu.memory_space<vmem>> -> memref<26xi32, #tpu.memory_space<vmem>>
    %dma_start3A_47 = arith.constant 0 : i32
    %dma_start3A_48 = arith.constant 0 : i32
    %dma_start3A_49 = tpu.memref_slice %arg3[%dma_start3A_47, %dma_start3A_48] : memref<1000000x64xf32, #tpu.memory_space<hbm>> -> memref<1000000x64xf32, #tpu.memory_space<hbm>>
    tpu.enqueue_indirect_dma source(%dma_start3A_49 : memref<1000000x64xf32, #tpu.memory_space<hbm>>) target(%dma_start3A_43 : memref<26x64xf32, #tpu.memory_space<vmem>>) offsets(%dma_start3A_46 : memref<26xi32, #tpu.memory_space<vmem>>) semaphore(%arg9 : memref<!tpu.dma_semaphore, #tpu.memory_space<semaphore_mem>>)
    %dma_start3A_50 = arith.constant 4 : i32
    %dma_start3A_51 = arith.constant 4 : i32
    %dma_start3A_52 = arith.constant 0 : i32
    %dma_start3A_53 = arith.constant 0 : i32
    %dma_start3A_54 = tpu.memref_slice %arg6[%dma_start3A_51, %dma_start3A_52, %dma_start3A_53] : memref<16x26x64xf32, #tpu.memory_space<vmem>> -> memref<1x26x64xf32, #tpu.memory_space<vmem>>
    %dma_start3A_55 = tpu.memref_squeeze %dma_start3A_54 : memref<1x26x64xf32, #tpu.memory_space<vmem>> -> memref<26x64xf32, #tpu.memory_space<vmem>>
    %dma_start3A_56 = arith.constant 0 : i32
    %dma_start3A_57 = tpu.memref_slice %arg5[%dma_start3A_50, %dma_start3A_56] : memref<512x26xi32, #tpu.memory_space<vmem>> -> memref<1x26xi32, #tpu.memory_space<vmem>>
    %dma_start3A_58 = tpu.memref_squeeze %dma_start3A_57 : memref<1x26xi32, #tpu.memory_space<vmem>> -> memref<26xi32, #tpu.memory_space<vmem>>
    %dma_start3A_59 = arith.constant 0 : i32
    %dma_start3A_60 = arith.constant 0 : i32
    %dma_start3A_61 = tpu.memref_slice %arg3[%dma_start3A_59, %dma_start3A_60] : memref<1000000x64xf32, #tpu.memory_space<hbm>> -> memref<1000000x64xf32, #tpu.memory_space<hbm>>
    tpu.enqueue_indirect_dma source(%dma_start3A_61 : memref<1000000x64xf32, #tpu.memory_space<hbm>>) target(%dma_start3A_55 : memref<26x64xf32, #tpu.memory_space<vmem>>) offsets(%dma_start3A_58 : memref<26xi32, #tpu.memory_space<vmem>>) semaphore(%arg9 : memref<!tpu.dma_semaphore, #tpu.memory_space<semaphore_mem>>)
    %dma_start3A_62 = arith.constant 5 : i32
    %dma_start3A_63 = arith.constant 5 : i32
    %dma_start3A_64 = arith.constant 0 : i32
    %dma_start3A_65 = arith.constant 0 : i32
    %dma_start3A_66 = tpu.memref_slice %arg6[%dma_start3A_63, %dma_start3A_64, %dma_start3A_65] : memref<16x26x64xf32, #tpu.memory_space<vmem>> -> memref<1x26x64xf32, #tpu.memory_space<vmem>>
    %dma_start3A_67 = tpu.memref_squeeze %dma_start3A_66 : memref<1x26x64xf32, #tpu.memory_space<vmem>> -> memref<26x64xf32, #tpu.memory_space<vmem>>
    %dma_start3A_68 = arith.constant 0 : i32
    %dma_start3A_69 = tpu.memref_slice %arg5[%dma_start3A_62, %dma_start3A_68] : memref<512x26xi32, #tpu.memory_space<vmem>> -> memref<1x26xi32, #tpu.memory_space<vmem>>
    %dma_start3A_70 = tpu.memref_squeeze %dma_start3A_69 : memref<1x26xi32, #tpu.memory_space<vmem>> -> memref<26xi32, #tpu.memory_space<vmem>>
    %dma_start3A_71 = arith.constant 0 : i32
    %dma_start3A_72 = arith.constant 0 : i32
    %dma_start3A_73 = tpu.memref_slice %arg3[%dma_start3A_71, %dma_start3A_72] : memref<1000000x64xf32, #tpu.memory_space<hbm>> -> memref<1000000x64xf32, #tpu.memory_space<hbm>>
    tpu.enqueue_indirect_dma source(%dma_start3A_73 : memref<1000000x64xf32, #tpu.memory_space<hbm>>) target(%dma_start3A_67 : memref<26x64xf32, #tpu.memory_space<vmem>>) offsets(%dma_start3A_70 : memref<26xi32, #tpu.memory_space<vmem>>) semaphore(%arg9 : memref<!tpu.dma_semaphore, #tpu.memory_space<semaphore_mem>>)
    %dma_start3A_74 = arith.constant 6 : i32
    %dma_start3A_75 = arith.constant 6 : i32
    %dma_start3A_76 = arith.constant 0 : i32
    %dma_start3A_77 = arith.constant 0 : i32
    %dma_start3A_78 = tpu.memref_slice %arg6[%dma_start3A_75, %dma_start3A_76, %dma_start3A_77] : memref<16x26x64xf32, #tpu.memory_space<vmem>> -> memref<1x26x64xf32, #tpu.memory_space<vmem>>
    %dma_start3A_79 = tpu.memref_squeeze %dma_start3A_78 : memref<1x26x64xf32, #tpu.memory_space<vmem>> -> memref<26x64xf32, #tpu.memory_space<vmem>>
    %dma_start3A_80 = arith.constant 0 : i32
    %dma_start3A_81 = tpu.memref_slice %arg5[%dma_start3A_74, %dma_start3A_80] : memref<512x26xi32, #tpu.memory_space<vmem>> -> memref<1x26xi32, #tpu.memory_space<vmem>>
    %dma_start3A_82 = tpu.memref_squeeze %dma_start3A_81 : memref<1x26xi32, #tpu.memory_space<vmem>> -> memref<26xi32, #tpu.memory_space<vmem>>
    %dma_start3A_83 = arith.constant 0 : i32
    %dma_start3A_84 = arith.constant 0 : i32
    %dma_start3A_85 = tpu.memref_slice %arg3[%dma_start3A_83, %dma_start3A_84] : memref<1000000x64xf32, #tpu.memory_space<hbm>> -> memref<1000000x64xf32, #tpu.memory_space<hbm>>
    tpu.enqueue_indirect_dma source(%dma_start3A_85 : memref<1000000x64xf32, #tpu.memory_space<hbm>>) target(%dma_start3A_79 : memref<26x64xf32, #tpu.memory_space<vmem>>) offsets(%dma_start3A_82 : memref<26xi32, #tpu.memory_space<vmem>>) semaphore(%arg9 : memref<!tpu.dma_semaphore, #tpu.memory_space<semaphore_mem>>)
    %dma_start3A_86 = arith.constant 7 : i32
    %dma_start3A_87 = arith.constant 7 : i32
    %dma_start3A_88 = arith.constant 0 : i32
    %dma_start3A_89 = arith.constant 0 : i32
    %dma_start3A_90 = tpu.memref_slice %arg6[%dma_start3A_87, %dma_start3A_88, %dma_start3A_89] : memref<16x26x64xf32, #tpu.memory_space<vmem>> -> memref<1x26x64xf32, #tpu.memory_space<vmem>>
    %dma_start3A_91 = tpu.memref_squeeze %dma_start3A_90 : memref<1x26x64xf32, #tpu.memory_space<vmem>> -> memref<26x64xf32, #tpu.memory_space<vmem>>
    %dma_start3A_92 = arith.constant 0 : i32
    %dma_start3A_93 = tpu.memref_slice %arg5[%dma_start3A_86, %dma_start3A_92] : memref<512x26xi32, #tpu.memory_space<vmem>> -> memref<1x26xi32, #tpu.memory_space<vmem>>
    %dma_start3A_94 = tpu.memref_squeeze %dma_start3A_93 : memref<1x26xi32, #tpu.memory_space<vmem>> -> memref<26xi32, #tpu.memory_space<vmem>>
    %dma_start3A_95 = arith.constant 0 : i32
    %dma_start3A_96 = arith.constant 0 : i32
    %dma_start3A_97 = tpu.memref_slice %arg3[%dma_start3A_95, %dma_start3A_96] : memref<1000000x64xf32, #tpu.memory_space<hbm>> -> memref<1000000x64xf32, #tpu.memory_space<hbm>>
    tpu.enqueue_indirect_dma source(%dma_start3A_97 : memref<1000000x64xf32, #tpu.memory_space<hbm>>) target(%dma_start3A_91 : memref<26x64xf32, #tpu.memory_space<vmem>>) offsets(%dma_start3A_94 : memref<26xi32, #tpu.memory_space<vmem>>) semaphore(%arg9 : memref<!tpu.dma_semaphore, #tpu.memory_space<semaphore_mem>>)
    %dma_start3A_98 = arith.constant 8 : i32
    %dma_start3A_99 = arith.constant 8 : i32
    %dma_start3A_100 = arith.constant 0 : i32
    %dma_start3A_101 = arith.constant 0 : i32
    %dma_start3A_102 = tpu.memref_slice %arg6[%dma_start3A_99, %dma_start3A_100, %dma_start3A_101] : memref<16x26x64xf32, #tpu.memory_space<vmem>> -> memref<1x26x64xf32, #tpu.memory_space<vmem>>
    %dma_start3A_103 = tpu.memref_squeeze %dma_start3A_102 : memref<1x26x64xf32, #tpu.memory_space<vmem>> -> memref<26x64xf32, #tpu.memory_space<vmem>>
    %dma_start3A_104 = arith.constant 0 : i32
    %dma_start3A_105 = tpu.memref_slice %arg5[%dma_start3A_98, %dma_start3A_104] : memref<512x26xi32, #tpu.memory_space<vmem>> -> memref<1x26xi32, #tpu.memory_space<vmem>>
    %dma_start3A_106 = tpu.memref_squeeze %dma_start3A_105 : memref<1x26xi32, #tpu.memory_space<vmem>> -> memref<26xi32, #tpu.memory_space<vmem>>
    %dma_start3A_107 = arith.constant 0 : i32
    %dma_start3A_108 = arith.constant 0 : i32
    %dma_start3A_109 = tpu.memref_slice %arg3[%dma_start3A_107, %dma_start3A_108] : memref<1000000x64xf32, #tpu.memory_space<hbm>> -> memref<1000000x64xf32, #tpu.memory_space<hbm>>
    tpu.enqueue_indirect_dma source(%dma_start3A_109 : memref<1000000x64xf32, #tpu.memory_space<hbm>>) target(%dma_start3A_103 : memref<26x64xf32, #tpu.memory_space<vmem>>) offsets(%dma_start3A_106 : memref<26xi32, #tpu.memory_space<vmem>>) semaphore(%arg9 : memref<!tpu.dma_semaphore, #tpu.memory_space<semaphore_mem>>)
    %dma_start3A_110 = arith.constant 9 : i32
    %dma_start3A_111 = arith.constant 9 : i32
    %dma_start3A_112 = arith.constant 0 : i32
    %dma_start3A_113 = arith.constant 0 : i32
    %dma_start3A_114 = tpu.memref_slice %arg6[%dma_start3A_111, %dma_start3A_112, %dma_start3A_113] : memref<16x26x64xf32, #tpu.memory_space<vmem>> -> memref<1x26x64xf32, #tpu.memory_space<vmem>>
    %dma_start3A_115 = tpu.memref_squeeze %dma_start3A_114 : memref<1x26x64xf32, #tpu.memory_space<vmem>> -> memref<26x64xf32, #tpu.memory_space<vmem>>
    %dma_start3A_116 = arith.constant 0 : i32
    %dma_start3A_117 = tpu.memref_slice %arg5[%dma_start3A_110, %dma_start3A_116] : memref<512x26xi32, #tpu.memory_space<vmem>> -> memref<1x26xi32, #tpu.memory_space<vmem>>
    %dma_start3A_118 = tpu.memref_squeeze %dma_start3A_117 : memref<1x26xi32, #tpu.memory_space<vmem>> -> memref<26xi32, #tpu.memory_space<vmem>>
    %dma_start3A_119 = arith.constant 0 : i32
    %dma_start3A_120 = arith.constant 0 : i32
    %dma_start3A_121 = tpu.memref_slice %arg3[%dma_start3A_119, %dma_start3A_120] : memref<1000000x64xf32, #tpu.memory_space<hbm>> -> memref<1000000x64xf32, #tpu.memory_space<hbm>>
    tpu.enqueue_indirect_dma source(%dma_start3A_121 : memref<1000000x64xf32, #tpu.memory_space<hbm>>) target(%dma_start3A_115 : memref<26x64xf32, #tpu.memory_space<vmem>>) offsets(%dma_start3A_118 : memref<26xi32, #tpu.memory_space<vmem>>) semaphore(%arg9 : memref<!tpu.dma_semaphore, #tpu.memory_space<semaphore_mem>>)
    %dma_start3A_122 = arith.constant 10 : i32
    %dma_start3A_123 = arith.constant 10 : i32
    %dma_start3A_124 = arith.constant 0 : i32
    %dma_start3A_125 = arith.constant 0 : i32
    %dma_start3A_126 = tpu.memref_slice %arg6[%dma_start3A_123, %dma_start3A_124, %dma_start3A_125] : memref<16x26x64xf32, #tpu.memory_space<vmem>> -> memref<1x26x64xf32, #tpu.memory_space<vmem>>
    %dma_start3A_127 = tpu.memref_squeeze %dma_start3A_126 : memref<1x26x64xf32, #tpu.memory_space<vmem>> -> memref<26x64xf32, #tpu.memory_space<vmem>>
    %dma_start3A_128 = arith.constant 0 : i32
    %dma_start3A_129 = tpu.memref_slice %arg5[%dma_start3A_122, %dma_start3A_128] : memref<512x26xi32, #tpu.memory_space<vmem>> -> memref<1x26xi32, #tpu.memory_space<vmem>>
    %dma_start3A_130 = tpu.memref_squeeze %dma_start3A_129 : memref<1x26xi32, #tpu.memory_space<vmem>> -> memref<26xi32, #tpu.memory_space<vmem>>
    %dma_start3A_131 = arith.constant 0 : i32
    %dma_start3A_132 = arith.constant 0 : i32
    %dma_start3A_133 = tpu.memref_slice %arg3[%dma_start3A_131, %dma_start3A_132] : memref<1000000x64xf32, #tpu.memory_space<hbm>> -> memref<1000000x64xf32, #tpu.memory_space<hbm>>
    tpu.enqueue_indirect_dma source(%dma_start3A_133 : memref<1000000x64xf32, #tpu.memory_space<hbm>>) target(%dma_start3A_127 : memref<26x64xf32, #tpu.memory_space<vmem>>) offsets(%dma_start3A_130 : memref<26xi32, #tpu.memory_space<vmem>>) semaphore(%arg9 : memref<!tpu.dma_semaphore, #tpu.memory_space<semaphore_mem>>)
    %dma_start3A_134 = arith.constant 11 : i32
    %dma_start3A_135 = arith.constant 11 : i32
    %dma_start3A_136 = arith.constant 0 : i32
    %dma_start3A_137 = arith.constant 0 : i32
    %dma_start3A_138 = tpu.memref_slice %arg6[%dma_start3A_135, %dma_start3A_136, %dma_start3A_137] : memref<16x26x64xf32, #tpu.memory_space<vmem>> -> memref<1x26x64xf32, #tpu.memory_space<vmem>>
    %dma_start3A_139 = tpu.memref_squeeze %dma_start3A_138 : memref<1x26x64xf32, #tpu.memory_space<vmem>> -> memref<26x64xf32, #tpu.memory_space<vmem>>
    %dma_start3A_140 = arith.constant 0 : i32
    %dma_start3A_141 = tpu.memref_slice %arg5[%dma_start3A_134, %dma_start3A_140] : memref<512x26xi32, #tpu.memory_space<vmem>> -> memref<1x26xi32, #tpu.memory_space<vmem>>
    %dma_start3A_142 = tpu.memref_squeeze %dma_start3A_141 : memref<1x26xi32, #tpu.memory_space<vmem>> -> memref<26xi32, #tpu.memory_space<vmem>>
    %dma_start3A_143 = arith.constant 0 : i32
    %dma_start3A_144 = arith.constant 0 : i32
    %dma_start3A_145 = tpu.memref_slice %arg3[%dma_start3A_143, %dma_start3A_144] : memref<1000000x64xf32, #tpu.memory_space<hbm>> -> memref<1000000x64xf32, #tpu.memory_space<hbm>>
    tpu.enqueue_indirect_dma source(%dma_start3A_145 : memref<1000000x64xf32, #tpu.memory_space<hbm>>) target(%dma_start3A_139 : memref<26x64xf32, #tpu.memory_space<vmem>>) offsets(%dma_start3A_142 : memref<26xi32, #tpu.memory_space<vmem>>) semaphore(%arg9 : memref<!tpu.dma_semaphore, #tpu.memory_space<semaphore_mem>>)
    %dma_start3A_146 = arith.constant 12 : i32
    %dma_start3A_147 = arith.constant 12 : i32
    %dma_start3A_148 = arith.constant 0 : i32
    %dma_start3A_149 = arith.constant 0 : i32
    %dma_start3A_150 = tpu.memref_slice %arg6[%dma_start3A_147, %dma_start3A_148, %dma_start3A_149] : memref<16x26x64xf32, #tpu.memory_space<vmem>> -> memref<1x26x64xf32, #tpu.memory_space<vmem>>
    %dma_start3A_151 = tpu.memref_squeeze %dma_start3A_150 : memref<1x26x64xf32, #tpu.memory_space<vmem>> -> memref<26x64xf32, #tpu.memory_space<vmem>>
    %dma_start3A_152 = arith.constant 0 : i32
    %dma_start3A_153 = tpu.memref_slice %arg5[%dma_start3A_146, %dma_start3A_152] : memref<512x26xi32, #tpu.memory_space<vmem>> -> memref<1x26xi32, #tpu.memory_space<vmem>>
    %dma_start3A_154 = tpu.memref_squeeze %dma_start3A_153 : memref<1x26xi32, #tpu.memory_space<vmem>> -> memref<26xi32, #tpu.memory_space<vmem>>
    %dma_start3A_155 = arith.constant 0 : i32
    %dma_start3A_156 = arith.constant 0 : i32
    %dma_start3A_157 = tpu.memref_slice %arg3[%dma_start3A_155, %dma_start3A_156] : memref<1000000x64xf32, #tpu.memory_space<hbm>> -> memref<1000000x64xf32, #tpu.memory_space<hbm>>
    tpu.enqueue_indirect_dma source(%dma_start3A_157 : memref<1000000x64xf32, #tpu.memory_space<hbm>>) target(%dma_start3A_151 : memref<26x64xf32, #tpu.memory_space<vmem>>) offsets(%dma_start3A_154 : memref<26xi32, #tpu.memory_space<vmem>>) semaphore(%arg9 : memref<!tpu.dma_semaphore, #tpu.memory_space<semaphore_mem>>)
    %dma_start3A_158 = arith.constant 13 : i32
    %dma_start3A_159 = arith.constant 13 : i32
    %dma_start3A_160 = arith.constant 0 : i32
    %dma_start3A_161 = arith.constant 0 : i32
    %dma_start3A_162 = tpu.memref_slice %arg6[%dma_start3A_159, %dma_start3A_160, %dma_start3A_161] : memref<16x26x64xf32, #tpu.memory_space<vmem>> -> memref<1x26x64xf32, #tpu.memory_space<vmem>>
    %dma_start3A_163 = tpu.memref_squeeze %dma_start3A_162 : memref<1x26x64xf32, #tpu.memory_space<vmem>> -> memref<26x64xf32, #tpu.memory_space<vmem>>
    %dma_start3A_164 = arith.constant 0 : i32
    %dma_start3A_165 = tpu.memref_slice %arg5[%dma_start3A_158, %dma_start3A_164] : memref<512x26xi32, #tpu.memory_space<vmem>> -> memref<1x26xi32, #tpu.memory_space<vmem>>
    %dma_start3A_166 = tpu.memref_squeeze %dma_start3A_165 : memref<1x26xi32, #tpu.memory_space<vmem>> -> memref<26xi32, #tpu.memory_space<vmem>>
    %dma_start3A_167 = arith.constant 0 : i32
    %dma_start3A_168 = arith.constant 0 : i32
    %dma_start3A_169 = tpu.memref_slice %arg3[%dma_start3A_167, %dma_start3A_168] : memref<1000000x64xf32, #tpu.memory_space<hbm>> -> memref<1000000x64xf32, #tpu.memory_space<hbm>>
    tpu.enqueue_indirect_dma source(%dma_start3A_169 : memref<1000000x64xf32, #tpu.memory_space<hbm>>) target(%dma_start3A_163 : memref<26x64xf32, #tpu.memory_space<vmem>>) offsets(%dma_start3A_166 : memref<26xi32, #tpu.memory_space<vmem>>) semaphore(%arg9 : memref<!tpu.dma_semaphore, #tpu.memory_space<semaphore_mem>>)
    %dma_start3A_170 = arith.constant 14 : i32
    %dma_start3A_171 = arith.constant 14 : i32
    %dma_start3A_172 = arith.constant 0 : i32
    %dma_start3A_173 = arith.constant 0 : i32
    %dma_start3A_174 = tpu.memref_slice %arg6[%dma_start3A_171, %dma_start3A_172, %dma_start3A_173] : memref<16x26x64xf32, #tpu.memory_space<vmem>> -> memref<1x26x64xf32, #tpu.memory_space<vmem>>
    %dma_start3A_175 = tpu.memref_squeeze %dma_start3A_174 : memref<1x26x64xf32, #tpu.memory_space<vmem>> -> memref<26x64xf32, #tpu.memory_space<vmem>>
    %dma_start3A_176 = arith.constant 0 : i32
    %dma_start3A_177 = tpu.memref_slice %arg5[%dma_start3A_170, %dma_start3A_176] : memref<512x26xi32, #tpu.memory_space<vmem>> -> memref<1x26xi32, #tpu.memory_space<vmem>>
    %dma_start3A_178 = tpu.memref_squeeze %dma_start3A_177 : memref<1x26xi32, #tpu.memory_space<vmem>> -> memref<26xi32, #tpu.memory_space<vmem>>
    %dma_start3A_179 = arith.constant 0 : i32
    %dma_start3A_180 = arith.constant 0 : i32
    %dma_start3A_181 = tpu.memref_slice %arg3[%dma_start3A_179, %dma_start3A_180] : memref<1000000x64xf32, #tpu.memory_space<hbm>> -> memref<1000000x64xf32, #tpu.memory_space<hbm>>
    tpu.enqueue_indirect_dma source(%dma_start3A_181 : memref<1000000x64xf32, #tpu.memory_space<hbm>>) target(%dma_start3A_175 : memref<26x64xf32, #tpu.memory_space<vmem>>) offsets(%dma_start3A_178 : memref<26xi32, #tpu.memory_space<vmem>>) semaphore(%arg9 : memref<!tpu.dma_semaphore, #tpu.memory_space<semaphore_mem>>)
    %dma_start3A_182 = arith.constant 15 : i32
    %dma_start3A_183 = arith.constant 15 : i32
    %dma_start3A_184 = arith.constant 0 : i32
    %dma_start3A_185 = arith.constant 0 : i32
    %dma_start3A_186 = tpu.memref_slice %arg6[%dma_start3A_183, %dma_start3A_184, %dma_start3A_185] : memref<16x26x64xf32, #tpu.memory_space<vmem>> -> memref<1x26x64xf32, #tpu.memory_space<vmem>>
    %dma_start3A_187 = tpu.memref_squeeze %dma_start3A_186 : memref<1x26x64xf32, #tpu.memory_space<vmem>> -> memref<26x64xf32, #tpu.memory_space<vmem>>
    %dma_start3A_188 = arith.constant 0 : i32
    %dma_start3A_189 = tpu.memref_slice %arg5[%dma_start3A_182, %dma_start3A_188] : memref<512x26xi32, #tpu.memory_space<vmem>> -> memref<1x26xi32, #tpu.memory_space<vmem>>
    %dma_start3A_190 = tpu.memref_squeeze %dma_start3A_189 : memref<1x26xi32, #tpu.memory_space<vmem>> -> memref<26xi32, #tpu.memory_space<vmem>>
    %dma_start3A_191 = arith.constant 0 : i32
    %dma_start3A_192 = arith.constant 0 : i32
    %dma_start3A_193 = tpu.memref_slice %arg3[%dma_start3A_191, %dma_start3A_192] : memref<1000000x64xf32, #tpu.memory_space<hbm>> -> memref<1000000x64xf32, #tpu.memory_space<hbm>>
    tpu.enqueue_indirect_dma source(%dma_start3A_193 : memref<1000000x64xf32, #tpu.memory_space<hbm>>) target(%dma_start3A_187 : memref<26x64xf32, #tpu.memory_space<vmem>>) offsets(%dma_start3A_190 : memref<26xi32, #tpu.memory_space<vmem>>) semaphore(%arg9 : memref<!tpu.dma_semaphore, #tpu.memory_space<semaphore_mem>>)
    %dma_start3A_194 = arith.constant 16 : i32
    %dma_start3A_195 = arith.constant 0 : i32
    %dma_start3A_196 = arith.constant 0 : i32
    %dma_start3A_197 = arith.constant 0 : i32
    %dma_start3A_198 = tpu.memref_slice %arg7[%dma_start3A_195, %dma_start3A_196, %dma_start3A_197] : memref<16x26x64xf32, #tpu.memory_space<vmem>> -> memref<1x26x64xf32, #tpu.memory_space<vmem>>
    %dma_start3A_199 = tpu.memref_squeeze %dma_start3A_198 : memref<1x26x64xf32, #tpu.memory_space<vmem>> -> memref<26x64xf32, #tpu.memory_space<vmem>>
    %dma_start3A_200 = arith.constant 0 : i32
    %dma_start3A_201 = tpu.memref_slice %arg5[%dma_start3A_194, %dma_start3A_200] : memref<512x26xi32, #tpu.memory_space<vmem>> -> memref<1x26xi32, #tpu.memory_space<vmem>>
    %dma_start3A_202 = tpu.memref_squeeze %dma_start3A_201 : memref<1x26xi32, #tpu.memory_space<vmem>> -> memref<26xi32, #tpu.memory_space<vmem>>
    %dma_start3A_203 = arith.constant 0 : i32
    %dma_start3A_204 = arith.constant 0 : i32
    %dma_start3A_205 = tpu.memref_slice %arg3[%dma_start3A_203, %dma_start3A_204] : memref<1000000x64xf32, #tpu.memory_space<hbm>> -> memref<1000000x64xf32, #tpu.memory_space<hbm>>
    tpu.enqueue_indirect_dma source(%dma_start3A_205 : memref<1000000x64xf32, #tpu.memory_space<hbm>>) target(%dma_start3A_199 : memref<26x64xf32, #tpu.memory_space<vmem>>) offsets(%dma_start3A_202 : memref<26xi32, #tpu.memory_space<vmem>>) semaphore(%arg10 : memref<!tpu.dma_semaphore, #tpu.memory_space<semaphore_mem>>)
    %dma_start3A_206 = arith.constant 17 : i32
    %dma_start3A_207 = arith.constant 1 : i32
    %dma_start3A_208 = arith.constant 0 : i32
    %dma_start3A_209 = arith.constant 0 : i32
    %dma_start3A_210 = tpu.memref_slice %arg7[%dma_start3A_207, %dma_start3A_208, %dma_start3A_209] : memref<16x26x64xf32, #tpu.memory_space<vmem>> -> memref<1x26x64xf32, #tpu.memory_space<vmem>>
    %dma_start3A_211 = tpu.memref_squeeze %dma_start3A_210 : memref<1x26x64xf32, #tpu.memory_space<vmem>> -> memref<26x64xf32, #tpu.memory_space<vmem>>
    %dma_start3A_212 = arith.constant 0 : i32
    %dma_start3A_213 = tpu.memref_slice %arg5[%dma_start3A_206, %dma_start3A_212] : memref<512x26xi32, #tpu.memory_space<vmem>> -> memref<1x26xi32, #tpu.memory_space<vmem>>
    %dma_start3A_214 = tpu.memref_squeeze %dma_start3A_213 : memref<1x26xi32, #tpu.memory_space<vmem>> -> memref<26xi32, #tpu.memory_space<vmem>>
    %dma_start3A_215 = arith.constant 0 : i32
    %dma_start3A_216 = arith.constant 0 : i32
    %dma_start3A_217 = tpu.memref_slice %arg3[%dma_start3A_215, %dma_start3A_216] : memref<1000000x64xf32, #tpu.memory_space<hbm>> -> memref<1000000x64xf32, #tpu.memory_space<hbm>>
    tpu.enqueue_indirect_dma source(%dma_start3A_217 : memref<1000000x64xf32, #tpu.memory_space<hbm>>) target(%dma_start3A_211 : memref<26x64xf32, #tpu.memory_space<vmem>>) offsets(%dma_start3A_214 : memref<26xi32, #tpu.memory_space<vmem>>) semaphore(%arg10 : memref<!tpu.dma_semaphore, #tpu.memory_space<semaphore_mem>>)
    %dma_start3A_218 = arith.constant 18 : i32
    %dma_start3A_219 = arith.constant 2 : i32
    %dma_start3A_220 = arith.constant 0 : i32
    %dma_start3A_221 = arith.constant 0 : i32
    %dma_start3A_222 = tpu.memref_slice %arg7[%dma_start3A_219, %dma_start3A_220, %dma_start3A_221] : memref<16x26x64xf32, #tpu.memory_space<vmem>> -> memref<1x26x64xf32, #tpu.memory_space<vmem>>
    %dma_start3A_223 = tpu.memref_squeeze %dma_start3A_222 : memref<1x26x64xf32, #tpu.memory_space<vmem>> -> memref<26x64xf32, #tpu.memory_space<vmem>>
    %dma_start3A_224 = arith.constant 0 : i32
    %dma_start3A_225 = tpu.memref_slice %arg5[%dma_start3A_218, %dma_start3A_224] : memref<512x26xi32, #tpu.memory_space<vmem>> -> memref<1x26xi32, #tpu.memory_space<vmem>>
    %dma_start3A_226 = tpu.memref_squeeze %dma_start3A_225 : memref<1x26xi32, #tpu.memory_space<vmem>> -> memref<26xi32, #tpu.memory_space<vmem>>
    %dma_start3A_227 = arith.constant 0 : i32
    %dma_start3A_228 = arith.constant 0 : i32
    %dma_start3A_229 = tpu.memref_slice %arg3[%dma_start3A_227, %dma_start3A_228] : memref<1000000x64xf32, #tpu.memory_space<hbm>> -> memref<1000000x64xf32, #tpu.memory_space<hbm>>
    tpu.enqueue_indirect_dma source(%dma_start3A_229 : memref<1000000x64xf32, #tpu.memory_space<hbm>>) target(%dma_start3A_223 : memref<26x64xf32, #tpu.memory_space<vmem>>) offsets(%dma_start3A_226 : memref<26xi32, #tpu.memory_space<vmem>>) semaphore(%arg10 : memref<!tpu.dma_semaphore, #tpu.memory_space<semaphore_mem>>)
    %dma_start3A_230 = arith.constant 19 : i32
    %dma_start3A_231 = arith.constant 3 : i32
    %dma_start3A_232 = arith.constant 0 : i32
    %dma_start3A_233 = arith.constant 0 : i32
    %dma_start3A_234 = tpu.memref_slice %arg7[%dma_start3A_231, %dma_start3A_232, %dma_start3A_233] : memref<16x26x64xf32, #tpu.memory_space<vmem>> -> memref<1x26x64xf32, #tpu.memory_space<vmem>>
    %dma_start3A_235 = tpu.memref_squeeze %dma_start3A_234 : memref<1x26x64xf32, #tpu.memory_space<vmem>> -> memref<26x64xf32, #tpu.memory_space<vmem>>
    %dma_start3A_236 = arith.constant 0 : i32
    %dma_start3A_237 = tpu.memref_slice %arg5[%dma_start3A_230, %dma_start3A_236] : memref<512x26xi32, #tpu.memory_space<vmem>> -> memref<1x26xi32, #tpu.memory_space<vmem>>
    %dma_start3A_238 = tpu.memref_squeeze %dma_start3A_237 : memref<1x26xi32, #tpu.memory_space<vmem>> -> memref<26xi32, #tpu.memory_space<vmem>>
    %dma_start3A_239 = arith.constant 0 : i32
    %dma_start3A_240 = arith.constant 0 : i32
    %dma_start3A_241 = tpu.memref_slice %arg3[%dma_start3A_239, %dma_start3A_240] : memref<1000000x64xf32, #tpu.memory_space<hbm>> -> memref<1000000x64xf32, #tpu.memory_space<hbm>>
    tpu.enqueue_indirect_dma source(%dma_start3A_241 : memref<1000000x64xf32, #tpu.memory_space<hbm>>) target(%dma_start3A_235 : memref<26x64xf32, #tpu.memory_space<vmem>>) offsets(%dma_start3A_238 : memref<26xi32, #tpu.memory_space<vmem>>) semaphore(%arg10 : memref<!tpu.dma_semaphore, #tpu.memory_space<semaphore_mem>>)
    %dma_start3A_242 = arith.constant 20 : i32
    %dma_start3A_243 = arith.constant 4 : i32
    %dma_start3A_244 = arith.constant 0 : i32
    %dma_start3A_245 = arith.constant 0 : i32
    %dma_start3A_246 = tpu.memref_slice %arg7[%dma_start3A_243, %dma_start3A_244, %dma_start3A_245] : memref<16x26x64xf32, #tpu.memory_space<vmem>> -> memref<1x26x64xf32, #tpu.memory_space<vmem>>
    %dma_start3A_247 = tpu.memref_squeeze %dma_start3A_246 : memref<1x26x64xf32, #tpu.memory_space<vmem>> -> memref<26x64xf32, #tpu.memory_space<vmem>>
    %dma_start3A_248 = arith.constant 0 : i32
    %dma_start3A_249 = tpu.memref_slice %arg5[%dma_start3A_242, %dma_start3A_248] : memref<512x26xi32, #tpu.memory_space<vmem>> -> memref<1x26xi32, #tpu.memory_space<vmem>>
    %dma_start3A_250 = tpu.memref_squeeze %dma_start3A_249 : memref<1x26xi32, #tpu.memory_space<vmem>> -> memref<26xi32, #tpu.memory_space<vmem>>
    %dma_start3A_251 = arith.constant 0 : i32
    %dma_start3A_252 = arith.constant 0 : i32
    %dma_start3A_253 = tpu.memref_slice %arg3[%dma_start3A_251, %dma_start3A_252] : memref<1000000x64xf32, #tpu.memory_space<hbm>> -> memref<1000000x64xf32, #tpu.memory_space<hbm>>
    tpu.enqueue_indirect_dma source(%dma_start3A_253 : memref<1000000x64xf32, #tpu.memory_space<hbm>>) target(%dma_start3A_247 : memref<26x64xf32, #tpu.memory_space<vmem>>) offsets(%dma_start3A_250 : memref<26xi32, #tpu.memory_space<vmem>>) semaphore(%arg10 : memref<!tpu.dma_semaphore, #tpu.memory_space<semaphore_mem>>)
    %dma_start3A_254 = arith.constant 21 : i32
    %dma_start3A_255 = arith.constant 5 : i32
    %dma_start3A_256 = arith.constant 0 : i32
    %dma_start3A_257 = arith.constant 0 : i32
    %dma_start3A_258 = tpu.memref_slice %arg7[%dma_start3A_255, %dma_start3A_256, %dma_start3A_257] : memref<16x26x64xf32, #tpu.memory_space<vmem>> -> memref<1x26x64xf32, #tpu.memory_space<vmem>>
    %dma_start3A_259 = tpu.memref_squeeze %dma_start3A_258 : memref<1x26x64xf32, #tpu.memory_space<vmem>> -> memref<26x64xf32, #tpu.memory_space<vmem>>
    %dma_start3A_260 = arith.constant 0 : i32
    %dma_start3A_261 = tpu.memref_slice %arg5[%dma_start3A_254, %dma_start3A_260] : memref<512x26xi32, #tpu.memory_space<vmem>> -> memref<1x26xi32, #tpu.memory_space<vmem>>
    %dma_start3A_262 = tpu.memref_squeeze %dma_start3A_261 : memref<1x26xi32, #tpu.memory_space<vmem>> -> memref<26xi32, #tpu.memory_space<vmem>>
    %dma_start3A_263 = arith.constant 0 : i32
    %dma_start3A_264 = arith.constant 0 : i32
    %dma_start3A_265 = tpu.memref_slice %arg3[%dma_start3A_263, %dma_start3A_264] : memref<1000000x64xf32, #tpu.memory_space<hbm>> -> memref<1000000x64xf32, #tpu.memory_space<hbm>>
    tpu.enqueue_indirect_dma source(%dma_start3A_265 : memref<1000000x64xf32, #tpu.memory_space<hbm>>) target(%dma_start3A_259 : memref<26x64xf32, #tpu.memory_space<vmem>>) offsets(%dma_start3A_262 : memref<26xi32, #tpu.memory_space<vmem>>) semaphore(%arg10 : memref<!tpu.dma_semaphore, #tpu.memory_space<semaphore_mem>>)
    %dma_start3A_266 = arith.constant 22 : i32
    %dma_start3A_267 = arith.constant 6 : i32
    %dma_start3A_268 = arith.constant 0 : i32
    %dma_start3A_269 = arith.constant 0 : i32
    %dma_start3A_270 = tpu.memref_slice %arg7[%dma_start3A_267, %dma_start3A_268, %dma_start3A_269] : memref<16x26x64xf32, #tpu.memory_space<vmem>> -> memref<1x26x64xf32, #tpu.memory_space<vmem>>
    %dma_start3A_271 = tpu.memref_squeeze %dma_start3A_270 : memref<1x26x64xf32, #tpu.memory_space<vmem>> -> memref<26x64xf32, #tpu.memory_space<vmem>>
    %dma_start3A_272 = arith.constant 0 : i32
    %dma_start3A_273 = tpu.memref_slice %arg5[%dma_start3A_266, %dma_start3A_272] : memref<512x26xi32, #tpu.memory_space<vmem>> -> memref<1x26xi32, #tpu.memory_space<vmem>>
    %dma_start3A_274 = tpu.memref_squeeze %dma_start3A_273 : memref<1x26xi32, #tpu.memory_space<vmem>> -> memref<26xi32, #tpu.memory_space<vmem>>
    %dma_start3A_275 = arith.constant 0 : i32
    %dma_start3A_276 = arith.constant 0 : i32
    %dma_start3A_277 = tpu.memref_slice %arg3[%dma_start3A_275, %dma_start3A_276] : memref<1000000x64xf32, #tpu.memory_space<hbm>> -> memref<1000000x64xf32, #tpu.memory_space<hbm>>
    tpu.enqueue_indirect_dma source(%dma_start3A_277 : memref<1000000x64xf32, #tpu.memory_space<hbm>>) target(%dma_start3A_271 : memref<26x64xf32, #tpu.memory_space<vmem>>) offsets(%dma_start3A_274 : memref<26xi32, #tpu.memory_space<vmem>>) semaphore(%arg10 : memref<!tpu.dma_semaphore, #tpu.memory_space<semaphore_mem>>)
    %dma_start3A_278 = arith.constant 23 : i32
    %dma_start3A_279 = arith.constant 7 : i32
    %dma_start3A_280 = arith.constant 0 : i32
    %dma_start3A_281 = arith.constant 0 : i32
    %dma_start3A_282 = tpu.memref_slice %arg7[%dma_start3A_279, %dma_start3A_280, %dma_start3A_281] : memref<16x26x64xf32, #tpu.memory_space<vmem>> -> memref<1x26x64xf32, #tpu.memory_space<vmem>>
    %dma_start3A_283 = tpu.memref_squeeze %dma_start3A_282 : memref<1x26x64xf32, #tpu.memory_space<vmem>> -> memref<26x64xf32, #tpu.memory_space<vmem>>
    %dma_start3A_284 = arith.constant 0 : i32
    %dma_start3A_285 = tpu.memref_slice %arg5[%dma_start3A_278, %dma_start3A_284] : memref<512x26xi32, #tpu.memory_space<vmem>> -> memref<1x26xi32, #tpu.memory_space<vmem>>
    %dma_start3A_286 = tpu.memref_squeeze %dma_start3A_285 : memref<1x26xi32, #tpu.memory_space<vmem>> -> memref<26xi32, #tpu.memory_space<vmem>>
    %dma_start3A_287 = arith.constant 0 : i32
    %dma_start3A_288 = arith.constant 0 : i32
    %dma_start3A_289 = tpu.memref_slice %arg3[%dma_start3A_287, %dma_start3A_288] : memref<1000000x64xf32, #tpu.memory_space<hbm>> -> memref<1000000x64xf32, #tpu.memory_space<hbm>>
    tpu.enqueue_indirect_dma source(%dma_start3A_289 : memref<1000000x64xf32, #tpu.memory_space<hbm>>) target(%dma_start3A_283 : memref<26x64xf32, #tpu.memory_space<vmem>>) offsets(%dma_start3A_286 : memref<26xi32, #tpu.memory_space<vmem>>) semaphore(%arg10 : memref<!tpu.dma_semaphore, #tpu.memory_space<semaphore_mem>>)
    %dma_start3A_290 = arith.constant 24 : i32
    %dma_start3A_291 = arith.constant 8 : i32
    %dma_start3A_292 = arith.constant 0 : i32
    %dma_start3A_293 = arith.constant 0 : i32
    %dma_start3A_294 = tpu.memref_slice %arg7[%dma_start3A_291, %dma_start3A_292, %dma_start3A_293] : memref<16x26x64xf32, #tpu.memory_space<vmem>> -> memref<1x26x64xf32, #tpu.memory_space<vmem>>
    %dma_start3A_295 = tpu.memref_squeeze %dma_start3A_294 : memref<1x26x64xf32, #tpu.memory_space<vmem>> -> memref<26x64xf32, #tpu.memory_space<vmem>>
    %dma_start3A_296 = arith.constant 0 : i32
    %dma_start3A_297 = tpu.memref_slice %arg5[%dma_start3A_290, %dma_start3A_296] : memref<512x26xi32, #tpu.memory_space<vmem>> -> memref<1x26xi32, #tpu.memory_space<vmem>>
    %dma_start3A_298 = tpu.memref_squeeze %dma_start3A_297 : memref<1x26xi32, #tpu.memory_space<vmem>> -> memref<26xi32, #tpu.memory_space<vmem>>
    %dma_start3A_299 = arith.constant 0 : i32
    %dma_start3A_300 = arith.constant 0 : i32
    %dma_start3A_301 = tpu.memref_slice %arg3[%dma_start3A_299, %dma_start3A_300] : memref<1000000x64xf32, #tpu.memory_space<hbm>> -> memref<1000000x64xf32, #tpu.memory_space<hbm>>
    tpu.enqueue_indirect_dma source(%dma_start3A_301 : memref<1000000x64xf32, #tpu.memory_space<hbm>>) target(%dma_start3A_295 : memref<26x64xf32, #tpu.memory_space<vmem>>) offsets(%dma_start3A_298 : memref<26xi32, #tpu.memory_space<vmem>>) semaphore(%arg10 : memref<!tpu.dma_semaphore, #tpu.memory_space<semaphore_mem>>)
    %dma_start3A_302 = arith.constant 25 : i32
    %dma_start3A_303 = arith.constant 9 : i32
    %dma_start3A_304 = arith.constant 0 : i32
    %dma_start3A_305 = arith.constant 0 : i32
    %dma_start3A_306 = tpu.memref_slice %arg7[%dma_start3A_303, %dma_start3A_304, %dma_start3A_305] : memref<16x26x64xf32, #tpu.memory_space<vmem>> -> memref<1x26x64xf32, #tpu.memory_space<vmem>>
    %dma_start3A_307 = tpu.memref_squeeze %dma_start3A_306 : memref<1x26x64xf32, #tpu.memory_space<vmem>> -> memref<26x64xf32, #tpu.memory_space<vmem>>
    %dma_start3A_308 = arith.constant 0 : i32
    %dma_start3A_309 = tpu.memref_slice %arg5[%dma_start3A_302, %dma_start3A_308] : memref<512x26xi32, #tpu.memory_space<vmem>> -> memref<1x26xi32, #tpu.memory_space<vmem>>
    %dma_start3A_310 = tpu.memref_squeeze %dma_start3A_309 : memref<1x26xi32, #tpu.memory_space<vmem>> -> memref<26xi32, #tpu.memory_space<vmem>>
    %dma_start3A_311 = arith.constant 0 : i32
    %dma_start3A_312 = arith.constant 0 : i32
    %dma_start3A_313 = tpu.memref_slice %arg3[%dma_start3A_311, %dma_start3A_312] : memref<1000000x64xf32, #tpu.memory_space<hbm>> -> memref<1000000x64xf32, #tpu.memory_space<hbm>>
    tpu.enqueue_indirect_dma source(%dma_start3A_313 : memref<1000000x64xf32, #tpu.memory_space<hbm>>) target(%dma_start3A_307 : memref<26x64xf32, #tpu.memory_space<vmem>>) offsets(%dma_start3A_310 : memref<26xi32, #tpu.memory_space<vmem>>) semaphore(%arg10 : memref<!tpu.dma_semaphore, #tpu.memory_space<semaphore_mem>>)
    %dma_start3A_314 = arith.constant 26 : i32
    %dma_start3A_315 = arith.constant 10 : i32
    %dma_start3A_316 = arith.constant 0 : i32
    %dma_start3A_317 = arith.constant 0 : i32
    %dma_start3A_318 = tpu.memref_slice %arg7[%dma_start3A_315, %dma_start3A_316, %dma_start3A_317] : memref<16x26x64xf32, #tpu.memory_space<vmem>> -> memref<1x26x64xf32, #tpu.memory_space<vmem>>
    %dma_start3A_319 = tpu.memref_squeeze %dma_start3A_318 : memref<1x26x64xf32, #tpu.memory_space<vmem>> -> memref<26x64xf32, #tpu.memory_space<vmem>>
    %dma_start3A_320 = arith.constant 0 : i32
    %dma_start3A_321 = tpu.memref_slice %arg5[%dma_start3A_314, %dma_start3A_320] : memref<512x26xi32, #tpu.memory_space<vmem>> -> memref<1x26xi32, #tpu.memory_space<vmem>>
    %dma_start3A_322 = tpu.memref_squeeze %dma_start3A_321 : memref<1x26xi32, #tpu.memory_space<vmem>> -> memref<26xi32, #tpu.memory_space<vmem>>
    %dma_start3A_323 = arith.constant 0 : i32
    %dma_start3A_324 = arith.constant 0 : i32
    %dma_start3A_325 = tpu.memref_slice %arg3[%dma_start3A_323, %dma_start3A_324] : memref<1000000x64xf32, #tpu.memory_space<hbm>> -> memref<1000000x64xf32, #tpu.memory_space<hbm>>
    tpu.enqueue_indirect_dma source(%dma_start3A_325 : memref<1000000x64xf32, #tpu.memory_space<hbm>>) target(%dma_start3A_319 : memref<26x64xf32, #tpu.memory_space<vmem>>) offsets(%dma_start3A_322 : memref<26xi32, #tpu.memory_space<vmem>>) semaphore(%arg10 : memref<!tpu.dma_semaphore, #tpu.memory_space<semaphore_mem>>)
    %dma_start3A_326 = arith.constant 27 : i32
    %dma_start3A_327 = arith.constant 11 : i32
    %dma_start3A_328 = arith.constant 0 : i32
    %dma_start3A_329 = arith.constant 0 : i32
    %dma_start3A_330 = tpu.memref_slice %arg7[%dma_start3A_327, %dma_start3A_328, %dma_start3A_329] : memref<16x26x64xf32, #tpu.memory_space<vmem>> -> memref<1x26x64xf32, #tpu.memory_space<vmem>>
    %dma_start3A_331 = tpu.memref_squeeze %dma_start3A_330 : memref<1x26x64xf32, #tpu.memory_space<vmem>> -> memref<26x64xf32, #tpu.memory_space<vmem>>
    %dma_start3A_332 = arith.constant 0 : i32
    %dma_start3A_333 = tpu.memref_slice %arg5[%dma_start3A_326, %dma_start3A_332] : memref<512x26xi32, #tpu.memory_space<vmem>> -> memref<1x26xi32, #tpu.memory_space<vmem>>
    %dma_start3A_334 = tpu.memref_squeeze %dma_start3A_333 : memref<1x26xi32, #tpu.memory_space<vmem>> -> memref<26xi32, #tpu.memory_space<vmem>>
    %dma_start3A_335 = arith.constant 0 : i32
    %dma_start3A_336 = arith.constant 0 : i32
    %dma_start3A_337 = tpu.memref_slice %arg3[%dma_start3A_335, %dma_start3A_336] : memref<1000000x64xf32, #tpu.memory_space<hbm>> -> memref<1000000x64xf32, #tpu.memory_space<hbm>>
    tpu.enqueue_indirect_dma source(%dma_start3A_337 : memref<1000000x64xf32, #tpu.memory_space<hbm>>) target(%dma_start3A_331 : memref<26x64xf32, #tpu.memory_space<vmem>>) offsets(%dma_start3A_334 : memref<26xi32, #tpu.memory_space<vmem>>) semaphore(%arg10 : memref<!tpu.dma_semaphore, #tpu.memory_space<semaphore_mem>>)
    %dma_start3A_338 = arith.constant 28 : i32
    %dma_start3A_339 = arith.constant 12 : i32
    %dma_start3A_340 = arith.constant 0 : i32
    %dma_start3A_341 = arith.constant 0 : i32
    %dma_start3A_342 = tpu.memref_slice %arg7[%dma_start3A_339, %dma_start3A_340, %dma_start3A_341] : memref<16x26x64xf32, #tpu.memory_space<vmem>> -> memref<1x26x64xf32, #tpu.memory_space<vmem>>
    %dma_start3A_343 = tpu.memref_squeeze %dma_start3A_342 : memref<1x26x64xf32, #tpu.memory_space<vmem>> -> memref<26x64xf32, #tpu.memory_space<vmem>>
    %dma_start3A_344 = arith.constant 0 : i32
    %dma_start3A_345 = tpu.memref_slice %arg5[%dma_start3A_338, %dma_start3A_344] : memref<512x26xi32, #tpu.memory_space<vmem>> -> memref<1x26xi32, #tpu.memory_space<vmem>>
    %dma_start3A_346 = tpu.memref_squeeze %dma_start3A_345 : memref<1x26xi32, #tpu.memory_space<vmem>> -> memref<26xi32, #tpu.memory_space<vmem>>
    %dma_start3A_347 = arith.constant 0 : i32
    %dma_start3A_348 = arith.constant 0 : i32
    %dma_start3A_349 = tpu.memref_slice %arg3[%dma_start3A_347, %dma_start3A_348] : memref<1000000x64xf32, #tpu.memory_space<hbm>> -> memref<1000000x64xf32, #tpu.memory_space<hbm>>
    tpu.enqueue_indirect_dma source(%dma_start3A_349 : memref<1000000x64xf32, #tpu.memory_space<hbm>>) target(%dma_start3A_343 : memref<26x64xf32, #tpu.memory_space<vmem>>) offsets(%dma_start3A_346 : memref<26xi32, #tpu.memory_space<vmem>>) semaphore(%arg10 : memref<!tpu.dma_semaphore, #tpu.memory_space<semaphore_mem>>)
    %dma_start3A_350 = arith.constant 29 : i32
    %dma_start3A_351 = arith.constant 13 : i32
    %dma_start3A_352 = arith.constant 0 : i32
    %dma_start3A_353 = arith.constant 0 : i32
    %dma_start3A_354 = tpu.memref_slice %arg7[%dma_start3A_351, %dma_start3A_352, %dma_start3A_353] : memref<16x26x64xf32, #tpu.memory_space<vmem>> -> memref<1x26x64xf32, #tpu.memory_space<vmem>>
    %dma_start3A_355 = tpu.memref_squeeze %dma_start3A_354 : memref<1x26x64xf32, #tpu.memory_space<vmem>> -> memref<26x64xf32, #tpu.memory_space<vmem>>
    %dma_start3A_356 = arith.constant 0 : i32
    %dma_start3A_357 = tpu.memref_slice %arg5[%dma_start3A_350, %dma_start3A_356] : memref<512x26xi32, #tpu.memory_space<vmem>> -> memref<1x26xi32, #tpu.memory_space<vmem>>
    %dma_start3A_358 = tpu.memref_squeeze %dma_start3A_357 : memref<1x26xi32, #tpu.memory_space<vmem>> -> memref<26xi32, #tpu.memory_space<vmem>>
    %dma_start3A_359 = arith.constant 0 : i32
    %dma_start3A_360 = arith.constant 0 : i32
    %dma_start3A_361 = tpu.memref_slice %arg3[%dma_start3A_359, %dma_start3A_360] : memref<1000000x64xf32, #tpu.memory_space<hbm>> -> memref<1000000x64xf32, #tpu.memory_space<hbm>>
    tpu.enqueue_indirect_dma source(%dma_start3A_361 : memref<1000000x64xf32, #tpu.memory_space<hbm>>) target(%dma_start3A_355 : memref<26x64xf32, #tpu.memory_space<vmem>>) offsets(%dma_start3A_358 : memref<26xi32, #tpu.memory_space<vmem>>) semaphore(%arg10 : memref<!tpu.dma_semaphore, #tpu.memory_space<semaphore_mem>>)
    %dma_start3A_362 = arith.constant 30 : i32
    %dma_start3A_363 = arith.constant 14 : i32
    %dma_start3A_364 = arith.constant 0 : i32
    %dma_start3A_365 = arith.constant 0 : i32
    %dma_start3A_366 = tpu.memref_slice %arg7[%dma_start3A_363, %dma_start3A_364, %dma_start3A_365] : memref<16x26x64xf32, #tpu.memory_space<vmem>> -> memref<1x26x64xf32, #tpu.memory_space<vmem>>
    %dma_start3A_367 = tpu.memref_squeeze %dma_start3A_366 : memref<1x26x64xf32, #tpu.memory_space<vmem>> -> memref<26x64xf32, #tpu.memory_space<vmem>>
    %dma_start3A_368 = arith.constant 0 : i32
    %dma_start3A_369 = tpu.memref_slice %arg5[%dma_start3A_362, %dma_start3A_368] : memref<512x26xi32, #tpu.memory_space<vmem>> -> memref<1x26xi32, #tpu.memory_space<vmem>>
    %dma_start3A_370 = tpu.memref_squeeze %dma_start3A_369 : memref<1x26xi32, #tpu.memory_space<vmem>> -> memref<26xi32, #tpu.memory_space<vmem>>
    %dma_start3A_371 = arith.constant 0 : i32
    %dma_start3A_372 = arith.constant 0 : i32
    %dma_start3A_373 = tpu.memref_slice %arg3[%dma_start3A_371, %dma_start3A_372] : memref<1000000x64xf32, #tpu.memory_space<hbm>> -> memref<1000000x64xf32, #tpu.memory_space<hbm>>
    tpu.enqueue_indirect_dma source(%dma_start3A_373 : memref<1000000x64xf32, #tpu.memory_space<hbm>>) target(%dma_start3A_367 : memref<26x64xf32, #tpu.memory_space<vmem>>) offsets(%dma_start3A_370 : memref<26xi32, #tpu.memory_space<vmem>>) semaphore(%arg10 : memref<!tpu.dma_semaphore, #tpu.memory_space<semaphore_mem>>)
    %dma_start3A_374 = arith.constant 31 : i32
    %dma_start3A_375 = arith.constant 15 : i32
    %dma_start3A_376 = arith.constant 0 : i32
    %dma_start3A_377 = arith.constant 0 : i32
    %dma_start3A_378 = tpu.memref_slice %arg7[%dma_start3A_375, %dma_start3A_376, %dma_start3A_377] : memref<16x26x64xf32, #tpu.memory_space<vmem>> -> memref<1x26x64xf32, #tpu.memory_space<vmem>>
    %dma_start3A_379 = tpu.memref_squeeze %dma_start3A_378 : memref<1x26x64xf32, #tpu.memory_space<vmem>> -> memref<26x64xf32, #tpu.memory_space<vmem>>
    %dma_start3A_380 = arith.constant 0 : i32
    %dma_start3A_381 = tpu.memref_slice %arg5[%dma_start3A_374, %dma_start3A_380] : memref<512x26xi32, #tpu.memory_space<vmem>> -> memref<1x26xi32, #tpu.memory_space<vmem>>
    %dma_start3A_382 = tpu.memref_squeeze %dma_start3A_381 : memref<1x26xi32, #tpu.memory_space<vmem>> -> memref<26xi32, #tpu.memory_space<vmem>>
    %dma_start3A_383 = arith.constant 0 : i32
    %dma_start3A_384 = arith.constant 0 : i32
    %dma_start3A_385 = tpu.memref_slice %arg3[%dma_start3A_383, %dma_start3A_384] : memref<1000000x64xf32, #tpu.memory_space<hbm>> -> memref<1000000x64xf32, #tpu.memory_space<hbm>>
    tpu.enqueue_indirect_dma source(%dma_start3A_385 : memref<1000000x64xf32, #tpu.memory_space<hbm>>) target(%dma_start3A_379 : memref<26x64xf32, #tpu.memory_space<vmem>>) offsets(%dma_start3A_382 : memref<26xi32, #tpu.memory_space<vmem>>) semaphore(%arg10 : memref<!tpu.dma_semaphore, #tpu.memory_space<semaphore_mem>>)
    %dma_wait3A = arith.constant 0 : i32
    %dma_wait3A_386 = arith.constant 0 : i32
    %dma_wait3A_387 = arith.constant 0 : i32
    %dma_wait3A_388 = arith.constant 0 : i32
    %dma_wait3A_389 = tpu.memref_slice %arg6[%dma_wait3A_386, %dma_wait3A_387, %dma_wait3A_388] : memref<16x26x64xf32, #tpu.memory_space<vmem>> -> memref<1x26x64xf32, #tpu.memory_space<vmem>>
    %dma_wait3A_390 = tpu.memref_squeeze %dma_wait3A_389 : memref<1x26x64xf32, #tpu.memory_space<vmem>> -> memref<26x64xf32, #tpu.memory_space<vmem>>
    %dma_wait3A_391 = arith.constant 0 : i32
    %dma_wait3A_392 = tpu.memref_slice %arg5[%dma_wait3A, %dma_wait3A_391] : memref<512x26xi32, #tpu.memory_space<vmem>> -> memref<1x26xi32, #tpu.memory_space<vmem>>
    %dma_wait3A_393 = tpu.memref_squeeze %dma_wait3A_392 : memref<1x26xi32, #tpu.memory_space<vmem>> -> memref<26xi32, #tpu.memory_space<vmem>>
    %dma_wait3A_394 = arith.constant 0 : i32
    %dma_wait3A_395 = arith.constant 0 : i32
    %dma_wait3A_396 = tpu.memref_slice %arg3[%dma_wait3A_394, %dma_wait3A_395] : memref<1000000x64xf32, #tpu.memory_space<hbm>> -> memref<1000000x64xf32, #tpu.memory_space<hbm>>
    tpu.wait_indirect_dma semaphore(%arg9 : memref<!tpu.dma_semaphore, #tpu.memory_space<semaphore_mem>>) src(%dma_wait3A_396 : memref<1000000x64xf32, #tpu.memory_space<hbm>>) dst(%dma_wait3A_390 : memref<26x64xf32, #tpu.memory_space<vmem>>)
    %dma_wait3A_397 = arith.constant 1 : i32
    %dma_wait3A_398 = arith.constant 1 : i32
    %dma_wait3A_399 = arith.constant 0 : i32
    %dma_wait3A_400 = arith.constant 0 : i32
    %dma_wait3A_401 = tpu.memref_slice %arg6[%dma_wait3A_398, %dma_wait3A_399, %dma_wait3A_400] : memref<16x26x64xf32, #tpu.memory_space<vmem>> -> memref<1x26x64xf32, #tpu.memory_space<vmem>>
    %dma_wait3A_402 = tpu.memref_squeeze %dma_wait3A_401 : memref<1x26x64xf32, #tpu.memory_space<vmem>> -> memref<26x64xf32, #tpu.memory_space<vmem>>
    %dma_wait3A_403 = arith.constant 0 : i32
    %dma_wait3A_404 = tpu.memref_slice %arg5[%dma_wait3A_397, %dma_wait3A_403] : memref<512x26xi32, #tpu.memory_space<vmem>> -> memref<1x26xi32, #tpu.memory_space<vmem>>
    %dma_wait3A_405 = tpu.memref_squeeze %dma_wait3A_404 : memref<1x26xi32, #tpu.memory_space<vmem>> -> memref<26xi32, #tpu.memory_space<vmem>>
    %dma_wait3A_406 = arith.constant 0 : i32
    %dma_wait3A_407 = arith.constant 0 : i32
    %dma_wait3A_408 = tpu.memref_slice %arg3[%dma_wait3A_406, %dma_wait3A_407] : memref<1000000x64xf32, #tpu.memory_space<hbm>> -> memref<1000000x64xf32, #tpu.memory_space<hbm>>
    tpu.wait_indirect_dma semaphore(%arg9 : memref<!tpu.dma_semaphore, #tpu.memory_space<semaphore_mem>>) src(%dma_wait3A_408 : memref<1000000x64xf32, #tpu.memory_space<hbm>>) dst(%dma_wait3A_402 : memref<26x64xf32, #tpu.memory_space<vmem>>)
    %dma_wait3A_409 = arith.constant 2 : i32
    %dma_wait3A_410 = arith.constant 2 : i32
    %dma_wait3A_411 = arith.constant 0 : i32
    %dma_wait3A_412 = arith.constant 0 : i32
    %dma_wait3A_413 = tpu.memref_slice %arg6[%dma_wait3A_410, %dma_wait3A_411, %dma_wait3A_412] : memref<16x26x64xf32, #tpu.memory_space<vmem>> -> memref<1x26x64xf32, #tpu.memory_space<vmem>>
    %dma_wait3A_414 = tpu.memref_squeeze %dma_wait3A_413 : memref<1x26x64xf32, #tpu.memory_space<vmem>> -> memref<26x64xf32, #tpu.memory_space<vmem>>
    %dma_wait3A_415 = arith.constant 0 : i32
    %dma_wait3A_416 = tpu.memref_slice %arg5[%dma_wait3A_409, %dma_wait3A_415] : memref<512x26xi32, #tpu.memory_space<vmem>> -> memref<1x26xi32, #tpu.memory_space<vmem>>
    %dma_wait3A_417 = tpu.memref_squeeze %dma_wait3A_416 : memref<1x26xi32, #tpu.memory_space<vmem>> -> memref<26xi32, #tpu.memory_space<vmem>>
    %dma_wait3A_418 = arith.constant 0 : i32
    %dma_wait3A_419 = arith.constant 0 : i32
    %dma_wait3A_420 = tpu.memref_slice %arg3[%dma_wait3A_418, %dma_wait3A_419] : memref<1000000x64xf32, #tpu.memory_space<hbm>> -> memref<1000000x64xf32, #tpu.memory_space<hbm>>
    tpu.wait_indirect_dma semaphore(%arg9 : memref<!tpu.dma_semaphore, #tpu.memory_space<semaphore_mem>>) src(%dma_wait3A_420 : memref<1000000x64xf32, #tpu.memory_space<hbm>>) dst(%dma_wait3A_414 : memref<26x64xf32, #tpu.memory_space<vmem>>)
    %dma_wait3A_421 = arith.constant 3 : i32
    %dma_wait3A_422 = arith.constant 3 : i32
    %dma_wait3A_423 = arith.constant 0 : i32
    %dma_wait3A_424 = arith.constant 0 : i32
    %dma_wait3A_425 = tpu.memref_slice %arg6[%dma_wait3A_422, %dma_wait3A_423, %dma_wait3A_424] : memref<16x26x64xf32, #tpu.memory_space<vmem>> -> memref<1x26x64xf32, #tpu.memory_space<vmem>>
    %dma_wait3A_426 = tpu.memref_squeeze %dma_wait3A_425 : memref<1x26x64xf32, #tpu.memory_space<vmem>> -> memref<26x64xf32, #tpu.memory_space<vmem>>
    %dma_wait3A_427 = arith.constant 0 : i32
    %dma_wait3A_428 = tpu.memref_slice %arg5[%dma_wait3A_421, %dma_wait3A_427] : memref<512x26xi32, #tpu.memory_space<vmem>> -> memref<1x26xi32, #tpu.memory_space<vmem>>
    %dma_wait3A_429 = tpu.memref_squeeze %dma_wait3A_428 : memref<1x26xi32, #tpu.memory_space<vmem>> -> memref<26xi32, #tpu.memory_space<vmem>>
    %dma_wait3A_430 = arith.constant 0 : i32
    %dma_wait3A_431 = arith.constant 0 : i32
    %dma_wait3A_432 = tpu.memref_slice %arg3[%dma_wait3A_430, %dma_wait3A_431] : memref<1000000x64xf32, #tpu.memory_space<hbm>> -> memref<1000000x64xf32, #tpu.memory_space<hbm>>
    tpu.wait_indirect_dma semaphore(%arg9 : memref<!tpu.dma_semaphore, #tpu.memory_space<semaphore_mem>>) src(%dma_wait3A_432 : memref<1000000x64xf32, #tpu.memory_space<hbm>>) dst(%dma_wait3A_426 : memref<26x64xf32, #tpu.memory_space<vmem>>)
    %dma_wait3A_433 = arith.constant 4 : i32
    %dma_wait3A_434 = arith.constant 4 : i32
    %dma_wait3A_435 = arith.constant 0 : i32
    %dma_wait3A_436 = arith.constant 0 : i32
    %dma_wait3A_437 = tpu.memref_slice %arg6[%dma_wait3A_434, %dma_wait3A_435, %dma_wait3A_436] : memref<16x26x64xf32, #tpu.memory_space<vmem>> -> memref<1x26x64xf32, #tpu.memory_space<vmem>>
    %dma_wait3A_438 = tpu.memref_squeeze %dma_wait3A_437 : memref<1x26x64xf32, #tpu.memory_space<vmem>> -> memref<26x64xf32, #tpu.memory_space<vmem>>
    %dma_wait3A_439 = arith.constant 0 : i32
    %dma_wait3A_440 = tpu.memref_slice %arg5[%dma_wait3A_433, %dma_wait3A_439] : memref<512x26xi32, #tpu.memory_space<vmem>> -> memref<1x26xi32, #tpu.memory_space<vmem>>
    %dma_wait3A_441 = tpu.memref_squeeze %dma_wait3A_440 : memref<1x26xi32, #tpu.memory_space<vmem>> -> memref<26xi32, #tpu.memory_space<vmem>>
    %dma_wait3A_442 = arith.constant 0 : i32
    %dma_wait3A_443 = arith.constant 0 : i32
    %dma_wait3A_444 = tpu.memref_slice %arg3[%dma_wait3A_442, %dma_wait3A_443] : memref<1000000x64xf32, #tpu.memory_space<hbm>> -> memref<1000000x64xf32, #tpu.memory_space<hbm>>
    tpu.wait_indirect_dma semaphore(%arg9 : memref<!tpu.dma_semaphore, #tpu.memory_space<semaphore_mem>>) src(%dma_wait3A_444 : memref<1000000x64xf32, #tpu.memory_space<hbm>>) dst(%dma_wait3A_438 : memref<26x64xf32, #tpu.memory_space<vmem>>)
    %dma_wait3A_445 = arith.constant 5 : i32
    %dma_wait3A_446 = arith.constant 5 : i32
    %dma_wait3A_447 = arith.constant 0 : i32
    %dma_wait3A_448 = arith.constant 0 : i32
    %dma_wait3A_449 = tpu.memref_slice %arg6[%dma_wait3A_446, %dma_wait3A_447, %dma_wait3A_448] : memref<16x26x64xf32, #tpu.memory_space<vmem>> -> memref<1x26x64xf32, #tpu.memory_space<vmem>>
    %dma_wait3A_450 = tpu.memref_squeeze %dma_wait3A_449 : memref<1x26x64xf32, #tpu.memory_space<vmem>> -> memref<26x64xf32, #tpu.memory_space<vmem>>
    %dma_wait3A_451 = arith.constant 0 : i32
    %dma_wait3A_452 = tpu.memref_slice %arg5[%dma_wait3A_445, %dma_wait3A_451] : memref<512x26xi32, #tpu.memory_space<vmem>> -> memref<1x26xi32, #tpu.memory_space<vmem>>
    %dma_wait3A_453 = tpu.memref_squeeze %dma_wait3A_452 : memref<1x26xi32, #tpu.memory_space<vmem>> -> memref<26xi32, #tpu.memory_space<vmem>>
    %dma_wait3A_454 = arith.constant 0 : i32
    %dma_wait3A_455 = arith.constant 0 : i32
    %dma_wait3A_456 = tpu.memref_slice %arg3[%dma_wait3A_454, %dma_wait3A_455] : memref<1000000x64xf32, #tpu.memory_space<hbm>> -> memref<1000000x64xf32, #tpu.memory_space<hbm>>
    tpu.wait_indirect_dma semaphore(%arg9 : memref<!tpu.dma_semaphore, #tpu.memory_space<semaphore_mem>>) src(%dma_wait3A_456 : memref<1000000x64xf32, #tpu.memory_space<hbm>>) dst(%dma_wait3A_450 : memref<26x64xf32, #tpu.memory_space<vmem>>)
    %dma_wait3A_457 = arith.constant 6 : i32
    %dma_wait3A_458 = arith.constant 6 : i32
    %dma_wait3A_459 = arith.constant 0 : i32
    %dma_wait3A_460 = arith.constant 0 : i32
    %dma_wait3A_461 = tpu.memref_slice %arg6[%dma_wait3A_458, %dma_wait3A_459, %dma_wait3A_460] : memref<16x26x64xf32, #tpu.memory_space<vmem>> -> memref<1x26x64xf32, #tpu.memory_space<vmem>>
    %dma_wait3A_462 = tpu.memref_squeeze %dma_wait3A_461 : memref<1x26x64xf32, #tpu.memory_space<vmem>> -> memref<26x64xf32, #tpu.memory_space<vmem>>
    %dma_wait3A_463 = arith.constant 0 : i32
    %dma_wait3A_464 = tpu.memref_slice %arg5[%dma_wait3A_457, %dma_wait3A_463] : memref<512x26xi32, #tpu.memory_space<vmem>> -> memref<1x26xi32, #tpu.memory_space<vmem>>
    %dma_wait3A_465 = tpu.memref_squeeze %dma_wait3A_464 : memref<1x26xi32, #tpu.memory_space<vmem>> -> memref<26xi32, #tpu.memory_space<vmem>>
    %dma_wait3A_466 = arith.constant 0 : i32
    %dma_wait3A_467 = arith.constant 0 : i32
    %dma_wait3A_468 = tpu.memref_slice %arg3[%dma_wait3A_466, %dma_wait3A_467] : memref<1000000x64xf32, #tpu.memory_space<hbm>> -> memref<1000000x64xf32, #tpu.memory_space<hbm>>
    tpu.wait_indirect_dma semaphore(%arg9 : memref<!tpu.dma_semaphore, #tpu.memory_space<semaphore_mem>>) src(%dma_wait3A_468 : memref<1000000x64xf32, #tpu.memory_space<hbm>>) dst(%dma_wait3A_462 : memref<26x64xf32, #tpu.memory_space<vmem>>)
    %dma_wait3A_469 = arith.constant 7 : i32
    %dma_wait3A_470 = arith.constant 7 : i32
    %dma_wait3A_471 = arith.constant 0 : i32
    %dma_wait3A_472 = arith.constant 0 : i32
    %dma_wait3A_473 = tpu.memref_slice %arg6[%dma_wait3A_470, %dma_wait3A_471, %dma_wait3A_472] : memref<16x26x64xf32, #tpu.memory_space<vmem>> -> memref<1x26x64xf32, #tpu.memory_space<vmem>>
    %dma_wait3A_474 = tpu.memref_squeeze %dma_wait3A_473 : memref<1x26x64xf32, #tpu.memory_space<vmem>> -> memref<26x64xf32, #tpu.memory_space<vmem>>
    %dma_wait3A_475 = arith.constant 0 : i32
    %dma_wait3A_476 = tpu.memref_slice %arg5[%dma_wait3A_469, %dma_wait3A_475] : memref<512x26xi32, #tpu.memory_space<vmem>> -> memref<1x26xi32, #tpu.memory_space<vmem>>
    %dma_wait3A_477 = tpu.memref_squeeze %dma_wait3A_476 : memref<1x26xi32, #tpu.memory_space<vmem>> -> memref<26xi32, #tpu.memory_space<vmem>>
    %dma_wait3A_478 = arith.constant 0 : i32
    %dma_wait3A_479 = arith.constant 0 : i32
    %dma_wait3A_480 = tpu.memref_slice %arg3[%dma_wait3A_478, %dma_wait3A_479] : memref<1000000x64xf32, #tpu.memory_space<hbm>> -> memref<1000000x64xf32, #tpu.memory_space<hbm>>
    tpu.wait_indirect_dma semaphore(%arg9 : memref<!tpu.dma_semaphore, #tpu.memory_space<semaphore_mem>>) src(%dma_wait3A_480 : memref<1000000x64xf32, #tpu.memory_space<hbm>>) dst(%dma_wait3A_474 : memref<26x64xf32, #tpu.memory_space<vmem>>)
    %dma_wait3A_481 = arith.constant 8 : i32
    %dma_wait3A_482 = arith.constant 8 : i32
    %dma_wait3A_483 = arith.constant 0 : i32
    %dma_wait3A_484 = arith.constant 0 : i32
    %dma_wait3A_485 = tpu.memref_slice %arg6[%dma_wait3A_482, %dma_wait3A_483, %dma_wait3A_484] : memref<16x26x64xf32, #tpu.memory_space<vmem>> -> memref<1x26x64xf32, #tpu.memory_space<vmem>>
    %dma_wait3A_486 = tpu.memref_squeeze %dma_wait3A_485 : memref<1x26x64xf32, #tpu.memory_space<vmem>> -> memref<26x64xf32, #tpu.memory_space<vmem>>
    %dma_wait3A_487 = arith.constant 0 : i32
    %dma_wait3A_488 = tpu.memref_slice %arg5[%dma_wait3A_481, %dma_wait3A_487] : memref<512x26xi32, #tpu.memory_space<vmem>> -> memref<1x26xi32, #tpu.memory_space<vmem>>
    %dma_wait3A_489 = tpu.memref_squeeze %dma_wait3A_488 : memref<1x26xi32, #tpu.memory_space<vmem>> -> memref<26xi32, #tpu.memory_space<vmem>>
    %dma_wait3A_490 = arith.constant 0 : i32
    %dma_wait3A_491 = arith.constant 0 : i32
    %dma_wait3A_492 = tpu.memref_slice %arg3[%dma_wait3A_490, %dma_wait3A_491] : memref<1000000x64xf32, #tpu.memory_space<hbm>> -> memref<1000000x64xf32, #tpu.memory_space<hbm>>
    tpu.wait_indirect_dma semaphore(%arg9 : memref<!tpu.dma_semaphore, #tpu.memory_space<semaphore_mem>>) src(%dma_wait3A_492 : memref<1000000x64xf32, #tpu.memory_space<hbm>>) dst(%dma_wait3A_486 : memref<26x64xf32, #tpu.memory_space<vmem>>)
    %dma_wait3A_493 = arith.constant 9 : i32
    %dma_wait3A_494 = arith.constant 9 : i32
    %dma_wait3A_495 = arith.constant 0 : i32
    %dma_wait3A_496 = arith.constant 0 : i32
    %dma_wait3A_497 = tpu.memref_slice %arg6[%dma_wait3A_494, %dma_wait3A_495, %dma_wait3A_496] : memref<16x26x64xf32, #tpu.memory_space<vmem>> -> memref<1x26x64xf32, #tpu.memory_space<vmem>>
    %dma_wait3A_498 = tpu.memref_squeeze %dma_wait3A_497 : memref<1x26x64xf32, #tpu.memory_space<vmem>> -> memref<26x64xf32, #tpu.memory_space<vmem>>
    %dma_wait3A_499 = arith.constant 0 : i32
    %dma_wait3A_500 = tpu.memref_slice %arg5[%dma_wait3A_493, %dma_wait3A_499] : memref<512x26xi32, #tpu.memory_space<vmem>> -> memref<1x26xi32, #tpu.memory_space<vmem>>
    %dma_wait3A_501 = tpu.memref_squeeze %dma_wait3A_500 : memref<1x26xi32, #tpu.memory_space<vmem>> -> memref<26xi32, #tpu.memory_space<vmem>>
    %dma_wait3A_502 = arith.constant 0 : i32
    %dma_wait3A_503 = arith.constant 0 : i32
    %dma_wait3A_504 = tpu.memref_slice %arg3[%dma_wait3A_502, %dma_wait3A_503] : memref<1000000x64xf32, #tpu.memory_space<hbm>> -> memref<1000000x64xf32, #tpu.memory_space<hbm>>
    tpu.wait_indirect_dma semaphore(%arg9 : memref<!tpu.dma_semaphore, #tpu.memory_space<semaphore_mem>>) src(%dma_wait3A_504 : memref<1000000x64xf32, #tpu.memory_space<hbm>>) dst(%dma_wait3A_498 : memref<26x64xf32, #tpu.memory_space<vmem>>)
    %dma_wait3A_505 = arith.constant 10 : i32
    %dma_wait3A_506 = arith.constant 10 : i32
    %dma_wait3A_507 = arith.constant 0 : i32
    %dma_wait3A_508 = arith.constant 0 : i32
    %dma_wait3A_509 = tpu.memref_slice %arg6[%dma_wait3A_506, %dma_wait3A_507, %dma_wait3A_508] : memref<16x26x64xf32, #tpu.memory_space<vmem>> -> memref<1x26x64xf32, #tpu.memory_space<vmem>>
    %dma_wait3A_510 = tpu.memref_squeeze %dma_wait3A_509 : memref<1x26x64xf32, #tpu.memory_space<vmem>> -> memref<26x64xf32, #tpu.memory_space<vmem>>
    %dma_wait3A_511 = arith.constant 0 : i32
    %dma_wait3A_512 = tpu.memref_slice %arg5[%dma_wait3A_505, %dma_wait3A_511] : memref<512x26xi32, #tpu.memory_space<vmem>> -> memref<1x26xi32, #tpu.memory_space<vmem>>
    %dma_wait3A_513 = tpu.memref_squeeze %dma_wait3A_512 : memref<1x26xi32, #tpu.memory_space<vmem>> -> memref<26xi32, #tpu.memory_space<vmem>>
    %dma_wait3A_514 = arith.constant 0 : i32
    %dma_wait3A_515 = arith.constant 0 : i32
    %dma_wait3A_516 = tpu.memref_slice %arg3[%dma_wait3A_514, %dma_wait3A_515] : memref<1000000x64xf32, #tpu.memory_space<hbm>> -> memref<1000000x64xf32, #tpu.memory_space<hbm>>
    tpu.wait_indirect_dma semaphore(%arg9 : memref<!tpu.dma_semaphore, #tpu.memory_space<semaphore_mem>>) src(%dma_wait3A_516 : memref<1000000x64xf32, #tpu.memory_space<hbm>>) dst(%dma_wait3A_510 : memref<26x64xf32, #tpu.memory_space<vmem>>)
    %dma_wait3A_517 = arith.constant 11 : i32
    %dma_wait3A_518 = arith.constant 11 : i32
    %dma_wait3A_519 = arith.constant 0 : i32
    %dma_wait3A_520 = arith.constant 0 : i32
    %dma_wait3A_521 = tpu.memref_slice %arg6[%dma_wait3A_518, %dma_wait3A_519, %dma_wait3A_520] : memref<16x26x64xf32, #tpu.memory_space<vmem>> -> memref<1x26x64xf32, #tpu.memory_space<vmem>>
    %dma_wait3A_522 = tpu.memref_squeeze %dma_wait3A_521 : memref<1x26x64xf32, #tpu.memory_space<vmem>> -> memref<26x64xf32, #tpu.memory_space<vmem>>
    %dma_wait3A_523 = arith.constant 0 : i32
    %dma_wait3A_524 = tpu.memref_slice %arg5[%dma_wait3A_517, %dma_wait3A_523] : memref<512x26xi32, #tpu.memory_space<vmem>> -> memref<1x26xi32, #tpu.memory_space<vmem>>
    %dma_wait3A_525 = tpu.memref_squeeze %dma_wait3A_524 : memref<1x26xi32, #tpu.memory_space<vmem>> -> memref<26xi32, #tpu.memory_space<vmem>>
    %dma_wait3A_526 = arith.constant 0 : i32
    %dma_wait3A_527 = arith.constant 0 : i32
    %dma_wait3A_528 = tpu.memref_slice %arg3[%dma_wait3A_526, %dma_wait3A_527] : memref<1000000x64xf32, #tpu.memory_space<hbm>> -> memref<1000000x64xf32, #tpu.memory_space<hbm>>
    tpu.wait_indirect_dma semaphore(%arg9 : memref<!tpu.dma_semaphore, #tpu.memory_space<semaphore_mem>>) src(%dma_wait3A_528 : memref<1000000x64xf32, #tpu.memory_space<hbm>>) dst(%dma_wait3A_522 : memref<26x64xf32, #tpu.memory_space<vmem>>)
    %dma_wait3A_529 = arith.constant 12 : i32
    %dma_wait3A_530 = arith.constant 12 : i32
    %dma_wait3A_531 = arith.constant 0 : i32
    %dma_wait3A_532 = arith.constant 0 : i32
    %dma_wait3A_533 = tpu.memref_slice %arg6[%dma_wait3A_530, %dma_wait3A_531, %dma_wait3A_532] : memref<16x26x64xf32, #tpu.memory_space<vmem>> -> memref<1x26x64xf32, #tpu.memory_space<vmem>>
    %dma_wait3A_534 = tpu.memref_squeeze %dma_wait3A_533 : memref<1x26x64xf32, #tpu.memory_space<vmem>> -> memref<26x64xf32, #tpu.memory_space<vmem>>
    %dma_wait3A_535 = arith.constant 0 : i32
    %dma_wait3A_536 = tpu.memref_slice %arg5[%dma_wait3A_529, %dma_wait3A_535] : memref<512x26xi32, #tpu.memory_space<vmem>> -> memref<1x26xi32, #tpu.memory_space<vmem>>
    %dma_wait3A_537 = tpu.memref_squeeze %dma_wait3A_536 : memref<1x26xi32, #tpu.memory_space<vmem>> -> memref<26xi32, #tpu.memory_space<vmem>>
    %dma_wait3A_538 = arith.constant 0 : i32
    %dma_wait3A_539 = arith.constant 0 : i32
    %dma_wait3A_540 = tpu.memref_slice %arg3[%dma_wait3A_538, %dma_wait3A_539] : memref<1000000x64xf32, #tpu.memory_space<hbm>> -> memref<1000000x64xf32, #tpu.memory_space<hbm>>
    tpu.wait_indirect_dma semaphore(%arg9 : memref<!tpu.dma_semaphore, #tpu.memory_space<semaphore_mem>>) src(%dma_wait3A_540 : memref<1000000x64xf32, #tpu.memory_space<hbm>>) dst(%dma_wait3A_534 : memref<26x64xf32, #tpu.memory_space<vmem>>)
    %dma_wait3A_541 = arith.constant 13 : i32
    %dma_wait3A_542 = arith.constant 13 : i32
    %dma_wait3A_543 = arith.constant 0 : i32
    %dma_wait3A_544 = arith.constant 0 : i32
    %dma_wait3A_545 = tpu.memref_slice %arg6[%dma_wait3A_542, %dma_wait3A_543, %dma_wait3A_544] : memref<16x26x64xf32, #tpu.memory_space<vmem>> -> memref<1x26x64xf32, #tpu.memory_space<vmem>>
    %dma_wait3A_546 = tpu.memref_squeeze %dma_wait3A_545 : memref<1x26x64xf32, #tpu.memory_space<vmem>> -> memref<26x64xf32, #tpu.memory_space<vmem>>
    %dma_wait3A_547 = arith.constant 0 : i32
    %dma_wait3A_548 = tpu.memref_slice %arg5[%dma_wait3A_541, %dma_wait3A_547] : memref<512x26xi32, #tpu.memory_space<vmem>> -> memref<1x26xi32, #tpu.memory_space<vmem>>
    %dma_wait3A_549 = tpu.memref_squeeze %dma_wait3A_548 : memref<1x26xi32, #tpu.memory_space<vmem>> -> memref<26xi32, #tpu.memory_space<vmem>>
    %dma_wait3A_550 = arith.constant 0 : i32
    %dma_wait3A_551 = arith.constant 0 : i32
    %dma_wait3A_552 = tpu.memref_slice %arg3[%dma_wait3A_550, %dma_wait3A_551] : memref<1000000x64xf32, #tpu.memory_space<hbm>> -> memref<1000000x64xf32, #tpu.memory_space<hbm>>
    tpu.wait_indirect_dma semaphore(%arg9 : memref<!tpu.dma_semaphore, #tpu.memory_space<semaphore_mem>>) src(%dma_wait3A_552 : memref<1000000x64xf32, #tpu.memory_space<hbm>>) dst(%dma_wait3A_546 : memref<26x64xf32, #tpu.memory_space<vmem>>)
    %dma_wait3A_553 = arith.constant 14 : i32
    %dma_wait3A_554 = arith.constant 14 : i32
    %dma_wait3A_555 = arith.constant 0 : i32
    %dma_wait3A_556 = arith.constant 0 : i32
    %dma_wait3A_557 = tpu.memref_slice %arg6[%dma_wait3A_554, %dma_wait3A_555, %dma_wait3A_556] : memref<16x26x64xf32, #tpu.memory_space<vmem>> -> memref<1x26x64xf32, #tpu.memory_space<vmem>>
    %dma_wait3A_558 = tpu.memref_squeeze %dma_wait3A_557 : memref<1x26x64xf32, #tpu.memory_space<vmem>> -> memref<26x64xf32, #tpu.memory_space<vmem>>
    %dma_wait3A_559 = arith.constant 0 : i32
    %dma_wait3A_560 = tpu.memref_slice %arg5[%dma_wait3A_553, %dma_wait3A_559] : memref<512x26xi32, #tpu.memory_space<vmem>> -> memref<1x26xi32, #tpu.memory_space<vmem>>
    %dma_wait3A_561 = tpu.memref_squeeze %dma_wait3A_560 : memref<1x26xi32, #tpu.memory_space<vmem>> -> memref<26xi32, #tpu.memory_space<vmem>>
    %dma_wait3A_562 = arith.constant 0 : i32
    %dma_wait3A_563 = arith.constant 0 : i32
    %dma_wait3A_564 = tpu.memref_slice %arg3[%dma_wait3A_562, %dma_wait3A_563] : memref<1000000x64xf32, #tpu.memory_space<hbm>> -> memref<1000000x64xf32, #tpu.memory_space<hbm>>
    tpu.wait_indirect_dma semaphore(%arg9 : memref<!tpu.dma_semaphore, #tpu.memory_space<semaphore_mem>>) src(%dma_wait3A_564 : memref<1000000x64xf32, #tpu.memory_space<hbm>>) dst(%dma_wait3A_558 : memref<26x64xf32, #tpu.memory_space<vmem>>)
    %dma_wait3A_565 = arith.constant 15 : i32
    %dma_wait3A_566 = arith.constant 15 : i32
    %dma_wait3A_567 = arith.constant 0 : i32
    %dma_wait3A_568 = arith.constant 0 : i32
    %dma_wait3A_569 = tpu.memref_slice %arg6[%dma_wait3A_566, %dma_wait3A_567, %dma_wait3A_568] : memref<16x26x64xf32, #tpu.memory_space<vmem>> -> memref<1x26x64xf32, #tpu.memory_space<vmem>>
    %dma_wait3A_570 = tpu.memref_squeeze %dma_wait3A_569 : memref<1x26x64xf32, #tpu.memory_space<vmem>> -> memref<26x64xf32, #tpu.memory_space<vmem>>
    %dma_wait3A_571 = arith.constant 0 : i32
    %dma_wait3A_572 = tpu.memref_slice %arg5[%dma_wait3A_565, %dma_wait3A_571] : memref<512x26xi32, #tpu.memory_space<vmem>> -> memref<1x26xi32, #tpu.memory_space<vmem>>
    %dma_wait3A_573 = tpu.memref_squeeze %dma_wait3A_572 : memref<1x26xi32, #tpu.memory_space<vmem>> -> memref<26xi32, #tpu.memory_space<vmem>>
    %dma_wait3A_574 = arith.constant 0 : i32
    %dma_wait3A_575 = arith.constant 0 : i32
    %dma_wait3A_576 = tpu.memref_slice %arg3[%dma_wait3A_574, %dma_wait3A_575] : memref<1000000x64xf32, #tpu.memory_space<hbm>> -> memref<1000000x64xf32, #tpu.memory_space<hbm>>
    tpu.wait_indirect_dma semaphore(%arg9 : memref<!tpu.dma_semaphore, #tpu.memory_space<semaphore_mem>>) src(%dma_wait3A_576 : memref<1000000x64xf32, #tpu.memory_space<hbm>>) dst(%dma_wait3A_570 : memref<26x64xf32, #tpu.memory_space<vmem>>)
    %add3A_577 = arith.constant 0 : i32
    %add3A_578 = arith.addi %mul3A_2, %add3A_577 : i32
    %dma_start3A_579 = arith.constant 0 : i32
    %dma_start3A_580 = arith.constant 0 : i32
    %dma_start3A_581 = tpu.memref_slice %arg4[%add3A_578, %dma_start3A_579, %dma_start3A_580] : memref<16384x26x64xf32, #tpu.memory_space<hbm>> -> memref<16x26x64xf32, #tpu.memory_space<hbm>>
    %dma_start3A_582 = arith.constant 0 : i32
    %dma_start3A_583 = arith.constant 0 : i32
    %dma_start3A_584 = tpu.memref_slice %arg4[%add3A_578, %dma_start3A_582, %dma_start3A_583] : memref<16384x26x64xf32, #tpu.memory_space<hbm>> -> memref<16x26x64xf32, #tpu.memory_space<hbm>>
    tpu.enqueue_dma source(%arg6 : memref<16x26x64xf32, #tpu.memory_space<vmem>>) target(%dma_start3A_584 : memref<16x26x64xf32, #tpu.memory_space<hbm>>) target_semaphore(%arg12 : memref<!tpu.dma_semaphore, #tpu.memory_space<semaphore_mem>>)
    %dma_start3A_585 = arith.constant 32 : i32
    %dma_start3A_586 = arith.constant 0 : i32
    %dma_start3A_587 = arith.constant 0 : i32
    %dma_start3A_588 = arith.constant 0 : i32
    %dma_start3A_589 = tpu.memref_slice %arg8[%dma_start3A_586, %dma_start3A_587, %dma_start3A_588] : memref<16x26x64xf32, #tpu.memory_space<vmem>> -> memref<1x26x64xf32, #tpu.memory_space<vmem>>
    %dma_start3A_590 = tpu.memref_squeeze %dma_start3A_589 : memref<1x26x64xf32, #tpu.memory_space<vmem>> -> memref<26x64xf32, #tpu.memory_space<vmem>>
    %dma_start3A_591 = arith.constant 0 : i32
    %dma_start3A_592 = tpu.memref_slice %arg5[%dma_start3A_585, %dma_start3A_591] : memref<512x26xi32, #tpu.memory_space<vmem>> -> memref<1x26xi32, #tpu.memory_space<vmem>>
    %dma_start3A_593 = tpu.memref_squeeze %dma_start3A_592 : memref<1x26xi32, #tpu.memory_space<vmem>> -> memref<26xi32, #tpu.memory_space<vmem>>
    %dma_start3A_594 = arith.constant 0 : i32
    %dma_start3A_595 = arith.constant 0 : i32
    %dma_start3A_596 = tpu.memref_slice %arg3[%dma_start3A_594, %dma_start3A_595] : memref<1000000x64xf32, #tpu.memory_space<hbm>> -> memref<1000000x64xf32, #tpu.memory_space<hbm>>
    tpu.enqueue_indirect_dma source(%dma_start3A_596 : memref<1000000x64xf32, #tpu.memory_space<hbm>>) target(%dma_start3A_590 : memref<26x64xf32, #tpu.memory_space<vmem>>) offsets(%dma_start3A_593 : memref<26xi32, #tpu.memory_space<vmem>>) semaphore(%arg11 : memref<!tpu.dma_semaphore, #tpu.memory_space<semaphore_mem>>)
    %dma_start3A_597 = arith.constant 33 : i32
    %dma_start3A_598 = arith.constant 1 : i32
    %dma_start3A_599 = arith.constant 0 : i32
    %dma_start3A_600 = arith.constant 0 : i32
    %dma_start3A_601 = tpu.memref_slice %arg8[%dma_start3A_598, %dma_start3A_599, %dma_start3A_600] : memref<16x26x64xf32, #tpu.memory_space<vmem>> -> memref<1x26x64xf32, #tpu.memory_space<vmem>>
    %dma_start3A_602 = tpu.memref_squeeze %dma_start3A_601 : memref<1x26x64xf32, #tpu.memory_space<vmem>> -> memref<26x64xf32, #tpu.memory_space<vmem>>
    %dma_start3A_603 = arith.constant 0 : i32
    %dma_start3A_604 = tpu.memref_slice %arg5[%dma_start3A_597, %dma_start3A_603] : memref<512x26xi32, #tpu.memory_space<vmem>> -> memref<1x26xi32, #tpu.memory_space<vmem>>
    %dma_start3A_605 = tpu.memref_squeeze %dma_start3A_604 : memref<1x26xi32, #tpu.memory_space<vmem>> -> memref<26xi32, #tpu.memory_space<vmem>>
    %dma_start3A_606 = arith.constant 0 : i32
    %dma_start3A_607 = arith.constant 0 : i32
    %dma_start3A_608 = tpu.memref_slice %arg3[%dma_start3A_606, %dma_start3A_607] : memref<1000000x64xf32, #tpu.memory_space<hbm>> -> memref<1000000x64xf32, #tpu.memory_space<hbm>>
    tpu.enqueue_indirect_dma source(%dma_start3A_608 : memref<1000000x64xf32, #tpu.memory_space<hbm>>) target(%dma_start3A_602 : memref<26x64xf32, #tpu.memory_space<vmem>>) offsets(%dma_start3A_605 : memref<26xi32, #tpu.memory_space<vmem>>) semaphore(%arg11 : memref<!tpu.dma_semaphore, #tpu.memory_space<semaphore_mem>>)
    %dma_start3A_609 = arith.constant 34 : i32
    %dma_start3A_610 = arith.constant 2 : i32
    %dma_start3A_611 = arith.constant 0 : i32
    %dma_start3A_612 = arith.constant 0 : i32
    %dma_start3A_613 = tpu.memref_slice %arg8[%dma_start3A_610, %dma_start3A_611, %dma_start3A_612] : memref<16x26x64xf32, #tpu.memory_space<vmem>> -> memref<1x26x64xf32, #tpu.memory_space<vmem>>
    %dma_start3A_614 = tpu.memref_squeeze %dma_start3A_613 : memref<1x26x64xf32, #tpu.memory_space<vmem>> -> memref<26x64xf32, #tpu.memory_space<vmem>>
    %dma_start3A_615 = arith.constant 0 : i32
    %dma_start3A_616 = tpu.memref_slice %arg5[%dma_start3A_609, %dma_start3A_615] : memref<512x26xi32, #tpu.memory_space<vmem>> -> memref<1x26xi32, #tpu.memory_space<vmem>>
    %dma_start3A_617 = tpu.memref_squeeze %dma_start3A_616 : memref<1x26xi32, #tpu.memory_space<vmem>> -> memref<26xi32, #tpu.memory_space<vmem>>
    %dma_start3A_618 = arith.constant 0 : i32
    %dma_start3A_619 = arith.constant 0 : i32
    %dma_start3A_620 = tpu.memref_slice %arg3[%dma_start3A_618, %dma_start3A_619] : memref<1000000x64xf32, #tpu.memory_space<hbm>> -> memref<1000000x64xf32, #tpu.memory_space<hbm>>
    tpu.enqueue_indirect_dma source(%dma_start3A_620 : memref<1000000x64xf32, #tpu.memory_space<hbm>>) target(%dma_start3A_614 : memref<26x64xf32, #tpu.memory_space<vmem>>) offsets(%dma_start3A_617 : memref<26xi32, #tpu.memory_space<vmem>>) semaphore(%arg11 : memref<!tpu.dma_semaphore, #tpu.memory_space<semaphore_mem>>)
    %dma_start3A_621 = arith.constant 35 : i32
    %dma_start3A_622 = arith.constant 3 : i32
    %dma_start3A_623 = arith.constant 0 : i32
    %dma_start3A_624 = arith.constant 0 : i32
    %dma_start3A_625 = tpu.memref_slice %arg8[%dma_start3A_622, %dma_start3A_623, %dma_start3A_624] : memref<16x26x64xf32, #tpu.memory_space<vmem>> -> memref<1x26x64xf32, #tpu.memory_space<vmem>>
    %dma_start3A_626 = tpu.memref_squeeze %dma_start3A_625 : memref<1x26x64xf32, #tpu.memory_space<vmem>> -> memref<26x64xf32, #tpu.memory_space<vmem>>
    %dma_start3A_627 = arith.constant 0 : i32
    %dma_start3A_628 = tpu.memref_slice %arg5[%dma_start3A_621, %dma_start3A_627] : memref<512x26xi32, #tpu.memory_space<vmem>> -> memref<1x26xi32, #tpu.memory_space<vmem>>
    %dma_start3A_629 = tpu.memref_squeeze %dma_start3A_628 : memref<1x26xi32, #tpu.memory_space<vmem>> -> memref<26xi32, #tpu.memory_space<vmem>>
    %dma_start3A_630 = arith.constant 0 : i32
    %dma_start3A_631 = arith.constant 0 : i32
    %dma_start3A_632 = tpu.memref_slice %arg3[%dma_start3A_630, %dma_start3A_631] : memref<1000000x64xf32, #tpu.memory_space<hbm>> -> memref<1000000x64xf32, #tpu.memory_space<hbm>>
    tpu.enqueue_indirect_dma source(%dma_start3A_632 : memref<1000000x64xf32, #tpu.memory_space<hbm>>) target(%dma_start3A_626 : memref<26x64xf32, #tpu.memory_space<vmem>>) offsets(%dma_start3A_629 : memref<26xi32, #tpu.memory_space<vmem>>) semaphore(%arg11 : memref<!tpu.dma_semaphore, #tpu.memory_space<semaphore_mem>>)
    %dma_start3A_633 = arith.constant 36 : i32
    %dma_start3A_634 = arith.constant 4 : i32
    %dma_start3A_635 = arith.constant 0 : i32
    %dma_start3A_636 = arith.constant 0 : i32
    %dma_start3A_637 = tpu.memref_slice %arg8[%dma_start3A_634, %dma_start3A_635, %dma_start3A_636] : memref<16x26x64xf32, #tpu.memory_space<vmem>> -> memref<1x26x64xf32, #tpu.memory_space<vmem>>
    %dma_start3A_638 = tpu.memref_squeeze %dma_start3A_637 : memref<1x26x64xf32, #tpu.memory_space<vmem>> -> memref<26x64xf32, #tpu.memory_space<vmem>>
    %dma_start3A_639 = arith.constant 0 : i32
    %dma_start3A_640 = tpu.memref_slice %arg5[%dma_start3A_633, %dma_start3A_639] : memref<512x26xi32, #tpu.memory_space<vmem>> -> memref<1x26xi32, #tpu.memory_space<vmem>>
    %dma_start3A_641 = tpu.memref_squeeze %dma_start3A_640 : memref<1x26xi32, #tpu.memory_space<vmem>> -> memref<26xi32, #tpu.memory_space<vmem>>
    %dma_start3A_642 = arith.constant 0 : i32
    %dma_start3A_643 = arith.constant 0 : i32
    %dma_start3A_644 = tpu.memref_slice %arg3[%dma_start3A_642, %dma_start3A_643] : memref<1000000x64xf32, #tpu.memory_space<hbm>> -> memref<1000000x64xf32, #tpu.memory_space<hbm>>
    tpu.enqueue_indirect_dma source(%dma_start3A_644 : memref<1000000x64xf32, #tpu.memory_space<hbm>>) target(%dma_start3A_638 : memref<26x64xf32, #tpu.memory_space<vmem>>) offsets(%dma_start3A_641 : memref<26xi32, #tpu.memory_space<vmem>>) semaphore(%arg11 : memref<!tpu.dma_semaphore, #tpu.memory_space<semaphore_mem>>)
    %dma_start3A_645 = arith.constant 37 : i32
    %dma_start3A_646 = arith.constant 5 : i32
    %dma_start3A_647 = arith.constant 0 : i32
    %dma_start3A_648 = arith.constant 0 : i32
    %dma_start3A_649 = tpu.memref_slice %arg8[%dma_start3A_646, %dma_start3A_647, %dma_start3A_648] : memref<16x26x64xf32, #tpu.memory_space<vmem>> -> memref<1x26x64xf32, #tpu.memory_space<vmem>>
    %dma_start3A_650 = tpu.memref_squeeze %dma_start3A_649 : memref<1x26x64xf32, #tpu.memory_space<vmem>> -> memref<26x64xf32, #tpu.memory_space<vmem>>
    %dma_start3A_651 = arith.constant 0 : i32
    %dma_start3A_652 = tpu.memref_slice %arg5[%dma_start3A_645, %dma_start3A_651] : memref<512x26xi32, #tpu.memory_space<vmem>> -> memref<1x26xi32, #tpu.memory_space<vmem>>
    %dma_start3A_653 = tpu.memref_squeeze %dma_start3A_652 : memref<1x26xi32, #tpu.memory_space<vmem>> -> memref<26xi32, #tpu.memory_space<vmem>>
    %dma_start3A_654 = arith.constant 0 : i32
    %dma_start3A_655 = arith.constant 0 : i32
    %dma_start3A_656 = tpu.memref_slice %arg3[%dma_start3A_654, %dma_start3A_655] : memref<1000000x64xf32, #tpu.memory_space<hbm>> -> memref<1000000x64xf32, #tpu.memory_space<hbm>>
    tpu.enqueue_indirect_dma source(%dma_start3A_656 : memref<1000000x64xf32, #tpu.memory_space<hbm>>) target(%dma_start3A_650 : memref<26x64xf32, #tpu.memory_space<vmem>>) offsets(%dma_start3A_653 : memref<26xi32, #tpu.memory_space<vmem>>) semaphore(%arg11 : memref<!tpu.dma_semaphore, #tpu.memory_space<semaphore_mem>>)
    %dma_start3A_657 = arith.constant 38 : i32
    %dma_start3A_658 = arith.constant 6 : i32
    %dma_start3A_659 = arith.constant 0 : i32
    %dma_start3A_660 = arith.constant 0 : i32
    %dma_start3A_661 = tpu.memref_slice %arg8[%dma_start3A_658, %dma_start3A_659, %dma_start3A_660] : memref<16x26x64xf32, #tpu.memory_space<vmem>> -> memref<1x26x64xf32, #tpu.memory_space<vmem>>
    %dma_start3A_662 = tpu.memref_squeeze %dma_start3A_661 : memref<1x26x64xf32, #tpu.memory_space<vmem>> -> memref<26x64xf32, #tpu.memory_space<vmem>>
    %dma_start3A_663 = arith.constant 0 : i32
    %dma_start3A_664 = tpu.memref_slice %arg5[%dma_start3A_657, %dma_start3A_663] : memref<512x26xi32, #tpu.memory_space<vmem>> -> memref<1x26xi32, #tpu.memory_space<vmem>>
    %dma_start3A_665 = tpu.memref_squeeze %dma_start3A_664 : memref<1x26xi32, #tpu.memory_space<vmem>> -> memref<26xi32, #tpu.memory_space<vmem>>
    %dma_start3A_666 = arith.constant 0 : i32
    %dma_start3A_667 = arith.constant 0 : i32
    %dma_start3A_668 = tpu.memref_slice %arg3[%dma_start3A_666, %dma_start3A_667] : memref<1000000x64xf32, #tpu.memory_space<hbm>> -> memref<1000000x64xf32, #tpu.memory_space<hbm>>
    tpu.enqueue_indirect_dma source(%dma_start3A_668 : memref<1000000x64xf32, #tpu.memory_space<hbm>>) target(%dma_start3A_662 : memref<26x64xf32, #tpu.memory_space<vmem>>) offsets(%dma_start3A_665 : memref<26xi32, #tpu.memory_space<vmem>>) semaphore(%arg11 : memref<!tpu.dma_semaphore, #tpu.memory_space<semaphore_mem>>)
    %dma_start3A_669 = arith.constant 39 : i32
    %dma_start3A_670 = arith.constant 7 : i32
    %dma_start3A_671 = arith.constant 0 : i32
    %dma_start3A_672 = arith.constant 0 : i32
    %dma_start3A_673 = tpu.memref_slice %arg8[%dma_start3A_670, %dma_start3A_671, %dma_start3A_672] : memref<16x26x64xf32, #tpu.memory_space<vmem>> -> memref<1x26x64xf32, #tpu.memory_space<vmem>>
    %dma_start3A_674 = tpu.memref_squeeze %dma_start3A_673 : memref<1x26x64xf32, #tpu.memory_space<vmem>> -> memref<26x64xf32, #tpu.memory_space<vmem>>
    %dma_start3A_675 = arith.constant 0 : i32
    %dma_start3A_676 = tpu.memref_slice %arg5[%dma_start3A_669, %dma_start3A_675] : memref<512x26xi32, #tpu.memory_space<vmem>> -> memref<1x26xi32, #tpu.memory_space<vmem>>
    %dma_start3A_677 = tpu.memref_squeeze %dma_start3A_676 : memref<1x26xi32, #tpu.memory_space<vmem>> -> memref<26xi32, #tpu.memory_space<vmem>>
    %dma_start3A_678 = arith.constant 0 : i32
    %dma_start3A_679 = arith.constant 0 : i32
    %dma_start3A_680 = tpu.memref_slice %arg3[%dma_start3A_678, %dma_start3A_679] : memref<1000000x64xf32, #tpu.memory_space<hbm>> -> memref<1000000x64xf32, #tpu.memory_space<hbm>>
    tpu.enqueue_indirect_dma source(%dma_start3A_680 : memref<1000000x64xf32, #tpu.memory_space<hbm>>) target(%dma_start3A_674 : memref<26x64xf32, #tpu.memory_space<vmem>>) offsets(%dma_start3A_677 : memref<26xi32, #tpu.memory_space<vmem>>) semaphore(%arg11 : memref<!tpu.dma_semaphore, #tpu.memory_space<semaphore_mem>>)
    %dma_start3A_681 = arith.constant 40 : i32
    %dma_start3A_682 = arith.constant 8 : i32
    %dma_start3A_683 = arith.constant 0 : i32
    %dma_start3A_684 = arith.constant 0 : i32
    %dma_start3A_685 = tpu.memref_slice %arg8[%dma_start3A_682, %dma_start3A_683, %dma_start3A_684] : memref<16x26x64xf32, #tpu.memory_space<vmem>> -> memref<1x26x64xf32, #tpu.memory_space<vmem>>
    %dma_start3A_686 = tpu.memref_squeeze %dma_start3A_685 : memref<1x26x64xf32, #tpu.memory_space<vmem>> -> memref<26x64xf32, #tpu.memory_space<vmem>>
    %dma_start3A_687 = arith.constant 0 : i32
    %dma_start3A_688 = tpu.memref_slice %arg5[%dma_start3A_681, %dma_start3A_687] : memref<512x26xi32, #tpu.memory_space<vmem>> -> memref<1x26xi32, #tpu.memory_space<vmem>>
    %dma_start3A_689 = tpu.memref_squeeze %dma_start3A_688 : memref<1x26xi32, #tpu.memory_space<vmem>> -> memref<26xi32, #tpu.memory_space<vmem>>
    %dma_start3A_690 = arith.constant 0 : i32
    %dma_start3A_691 = arith.constant 0 : i32
    %dma_start3A_692 = tpu.memref_slice %arg3[%dma_start3A_690, %dma_start3A_691] : memref<1000000x64xf32, #tpu.memory_space<hbm>> -> memref<1000000x64xf32, #tpu.memory_space<hbm>>
    tpu.enqueue_indirect_dma source(%dma_start3A_692 : memref<1000000x64xf32, #tpu.memory_space<hbm>>) target(%dma_start3A_686 : memref<26x64xf32, #tpu.memory_space<vmem>>) offsets(%dma_start3A_689 : memref<26xi32, #tpu.memory_space<vmem>>) semaphore(%arg11 : memref<!tpu.dma_semaphore, #tpu.memory_space<semaphore_mem>>)
    %dma_start3A_693 = arith.constant 41 : i32
    %dma_start3A_694 = arith.constant 9 : i32
    %dma_start3A_695 = arith.constant 0 : i32
    %dma_start3A_696 = arith.constant 0 : i32
    %dma_start3A_697 = tpu.memref_slice %arg8[%dma_start3A_694, %dma_start3A_695, %dma_start3A_696] : memref<16x26x64xf32, #tpu.memory_space<vmem>> -> memref<1x26x64xf32, #tpu.memory_space<vmem>>
    %dma_start3A_698 = tpu.memref_squeeze %dma_start3A_697 : memref<1x26x64xf32, #tpu.memory_space<vmem>> -> memref<26x64xf32, #tpu.memory_space<vmem>>
    %dma_start3A_699 = arith.constant 0 : i32
    %dma_start3A_700 = tpu.memref_slice %arg5[%dma_start3A_693, %dma_start3A_699] : memref<512x26xi32, #tpu.memory_space<vmem>> -> memref<1x26xi32, #tpu.memory_space<vmem>>
    %dma_start3A_701 = tpu.memref_squeeze %dma_start3A_700 : memref<1x26xi32, #tpu.memory_space<vmem>> -> memref<26xi32, #tpu.memory_space<vmem>>
    %dma_start3A_702 = arith.constant 0 : i32
    %dma_start3A_703 = arith.constant 0 : i32
    %dma_start3A_704 = tpu.memref_slice %arg3[%dma_start3A_702, %dma_start3A_703] : memref<1000000x64xf32, #tpu.memory_space<hbm>> -> memref<1000000x64xf32, #tpu.memory_space<hbm>>
    tpu.enqueue_indirect_dma source(%dma_start3A_704 : memref<1000000x64xf32, #tpu.memory_space<hbm>>) target(%dma_start3A_698 : memref<26x64xf32, #tpu.memory_space<vmem>>) offsets(%dma_start3A_701 : memref<26xi32, #tpu.memory_space<vmem>>) semaphore(%arg11 : memref<!tpu.dma_semaphore, #tpu.memory_space<semaphore_mem>>)
    %dma_start3A_705 = arith.constant 42 : i32
    %dma_start3A_706 = arith.constant 10 : i32
    %dma_start3A_707 = arith.constant 0 : i32
    %dma_start3A_708 = arith.constant 0 : i32
    %dma_start3A_709 = tpu.memref_slice %arg8[%dma_start3A_706, %dma_start3A_707, %dma_start3A_708] : memref<16x26x64xf32, #tpu.memory_space<vmem>> -> memref<1x26x64xf32, #tpu.memory_space<vmem>>
    %dma_start3A_710 = tpu.memref_squeeze %dma_start3A_709 : memref<1x26x64xf32, #tpu.memory_space<vmem>> -> memref<26x64xf32, #tpu.memory_space<vmem>>
    %dma_start3A_711 = arith.constant 0 : i32
    %dma_start3A_712 = tpu.memref_slice %arg5[%dma_start3A_705, %dma_start3A_711] : memref<512x26xi32, #tpu.memory_space<vmem>> -> memref<1x26xi32, #tpu.memory_space<vmem>>
    %dma_start3A_713 = tpu.memref_squeeze %dma_start3A_712 : memref<1x26xi32, #tpu.memory_space<vmem>> -> memref<26xi32, #tpu.memory_space<vmem>>
    %dma_start3A_714 = arith.constant 0 : i32
    %dma_start3A_715 = arith.constant 0 : i32
    %dma_start3A_716 = tpu.memref_slice %arg3[%dma_start3A_714, %dma_start3A_715] : memref<1000000x64xf32, #tpu.memory_space<hbm>> -> memref<1000000x64xf32, #tpu.memory_space<hbm>>
    tpu.enqueue_indirect_dma source(%dma_start3A_716 : memref<1000000x64xf32, #tpu.memory_space<hbm>>) target(%dma_start3A_710 : memref<26x64xf32, #tpu.memory_space<vmem>>) offsets(%dma_start3A_713 : memref<26xi32, #tpu.memory_space<vmem>>) semaphore(%arg11 : memref<!tpu.dma_semaphore, #tpu.memory_space<semaphore_mem>>)
    %dma_start3A_717 = arith.constant 43 : i32
    %dma_start3A_718 = arith.constant 11 : i32
    %dma_start3A_719 = arith.constant 0 : i32
    %dma_start3A_720 = arith.constant 0 : i32
    %dma_start3A_721 = tpu.memref_slice %arg8[%dma_start3A_718, %dma_start3A_719, %dma_start3A_720] : memref<16x26x64xf32, #tpu.memory_space<vmem>> -> memref<1x26x64xf32, #tpu.memory_space<vmem>>
    %dma_start3A_722 = tpu.memref_squeeze %dma_start3A_721 : memref<1x26x64xf32, #tpu.memory_space<vmem>> -> memref<26x64xf32, #tpu.memory_space<vmem>>
    %dma_start3A_723 = arith.constant 0 : i32
    %dma_start3A_724 = tpu.memref_slice %arg5[%dma_start3A_717, %dma_start3A_723] : memref<512x26xi32, #tpu.memory_space<vmem>> -> memref<1x26xi32, #tpu.memory_space<vmem>>
    %dma_start3A_725 = tpu.memref_squeeze %dma_start3A_724 : memref<1x26xi32, #tpu.memory_space<vmem>> -> memref<26xi32, #tpu.memory_space<vmem>>
    %dma_start3A_726 = arith.constant 0 : i32
    %dma_start3A_727 = arith.constant 0 : i32
    %dma_start3A_728 = tpu.memref_slice %arg3[%dma_start3A_726, %dma_start3A_727] : memref<1000000x64xf32, #tpu.memory_space<hbm>> -> memref<1000000x64xf32, #tpu.memory_space<hbm>>
    tpu.enqueue_indirect_dma source(%dma_start3A_728 : memref<1000000x64xf32, #tpu.memory_space<hbm>>) target(%dma_start3A_722 : memref<26x64xf32, #tpu.memory_space<vmem>>) offsets(%dma_start3A_725 : memref<26xi32, #tpu.memory_space<vmem>>) semaphore(%arg11 : memref<!tpu.dma_semaphore, #tpu.memory_space<semaphore_mem>>)
    %dma_start3A_729 = arith.constant 44 : i32
    %dma_start3A_730 = arith.constant 12 : i32
    %dma_start3A_731 = arith.constant 0 : i32
    %dma_start3A_732 = arith.constant 0 : i32
    %dma_start3A_733 = tpu.memref_slice %arg8[%dma_start3A_730, %dma_start3A_731, %dma_start3A_732] : memref<16x26x64xf32, #tpu.memory_space<vmem>> -> memref<1x26x64xf32, #tpu.memory_space<vmem>>
    %dma_start3A_734 = tpu.memref_squeeze %dma_start3A_733 : memref<1x26x64xf32, #tpu.memory_space<vmem>> -> memref<26x64xf32, #tpu.memory_space<vmem>>
    %dma_start3A_735 = arith.constant 0 : i32
    %dma_start3A_736 = tpu.memref_slice %arg5[%dma_start3A_729, %dma_start3A_735] : memref<512x26xi32, #tpu.memory_space<vmem>> -> memref<1x26xi32, #tpu.memory_space<vmem>>
    %dma_start3A_737 = tpu.memref_squeeze %dma_start3A_736 : memref<1x26xi32, #tpu.memory_space<vmem>> -> memref<26xi32, #tpu.memory_space<vmem>>
    %dma_start3A_738 = arith.constant 0 : i32
    %dma_start3A_739 = arith.constant 0 : i32
    %dma_start3A_740 = tpu.memref_slice %arg3[%dma_start3A_738, %dma_start3A_739] : memref<1000000x64xf32, #tpu.memory_space<hbm>> -> memref<1000000x64xf32, #tpu.memory_space<hbm>>
    tpu.enqueue_indirect_dma source(%dma_start3A_740 : memref<1000000x64xf32, #tpu.memory_space<hbm>>) target(%dma_start3A_734 : memref<26x64xf32, #tpu.memory_space<vmem>>) offsets(%dma_start3A_737 : memref<26xi32, #tpu.memory_space<vmem>>) semaphore(%arg11 : memref<!tpu.dma_semaphore, #tpu.memory_space<semaphore_mem>>)
    %dma_start3A_741 = arith.constant 45 : i32
    %dma_start3A_742 = arith.constant 13 : i32
    %dma_start3A_743 = arith.constant 0 : i32
    %dma_start3A_744 = arith.constant 0 : i32
    %dma_start3A_745 = tpu.memref_slice %arg8[%dma_start3A_742, %dma_start3A_743, %dma_start3A_744] : memref<16x26x64xf32, #tpu.memory_space<vmem>> -> memref<1x26x64xf32, #tpu.memory_space<vmem>>
    %dma_start3A_746 = tpu.memref_squeeze %dma_start3A_745 : memref<1x26x64xf32, #tpu.memory_space<vmem>> -> memref<26x64xf32, #tpu.memory_space<vmem>>
    %dma_start3A_747 = arith.constant 0 : i32
    %dma_start3A_748 = tpu.memref_slice %arg5[%dma_start3A_741, %dma_start3A_747] : memref<512x26xi32, #tpu.memory_space<vmem>> -> memref<1x26xi32, #tpu.memory_space<vmem>>
    %dma_start3A_749 = tpu.memref_squeeze %dma_start3A_748 : memref<1x26xi32, #tpu.memory_space<vmem>> -> memref<26xi32, #tpu.memory_space<vmem>>
    %dma_start3A_750 = arith.constant 0 : i32
    %dma_start3A_751 = arith.constant 0 : i32
    %dma_start3A_752 = tpu.memref_slice %arg3[%dma_start3A_750, %dma_start3A_751] : memref<1000000x64xf32, #tpu.memory_space<hbm>> -> memref<1000000x64xf32, #tpu.memory_space<hbm>>
    tpu.enqueue_indirect_dma source(%dma_start3A_752 : memref<1000000x64xf32, #tpu.memory_space<hbm>>) target(%dma_start3A_746 : memref<26x64xf32, #tpu.memory_space<vmem>>) offsets(%dma_start3A_749 : memref<26xi32, #tpu.memory_space<vmem>>) semaphore(%arg11 : memref<!tpu.dma_semaphore, #tpu.memory_space<semaphore_mem>>)
    %dma_start3A_753 = arith.constant 46 : i32
    %dma_start3A_754 = arith.constant 14 : i32
    %dma_start3A_755 = arith.constant 0 : i32
    %dma_start3A_756 = arith.constant 0 : i32
    %dma_start3A_757 = tpu.memref_slice %arg8[%dma_start3A_754, %dma_start3A_755, %dma_start3A_756] : memref<16x26x64xf32, #tpu.memory_space<vmem>> -> memref<1x26x64xf32, #tpu.memory_space<vmem>>
    %dma_start3A_758 = tpu.memref_squeeze %dma_start3A_757 : memref<1x26x64xf32, #tpu.memory_space<vmem>> -> memref<26x64xf32, #tpu.memory_space<vmem>>
    %dma_start3A_759 = arith.constant 0 : i32
    %dma_start3A_760 = tpu.memref_slice %arg5[%dma_start3A_753, %dma_start3A_759] : memref<512x26xi32, #tpu.memory_space<vmem>> -> memref<1x26xi32, #tpu.memory_space<vmem>>
    %dma_start3A_761 = tpu.memref_squeeze %dma_start3A_760 : memref<1x26xi32, #tpu.memory_space<vmem>> -> memref<26xi32, #tpu.memory_space<vmem>>
    %dma_start3A_762 = arith.constant 0 : i32
    %dma_start3A_763 = arith.constant 0 : i32
    %dma_start3A_764 = tpu.memref_slice %arg3[%dma_start3A_762, %dma_start3A_763] : memref<1000000x64xf32, #tpu.memory_space<hbm>> -> memref<1000000x64xf32, #tpu.memory_space<hbm>>
    tpu.enqueue_indirect_dma source(%dma_start3A_764 : memref<1000000x64xf32, #tpu.memory_space<hbm>>) target(%dma_start3A_758 : memref<26x64xf32, #tpu.memory_space<vmem>>) offsets(%dma_start3A_761 : memref<26xi32, #tpu.memory_space<vmem>>) semaphore(%arg11 : memref<!tpu.dma_semaphore, #tpu.memory_space<semaphore_mem>>)
    %dma_start3A_765 = arith.constant 47 : i32
    %dma_start3A_766 = arith.constant 15 : i32
    %dma_start3A_767 = arith.constant 0 : i32
    %dma_start3A_768 = arith.constant 0 : i32
    %dma_start3A_769 = tpu.memref_slice %arg8[%dma_start3A_766, %dma_start3A_767, %dma_start3A_768] : memref<16x26x64xf32, #tpu.memory_space<vmem>> -> memref<1x26x64xf32, #tpu.memory_space<vmem>>
    %dma_start3A_770 = tpu.memref_squeeze %dma_start3A_769 : memref<1x26x64xf32, #tpu.memory_space<vmem>> -> memref<26x64xf32, #tpu.memory_space<vmem>>
    %dma_start3A_771 = arith.constant 0 : i32
    %dma_start3A_772 = tpu.memref_slice %arg5[%dma_start3A_765, %dma_start3A_771] : memref<512x26xi32, #tpu.memory_space<vmem>> -> memref<1x26xi32, #tpu.memory_space<vmem>>
    %dma_start3A_773 = tpu.memref_squeeze %dma_start3A_772 : memref<1x26xi32, #tpu.memory_space<vmem>> -> memref<26xi32, #tpu.memory_space<vmem>>
    %dma_start3A_774 = arith.constant 0 : i32
    %dma_start3A_775 = arith.constant 0 : i32
    %dma_start3A_776 = tpu.memref_slice %arg3[%dma_start3A_774, %dma_start3A_775] : memref<1000000x64xf32, #tpu.memory_space<hbm>> -> memref<1000000x64xf32, #tpu.memory_space<hbm>>
    tpu.enqueue_indirect_dma source(%dma_start3A_776 : memref<1000000x64xf32, #tpu.memory_space<hbm>>) target(%dma_start3A_770 : memref<26x64xf32, #tpu.memory_space<vmem>>) offsets(%dma_start3A_773 : memref<26xi32, #tpu.memory_space<vmem>>) semaphore(%arg11 : memref<!tpu.dma_semaphore, #tpu.memory_space<semaphore_mem>>)
    %dma_wait3A_777 = arith.constant 16 : i32
    %dma_wait3A_778 = arith.constant 0 : i32
    %dma_wait3A_779 = arith.constant 0 : i32
    %dma_wait3A_780 = arith.constant 0 : i32
    %dma_wait3A_781 = tpu.memref_slice %arg7[%dma_wait3A_778, %dma_wait3A_779, %dma_wait3A_780] : memref<16x26x64xf32, #tpu.memory_space<vmem>> -> memref<1x26x64xf32, #tpu.memory_space<vmem>>
    %dma_wait3A_782 = tpu.memref_squeeze %dma_wait3A_781 : memref<1x26x64xf32, #tpu.memory_space<vmem>> -> memref<26x64xf32, #tpu.memory_space<vmem>>
    %dma_wait3A_783 = arith.constant 0 : i32
    %dma_wait3A_784 = tpu.memref_slice %arg5[%dma_wait3A_777, %dma_wait3A_783] : memref<512x26xi32, #tpu.memory_space<vmem>> -> memref<1x26xi32, #tpu.memory_space<vmem>>
    %dma_wait3A_785 = tpu.memref_squeeze %dma_wait3A_784 : memref<1x26xi32, #tpu.memory_space<vmem>> -> memref<26xi32, #tpu.memory_space<vmem>>
    %dma_wait3A_786 = arith.constant 0 : i32
    %dma_wait3A_787 = arith.constant 0 : i32
    %dma_wait3A_788 = tpu.memref_slice %arg3[%dma_wait3A_786, %dma_wait3A_787] : memref<1000000x64xf32, #tpu.memory_space<hbm>> -> memref<1000000x64xf32, #tpu.memory_space<hbm>>
    tpu.wait_indirect_dma semaphore(%arg10 : memref<!tpu.dma_semaphore, #tpu.memory_space<semaphore_mem>>) src(%dma_wait3A_788 : memref<1000000x64xf32, #tpu.memory_space<hbm>>) dst(%dma_wait3A_782 : memref<26x64xf32, #tpu.memory_space<vmem>>)
    %dma_wait3A_789 = arith.constant 17 : i32
    %dma_wait3A_790 = arith.constant 1 : i32
    %dma_wait3A_791 = arith.constant 0 : i32
    %dma_wait3A_792 = arith.constant 0 : i32
    %dma_wait3A_793 = tpu.memref_slice %arg7[%dma_wait3A_790, %dma_wait3A_791, %dma_wait3A_792] : memref<16x26x64xf32, #tpu.memory_space<vmem>> -> memref<1x26x64xf32, #tpu.memory_space<vmem>>
    %dma_wait3A_794 = tpu.memref_squeeze %dma_wait3A_793 : memref<1x26x64xf32, #tpu.memory_space<vmem>> -> memref<26x64xf32, #tpu.memory_space<vmem>>
    %dma_wait3A_795 = arith.constant 0 : i32
    %dma_wait3A_796 = tpu.memref_slice %arg5[%dma_wait3A_789, %dma_wait3A_795] : memref<512x26xi32, #tpu.memory_space<vmem>> -> memref<1x26xi32, #tpu.memory_space<vmem>>
    %dma_wait3A_797 = tpu.memref_squeeze %dma_wait3A_796 : memref<1x26xi32, #tpu.memory_space<vmem>> -> memref<26xi32, #tpu.memory_space<vmem>>
    %dma_wait3A_798 = arith.constant 0 : i32
    %dma_wait3A_799 = arith.constant 0 : i32
    %dma_wait3A_800 = tpu.memref_slice %arg3[%dma_wait3A_798, %dma_wait3A_799] : memref<1000000x64xf32, #tpu.memory_space<hbm>> -> memref<1000000x64xf32, #tpu.memory_space<hbm>>
    tpu.wait_indirect_dma semaphore(%arg10 : memref<!tpu.dma_semaphore, #tpu.memory_space<semaphore_mem>>) src(%dma_wait3A_800 : memref<1000000x64xf32, #tpu.memory_space<hbm>>) dst(%dma_wait3A_794 : memref<26x64xf32, #tpu.memory_space<vmem>>)
    %dma_wait3A_801 = arith.constant 18 : i32
    %dma_wait3A_802 = arith.constant 2 : i32
    %dma_wait3A_803 = arith.constant 0 : i32
    %dma_wait3A_804 = arith.constant 0 : i32
    %dma_wait3A_805 = tpu.memref_slice %arg7[%dma_wait3A_802, %dma_wait3A_803, %dma_wait3A_804] : memref<16x26x64xf32, #tpu.memory_space<vmem>> -> memref<1x26x64xf32, #tpu.memory_space<vmem>>
    %dma_wait3A_806 = tpu.memref_squeeze %dma_wait3A_805 : memref<1x26x64xf32, #tpu.memory_space<vmem>> -> memref<26x64xf32, #tpu.memory_space<vmem>>
    %dma_wait3A_807 = arith.constant 0 : i32
    %dma_wait3A_808 = tpu.memref_slice %arg5[%dma_wait3A_801, %dma_wait3A_807] : memref<512x26xi32, #tpu.memory_space<vmem>> -> memref<1x26xi32, #tpu.memory_space<vmem>>
    %dma_wait3A_809 = tpu.memref_squeeze %dma_wait3A_808 : memref<1x26xi32, #tpu.memory_space<vmem>> -> memref<26xi32, #tpu.memory_space<vmem>>
    %dma_wait3A_810 = arith.constant 0 : i32
    %dma_wait3A_811 = arith.constant 0 : i32
    %dma_wait3A_812 = tpu.memref_slice %arg3[%dma_wait3A_810, %dma_wait3A_811] : memref<1000000x64xf32, #tpu.memory_space<hbm>> -> memref<1000000x64xf32, #tpu.memory_space<hbm>>
    tpu.wait_indirect_dma semaphore(%arg10 : memref<!tpu.dma_semaphore, #tpu.memory_space<semaphore_mem>>) src(%dma_wait3A_812 : memref<1000000x64xf32, #tpu.memory_space<hbm>>) dst(%dma_wait3A_806 : memref<26x64xf32, #tpu.memory_space<vmem>>)
    %dma_wait3A_813 = arith.constant 19 : i32
    %dma_wait3A_814 = arith.constant 3 : i32
    %dma_wait3A_815 = arith.constant 0 : i32
    %dma_wait3A_816 = arith.constant 0 : i32
    %dma_wait3A_817 = tpu.memref_slice %arg7[%dma_wait3A_814, %dma_wait3A_815, %dma_wait3A_816] : memref<16x26x64xf32, #tpu.memory_space<vmem>> -> memref<1x26x64xf32, #tpu.memory_space<vmem>>
    %dma_wait3A_818 = tpu.memref_squeeze %dma_wait3A_817 : memref<1x26x64xf32, #tpu.memory_space<vmem>> -> memref<26x64xf32, #tpu.memory_space<vmem>>
    %dma_wait3A_819 = arith.constant 0 : i32
    %dma_wait3A_820 = tpu.memref_slice %arg5[%dma_wait3A_813, %dma_wait3A_819] : memref<512x26xi32, #tpu.memory_space<vmem>> -> memref<1x26xi32, #tpu.memory_space<vmem>>
    %dma_wait3A_821 = tpu.memref_squeeze %dma_wait3A_820 : memref<1x26xi32, #tpu.memory_space<vmem>> -> memref<26xi32, #tpu.memory_space<vmem>>
    %dma_wait3A_822 = arith.constant 0 : i32
    %dma_wait3A_823 = arith.constant 0 : i32
    %dma_wait3A_824 = tpu.memref_slice %arg3[%dma_wait3A_822, %dma_wait3A_823] : memref<1000000x64xf32, #tpu.memory_space<hbm>> -> memref<1000000x64xf32, #tpu.memory_space<hbm>>
    tpu.wait_indirect_dma semaphore(%arg10 : memref<!tpu.dma_semaphore, #tpu.memory_space<semaphore_mem>>) src(%dma_wait3A_824 : memref<1000000x64xf32, #tpu.memory_space<hbm>>) dst(%dma_wait3A_818 : memref<26x64xf32, #tpu.memory_space<vmem>>)
    %dma_wait3A_825 = arith.constant 20 : i32
    %dma_wait3A_826 = arith.constant 4 : i32
    %dma_wait3A_827 = arith.constant 0 : i32
    %dma_wait3A_828 = arith.constant 0 : i32
    %dma_wait3A_829 = tpu.memref_slice %arg7[%dma_wait3A_826, %dma_wait3A_827, %dma_wait3A_828] : memref<16x26x64xf32, #tpu.memory_space<vmem>> -> memref<1x26x64xf32, #tpu.memory_space<vmem>>
    %dma_wait3A_830 = tpu.memref_squeeze %dma_wait3A_829 : memref<1x26x64xf32, #tpu.memory_space<vmem>> -> memref<26x64xf32, #tpu.memory_space<vmem>>
    %dma_wait3A_831 = arith.constant 0 : i32
    %dma_wait3A_832 = tpu.memref_slice %arg5[%dma_wait3A_825, %dma_wait3A_831] : memref<512x26xi32, #tpu.memory_space<vmem>> -> memref<1x26xi32, #tpu.memory_space<vmem>>
    %dma_wait3A_833 = tpu.memref_squeeze %dma_wait3A_832 : memref<1x26xi32, #tpu.memory_space<vmem>> -> memref<26xi32, #tpu.memory_space<vmem>>
    %dma_wait3A_834 = arith.constant 0 : i32
    %dma_wait3A_835 = arith.constant 0 : i32
    %dma_wait3A_836 = tpu.memref_slice %arg3[%dma_wait3A_834, %dma_wait3A_835] : memref<1000000x64xf32, #tpu.memory_space<hbm>> -> memref<1000000x64xf32, #tpu.memory_space<hbm>>
    tpu.wait_indirect_dma semaphore(%arg10 : memref<!tpu.dma_semaphore, #tpu.memory_space<semaphore_mem>>) src(%dma_wait3A_836 : memref<1000000x64xf32, #tpu.memory_space<hbm>>) dst(%dma_wait3A_830 : memref<26x64xf32, #tpu.memory_space<vmem>>)
    %dma_wait3A_837 = arith.constant 21 : i32
    %dma_wait3A_838 = arith.constant 5 : i32
    %dma_wait3A_839 = arith.constant 0 : i32
    %dma_wait3A_840 = arith.constant 0 : i32
    %dma_wait3A_841 = tpu.memref_slice %arg7[%dma_wait3A_838, %dma_wait3A_839, %dma_wait3A_840] : memref<16x26x64xf32, #tpu.memory_space<vmem>> -> memref<1x26x64xf32, #tpu.memory_space<vmem>>
    %dma_wait3A_842 = tpu.memref_squeeze %dma_wait3A_841 : memref<1x26x64xf32, #tpu.memory_space<vmem>> -> memref<26x64xf32, #tpu.memory_space<vmem>>
    %dma_wait3A_843 = arith.constant 0 : i32
    %dma_wait3A_844 = tpu.memref_slice %arg5[%dma_wait3A_837, %dma_wait3A_843] : memref<512x26xi32, #tpu.memory_space<vmem>> -> memref<1x26xi32, #tpu.memory_space<vmem>>
    %dma_wait3A_845 = tpu.memref_squeeze %dma_wait3A_844 : memref<1x26xi32, #tpu.memory_space<vmem>> -> memref<26xi32, #tpu.memory_space<vmem>>
    %dma_wait3A_846 = arith.constant 0 : i32
    %dma_wait3A_847 = arith.constant 0 : i32
    %dma_wait3A_848 = tpu.memref_slice %arg3[%dma_wait3A_846, %dma_wait3A_847] : memref<1000000x64xf32, #tpu.memory_space<hbm>> -> memref<1000000x64xf32, #tpu.memory_space<hbm>>
    tpu.wait_indirect_dma semaphore(%arg10 : memref<!tpu.dma_semaphore, #tpu.memory_space<semaphore_mem>>) src(%dma_wait3A_848 : memref<1000000x64xf32, #tpu.memory_space<hbm>>) dst(%dma_wait3A_842 : memref<26x64xf32, #tpu.memory_space<vmem>>)
    %dma_wait3A_849 = arith.constant 22 : i32
    %dma_wait3A_850 = arith.constant 6 : i32
    %dma_wait3A_851 = arith.constant 0 : i32
    %dma_wait3A_852 = arith.constant 0 : i32
    %dma_wait3A_853 = tpu.memref_slice %arg7[%dma_wait3A_850, %dma_wait3A_851, %dma_wait3A_852] : memref<16x26x64xf32, #tpu.memory_space<vmem>> -> memref<1x26x64xf32, #tpu.memory_space<vmem>>
    %dma_wait3A_854 = tpu.memref_squeeze %dma_wait3A_853 : memref<1x26x64xf32, #tpu.memory_space<vmem>> -> memref<26x64xf32, #tpu.memory_space<vmem>>
    %dma_wait3A_855 = arith.constant 0 : i32
    %dma_wait3A_856 = tpu.memref_slice %arg5[%dma_wait3A_849, %dma_wait3A_855] : memref<512x26xi32, #tpu.memory_space<vmem>> -> memref<1x26xi32, #tpu.memory_space<vmem>>
    %dma_wait3A_857 = tpu.memref_squeeze %dma_wait3A_856 : memref<1x26xi32, #tpu.memory_space<vmem>> -> memref<26xi32, #tpu.memory_space<vmem>>
    %dma_wait3A_858 = arith.constant 0 : i32
    %dma_wait3A_859 = arith.constant 0 : i32
    %dma_wait3A_860 = tpu.memref_slice %arg3[%dma_wait3A_858, %dma_wait3A_859] : memref<1000000x64xf32, #tpu.memory_space<hbm>> -> memref<1000000x64xf32, #tpu.memory_space<hbm>>
    tpu.wait_indirect_dma semaphore(%arg10 : memref<!tpu.dma_semaphore, #tpu.memory_space<semaphore_mem>>) src(%dma_wait3A_860 : memref<1000000x64xf32, #tpu.memory_space<hbm>>) dst(%dma_wait3A_854 : memref<26x64xf32, #tpu.memory_space<vmem>>)
    %dma_wait3A_861 = arith.constant 23 : i32
    %dma_wait3A_862 = arith.constant 7 : i32
    %dma_wait3A_863 = arith.constant 0 : i32
    %dma_wait3A_864 = arith.constant 0 : i32
    %dma_wait3A_865 = tpu.memref_slice %arg7[%dma_wait3A_862, %dma_wait3A_863, %dma_wait3A_864] : memref<16x26x64xf32, #tpu.memory_space<vmem>> -> memref<1x26x64xf32, #tpu.memory_space<vmem>>
    %dma_wait3A_866 = tpu.memref_squeeze %dma_wait3A_865 : memref<1x26x64xf32, #tpu.memory_space<vmem>> -> memref<26x64xf32, #tpu.memory_space<vmem>>
    %dma_wait3A_867 = arith.constant 0 : i32
    %dma_wait3A_868 = tpu.memref_slice %arg5[%dma_wait3A_861, %dma_wait3A_867] : memref<512x26xi32, #tpu.memory_space<vmem>> -> memref<1x26xi32, #tpu.memory_space<vmem>>
    %dma_wait3A_869 = tpu.memref_squeeze %dma_wait3A_868 : memref<1x26xi32, #tpu.memory_space<vmem>> -> memref<26xi32, #tpu.memory_space<vmem>>
    %dma_wait3A_870 = arith.constant 0 : i32
    %dma_wait3A_871 = arith.constant 0 : i32
    %dma_wait3A_872 = tpu.memref_slice %arg3[%dma_wait3A_870, %dma_wait3A_871] : memref<1000000x64xf32, #tpu.memory_space<hbm>> -> memref<1000000x64xf32, #tpu.memory_space<hbm>>
    tpu.wait_indirect_dma semaphore(%arg10 : memref<!tpu.dma_semaphore, #tpu.memory_space<semaphore_mem>>) src(%dma_wait3A_872 : memref<1000000x64xf32, #tpu.memory_space<hbm>>) dst(%dma_wait3A_866 : memref<26x64xf32, #tpu.memory_space<vmem>>)
    %dma_wait3A_873 = arith.constant 24 : i32
    %dma_wait3A_874 = arith.constant 8 : i32
    %dma_wait3A_875 = arith.constant 0 : i32
    %dma_wait3A_876 = arith.constant 0 : i32
    %dma_wait3A_877 = tpu.memref_slice %arg7[%dma_wait3A_874, %dma_wait3A_875, %dma_wait3A_876] : memref<16x26x64xf32, #tpu.memory_space<vmem>> -> memref<1x26x64xf32, #tpu.memory_space<vmem>>
    %dma_wait3A_878 = tpu.memref_squeeze %dma_wait3A_877 : memref<1x26x64xf32, #tpu.memory_space<vmem>> -> memref<26x64xf32, #tpu.memory_space<vmem>>
    %dma_wait3A_879 = arith.constant 0 : i32
    %dma_wait3A_880 = tpu.memref_slice %arg5[%dma_wait3A_873, %dma_wait3A_879] : memref<512x26xi32, #tpu.memory_space<vmem>> -> memref<1x26xi32, #tpu.memory_space<vmem>>
    %dma_wait3A_881 = tpu.memref_squeeze %dma_wait3A_880 : memref<1x26xi32, #tpu.memory_space<vmem>> -> memref<26xi32, #tpu.memory_space<vmem>>
    %dma_wait3A_882 = arith.constant 0 : i32
    %dma_wait3A_883 = arith.constant 0 : i32
    %dma_wait3A_884 = tpu.memref_slice %arg3[%dma_wait3A_882, %dma_wait3A_883] : memref<1000000x64xf32, #tpu.memory_space<hbm>> -> memref<1000000x64xf32, #tpu.memory_space<hbm>>
    tpu.wait_indirect_dma semaphore(%arg10 : memref<!tpu.dma_semaphore, #tpu.memory_space<semaphore_mem>>) src(%dma_wait3A_884 : memref<1000000x64xf32, #tpu.memory_space<hbm>>) dst(%dma_wait3A_878 : memref<26x64xf32, #tpu.memory_space<vmem>>)
    %dma_wait3A_885 = arith.constant 25 : i32
    %dma_wait3A_886 = arith.constant 9 : i32
    %dma_wait3A_887 = arith.constant 0 : i32
    %dma_wait3A_888 = arith.constant 0 : i32
    %dma_wait3A_889 = tpu.memref_slice %arg7[%dma_wait3A_886, %dma_wait3A_887, %dma_wait3A_888] : memref<16x26x64xf32, #tpu.memory_space<vmem>> -> memref<1x26x64xf32, #tpu.memory_space<vmem>>
    %dma_wait3A_890 = tpu.memref_squeeze %dma_wait3A_889 : memref<1x26x64xf32, #tpu.memory_space<vmem>> -> memref<26x64xf32, #tpu.memory_space<vmem>>
    %dma_wait3A_891 = arith.constant 0 : i32
    %dma_wait3A_892 = tpu.memref_slice %arg5[%dma_wait3A_885, %dma_wait3A_891] : memref<512x26xi32, #tpu.memory_space<vmem>> -> memref<1x26xi32, #tpu.memory_space<vmem>>
    %dma_wait3A_893 = tpu.memref_squeeze %dma_wait3A_892 : memref<1x26xi32, #tpu.memory_space<vmem>> -> memref<26xi32, #tpu.memory_space<vmem>>
    %dma_wait3A_894 = arith.constant 0 : i32
    %dma_wait3A_895 = arith.constant 0 : i32
    %dma_wait3A_896 = tpu.memref_slice %arg3[%dma_wait3A_894, %dma_wait3A_895] : memref<1000000x64xf32, #tpu.memory_space<hbm>> -> memref<1000000x64xf32, #tpu.memory_space<hbm>>
    tpu.wait_indirect_dma semaphore(%arg10 : memref<!tpu.dma_semaphore, #tpu.memory_space<semaphore_mem>>) src(%dma_wait3A_896 : memref<1000000x64xf32, #tpu.memory_space<hbm>>) dst(%dma_wait3A_890 : memref<26x64xf32, #tpu.memory_space<vmem>>)
    %dma_wait3A_897 = arith.constant 26 : i32
    %dma_wait3A_898 = arith.constant 10 : i32
    %dma_wait3A_899 = arith.constant 0 : i32
    %dma_wait3A_900 = arith.constant 0 : i32
    %dma_wait3A_901 = tpu.memref_slice %arg7[%dma_wait3A_898, %dma_wait3A_899, %dma_wait3A_900] : memref<16x26x64xf32, #tpu.memory_space<vmem>> -> memref<1x26x64xf32, #tpu.memory_space<vmem>>
    %dma_wait3A_902 = tpu.memref_squeeze %dma_wait3A_901 : memref<1x26x64xf32, #tpu.memory_space<vmem>> -> memref<26x64xf32, #tpu.memory_space<vmem>>
    %dma_wait3A_903 = arith.constant 0 : i32
    %dma_wait3A_904 = tpu.memref_slice %arg5[%dma_wait3A_897, %dma_wait3A_903] : memref<512x26xi32, #tpu.memory_space<vmem>> -> memref<1x26xi32, #tpu.memory_space<vmem>>
    %dma_wait3A_905 = tpu.memref_squeeze %dma_wait3A_904 : memref<1x26xi32, #tpu.memory_space<vmem>> -> memref<26xi32, #tpu.memory_space<vmem>>
    %dma_wait3A_906 = arith.constant 0 : i32
    %dma_wait3A_907 = arith.constant 0 : i32
    %dma_wait3A_908 = tpu.memref_slice %arg3[%dma_wait3A_906, %dma_wait3A_907] : memref<1000000x64xf32, #tpu.memory_space<hbm>> -> memref<1000000x64xf32, #tpu.memory_space<hbm>>
    tpu.wait_indirect_dma semaphore(%arg10 : memref<!tpu.dma_semaphore, #tpu.memory_space<semaphore_mem>>) src(%dma_wait3A_908 : memref<1000000x64xf32, #tpu.memory_space<hbm>>) dst(%dma_wait3A_902 : memref<26x64xf32, #tpu.memory_space<vmem>>)
    %dma_wait3A_909 = arith.constant 27 : i32
    %dma_wait3A_910 = arith.constant 11 : i32
    %dma_wait3A_911 = arith.constant 0 : i32
    %dma_wait3A_912 = arith.constant 0 : i32
    %dma_wait3A_913 = tpu.memref_slice %arg7[%dma_wait3A_910, %dma_wait3A_911, %dma_wait3A_912] : memref<16x26x64xf32, #tpu.memory_space<vmem>> -> memref<1x26x64xf32, #tpu.memory_space<vmem>>
    %dma_wait3A_914 = tpu.memref_squeeze %dma_wait3A_913 : memref<1x26x64xf32, #tpu.memory_space<vmem>> -> memref<26x64xf32, #tpu.memory_space<vmem>>
    %dma_wait3A_915 = arith.constant 0 : i32
    %dma_wait3A_916 = tpu.memref_slice %arg5[%dma_wait3A_909, %dma_wait3A_915] : memref<512x26xi32, #tpu.memory_space<vmem>> -> memref<1x26xi32, #tpu.memory_space<vmem>>
    %dma_wait3A_917 = tpu.memref_squeeze %dma_wait3A_916 : memref<1x26xi32, #tpu.memory_space<vmem>> -> memref<26xi32, #tpu.memory_space<vmem>>
    %dma_wait3A_918 = arith.constant 0 : i32
    %dma_wait3A_919 = arith.constant 0 : i32
    %dma_wait3A_920 = tpu.memref_slice %arg3[%dma_wait3A_918, %dma_wait3A_919] : memref<1000000x64xf32, #tpu.memory_space<hbm>> -> memref<1000000x64xf32, #tpu.memory_space<hbm>>
    tpu.wait_indirect_dma semaphore(%arg10 : memref<!tpu.dma_semaphore, #tpu.memory_space<semaphore_mem>>) src(%dma_wait3A_920 : memref<1000000x64xf32, #tpu.memory_space<hbm>>) dst(%dma_wait3A_914 : memref<26x64xf32, #tpu.memory_space<vmem>>)
    %dma_wait3A_921 = arith.constant 28 : i32
    %dma_wait3A_922 = arith.constant 12 : i32
    %dma_wait3A_923 = arith.constant 0 : i32
    %dma_wait3A_924 = arith.constant 0 : i32
    %dma_wait3A_925 = tpu.memref_slice %arg7[%dma_wait3A_922, %dma_wait3A_923, %dma_wait3A_924] : memref<16x26x64xf32, #tpu.memory_space<vmem>> -> memref<1x26x64xf32, #tpu.memory_space<vmem>>
    %dma_wait3A_926 = tpu.memref_squeeze %dma_wait3A_925 : memref<1x26x64xf32, #tpu.memory_space<vmem>> -> memref<26x64xf32, #tpu.memory_space<vmem>>
    %dma_wait3A_927 = arith.constant 0 : i32
    %dma_wait3A_928 = tpu.memref_slice %arg5[%dma_wait3A_921, %dma_wait3A_927] : memref<512x26xi32, #tpu.memory_space<vmem>> -> memref<1x26xi32, #tpu.memory_space<vmem>>
    %dma_wait3A_929 = tpu.memref_squeeze %dma_wait3A_928 : memref<1x26xi32, #tpu.memory_space<vmem>> -> memref<26xi32, #tpu.memory_space<vmem>>
    %dma_wait3A_930 = arith.constant 0 : i32
    %dma_wait3A_931 = arith.constant 0 : i32
    %dma_wait3A_932 = tpu.memref_slice %arg3[%dma_wait3A_930, %dma_wait3A_931] : memref<1000000x64xf32, #tpu.memory_space<hbm>> -> memref<1000000x64xf32, #tpu.memory_space<hbm>>
    tpu.wait_indirect_dma semaphore(%arg10 : memref<!tpu.dma_semaphore, #tpu.memory_space<semaphore_mem>>) src(%dma_wait3A_932 : memref<1000000x64xf32, #tpu.memory_space<hbm>>) dst(%dma_wait3A_926 : memref<26x64xf32, #tpu.memory_space<vmem>>)
    %dma_wait3A_933 = arith.constant 29 : i32
    %dma_wait3A_934 = arith.constant 13 : i32
    %dma_wait3A_935 = arith.constant 0 : i32
    %dma_wait3A_936 = arith.constant 0 : i32
    %dma_wait3A_937 = tpu.memref_slice %arg7[%dma_wait3A_934, %dma_wait3A_935, %dma_wait3A_936] : memref<16x26x64xf32, #tpu.memory_space<vmem>> -> memref<1x26x64xf32, #tpu.memory_space<vmem>>
    %dma_wait3A_938 = tpu.memref_squeeze %dma_wait3A_937 : memref<1x26x64xf32, #tpu.memory_space<vmem>> -> memref<26x64xf32, #tpu.memory_space<vmem>>
    %dma_wait3A_939 = arith.constant 0 : i32
    %dma_wait3A_940 = tpu.memref_slice %arg5[%dma_wait3A_933, %dma_wait3A_939] : memref<512x26xi32, #tpu.memory_space<vmem>> -> memref<1x26xi32, #tpu.memory_space<vmem>>
    %dma_wait3A_941 = tpu.memref_squeeze %dma_wait3A_940 : memref<1x26xi32, #tpu.memory_space<vmem>> -> memref<26xi32, #tpu.memory_space<vmem>>
    %dma_wait3A_942 = arith.constant 0 : i32
    %dma_wait3A_943 = arith.constant 0 : i32
    %dma_wait3A_944 = tpu.memref_slice %arg3[%dma_wait3A_942, %dma_wait3A_943] : memref<1000000x64xf32, #tpu.memory_space<hbm>> -> memref<1000000x64xf32, #tpu.memory_space<hbm>>
    tpu.wait_indirect_dma semaphore(%arg10 : memref<!tpu.dma_semaphore, #tpu.memory_space<semaphore_mem>>) src(%dma_wait3A_944 : memref<1000000x64xf32, #tpu.memory_space<hbm>>) dst(%dma_wait3A_938 : memref<26x64xf32, #tpu.memory_space<vmem>>)
    %dma_wait3A_945 = arith.constant 30 : i32
    %dma_wait3A_946 = arith.constant 14 : i32
    %dma_wait3A_947 = arith.constant 0 : i32
    %dma_wait3A_948 = arith.constant 0 : i32
    %dma_wait3A_949 = tpu.memref_slice %arg7[%dma_wait3A_946, %dma_wait3A_947, %dma_wait3A_948] : memref<16x26x64xf32, #tpu.memory_space<vmem>> -> memref<1x26x64xf32, #tpu.memory_space<vmem>>
    %dma_wait3A_950 = tpu.memref_squeeze %dma_wait3A_949 : memref<1x26x64xf32, #tpu.memory_space<vmem>> -> memref<26x64xf32, #tpu.memory_space<vmem>>
    %dma_wait3A_951 = arith.constant 0 : i32
    %dma_wait3A_952 = tpu.memref_slice %arg5[%dma_wait3A_945, %dma_wait3A_951] : memref<512x26xi32, #tpu.memory_space<vmem>> -> memref<1x26xi32, #tpu.memory_space<vmem>>
    %dma_wait3A_953 = tpu.memref_squeeze %dma_wait3A_952 : memref<1x26xi32, #tpu.memory_space<vmem>> -> memref<26xi32, #tpu.memory_space<vmem>>
    %dma_wait3A_954 = arith.constant 0 : i32
    %dma_wait3A_955 = arith.constant 0 : i32
    %dma_wait3A_956 = tpu.memref_slice %arg3[%dma_wait3A_954, %dma_wait3A_955] : memref<1000000x64xf32, #tpu.memory_space<hbm>> -> memref<1000000x64xf32, #tpu.memory_space<hbm>>
    tpu.wait_indirect_dma semaphore(%arg10 : memref<!tpu.dma_semaphore, #tpu.memory_space<semaphore_mem>>) src(%dma_wait3A_956 : memref<1000000x64xf32, #tpu.memory_space<hbm>>) dst(%dma_wait3A_950 : memref<26x64xf32, #tpu.memory_space<vmem>>)
    %dma_wait3A_957 = arith.constant 31 : i32
    %dma_wait3A_958 = arith.constant 15 : i32
    %dma_wait3A_959 = arith.constant 0 : i32
    %dma_wait3A_960 = arith.constant 0 : i32
    %dma_wait3A_961 = tpu.memref_slice %arg7[%dma_wait3A_958, %dma_wait3A_959, %dma_wait3A_960] : memref<16x26x64xf32, #tpu.memory_space<vmem>> -> memref<1x26x64xf32, #tpu.memory_space<vmem>>
    %dma_wait3A_962 = tpu.memref_squeeze %dma_wait3A_961 : memref<1x26x64xf32, #tpu.memory_space<vmem>> -> memref<26x64xf32, #tpu.memory_space<vmem>>
    %dma_wait3A_963 = arith.constant 0 : i32
    %dma_wait3A_964 = tpu.memref_slice %arg5[%dma_wait3A_957, %dma_wait3A_963] : memref<512x26xi32, #tpu.memory_space<vmem>> -> memref<1x26xi32, #tpu.memory_space<vmem>>
    %dma_wait3A_965 = tpu.memref_squeeze %dma_wait3A_964 : memref<1x26xi32, #tpu.memory_space<vmem>> -> memref<26xi32, #tpu.memory_space<vmem>>
    %dma_wait3A_966 = arith.constant 0 : i32
    %dma_wait3A_967 = arith.constant 0 : i32
    %dma_wait3A_968 = tpu.memref_slice %arg3[%dma_wait3A_966, %dma_wait3A_967] : memref<1000000x64xf32, #tpu.memory_space<hbm>> -> memref<1000000x64xf32, #tpu.memory_space<hbm>>
    tpu.wait_indirect_dma semaphore(%arg10 : memref<!tpu.dma_semaphore, #tpu.memory_space<semaphore_mem>>) src(%dma_wait3A_968 : memref<1000000x64xf32, #tpu.memory_space<hbm>>) dst(%dma_wait3A_962 : memref<26x64xf32, #tpu.memory_space<vmem>>)
    %add3A_969 = arith.constant 16 : i32
    %add3A_970 = arith.addi %mul3A_2, %add3A_969 : i32
    %dma_start3A_971 = arith.constant 0 : i32
    %dma_start3A_972 = arith.constant 0 : i32
    %dma_start3A_973 = tpu.memref_slice %arg4[%add3A_970, %dma_start3A_971, %dma_start3A_972] : memref<16384x26x64xf32, #tpu.memory_space<hbm>> -> memref<16x26x64xf32, #tpu.memory_space<hbm>>
    %dma_start3A_974 = arith.constant 0 : i32
    %dma_start3A_975 = arith.constant 0 : i32
    %dma_start3A_976 = tpu.memref_slice %arg4[%add3A_970, %dma_start3A_974, %dma_start3A_975] : memref<16384x26x64xf32, #tpu.memory_space<hbm>> -> memref<16x26x64xf32, #tpu.memory_space<hbm>>
    tpu.enqueue_dma source(%arg7 : memref<16x26x64xf32, #tpu.memory_space<vmem>>) target(%dma_start3A_976 : memref<16x26x64xf32, #tpu.memory_space<hbm>>) target_semaphore(%arg13 : memref<!tpu.dma_semaphore, #tpu.memory_space<semaphore_mem>>)
    %dma_wait3A_977 = arith.constant 0 : i32
    %dma_wait3A_978 = arith.constant 0 : i32
    %dma_wait3A_979 = tpu.memref_slice %arg4[%mul3A_2, %dma_wait3A_977, %dma_wait3A_978] : memref<16384x26x64xf32, #tpu.memory_space<hbm>> -> memref<16x26x64xf32, #tpu.memory_space<hbm>>
    %dma_wait3A_980 = arith.constant 0 : i32
    %dma_wait3A_981 = arith.constant 0 : i32
    %dma_wait3A_982 = tpu.memref_slice %arg4[%mul3A_2, %dma_wait3A_980, %dma_wait3A_981] : memref<16384x26x64xf32, #tpu.memory_space<hbm>> -> memref<16x26x64xf32, #tpu.memory_space<hbm>>
    tpu.wait_dma2 semaphore(%arg12 : memref<!tpu.dma_semaphore, #tpu.memory_space<semaphore_mem>>) src(%arg6 : memref<16x26x64xf32, #tpu.memory_space<vmem>>) dst(%dma_wait3A_982 : memref<16x26x64xf32, #tpu.memory_space<hbm>>)
    %dma_start3A_983 = arith.constant 48 : i32
    %dma_start3A_984 = arith.constant 0 : i32
    %dma_start3A_985 = arith.constant 0 : i32
    %dma_start3A_986 = arith.constant 0 : i32
    %dma_start3A_987 = tpu.memref_slice %arg6[%dma_start3A_984, %dma_start3A_985, %dma_start3A_986] : memref<16x26x64xf32, #tpu.memory_space<vmem>> -> memref<1x26x64xf32, #tpu.memory_space<vmem>>
    %dma_start3A_988 = tpu.memref_squeeze %dma_start3A_987 : memref<1x26x64xf32, #tpu.memory_space<vmem>> -> memref<26x64xf32, #tpu.memory_space<vmem>>
    %dma_start3A_989 = arith.constant 0 : i32
    %dma_start3A_990 = tpu.memref_slice %arg5[%dma_start3A_983, %dma_start3A_989] : memref<512x26xi32, #tpu.memory_space<vmem>> -> memref<1x26xi32, #tpu.memory_space<vmem>>
    %dma_start3A_991 = tpu.memref_squeeze %dma_start3A_990 : memref<1x26xi32, #tpu.memory_space<vmem>> -> memref<26xi32, #tpu.memory_space<vmem>>
    %dma_start3A_992 = arith.constant 0 : i32
    %dma_start3A_993 = arith.constant 0 : i32
    %dma_start3A_994 = tpu.memref_slice %arg3[%dma_start3A_992, %dma_start3A_993] : memref<1000000x64xf32, #tpu.memory_space<hbm>> -> memref<1000000x64xf32, #tpu.memory_space<hbm>>
    tpu.enqueue_indirect_dma source(%dma_start3A_994 : memref<1000000x64xf32, #tpu.memory_space<hbm>>) target(%dma_start3A_988 : memref<26x64xf32, #tpu.memory_space<vmem>>) offsets(%dma_start3A_991 : memref<26xi32, #tpu.memory_space<vmem>>) semaphore(%arg9 : memref<!tpu.dma_semaphore, #tpu.memory_space<semaphore_mem>>)
    %dma_start3A_995 = arith.constant 49 : i32
    %dma_start3A_996 = arith.constant 1 : i32
    %dma_start3A_997 = arith.constant 0 : i32
    %dma_start3A_998 = arith.constant 0 : i32
    %dma_start3A_999 = tpu.memref_slice %arg6[%dma_start3A_996, %dma_start3A_997, %dma_start3A_998] : memref<16x26x64xf32, #tpu.memory_space<vmem>> -> memref<1x26x64xf32, #tpu.memory_space<vmem>>
    %dma_start3A_1000 = tpu.memref_squeeze %dma_start3A_999 : memref<1x26x64xf32, #tpu.memory_space<vmem>> -> memref<26x64xf32, #tpu.memory_space<vmem>>
    %dma_start3A_1001 = arith.constant 0 : i32
    %dma_start3A_1002 = tpu.memref_slice %arg5[%dma_start3A_995, %dma_start3A_1001] : memref<512x26xi32, #tpu.memory_space<vmem>> -> memref<1x26xi32, #tpu.memory_space<vmem>>
    %dma_start3A_1003 = tpu.memref_squeeze %dma_start3A_1002 : memref<1x26xi32, #tpu.memory_space<vmem>> -> memref<26xi32, #tpu.memory_space<vmem>>
    %dma_start3A_1004 = arith.constant 0 : i32
    %dma_start3A_1005 = arith.constant 0 : i32
    %dma_start3A_1006 = tpu.memref_slice %arg3[%dma_start3A_1004, %dma_start3A_1005] : memref<1000000x64xf32, #tpu.memory_space<hbm>> -> memref<1000000x64xf32, #tpu.memory_space<hbm>>
    tpu.enqueue_indirect_dma source(%dma_start3A_1006 : memref<1000000x64xf32, #tpu.memory_space<hbm>>) target(%dma_start3A_1000 : memref<26x64xf32, #tpu.memory_space<vmem>>) offsets(%dma_start3A_1003 : memref<26xi32, #tpu.memory_space<vmem>>) semaphore(%arg9 : memref<!tpu.dma_semaphore, #tpu.memory_space<semaphore_mem>>)
    %dma_start3A_1007 = arith.constant 50 : i32
    %dma_start3A_1008 = arith.constant 2 : i32
    %dma_start3A_1009 = arith.constant 0 : i32
    %dma_start3A_1010 = arith.constant 0 : i32
    %dma_start3A_1011 = tpu.memref_slice %arg6[%dma_start3A_1008, %dma_start3A_1009, %dma_start3A_1010] : memref<16x26x64xf32, #tpu.memory_space<vmem>> -> memref<1x26x64xf32, #tpu.memory_space<vmem>>
    %dma_start3A_1012 = tpu.memref_squeeze %dma_start3A_1011 : memref<1x26x64xf32, #tpu.memory_space<vmem>> -> memref<26x64xf32, #tpu.memory_space<vmem>>
    %dma_start3A_1013 = arith.constant 0 : i32
    %dma_start3A_1014 = tpu.memref_slice %arg5[%dma_start3A_1007, %dma_start3A_1013] : memref<512x26xi32, #tpu.memory_space<vmem>> -> memref<1x26xi32, #tpu.memory_space<vmem>>
    %dma_start3A_1015 = tpu.memref_squeeze %dma_start3A_1014 : memref<1x26xi32, #tpu.memory_space<vmem>> -> memref<26xi32, #tpu.memory_space<vmem>>
    %dma_start3A_1016 = arith.constant 0 : i32
    %dma_start3A_1017 = arith.constant 0 : i32
    %dma_start3A_1018 = tpu.memref_slice %arg3[%dma_start3A_1016, %dma_start3A_1017] : memref<1000000x64xf32, #tpu.memory_space<hbm>> -> memref<1000000x64xf32, #tpu.memory_space<hbm>>
    tpu.enqueue_indirect_dma source(%dma_start3A_1018 : memref<1000000x64xf32, #tpu.memory_space<hbm>>) target(%dma_start3A_1012 : memref<26x64xf32, #tpu.memory_space<vmem>>) offsets(%dma_start3A_1015 : memref<26xi32, #tpu.memory_space<vmem>>) semaphore(%arg9 : memref<!tpu.dma_semaphore, #tpu.memory_space<semaphore_mem>>)
    %dma_start3A_1019 = arith.constant 51 : i32
    %dma_start3A_1020 = arith.constant 3 : i32
    %dma_start3A_1021 = arith.constant 0 : i32
    %dma_start3A_1022 = arith.constant 0 : i32
    %dma_start3A_1023 = tpu.memref_slice %arg6[%dma_start3A_1020, %dma_start3A_1021, %dma_start3A_1022] : memref<16x26x64xf32, #tpu.memory_space<vmem>> -> memref<1x26x64xf32, #tpu.memory_space<vmem>>
    %dma_start3A_1024 = tpu.memref_squeeze %dma_start3A_1023 : memref<1x26x64xf32, #tpu.memory_space<vmem>> -> memref<26x64xf32, #tpu.memory_space<vmem>>
    %dma_start3A_1025 = arith.constant 0 : i32
    %dma_start3A_1026 = tpu.memref_slice %arg5[%dma_start3A_1019, %dma_start3A_1025] : memref<512x26xi32, #tpu.memory_space<vmem>> -> memref<1x26xi32, #tpu.memory_space<vmem>>
    %dma_start3A_1027 = tpu.memref_squeeze %dma_start3A_1026 : memref<1x26xi32, #tpu.memory_space<vmem>> -> memref<26xi32, #tpu.memory_space<vmem>>
    %dma_start3A_1028 = arith.constant 0 : i32
    %dma_start3A_1029 = arith.constant 0 : i32
    %dma_start3A_1030 = tpu.memref_slice %arg3[%dma_start3A_1028, %dma_start3A_1029] : memref<1000000x64xf32, #tpu.memory_space<hbm>> -> memref<1000000x64xf32, #tpu.memory_space<hbm>>
    tpu.enqueue_indirect_dma source(%dma_start3A_1030 : memref<1000000x64xf32, #tpu.memory_space<hbm>>) target(%dma_start3A_1024 : memref<26x64xf32, #tpu.memory_space<vmem>>) offsets(%dma_start3A_1027 : memref<26xi32, #tpu.memory_space<vmem>>) semaphore(%arg9 : memref<!tpu.dma_semaphore, #tpu.memory_space<semaphore_mem>>)
    %dma_start3A_1031 = arith.constant 52 : i32
    %dma_start3A_1032 = arith.constant 4 : i32
    %dma_start3A_1033 = arith.constant 0 : i32
    %dma_start3A_1034 = arith.constant 0 : i32
    %dma_start3A_1035 = tpu.memref_slice %arg6[%dma_start3A_1032, %dma_start3A_1033, %dma_start3A_1034] : memref<16x26x64xf32, #tpu.memory_space<vmem>> -> memref<1x26x64xf32, #tpu.memory_space<vmem>>
    %dma_start3A_1036 = tpu.memref_squeeze %dma_start3A_1035 : memref<1x26x64xf32, #tpu.memory_space<vmem>> -> memref<26x64xf32, #tpu.memory_space<vmem>>
    %dma_start3A_1037 = arith.constant 0 : i32
    %dma_start3A_1038 = tpu.memref_slice %arg5[%dma_start3A_1031, %dma_start3A_1037] : memref<512x26xi32, #tpu.memory_space<vmem>> -> memref<1x26xi32, #tpu.memory_space<vmem>>
    %dma_start3A_1039 = tpu.memref_squeeze %dma_start3A_1038 : memref<1x26xi32, #tpu.memory_space<vmem>> -> memref<26xi32, #tpu.memory_space<vmem>>
    %dma_start3A_1040 = arith.constant 0 : i32
    %dma_start3A_1041 = arith.constant 0 : i32
    %dma_start3A_1042 = tpu.memref_slice %arg3[%dma_start3A_1040, %dma_start3A_1041] : memref<1000000x64xf32, #tpu.memory_space<hbm>> -> memref<1000000x64xf32, #tpu.memory_space<hbm>>
    tpu.enqueue_indirect_dma source(%dma_start3A_1042 : memref<1000000x64xf32, #tpu.memory_space<hbm>>) target(%dma_start3A_1036 : memref<26x64xf32, #tpu.memory_space<vmem>>) offsets(%dma_start3A_1039 : memref<26xi32, #tpu.memory_space<vmem>>) semaphore(%arg9 : memref<!tpu.dma_semaphore, #tpu.memory_space<semaphore_mem>>)
    %dma_start3A_1043 = arith.constant 53 : i32
    %dma_start3A_1044 = arith.constant 5 : i32
    %dma_start3A_1045 = arith.constant 0 : i32
    %dma_start3A_1046 = arith.constant 0 : i32
    %dma_start3A_1047 = tpu.memref_slice %arg6[%dma_start3A_1044, %dma_start3A_1045, %dma_start3A_1046] : memref<16x26x64xf32, #tpu.memory_space<vmem>> -> memref<1x26x64xf32, #tpu.memory_space<vmem>>
    %dma_start3A_1048 = tpu.memref_squeeze %dma_start3A_1047 : memref<1x26x64xf32, #tpu.memory_space<vmem>> -> memref<26x64xf32, #tpu.memory_space<vmem>>
    %dma_start3A_1049 = arith.constant 0 : i32
    %dma_start3A_1050 = tpu.memref_slice %arg5[%dma_start3A_1043, %dma_start3A_1049] : memref<512x26xi32, #tpu.memory_space<vmem>> -> memref<1x26xi32, #tpu.memory_space<vmem>>
    %dma_start3A_1051 = tpu.memref_squeeze %dma_start3A_1050 : memref<1x26xi32, #tpu.memory_space<vmem>> -> memref<26xi32, #tpu.memory_space<vmem>>
    %dma_start3A_1052 = arith.constant 0 : i32
    %dma_start3A_1053 = arith.constant 0 : i32
    %dma_start3A_1054 = tpu.memref_slice %arg3[%dma_start3A_1052, %dma_start3A_1053] : memref<1000000x64xf32, #tpu.memory_space<hbm>> -> memref<1000000x64xf32, #tpu.memory_space<hbm>>
    tpu.enqueue_indirect_dma source(%dma_start3A_1054 : memref<1000000x64xf32, #tpu.memory_space<hbm>>) target(%dma_start3A_1048 : memref<26x64xf32, #tpu.memory_space<vmem>>) offsets(%dma_start3A_1051 : memref<26xi32, #tpu.memory_space<vmem>>) semaphore(%arg9 : memref<!tpu.dma_semaphore, #tpu.memory_space<semaphore_mem>>)
    %dma_start3A_1055 = arith.constant 54 : i32
    %dma_start3A_1056 = arith.constant 6 : i32
    %dma_start3A_1057 = arith.constant 0 : i32
    %dma_start3A_1058 = arith.constant 0 : i32
    %dma_start3A_1059 = tpu.memref_slice %arg6[%dma_start3A_1056, %dma_start3A_1057, %dma_start3A_1058] : memref<16x26x64xf32, #tpu.memory_space<vmem>> -> memref<1x26x64xf32, #tpu.memory_space<vmem>>
    %dma_start3A_1060 = tpu.memref_squeeze %dma_start3A_1059 : memref<1x26x64xf32, #tpu.memory_space<vmem>> -> memref<26x64xf32, #tpu.memory_space<vmem>>
    %dma_start3A_1061 = arith.constant 0 : i32
    %dma_start3A_1062 = tpu.memref_slice %arg5[%dma_start3A_1055, %dma_start3A_1061] : memref<512x26xi32, #tpu.memory_space<vmem>> -> memref<1x26xi32, #tpu.memory_space<vmem>>
    %dma_start3A_1063 = tpu.memref_squeeze %dma_start3A_1062 : memref<1x26xi32, #tpu.memory_space<vmem>> -> memref<26xi32, #tpu.memory_space<vmem>>
    %dma_start3A_1064 = arith.constant 0 : i32
    %dma_start3A_1065 = arith.constant 0 : i32
    %dma_start3A_1066 = tpu.memref_slice %arg3[%dma_start3A_1064, %dma_start3A_1065] : memref<1000000x64xf32, #tpu.memory_space<hbm>> -> memref<1000000x64xf32, #tpu.memory_space<hbm>>
    tpu.enqueue_indirect_dma source(%dma_start3A_1066 : memref<1000000x64xf32, #tpu.memory_space<hbm>>) target(%dma_start3A_1060 : memref<26x64xf32, #tpu.memory_space<vmem>>) offsets(%dma_start3A_1063 : memref<26xi32, #tpu.memory_space<vmem>>) semaphore(%arg9 : memref<!tpu.dma_semaphore, #tpu.memory_space<semaphore_mem>>)
    %dma_start3A_1067 = arith.constant 55 : i32
    %dma_start3A_1068 = arith.constant 7 : i32
    %dma_start3A_1069 = arith.constant 0 : i32
    %dma_start3A_1070 = arith.constant 0 : i32
    %dma_start3A_1071 = tpu.memref_slice %arg6[%dma_start3A_1068, %dma_start3A_1069, %dma_start3A_1070] : memref<16x26x64xf32, #tpu.memory_space<vmem>> -> memref<1x26x64xf32, #tpu.memory_space<vmem>>
    %dma_start3A_1072 = tpu.memref_squeeze %dma_start3A_1071 : memref<1x26x64xf32, #tpu.memory_space<vmem>> -> memref<26x64xf32, #tpu.memory_space<vmem>>
    %dma_start3A_1073 = arith.constant 0 : i32
    %dma_start3A_1074 = tpu.memref_slice %arg5[%dma_start3A_1067, %dma_start3A_1073] : memref<512x26xi32, #tpu.memory_space<vmem>> -> memref<1x26xi32, #tpu.memory_space<vmem>>
    %dma_start3A_1075 = tpu.memref_squeeze %dma_start3A_1074 : memref<1x26xi32, #tpu.memory_space<vmem>> -> memref<26xi32, #tpu.memory_space<vmem>>
    %dma_start3A_1076 = arith.constant 0 : i32
    %dma_start3A_1077 = arith.constant 0 : i32
    %dma_start3A_1078 = tpu.memref_slice %arg3[%dma_start3A_1076, %dma_start3A_1077] : memref<1000000x64xf32, #tpu.memory_space<hbm>> -> memref<1000000x64xf32, #tpu.memory_space<hbm>>
    tpu.enqueue_indirect_dma source(%dma_start3A_1078 : memref<1000000x64xf32, #tpu.memory_space<hbm>>) target(%dma_start3A_1072 : memref<26x64xf32, #tpu.memory_space<vmem>>) offsets(%dma_start3A_1075 : memref<26xi32, #tpu.memory_space<vmem>>) semaphore(%arg9 : memref<!tpu.dma_semaphore, #tpu.memory_space<semaphore_mem>>)
    %dma_start3A_1079 = arith.constant 56 : i32
    %dma_start3A_1080 = arith.constant 8 : i32
    %dma_start3A_1081 = arith.constant 0 : i32
    %dma_start3A_1082 = arith.constant 0 : i32
    %dma_start3A_1083 = tpu.memref_slice %arg6[%dma_start3A_1080, %dma_start3A_1081, %dma_start3A_1082] : memref<16x26x64xf32, #tpu.memory_space<vmem>> -> memref<1x26x64xf32, #tpu.memory_space<vmem>>
    %dma_start3A_1084 = tpu.memref_squeeze %dma_start3A_1083 : memref<1x26x64xf32, #tpu.memory_space<vmem>> -> memref<26x64xf32, #tpu.memory_space<vmem>>
    %dma_start3A_1085 = arith.constant 0 : i32
    %dma_start3A_1086 = tpu.memref_slice %arg5[%dma_start3A_1079, %dma_start3A_1085] : memref<512x26xi32, #tpu.memory_space<vmem>> -> memref<1x26xi32, #tpu.memory_space<vmem>>
    %dma_start3A_1087 = tpu.memref_squeeze %dma_start3A_1086 : memref<1x26xi32, #tpu.memory_space<vmem>> -> memref<26xi32, #tpu.memory_space<vmem>>
    %dma_start3A_1088 = arith.constant 0 : i32
    %dma_start3A_1089 = arith.constant 0 : i32
    %dma_start3A_1090 = tpu.memref_slice %arg3[%dma_start3A_1088, %dma_start3A_1089] : memref<1000000x64xf32, #tpu.memory_space<hbm>> -> memref<1000000x64xf32, #tpu.memory_space<hbm>>
    tpu.enqueue_indirect_dma source(%dma_start3A_1090 : memref<1000000x64xf32, #tpu.memory_space<hbm>>) target(%dma_start3A_1084 : memref<26x64xf32, #tpu.memory_space<vmem>>) offsets(%dma_start3A_1087 : memref<26xi32, #tpu.memory_space<vmem>>) semaphore(%arg9 : memref<!tpu.dma_semaphore, #tpu.memory_space<semaphore_mem>>)
    %dma_start3A_1091 = arith.constant 57 : i32
    %dma_start3A_1092 = arith.constant 9 : i32
    %dma_start3A_1093 = arith.constant 0 : i32
    %dma_start3A_1094 = arith.constant 0 : i32
    %dma_start3A_1095 = tpu.memref_slice %arg6[%dma_start3A_1092, %dma_start3A_1093, %dma_start3A_1094] : memref<16x26x64xf32, #tpu.memory_space<vmem>> -> memref<1x26x64xf32, #tpu.memory_space<vmem>>
    %dma_start3A_1096 = tpu.memref_squeeze %dma_start3A_1095 : memref<1x26x64xf32, #tpu.memory_space<vmem>> -> memref<26x64xf32, #tpu.memory_space<vmem>>
    %dma_start3A_1097 = arith.constant 0 : i32
    %dma_start3A_1098 = tpu.memref_slice %arg5[%dma_start3A_1091, %dma_start3A_1097] : memref<512x26xi32, #tpu.memory_space<vmem>> -> memref<1x26xi32, #tpu.memory_space<vmem>>
    %dma_start3A_1099 = tpu.memref_squeeze %dma_start3A_1098 : memref<1x26xi32, #tpu.memory_space<vmem>> -> memref<26xi32, #tpu.memory_space<vmem>>
    %dma_start3A_1100 = arith.constant 0 : i32
    %dma_start3A_1101 = arith.constant 0 : i32
    %dma_start3A_1102 = tpu.memref_slice %arg3[%dma_start3A_1100, %dma_start3A_1101] : memref<1000000x64xf32, #tpu.memory_space<hbm>> -> memref<1000000x64xf32, #tpu.memory_space<hbm>>
    tpu.enqueue_indirect_dma source(%dma_start3A_1102 : memref<1000000x64xf32, #tpu.memory_space<hbm>>) target(%dma_start3A_1096 : memref<26x64xf32, #tpu.memory_space<vmem>>) offsets(%dma_start3A_1099 : memref<26xi32, #tpu.memory_space<vmem>>) semaphore(%arg9 : memref<!tpu.dma_semaphore, #tpu.memory_space<semaphore_mem>>)
    %dma_start3A_1103 = arith.constant 58 : i32
    %dma_start3A_1104 = arith.constant 10 : i32
    %dma_start3A_1105 = arith.constant 0 : i32
    %dma_start3A_1106 = arith.constant 0 : i32
    %dma_start3A_1107 = tpu.memref_slice %arg6[%dma_start3A_1104, %dma_start3A_1105, %dma_start3A_1106] : memref<16x26x64xf32, #tpu.memory_space<vmem>> -> memref<1x26x64xf32, #tpu.memory_space<vmem>>
    %dma_start3A_1108 = tpu.memref_squeeze %dma_start3A_1107 : memref<1x26x64xf32, #tpu.memory_space<vmem>> -> memref<26x64xf32, #tpu.memory_space<vmem>>
    %dma_start3A_1109 = arith.constant 0 : i32
    %dma_start3A_1110 = tpu.memref_slice %arg5[%dma_start3A_1103, %dma_start3A_1109] : memref<512x26xi32, #tpu.memory_space<vmem>> -> memref<1x26xi32, #tpu.memory_space<vmem>>
    %dma_start3A_1111 = tpu.memref_squeeze %dma_start3A_1110 : memref<1x26xi32, #tpu.memory_space<vmem>> -> memref<26xi32, #tpu.memory_space<vmem>>
    %dma_start3A_1112 = arith.constant 0 : i32
    %dma_start3A_1113 = arith.constant 0 : i32
    %dma_start3A_1114 = tpu.memref_slice %arg3[%dma_start3A_1112, %dma_start3A_1113] : memref<1000000x64xf32, #tpu.memory_space<hbm>> -> memref<1000000x64xf32, #tpu.memory_space<hbm>>
    tpu.enqueue_indirect_dma source(%dma_start3A_1114 : memref<1000000x64xf32, #tpu.memory_space<hbm>>) target(%dma_start3A_1108 : memref<26x64xf32, #tpu.memory_space<vmem>>) offsets(%dma_start3A_1111 : memref<26xi32, #tpu.memory_space<vmem>>) semaphore(%arg9 : memref<!tpu.dma_semaphore, #tpu.memory_space<semaphore_mem>>)
    %dma_start3A_1115 = arith.constant 59 : i32
    %dma_start3A_1116 = arith.constant 11 : i32
    %dma_start3A_1117 = arith.constant 0 : i32
    %dma_start3A_1118 = arith.constant 0 : i32
    %dma_start3A_1119 = tpu.memref_slice %arg6[%dma_start3A_1116, %dma_start3A_1117, %dma_start3A_1118] : memref<16x26x64xf32, #tpu.memory_space<vmem>> -> memref<1x26x64xf32, #tpu.memory_space<vmem>>
    %dma_start3A_1120 = tpu.memref_squeeze %dma_start3A_1119 : memref<1x26x64xf32, #tpu.memory_space<vmem>> -> memref<26x64xf32, #tpu.memory_space<vmem>>
    %dma_start3A_1121 = arith.constant 0 : i32
    %dma_start3A_1122 = tpu.memref_slice %arg5[%dma_start3A_1115, %dma_start3A_1121] : memref<512x26xi32, #tpu.memory_space<vmem>> -> memref<1x26xi32, #tpu.memory_space<vmem>>
    %dma_start3A_1123 = tpu.memref_squeeze %dma_start3A_1122 : memref<1x26xi32, #tpu.memory_space<vmem>> -> memref<26xi32, #tpu.memory_space<vmem>>
    %dma_start3A_1124 = arith.constant 0 : i32
    %dma_start3A_1125 = arith.constant 0 : i32
    %dma_start3A_1126 = tpu.memref_slice %arg3[%dma_start3A_1124, %dma_start3A_1125] : memref<1000000x64xf32, #tpu.memory_space<hbm>> -> memref<1000000x64xf32, #tpu.memory_space<hbm>>
    tpu.enqueue_indirect_dma source(%dma_start3A_1126 : memref<1000000x64xf32, #tpu.memory_space<hbm>>) target(%dma_start3A_1120 : memref<26x64xf32, #tpu.memory_space<vmem>>) offsets(%dma_start3A_1123 : memref<26xi32, #tpu.memory_space<vmem>>) semaphore(%arg9 : memref<!tpu.dma_semaphore, #tpu.memory_space<semaphore_mem>>)
    %dma_start3A_1127 = arith.constant 60 : i32
    %dma_start3A_1128 = arith.constant 12 : i32
    %dma_start3A_1129 = arith.constant 0 : i32
    %dma_start3A_1130 = arith.constant 0 : i32
    %dma_start3A_1131 = tpu.memref_slice %arg6[%dma_start3A_1128, %dma_start3A_1129, %dma_start3A_1130] : memref<16x26x64xf32, #tpu.memory_space<vmem>> -> memref<1x26x64xf32, #tpu.memory_space<vmem>>
    %dma_start3A_1132 = tpu.memref_squeeze %dma_start3A_1131 : memref<1x26x64xf32, #tpu.memory_space<vmem>> -> memref<26x64xf32, #tpu.memory_space<vmem>>
    %dma_start3A_1133 = arith.constant 0 : i32
    %dma_start3A_1134 = tpu.memref_slice %arg5[%dma_start3A_1127, %dma_start3A_1133] : memref<512x26xi32, #tpu.memory_space<vmem>> -> memref<1x26xi32, #tpu.memory_space<vmem>>
    %dma_start3A_1135 = tpu.memref_squeeze %dma_start3A_1134 : memref<1x26xi32, #tpu.memory_space<vmem>> -> memref<26xi32, #tpu.memory_space<vmem>>
    %dma_start3A_1136 = arith.constant 0 : i32
    %dma_start3A_1137 = arith.constant 0 : i32
    %dma_start3A_1138 = tpu.memref_slice %arg3[%dma_start3A_1136, %dma_start3A_1137] : memref<1000000x64xf32, #tpu.memory_space<hbm>> -> memref<1000000x64xf32, #tpu.memory_space<hbm>>
    tpu.enqueue_indirect_dma source(%dma_start3A_1138 : memref<1000000x64xf32, #tpu.memory_space<hbm>>) target(%dma_start3A_1132 : memref<26x64xf32, #tpu.memory_space<vmem>>) offsets(%dma_start3A_1135 : memref<26xi32, #tpu.memory_space<vmem>>) semaphore(%arg9 : memref<!tpu.dma_semaphore, #tpu.memory_space<semaphore_mem>>)
    %dma_start3A_1139 = arith.constant 61 : i32
    %dma_start3A_1140 = arith.constant 13 : i32
    %dma_start3A_1141 = arith.constant 0 : i32
    %dma_start3A_1142 = arith.constant 0 : i32
    %dma_start3A_1143 = tpu.memref_slice %arg6[%dma_start3A_1140, %dma_start3A_1141, %dma_start3A_1142] : memref<16x26x64xf32, #tpu.memory_space<vmem>> -> memref<1x26x64xf32, #tpu.memory_space<vmem>>
    %dma_start3A_1144 = tpu.memref_squeeze %dma_start3A_1143 : memref<1x26x64xf32, #tpu.memory_space<vmem>> -> memref<26x64xf32, #tpu.memory_space<vmem>>
    %dma_start3A_1145 = arith.constant 0 : i32
    %dma_start3A_1146 = tpu.memref_slice %arg5[%dma_start3A_1139, %dma_start3A_1145] : memref<512x26xi32, #tpu.memory_space<vmem>> -> memref<1x26xi32, #tpu.memory_space<vmem>>
    %dma_start3A_1147 = tpu.memref_squeeze %dma_start3A_1146 : memref<1x26xi32, #tpu.memory_space<vmem>> -> memref<26xi32, #tpu.memory_space<vmem>>
    %dma_start3A_1148 = arith.constant 0 : i32
    %dma_start3A_1149 = arith.constant 0 : i32
    %dma_start3A_1150 = tpu.memref_slice %arg3[%dma_start3A_1148, %dma_start3A_1149] : memref<1000000x64xf32, #tpu.memory_space<hbm>> -> memref<1000000x64xf32, #tpu.memory_space<hbm>>
    tpu.enqueue_indirect_dma source(%dma_start3A_1150 : memref<1000000x64xf32, #tpu.memory_space<hbm>>) target(%dma_start3A_1144 : memref<26x64xf32, #tpu.memory_space<vmem>>) offsets(%dma_start3A_1147 : memref<26xi32, #tpu.memory_space<vmem>>) semaphore(%arg9 : memref<!tpu.dma_semaphore, #tpu.memory_space<semaphore_mem>>)
    %dma_start3A_1151 = arith.constant 62 : i32
    %dma_start3A_1152 = arith.constant 14 : i32
    %dma_start3A_1153 = arith.constant 0 : i32
    %dma_start3A_1154 = arith.constant 0 : i32
    %dma_start3A_1155 = tpu.memref_slice %arg6[%dma_start3A_1152, %dma_start3A_1153, %dma_start3A_1154] : memref<16x26x64xf32, #tpu.memory_space<vmem>> -> memref<1x26x64xf32, #tpu.memory_space<vmem>>
    %dma_start3A_1156 = tpu.memref_squeeze %dma_start3A_1155 : memref<1x26x64xf32, #tpu.memory_space<vmem>> -> memref<26x64xf32, #tpu.memory_space<vmem>>
    %dma_start3A_1157 = arith.constant 0 : i32
    %dma_start3A_1158 = tpu.memref_slice %arg5[%dma_start3A_1151, %dma_start3A_1157] : memref<512x26xi32, #tpu.memory_space<vmem>> -> memref<1x26xi32, #tpu.memory_space<vmem>>
    %dma_start3A_1159 = tpu.memref_squeeze %dma_start3A_1158 : memref<1x26xi32, #tpu.memory_space<vmem>> -> memref<26xi32, #tpu.memory_space<vmem>>
    %dma_start3A_1160 = arith.constant 0 : i32
    %dma_start3A_1161 = arith.constant 0 : i32
    %dma_start3A_1162 = tpu.memref_slice %arg3[%dma_start3A_1160, %dma_start3A_1161] : memref<1000000x64xf32, #tpu.memory_space<hbm>> -> memref<1000000x64xf32, #tpu.memory_space<hbm>>
    tpu.enqueue_indirect_dma source(%dma_start3A_1162 : memref<1000000x64xf32, #tpu.memory_space<hbm>>) target(%dma_start3A_1156 : memref<26x64xf32, #tpu.memory_space<vmem>>) offsets(%dma_start3A_1159 : memref<26xi32, #tpu.memory_space<vmem>>) semaphore(%arg9 : memref<!tpu.dma_semaphore, #tpu.memory_space<semaphore_mem>>)
    %dma_start3A_1163 = arith.constant 63 : i32
    %dma_start3A_1164 = arith.constant 15 : i32
    %dma_start3A_1165 = arith.constant 0 : i32
    %dma_start3A_1166 = arith.constant 0 : i32
    %dma_start3A_1167 = tpu.memref_slice %arg6[%dma_start3A_1164, %dma_start3A_1165, %dma_start3A_1166] : memref<16x26x64xf32, #tpu.memory_space<vmem>> -> memref<1x26x64xf32, #tpu.memory_space<vmem>>
    %dma_start3A_1168 = tpu.memref_squeeze %dma_start3A_1167 : memref<1x26x64xf32, #tpu.memory_space<vmem>> -> memref<26x64xf32, #tpu.memory_space<vmem>>
    %dma_start3A_1169 = arith.constant 0 : i32
    %dma_start3A_1170 = tpu.memref_slice %arg5[%dma_start3A_1163, %dma_start3A_1169] : memref<512x26xi32, #tpu.memory_space<vmem>> -> memref<1x26xi32, #tpu.memory_space<vmem>>
    %dma_start3A_1171 = tpu.memref_squeeze %dma_start3A_1170 : memref<1x26xi32, #tpu.memory_space<vmem>> -> memref<26xi32, #tpu.memory_space<vmem>>
    %dma_start3A_1172 = arith.constant 0 : i32
    %dma_start3A_1173 = arith.constant 0 : i32
    %dma_start3A_1174 = tpu.memref_slice %arg3[%dma_start3A_1172, %dma_start3A_1173] : memref<1000000x64xf32, #tpu.memory_space<hbm>> -> memref<1000000x64xf32, #tpu.memory_space<hbm>>
    tpu.enqueue_indirect_dma source(%dma_start3A_1174 : memref<1000000x64xf32, #tpu.memory_space<hbm>>) target(%dma_start3A_1168 : memref<26x64xf32, #tpu.memory_space<vmem>>) offsets(%dma_start3A_1171 : memref<26xi32, #tpu.memory_space<vmem>>) semaphore(%arg9 : memref<!tpu.dma_semaphore, #tpu.memory_space<semaphore_mem>>)
    %dma_wait3A_1175 = arith.constant 32 : i32
    %dma_wait3A_1176 = arith.constant 0 : i32
    %dma_wait3A_1177 = arith.constant 0 : i32
    %dma_wait3A_1178 = arith.constant 0 : i32
    %dma_wait3A_1179 = tpu.memref_slice %arg8[%dma_wait3A_1176, %dma_wait3A_1177, %dma_wait3A_1178] : memref<16x26x64xf32, #tpu.memory_space<vmem>> -> memref<1x26x64xf32, #tpu.memory_space<vmem>>
    %dma_wait3A_1180 = tpu.memref_squeeze %dma_wait3A_1179 : memref<1x26x64xf32, #tpu.memory_space<vmem>> -> memref<26x64xf32, #tpu.memory_space<vmem>>
    %dma_wait3A_1181 = arith.constant 0 : i32
    %dma_wait3A_1182 = tpu.memref_slice %arg5[%dma_wait3A_1175, %dma_wait3A_1181] : memref<512x26xi32, #tpu.memory_space<vmem>> -> memref<1x26xi32, #tpu.memory_space<vmem>>
    %dma_wait3A_1183 = tpu.memref_squeeze %dma_wait3A_1182 : memref<1x26xi32, #tpu.memory_space<vmem>> -> memref<26xi32, #tpu.memory_space<vmem>>
    %dma_wait3A_1184 = arith.constant 0 : i32
    %dma_wait3A_1185 = arith.constant 0 : i32
    %dma_wait3A_1186 = tpu.memref_slice %arg3[%dma_wait3A_1184, %dma_wait3A_1185] : memref<1000000x64xf32, #tpu.memory_space<hbm>> -> memref<1000000x64xf32, #tpu.memory_space<hbm>>
    tpu.wait_indirect_dma semaphore(%arg11 : memref<!tpu.dma_semaphore, #tpu.memory_space<semaphore_mem>>) src(%dma_wait3A_1186 : memref<1000000x64xf32, #tpu.memory_space<hbm>>) dst(%dma_wait3A_1180 : memref<26x64xf32, #tpu.memory_space<vmem>>)
    %dma_wait3A_1187 = arith.constant 33 : i32
    %dma_wait3A_1188 = arith.constant 1 : i32
    %dma_wait3A_1189 = arith.constant 0 : i32
    %dma_wait3A_1190 = arith.constant 0 : i32
    %dma_wait3A_1191 = tpu.memref_slice %arg8[%dma_wait3A_1188, %dma_wait3A_1189, %dma_wait3A_1190] : memref<16x26x64xf32, #tpu.memory_space<vmem>> -> memref<1x26x64xf32, #tpu.memory_space<vmem>>
    %dma_wait3A_1192 = tpu.memref_squeeze %dma_wait3A_1191 : memref<1x26x64xf32, #tpu.memory_space<vmem>> -> memref<26x64xf32, #tpu.memory_space<vmem>>
    %dma_wait3A_1193 = arith.constant 0 : i32
    %dma_wait3A_1194 = tpu.memref_slice %arg5[%dma_wait3A_1187, %dma_wait3A_1193] : memref<512x26xi32, #tpu.memory_space<vmem>> -> memref<1x26xi32, #tpu.memory_space<vmem>>
    %dma_wait3A_1195 = tpu.memref_squeeze %dma_wait3A_1194 : memref<1x26xi32, #tpu.memory_space<vmem>> -> memref<26xi32, #tpu.memory_space<vmem>>
    %dma_wait3A_1196 = arith.constant 0 : i32
    %dma_wait3A_1197 = arith.constant 0 : i32
    %dma_wait3A_1198 = tpu.memref_slice %arg3[%dma_wait3A_1196, %dma_wait3A_1197] : memref<1000000x64xf32, #tpu.memory_space<hbm>> -> memref<1000000x64xf32, #tpu.memory_space<hbm>>
    tpu.wait_indirect_dma semaphore(%arg11 : memref<!tpu.dma_semaphore, #tpu.memory_space<semaphore_mem>>) src(%dma_wait3A_1198 : memref<1000000x64xf32, #tpu.memory_space<hbm>>) dst(%dma_wait3A_1192 : memref<26x64xf32, #tpu.memory_space<vmem>>)
    %dma_wait3A_1199 = arith.constant 34 : i32
    %dma_wait3A_1200 = arith.constant 2 : i32
    %dma_wait3A_1201 = arith.constant 0 : i32
    %dma_wait3A_1202 = arith.constant 0 : i32
    %dma_wait3A_1203 = tpu.memref_slice %arg8[%dma_wait3A_1200, %dma_wait3A_1201, %dma_wait3A_1202] : memref<16x26x64xf32, #tpu.memory_space<vmem>> -> memref<1x26x64xf32, #tpu.memory_space<vmem>>
    %dma_wait3A_1204 = tpu.memref_squeeze %dma_wait3A_1203 : memref<1x26x64xf32, #tpu.memory_space<vmem>> -> memref<26x64xf32, #tpu.memory_space<vmem>>
    %dma_wait3A_1205 = arith.constant 0 : i32
    %dma_wait3A_1206 = tpu.memref_slice %arg5[%dma_wait3A_1199, %dma_wait3A_1205] : memref<512x26xi32, #tpu.memory_space<vmem>> -> memref<1x26xi32, #tpu.memory_space<vmem>>
    %dma_wait3A_1207 = tpu.memref_squeeze %dma_wait3A_1206 : memref<1x26xi32, #tpu.memory_space<vmem>> -> memref<26xi32, #tpu.memory_space<vmem>>
    %dma_wait3A_1208 = arith.constant 0 : i32
    %dma_wait3A_1209 = arith.constant 0 : i32
    %dma_wait3A_1210 = tpu.memref_slice %arg3[%dma_wait3A_1208, %dma_wait3A_1209] : memref<1000000x64xf32, #tpu.memory_space<hbm>> -> memref<1000000x64xf32, #tpu.memory_space<hbm>>
    tpu.wait_indirect_dma semaphore(%arg11 : memref<!tpu.dma_semaphore, #tpu.memory_space<semaphore_mem>>) src(%dma_wait3A_1210 : memref<1000000x64xf32, #tpu.memory_space<hbm>>) dst(%dma_wait3A_1204 : memref<26x64xf32, #tpu.memory_space<vmem>>)
    %dma_wait3A_1211 = arith.constant 35 : i32
    %dma_wait3A_1212 = arith.constant 3 : i32
    %dma_wait3A_1213 = arith.constant 0 : i32
    %dma_wait3A_1214 = arith.constant 0 : i32
    %dma_wait3A_1215 = tpu.memref_slice %arg8[%dma_wait3A_1212, %dma_wait3A_1213, %dma_wait3A_1214] : memref<16x26x64xf32, #tpu.memory_space<vmem>> -> memref<1x26x64xf32, #tpu.memory_space<vmem>>
    %dma_wait3A_1216 = tpu.memref_squeeze %dma_wait3A_1215 : memref<1x26x64xf32, #tpu.memory_space<vmem>> -> memref<26x64xf32, #tpu.memory_space<vmem>>
    %dma_wait3A_1217 = arith.constant 0 : i32
    %dma_wait3A_1218 = tpu.memref_slice %arg5[%dma_wait3A_1211, %dma_wait3A_1217] : memref<512x26xi32, #tpu.memory_space<vmem>> -> memref<1x26xi32, #tpu.memory_space<vmem>>
    %dma_wait3A_1219 = tpu.memref_squeeze %dma_wait3A_1218 : memref<1x26xi32, #tpu.memory_space<vmem>> -> memref<26xi32, #tpu.memory_space<vmem>>
    %dma_wait3A_1220 = arith.constant 0 : i32
    %dma_wait3A_1221 = arith.constant 0 : i32
    %dma_wait3A_1222 = tpu.memref_slice %arg3[%dma_wait3A_1220, %dma_wait3A_1221] : memref<1000000x64xf32, #tpu.memory_space<hbm>> -> memref<1000000x64xf32, #tpu.memory_space<hbm>>
    tpu.wait_indirect_dma semaphore(%arg11 : memref<!tpu.dma_semaphore, #tpu.memory_space<semaphore_mem>>) src(%dma_wait3A_1222 : memref<1000000x64xf32, #tpu.memory_space<hbm>>) dst(%dma_wait3A_1216 : memref<26x64xf32, #tpu.memory_space<vmem>>)
    %dma_wait3A_1223 = arith.constant 36 : i32
    %dma_wait3A_1224 = arith.constant 4 : i32
    %dma_wait3A_1225 = arith.constant 0 : i32
    %dma_wait3A_1226 = arith.constant 0 : i32
    %dma_wait3A_1227 = tpu.memref_slice %arg8[%dma_wait3A_1224, %dma_wait3A_1225, %dma_wait3A_1226] : memref<16x26x64xf32, #tpu.memory_space<vmem>> -> memref<1x26x64xf32, #tpu.memory_space<vmem>>
    %dma_wait3A_1228 = tpu.memref_squeeze %dma_wait3A_1227 : memref<1x26x64xf32, #tpu.memory_space<vmem>> -> memref<26x64xf32, #tpu.memory_space<vmem>>
    %dma_wait3A_1229 = arith.constant 0 : i32
    %dma_wait3A_1230 = tpu.memref_slice %arg5[%dma_wait3A_1223, %dma_wait3A_1229] : memref<512x26xi32, #tpu.memory_space<vmem>> -> memref<1x26xi32, #tpu.memory_space<vmem>>
    %dma_wait3A_1231 = tpu.memref_squeeze %dma_wait3A_1230 : memref<1x26xi32, #tpu.memory_space<vmem>> -> memref<26xi32, #tpu.memory_space<vmem>>
    %dma_wait3A_1232 = arith.constant 0 : i32
    %dma_wait3A_1233 = arith.constant 0 : i32
    %dma_wait3A_1234 = tpu.memref_slice %arg3[%dma_wait3A_1232, %dma_wait3A_1233] : memref<1000000x64xf32, #tpu.memory_space<hbm>> -> memref<1000000x64xf32, #tpu.memory_space<hbm>>
    tpu.wait_indirect_dma semaphore(%arg11 : memref<!tpu.dma_semaphore, #tpu.memory_space<semaphore_mem>>) src(%dma_wait3A_1234 : memref<1000000x64xf32, #tpu.memory_space<hbm>>) dst(%dma_wait3A_1228 : memref<26x64xf32, #tpu.memory_space<vmem>>)
    %dma_wait3A_1235 = arith.constant 37 : i32
    %dma_wait3A_1236 = arith.constant 5 : i32
    %dma_wait3A_1237 = arith.constant 0 : i32
    %dma_wait3A_1238 = arith.constant 0 : i32
    %dma_wait3A_1239 = tpu.memref_slice %arg8[%dma_wait3A_1236, %dma_wait3A_1237, %dma_wait3A_1238] : memref<16x26x64xf32, #tpu.memory_space<vmem>> -> memref<1x26x64xf32, #tpu.memory_space<vmem>>
    %dma_wait3A_1240 = tpu.memref_squeeze %dma_wait3A_1239 : memref<1x26x64xf32, #tpu.memory_space<vmem>> -> memref<26x64xf32, #tpu.memory_space<vmem>>
    %dma_wait3A_1241 = arith.constant 0 : i32
    %dma_wait3A_1242 = tpu.memref_slice %arg5[%dma_wait3A_1235, %dma_wait3A_1241] : memref<512x26xi32, #tpu.memory_space<vmem>> -> memref<1x26xi32, #tpu.memory_space<vmem>>
    %dma_wait3A_1243 = tpu.memref_squeeze %dma_wait3A_1242 : memref<1x26xi32, #tpu.memory_space<vmem>> -> memref<26xi32, #tpu.memory_space<vmem>>
    %dma_wait3A_1244 = arith.constant 0 : i32
    %dma_wait3A_1245 = arith.constant 0 : i32
    %dma_wait3A_1246 = tpu.memref_slice %arg3[%dma_wait3A_1244, %dma_wait3A_1245] : memref<1000000x64xf32, #tpu.memory_space<hbm>> -> memref<1000000x64xf32, #tpu.memory_space<hbm>>
    tpu.wait_indirect_dma semaphore(%arg11 : memref<!tpu.dma_semaphore, #tpu.memory_space<semaphore_mem>>) src(%dma_wait3A_1246 : memref<1000000x64xf32, #tpu.memory_space<hbm>>) dst(%dma_wait3A_1240 : memref<26x64xf32, #tpu.memory_space<vmem>>)
    %dma_wait3A_1247 = arith.constant 38 : i32
    %dma_wait3A_1248 = arith.constant 6 : i32
    %dma_wait3A_1249 = arith.constant 0 : i32
    %dma_wait3A_1250 = arith.constant 0 : i32
    %dma_wait3A_1251 = tpu.memref_slice %arg8[%dma_wait3A_1248, %dma_wait3A_1249, %dma_wait3A_1250] : memref<16x26x64xf32, #tpu.memory_space<vmem>> -> memref<1x26x64xf32, #tpu.memory_space<vmem>>
    %dma_wait3A_1252 = tpu.memref_squeeze %dma_wait3A_1251 : memref<1x26x64xf32, #tpu.memory_space<vmem>> -> memref<26x64xf32, #tpu.memory_space<vmem>>
    %dma_wait3A_1253 = arith.constant 0 : i32
    %dma_wait3A_1254 = tpu.memref_slice %arg5[%dma_wait3A_1247, %dma_wait3A_1253] : memref<512x26xi32, #tpu.memory_space<vmem>> -> memref<1x26xi32, #tpu.memory_space<vmem>>
    %dma_wait3A_1255 = tpu.memref_squeeze %dma_wait3A_1254 : memref<1x26xi32, #tpu.memory_space<vmem>> -> memref<26xi32, #tpu.memory_space<vmem>>
    %dma_wait3A_1256 = arith.constant 0 : i32
    %dma_wait3A_1257 = arith.constant 0 : i32
    %dma_wait3A_1258 = tpu.memref_slice %arg3[%dma_wait3A_1256, %dma_wait3A_1257] : memref<1000000x64xf32, #tpu.memory_space<hbm>> -> memref<1000000x64xf32, #tpu.memory_space<hbm>>
    tpu.wait_indirect_dma semaphore(%arg11 : memref<!tpu.dma_semaphore, #tpu.memory_space<semaphore_mem>>) src(%dma_wait3A_1258 : memref<1000000x64xf32, #tpu.memory_space<hbm>>) dst(%dma_wait3A_1252 : memref<26x64xf32, #tpu.memory_space<vmem>>)
    %dma_wait3A_1259 = arith.constant 39 : i32
    %dma_wait3A_1260 = arith.constant 7 : i32
    %dma_wait3A_1261 = arith.constant 0 : i32
    %dma_wait3A_1262 = arith.constant 0 : i32
    %dma_wait3A_1263 = tpu.memref_slice %arg8[%dma_wait3A_1260, %dma_wait3A_1261, %dma_wait3A_1262] : memref<16x26x64xf32, #tpu.memory_space<vmem>> -> memref<1x26x64xf32, #tpu.memory_space<vmem>>
    %dma_wait3A_1264 = tpu.memref_squeeze %dma_wait3A_1263 : memref<1x26x64xf32, #tpu.memory_space<vmem>> -> memref<26x64xf32, #tpu.memory_space<vmem>>
    %dma_wait3A_1265 = arith.constant 0 : i32
    %dma_wait3A_1266 = tpu.memref_slice %arg5[%dma_wait3A_1259, %dma_wait3A_1265] : memref<512x26xi32, #tpu.memory_space<vmem>> -> memref<1x26xi32, #tpu.memory_space<vmem>>
    %dma_wait3A_1267 = tpu.memref_squeeze %dma_wait3A_1266 : memref<1x26xi32, #tpu.memory_space<vmem>> -> memref<26xi32, #tpu.memory_space<vmem>>
    %dma_wait3A_1268 = arith.constant 0 : i32
    %dma_wait3A_1269 = arith.constant 0 : i32
    %dma_wait3A_1270 = tpu.memref_slice %arg3[%dma_wait3A_1268, %dma_wait3A_1269] : memref<1000000x64xf32, #tpu.memory_space<hbm>> -> memref<1000000x64xf32, #tpu.memory_space<hbm>>
    tpu.wait_indirect_dma semaphore(%arg11 : memref<!tpu.dma_semaphore, #tpu.memory_space<semaphore_mem>>) src(%dma_wait3A_1270 : memref<1000000x64xf32, #tpu.memory_space<hbm>>) dst(%dma_wait3A_1264 : memref<26x64xf32, #tpu.memory_space<vmem>>)
    %dma_wait3A_1271 = arith.constant 40 : i32
    %dma_wait3A_1272 = arith.constant 8 : i32
    %dma_wait3A_1273 = arith.constant 0 : i32
    %dma_wait3A_1274 = arith.constant 0 : i32
    %dma_wait3A_1275 = tpu.memref_slice %arg8[%dma_wait3A_1272, %dma_wait3A_1273, %dma_wait3A_1274] : memref<16x26x64xf32, #tpu.memory_space<vmem>> -> memref<1x26x64xf32, #tpu.memory_space<vmem>>
    %dma_wait3A_1276 = tpu.memref_squeeze %dma_wait3A_1275 : memref<1x26x64xf32, #tpu.memory_space<vmem>> -> memref<26x64xf32, #tpu.memory_space<vmem>>
    %dma_wait3A_1277 = arith.constant 0 : i32
    %dma_wait3A_1278 = tpu.memref_slice %arg5[%dma_wait3A_1271, %dma_wait3A_1277] : memref<512x26xi32, #tpu.memory_space<vmem>> -> memref<1x26xi32, #tpu.memory_space<vmem>>
    %dma_wait3A_1279 = tpu.memref_squeeze %dma_wait3A_1278 : memref<1x26xi32, #tpu.memory_space<vmem>> -> memref<26xi32, #tpu.memory_space<vmem>>
    %dma_wait3A_1280 = arith.constant 0 : i32
    %dma_wait3A_1281 = arith.constant 0 : i32
    %dma_wait3A_1282 = tpu.memref_slice %arg3[%dma_wait3A_1280, %dma_wait3A_1281] : memref<1000000x64xf32, #tpu.memory_space<hbm>> -> memref<1000000x64xf32, #tpu.memory_space<hbm>>
    tpu.wait_indirect_dma semaphore(%arg11 : memref<!tpu.dma_semaphore, #tpu.memory_space<semaphore_mem>>) src(%dma_wait3A_1282 : memref<1000000x64xf32, #tpu.memory_space<hbm>>) dst(%dma_wait3A_1276 : memref<26x64xf32, #tpu.memory_space<vmem>>)
    %dma_wait3A_1283 = arith.constant 41 : i32
    %dma_wait3A_1284 = arith.constant 9 : i32
    %dma_wait3A_1285 = arith.constant 0 : i32
    %dma_wait3A_1286 = arith.constant 0 : i32
    %dma_wait3A_1287 = tpu.memref_slice %arg8[%dma_wait3A_1284, %dma_wait3A_1285, %dma_wait3A_1286] : memref<16x26x64xf32, #tpu.memory_space<vmem>> -> memref<1x26x64xf32, #tpu.memory_space<vmem>>
    %dma_wait3A_1288 = tpu.memref_squeeze %dma_wait3A_1287 : memref<1x26x64xf32, #tpu.memory_space<vmem>> -> memref<26x64xf32, #tpu.memory_space<vmem>>
    %dma_wait3A_1289 = arith.constant 0 : i32
    %dma_wait3A_1290 = tpu.memref_slice %arg5[%dma_wait3A_1283, %dma_wait3A_1289] : memref<512x26xi32, #tpu.memory_space<vmem>> -> memref<1x26xi32, #tpu.memory_space<vmem>>
    %dma_wait3A_1291 = tpu.memref_squeeze %dma_wait3A_1290 : memref<1x26xi32, #tpu.memory_space<vmem>> -> memref<26xi32, #tpu.memory_space<vmem>>
    %dma_wait3A_1292 = arith.constant 0 : i32
    %dma_wait3A_1293 = arith.constant 0 : i32
    %dma_wait3A_1294 = tpu.memref_slice %arg3[%dma_wait3A_1292, %dma_wait3A_1293] : memref<1000000x64xf32, #tpu.memory_space<hbm>> -> memref<1000000x64xf32, #tpu.memory_space<hbm>>
    tpu.wait_indirect_dma semaphore(%arg11 : memref<!tpu.dma_semaphore, #tpu.memory_space<semaphore_mem>>) src(%dma_wait3A_1294 : memref<1000000x64xf32, #tpu.memory_space<hbm>>) dst(%dma_wait3A_1288 : memref<26x64xf32, #tpu.memory_space<vmem>>)
    %dma_wait3A_1295 = arith.constant 42 : i32
    %dma_wait3A_1296 = arith.constant 10 : i32
    %dma_wait3A_1297 = arith.constant 0 : i32
    %dma_wait3A_1298 = arith.constant 0 : i32
    %dma_wait3A_1299 = tpu.memref_slice %arg8[%dma_wait3A_1296, %dma_wait3A_1297, %dma_wait3A_1298] : memref<16x26x64xf32, #tpu.memory_space<vmem>> -> memref<1x26x64xf32, #tpu.memory_space<vmem>>
    %dma_wait3A_1300 = tpu.memref_squeeze %dma_wait3A_1299 : memref<1x26x64xf32, #tpu.memory_space<vmem>> -> memref<26x64xf32, #tpu.memory_space<vmem>>
    %dma_wait3A_1301 = arith.constant 0 : i32
    %dma_wait3A_1302 = tpu.memref_slice %arg5[%dma_wait3A_1295, %dma_wait3A_1301] : memref<512x26xi32, #tpu.memory_space<vmem>> -> memref<1x26xi32, #tpu.memory_space<vmem>>
    %dma_wait3A_1303 = tpu.memref_squeeze %dma_wait3A_1302 : memref<1x26xi32, #tpu.memory_space<vmem>> -> memref<26xi32, #tpu.memory_space<vmem>>
    %dma_wait3A_1304 = arith.constant 0 : i32
    %dma_wait3A_1305 = arith.constant 0 : i32
    %dma_wait3A_1306 = tpu.memref_slice %arg3[%dma_wait3A_1304, %dma_wait3A_1305] : memref<1000000x64xf32, #tpu.memory_space<hbm>> -> memref<1000000x64xf32, #tpu.memory_space<hbm>>
    tpu.wait_indirect_dma semaphore(%arg11 : memref<!tpu.dma_semaphore, #tpu.memory_space<semaphore_mem>>) src(%dma_wait3A_1306 : memref<1000000x64xf32, #tpu.memory_space<hbm>>) dst(%dma_wait3A_1300 : memref<26x64xf32, #tpu.memory_space<vmem>>)
    %dma_wait3A_1307 = arith.constant 43 : i32
    %dma_wait3A_1308 = arith.constant 11 : i32
    %dma_wait3A_1309 = arith.constant 0 : i32
    %dma_wait3A_1310 = arith.constant 0 : i32
    %dma_wait3A_1311 = tpu.memref_slice %arg8[%dma_wait3A_1308, %dma_wait3A_1309, %dma_wait3A_1310] : memref<16x26x64xf32, #tpu.memory_space<vmem>> -> memref<1x26x64xf32, #tpu.memory_space<vmem>>
    %dma_wait3A_1312 = tpu.memref_squeeze %dma_wait3A_1311 : memref<1x26x64xf32, #tpu.memory_space<vmem>> -> memref<26x64xf32, #tpu.memory_space<vmem>>
    %dma_wait3A_1313 = arith.constant 0 : i32
    %dma_wait3A_1314 = tpu.memref_slice %arg5[%dma_wait3A_1307, %dma_wait3A_1313] : memref<512x26xi32, #tpu.memory_space<vmem>> -> memref<1x26xi32, #tpu.memory_space<vmem>>
    %dma_wait3A_1315 = tpu.memref_squeeze %dma_wait3A_1314 : memref<1x26xi32, #tpu.memory_space<vmem>> -> memref<26xi32, #tpu.memory_space<vmem>>
    %dma_wait3A_1316 = arith.constant 0 : i32
    %dma_wait3A_1317 = arith.constant 0 : i32
    %dma_wait3A_1318 = tpu.memref_slice %arg3[%dma_wait3A_1316, %dma_wait3A_1317] : memref<1000000x64xf32, #tpu.memory_space<hbm>> -> memref<1000000x64xf32, #tpu.memory_space<hbm>>
    tpu.wait_indirect_dma semaphore(%arg11 : memref<!tpu.dma_semaphore, #tpu.memory_space<semaphore_mem>>) src(%dma_wait3A_1318 : memref<1000000x64xf32, #tpu.memory_space<hbm>>) dst(%dma_wait3A_1312 : memref<26x64xf32, #tpu.memory_space<vmem>>)
    %dma_wait3A_1319 = arith.constant 44 : i32
    %dma_wait3A_1320 = arith.constant 12 : i32
    %dma_wait3A_1321 = arith.constant 0 : i32
    %dma_wait3A_1322 = arith.constant 0 : i32
    %dma_wait3A_1323 = tpu.memref_slice %arg8[%dma_wait3A_1320, %dma_wait3A_1321, %dma_wait3A_1322] : memref<16x26x64xf32, #tpu.memory_space<vmem>> -> memref<1x26x64xf32, #tpu.memory_space<vmem>>
    %dma_wait3A_1324 = tpu.memref_squeeze %dma_wait3A_1323 : memref<1x26x64xf32, #tpu.memory_space<vmem>> -> memref<26x64xf32, #tpu.memory_space<vmem>>
    %dma_wait3A_1325 = arith.constant 0 : i32
    %dma_wait3A_1326 = tpu.memref_slice %arg5[%dma_wait3A_1319, %dma_wait3A_1325] : memref<512x26xi32, #tpu.memory_space<vmem>> -> memref<1x26xi32, #tpu.memory_space<vmem>>
    %dma_wait3A_1327 = tpu.memref_squeeze %dma_wait3A_1326 : memref<1x26xi32, #tpu.memory_space<vmem>> -> memref<26xi32, #tpu.memory_space<vmem>>
    %dma_wait3A_1328 = arith.constant 0 : i32
    %dma_wait3A_1329 = arith.constant 0 : i32
    %dma_wait3A_1330 = tpu.memref_slice %arg3[%dma_wait3A_1328, %dma_wait3A_1329] : memref<1000000x64xf32, #tpu.memory_space<hbm>> -> memref<1000000x64xf32, #tpu.memory_space<hbm>>
    tpu.wait_indirect_dma semaphore(%arg11 : memref<!tpu.dma_semaphore, #tpu.memory_space<semaphore_mem>>) src(%dma_wait3A_1330 : memref<1000000x64xf32, #tpu.memory_space<hbm>>) dst(%dma_wait3A_1324 : memref<26x64xf32, #tpu.memory_space<vmem>>)
    %dma_wait3A_1331 = arith.constant 45 : i32
    %dma_wait3A_1332 = arith.constant 13 : i32
    %dma_wait3A_1333 = arith.constant 0 : i32
    %dma_wait3A_1334 = arith.constant 0 : i32
    %dma_wait3A_1335 = tpu.memref_slice %arg8[%dma_wait3A_1332, %dma_wait3A_1333, %dma_wait3A_1334] : memref<16x26x64xf32, #tpu.memory_space<vmem>> -> memref<1x26x64xf32, #tpu.memory_space<vmem>>
    %dma_wait3A_1336 = tpu.memref_squeeze %dma_wait3A_1335 : memref<1x26x64xf32, #tpu.memory_space<vmem>> -> memref<26x64xf32, #tpu.memory_space<vmem>>
    %dma_wait3A_1337 = arith.constant 0 : i32
    %dma_wait3A_1338 = tpu.memref_slice %arg5[%dma_wait3A_1331, %dma_wait3A_1337] : memref<512x26xi32, #tpu.memory_space<vmem>> -> memref<1x26xi32, #tpu.memory_space<vmem>>
    %dma_wait3A_1339 = tpu.memref_squeeze %dma_wait3A_1338 : memref<1x26xi32, #tpu.memory_space<vmem>> -> memref<26xi32, #tpu.memory_space<vmem>>
    %dma_wait3A_1340 = arith.constant 0 : i32
    %dma_wait3A_1341 = arith.constant 0 : i32
    %dma_wait3A_1342 = tpu.memref_slice %arg3[%dma_wait3A_1340, %dma_wait3A_1341] : memref<1000000x64xf32, #tpu.memory_space<hbm>> -> memref<1000000x64xf32, #tpu.memory_space<hbm>>
    tpu.wait_indirect_dma semaphore(%arg11 : memref<!tpu.dma_semaphore, #tpu.memory_space<semaphore_mem>>) src(%dma_wait3A_1342 : memref<1000000x64xf32, #tpu.memory_space<hbm>>) dst(%dma_wait3A_1336 : memref<26x64xf32, #tpu.memory_space<vmem>>)
    %dma_wait3A_1343 = arith.constant 46 : i32
    %dma_wait3A_1344 = arith.constant 14 : i32
    %dma_wait3A_1345 = arith.constant 0 : i32
    %dma_wait3A_1346 = arith.constant 0 : i32
    %dma_wait3A_1347 = tpu.memref_slice %arg8[%dma_wait3A_1344, %dma_wait3A_1345, %dma_wait3A_1346] : memref<16x26x64xf32, #tpu.memory_space<vmem>> -> memref<1x26x64xf32, #tpu.memory_space<vmem>>
    %dma_wait3A_1348 = tpu.memref_squeeze %dma_wait3A_1347 : memref<1x26x64xf32, #tpu.memory_space<vmem>> -> memref<26x64xf32, #tpu.memory_space<vmem>>
    %dma_wait3A_1349 = arith.constant 0 : i32
    %dma_wait3A_1350 = tpu.memref_slice %arg5[%dma_wait3A_1343, %dma_wait3A_1349] : memref<512x26xi32, #tpu.memory_space<vmem>> -> memref<1x26xi32, #tpu.memory_space<vmem>>
    %dma_wait3A_1351 = tpu.memref_squeeze %dma_wait3A_1350 : memref<1x26xi32, #tpu.memory_space<vmem>> -> memref<26xi32, #tpu.memory_space<vmem>>
    %dma_wait3A_1352 = arith.constant 0 : i32
    %dma_wait3A_1353 = arith.constant 0 : i32
    %dma_wait3A_1354 = tpu.memref_slice %arg3[%dma_wait3A_1352, %dma_wait3A_1353] : memref<1000000x64xf32, #tpu.memory_space<hbm>> -> memref<1000000x64xf32, #tpu.memory_space<hbm>>
    tpu.wait_indirect_dma semaphore(%arg11 : memref<!tpu.dma_semaphore, #tpu.memory_space<semaphore_mem>>) src(%dma_wait3A_1354 : memref<1000000x64xf32, #tpu.memory_space<hbm>>) dst(%dma_wait3A_1348 : memref<26x64xf32, #tpu.memory_space<vmem>>)
    %dma_wait3A_1355 = arith.constant 47 : i32
    %dma_wait3A_1356 = arith.constant 15 : i32
    %dma_wait3A_1357 = arith.constant 0 : i32
    %dma_wait3A_1358 = arith.constant 0 : i32
    %dma_wait3A_1359 = tpu.memref_slice %arg8[%dma_wait3A_1356, %dma_wait3A_1357, %dma_wait3A_1358] : memref<16x26x64xf32, #tpu.memory_space<vmem>> -> memref<1x26x64xf32, #tpu.memory_space<vmem>>
    %dma_wait3A_1360 = tpu.memref_squeeze %dma_wait3A_1359 : memref<1x26x64xf32, #tpu.memory_space<vmem>> -> memref<26x64xf32, #tpu.memory_space<vmem>>
    %dma_wait3A_1361 = arith.constant 0 : i32
    %dma_wait3A_1362 = tpu.memref_slice %arg5[%dma_wait3A_1355, %dma_wait3A_1361] : memref<512x26xi32, #tpu.memory_space<vmem>> -> memref<1x26xi32, #tpu.memory_space<vmem>>
    %dma_wait3A_1363 = tpu.memref_squeeze %dma_wait3A_1362 : memref<1x26xi32, #tpu.memory_space<vmem>> -> memref<26xi32, #tpu.memory_space<vmem>>
    %dma_wait3A_1364 = arith.constant 0 : i32
    %dma_wait3A_1365 = arith.constant 0 : i32
    %dma_wait3A_1366 = tpu.memref_slice %arg3[%dma_wait3A_1364, %dma_wait3A_1365] : memref<1000000x64xf32, #tpu.memory_space<hbm>> -> memref<1000000x64xf32, #tpu.memory_space<hbm>>
    tpu.wait_indirect_dma semaphore(%arg11 : memref<!tpu.dma_semaphore, #tpu.memory_space<semaphore_mem>>) src(%dma_wait3A_1366 : memref<1000000x64xf32, #tpu.memory_space<hbm>>) dst(%dma_wait3A_1360 : memref<26x64xf32, #tpu.memory_space<vmem>>)
    %add3A_1367 = arith.constant 32 : i32
    %add3A_1368 = arith.addi %mul3A_2, %add3A_1367 : i32
    %dma_start3A_1369 = arith.constant 0 : i32
    %dma_start3A_1370 = arith.constant 0 : i32
    %dma_start3A_1371 = tpu.memref_slice %arg4[%add3A_1368, %dma_start3A_1369, %dma_start3A_1370] : memref<16384x26x64xf32, #tpu.memory_space<hbm>> -> memref<16x26x64xf32, #tpu.memory_space<hbm>>
    %dma_start3A_1372 = arith.constant 0 : i32
    %dma_start3A_1373 = arith.constant 0 : i32
    %dma_start3A_1374 = tpu.memref_slice %arg4[%add3A_1368, %dma_start3A_1372, %dma_start3A_1373] : memref<16384x26x64xf32, #tpu.memory_space<hbm>> -> memref<16x26x64xf32, #tpu.memory_space<hbm>>
    tpu.enqueue_dma source(%arg8 : memref<16x26x64xf32, #tpu.memory_space<vmem>>) target(%dma_start3A_1374 : memref<16x26x64xf32, #tpu.memory_space<hbm>>) target_semaphore(%arg14 : memref<!tpu.dma_semaphore, #tpu.memory_space<semaphore_mem>>)
    %dma_wait3A_1375 = arith.constant 0 : i32
    %dma_wait3A_1376 = arith.constant 0 : i32
    %dma_wait3A_1377 = tpu.memref_slice %arg4[%mul3A_2, %dma_wait3A_1375, %dma_wait3A_1376] : memref<16384x26x64xf32, #tpu.memory_space<hbm>> -> memref<16x26x64xf32, #tpu.memory_space<hbm>>
    %dma_wait3A_1378 = arith.constant 0 : i32
    %dma_wait3A_1379 = arith.constant 0 : i32
    %dma_wait3A_1380 = tpu.memref_slice %arg4[%mul3A_2, %dma_wait3A_1378, %dma_wait3A_1379] : memref<16384x26x64xf32, #tpu.memory_space<hbm>> -> memref<16x26x64xf32, #tpu.memory_space<hbm>>
    tpu.wait_dma2 semaphore(%arg13 : memref<!tpu.dma_semaphore, #tpu.memory_space<semaphore_mem>>) src(%arg7 : memref<16x26x64xf32, #tpu.memory_space<vmem>>) dst(%dma_wait3A_1380 : memref<16x26x64xf32, #tpu.memory_space<hbm>>)
    %dma_start3A_1381 = arith.constant 64 : i32
    %dma_start3A_1382 = arith.constant 0 : i32
    %dma_start3A_1383 = arith.constant 0 : i32
    %dma_start3A_1384 = arith.constant 0 : i32
    %dma_start3A_1385 = tpu.memref_slice %arg7[%dma_start3A_1382, %dma_start3A_1383, %dma_start3A_1384] : memref<16x26x64xf32, #tpu.memory_space<vmem>> -> memref<1x26x64xf32, #tpu.memory_space<vmem>>
    %dma_start3A_1386 = tpu.memref_squeeze %dma_start3A_1385 : memref<1x26x64xf32, #tpu.memory_space<vmem>> -> memref<26x64xf32, #tpu.memory_space<vmem>>
    %dma_start3A_1387 = arith.constant 0 : i32
    %dma_start3A_1388 = tpu.memref_slice %arg5[%dma_start3A_1381, %dma_start3A_1387] : memref<512x26xi32, #tpu.memory_space<vmem>> -> memref<1x26xi32, #tpu.memory_space<vmem>>
    %dma_start3A_1389 = tpu.memref_squeeze %dma_start3A_1388 : memref<1x26xi32, #tpu.memory_space<vmem>> -> memref<26xi32, #tpu.memory_space<vmem>>
    %dma_start3A_1390 = arith.constant 0 : i32
    %dma_start3A_1391 = arith.constant 0 : i32
    %dma_start3A_1392 = tpu.memref_slice %arg3[%dma_start3A_1390, %dma_start3A_1391] : memref<1000000x64xf32, #tpu.memory_space<hbm>> -> memref<1000000x64xf32, #tpu.memory_space<hbm>>
    tpu.enqueue_indirect_dma source(%dma_start3A_1392 : memref<1000000x64xf32, #tpu.memory_space<hbm>>) target(%dma_start3A_1386 : memref<26x64xf32, #tpu.memory_space<vmem>>) offsets(%dma_start3A_1389 : memref<26xi32, #tpu.memory_space<vmem>>) semaphore(%arg10 : memref<!tpu.dma_semaphore, #tpu.memory_space<semaphore_mem>>)
    %dma_start3A_1393 = arith.constant 65 : i32
    %dma_start3A_1394 = arith.constant 1 : i32
    %dma_start3A_1395 = arith.constant 0 : i32
    %dma_start3A_1396 = arith.constant 0 : i32
    %dma_start3A_1397 = tpu.memref_slice %arg7[%dma_start3A_1394, %dma_start3A_1395, %dma_start3A_1396] : memref<16x26x64xf32, #tpu.memory_space<vmem>> -> memref<1x26x64xf32, #tpu.memory_space<vmem>>
    %dma_start3A_1398 = tpu.memref_squeeze %dma_start3A_1397 : memref<1x26x64xf32, #tpu.memory_space<vmem>> -> memref<26x64xf32, #tpu.memory_space<vmem>>
    %dma_start3A_1399 = arith.constant 0 : i32
    %dma_start3A_1400 = tpu.memref_slice %arg5[%dma_start3A_1393, %dma_start3A_1399] : memref<512x26xi32, #tpu.memory_space<vmem>> -> memref<1x26xi32, #tpu.memory_space<vmem>>
    %dma_start3A_1401 = tpu.memref_squeeze %dma_start3A_1400 : memref<1x26xi32, #tpu.memory_space<vmem>> -> memref<26xi32, #tpu.memory_space<vmem>>
    %dma_start3A_1402 = arith.constant 0 : i32
    %dma_start3A_1403 = arith.constant 0 : i32
    %dma_start3A_1404 = tpu.memref_slice %arg3[%dma_start3A_1402, %dma_start3A_1403] : memref<1000000x64xf32, #tpu.memory_space<hbm>> -> memref<1000000x64xf32, #tpu.memory_space<hbm>>
    tpu.enqueue_indirect_dma source(%dma_start3A_1404 : memref<1000000x64xf32, #tpu.memory_space<hbm>>) target(%dma_start3A_1398 : memref<26x64xf32, #tpu.memory_space<vmem>>) offsets(%dma_start3A_1401 : memref<26xi32, #tpu.memory_space<vmem>>) semaphore(%arg10 : memref<!tpu.dma_semaphore, #tpu.memory_space<semaphore_mem>>)
    %dma_start3A_1405 = arith.constant 66 : i32
    %dma_start3A_1406 = arith.constant 2 : i32
    %dma_start3A_1407 = arith.constant 0 : i32
    %dma_start3A_1408 = arith.constant 0 : i32
    %dma_start3A_1409 = tpu.memref_slice %arg7[%dma_start3A_1406, %dma_start3A_1407, %dma_start3A_1408] : memref<16x26x64xf32, #tpu.memory_space<vmem>> -> memref<1x26x64xf32, #tpu.memory_space<vmem>>
    %dma_start3A_1410 = tpu.memref_squeeze %dma_start3A_1409 : memref<1x26x64xf32, #tpu.memory_space<vmem>> -> memref<26x64xf32, #tpu.memory_space<vmem>>
    %dma_start3A_1411 = arith.constant 0 : i32
    %dma_start3A_1412 = tpu.memref_slice %arg5[%dma_start3A_1405, %dma_start3A_1411] : memref<512x26xi32, #tpu.memory_space<vmem>> -> memref<1x26xi32, #tpu.memory_space<vmem>>
    %dma_start3A_1413 = tpu.memref_squeeze %dma_start3A_1412 : memref<1x26xi32, #tpu.memory_space<vmem>> -> memref<26xi32, #tpu.memory_space<vmem>>
    %dma_start3A_1414 = arith.constant 0 : i32
    %dma_start3A_1415 = arith.constant 0 : i32
    %dma_start3A_1416 = tpu.memref_slice %arg3[%dma_start3A_1414, %dma_start3A_1415] : memref<1000000x64xf32, #tpu.memory_space<hbm>> -> memref<1000000x64xf32, #tpu.memory_space<hbm>>
    tpu.enqueue_indirect_dma source(%dma_start3A_1416 : memref<1000000x64xf32, #tpu.memory_space<hbm>>) target(%dma_start3A_1410 : memref<26x64xf32, #tpu.memory_space<vmem>>) offsets(%dma_start3A_1413 : memref<26xi32, #tpu.memory_space<vmem>>) semaphore(%arg10 : memref<!tpu.dma_semaphore, #tpu.memory_space<semaphore_mem>>)
    %dma_start3A_1417 = arith.constant 67 : i32
    %dma_start3A_1418 = arith.constant 3 : i32
    %dma_start3A_1419 = arith.constant 0 : i32
    %dma_start3A_1420 = arith.constant 0 : i32
    %dma_start3A_1421 = tpu.memref_slice %arg7[%dma_start3A_1418, %dma_start3A_1419, %dma_start3A_1420] : memref<16x26x64xf32, #tpu.memory_space<vmem>> -> memref<1x26x64xf32, #tpu.memory_space<vmem>>
    %dma_start3A_1422 = tpu.memref_squeeze %dma_start3A_1421 : memref<1x26x64xf32, #tpu.memory_space<vmem>> -> memref<26x64xf32, #tpu.memory_space<vmem>>
    %dma_start3A_1423 = arith.constant 0 : i32
    %dma_start3A_1424 = tpu.memref_slice %arg5[%dma_start3A_1417, %dma_start3A_1423] : memref<512x26xi32, #tpu.memory_space<vmem>> -> memref<1x26xi32, #tpu.memory_space<vmem>>
    %dma_start3A_1425 = tpu.memref_squeeze %dma_start3A_1424 : memref<1x26xi32, #tpu.memory_space<vmem>> -> memref<26xi32, #tpu.memory_space<vmem>>
    %dma_start3A_1426 = arith.constant 0 : i32
    %dma_start3A_1427 = arith.constant 0 : i32
    %dma_start3A_1428 = tpu.memref_slice %arg3[%dma_start3A_1426, %dma_start3A_1427] : memref<1000000x64xf32, #tpu.memory_space<hbm>> -> memref<1000000x64xf32, #tpu.memory_space<hbm>>
    tpu.enqueue_indirect_dma source(%dma_start3A_1428 : memref<1000000x64xf32, #tpu.memory_space<hbm>>) target(%dma_start3A_1422 : memref<26x64xf32, #tpu.memory_space<vmem>>) offsets(%dma_start3A_1425 : memref<26xi32, #tpu.memory_space<vmem>>) semaphore(%arg10 : memref<!tpu.dma_semaphore, #tpu.memory_space<semaphore_mem>>)
    %dma_start3A_1429 = arith.constant 68 : i32
    %dma_start3A_1430 = arith.constant 4 : i32
    %dma_start3A_1431 = arith.constant 0 : i32
    %dma_start3A_1432 = arith.constant 0 : i32
    %dma_start3A_1433 = tpu.memref_slice %arg7[%dma_start3A_1430, %dma_start3A_1431, %dma_start3A_1432] : memref<16x26x64xf32, #tpu.memory_space<vmem>> -> memref<1x26x64xf32, #tpu.memory_space<vmem>>
    %dma_start3A_1434 = tpu.memref_squeeze %dma_start3A_1433 : memref<1x26x64xf32, #tpu.memory_space<vmem>> -> memref<26x64xf32, #tpu.memory_space<vmem>>
    %dma_start3A_1435 = arith.constant 0 : i32
    %dma_start3A_1436 = tpu.memref_slice %arg5[%dma_start3A_1429, %dma_start3A_1435] : memref<512x26xi32, #tpu.memory_space<vmem>> -> memref<1x26xi32, #tpu.memory_space<vmem>>
    %dma_start3A_1437 = tpu.memref_squeeze %dma_start3A_1436 : memref<1x26xi32, #tpu.memory_space<vmem>> -> memref<26xi32, #tpu.memory_space<vmem>>
    %dma_start3A_1438 = arith.constant 0 : i32
    %dma_start3A_1439 = arith.constant 0 : i32
    %dma_start3A_1440 = tpu.memref_slice %arg3[%dma_start3A_1438, %dma_start3A_1439] : memref<1000000x64xf32, #tpu.memory_space<hbm>> -> memref<1000000x64xf32, #tpu.memory_space<hbm>>
    tpu.enqueue_indirect_dma source(%dma_start3A_1440 : memref<1000000x64xf32, #tpu.memory_space<hbm>>) target(%dma_start3A_1434 : memref<26x64xf32, #tpu.memory_space<vmem>>) offsets(%dma_start3A_1437 : memref<26xi32, #tpu.memory_space<vmem>>) semaphore(%arg10 : memref<!tpu.dma_semaphore, #tpu.memory_space<semaphore_mem>>)
    %dma_start3A_1441 = arith.constant 69 : i32
    %dma_start3A_1442 = arith.constant 5 : i32
    %dma_start3A_1443 = arith.constant 0 : i32
    %dma_start3A_1444 = arith.constant 0 : i32
    %dma_start3A_1445 = tpu.memref_slice %arg7[%dma_start3A_1442, %dma_start3A_1443, %dma_start3A_1444] : memref<16x26x64xf32, #tpu.memory_space<vmem>> -> memref<1x26x64xf32, #tpu.memory_space<vmem>>
    %dma_start3A_1446 = tpu.memref_squeeze %dma_start3A_1445 : memref<1x26x64xf32, #tpu.memory_space<vmem>> -> memref<26x64xf32, #tpu.memory_space<vmem>>
    %dma_start3A_1447 = arith.constant 0 : i32
    %dma_start3A_1448 = tpu.memref_slice %arg5[%dma_start3A_1441, %dma_start3A_1447] : memref<512x26xi32, #tpu.memory_space<vmem>> -> memref<1x26xi32, #tpu.memory_space<vmem>>
    %dma_start3A_1449 = tpu.memref_squeeze %dma_start3A_1448 : memref<1x26xi32, #tpu.memory_space<vmem>> -> memref<26xi32, #tpu.memory_space<vmem>>
    %dma_start3A_1450 = arith.constant 0 : i32
    %dma_start3A_1451 = arith.constant 0 : i32
    %dma_start3A_1452 = tpu.memref_slice %arg3[%dma_start3A_1450, %dma_start3A_1451] : memref<1000000x64xf32, #tpu.memory_space<hbm>> -> memref<1000000x64xf32, #tpu.memory_space<hbm>>
    tpu.enqueue_indirect_dma source(%dma_start3A_1452 : memref<1000000x64xf32, #tpu.memory_space<hbm>>) target(%dma_start3A_1446 : memref<26x64xf32, #tpu.memory_space<vmem>>) offsets(%dma_start3A_1449 : memref<26xi32, #tpu.memory_space<vmem>>) semaphore(%arg10 : memref<!tpu.dma_semaphore, #tpu.memory_space<semaphore_mem>>)
    %dma_start3A_1453 = arith.constant 70 : i32
    %dma_start3A_1454 = arith.constant 6 : i32
    %dma_start3A_1455 = arith.constant 0 : i32
    %dma_start3A_1456 = arith.constant 0 : i32
    %dma_start3A_1457 = tpu.memref_slice %arg7[%dma_start3A_1454, %dma_start3A_1455, %dma_start3A_1456] : memref<16x26x64xf32, #tpu.memory_space<vmem>> -> memref<1x26x64xf32, #tpu.memory_space<vmem>>
    %dma_start3A_1458 = tpu.memref_squeeze %dma_start3A_1457 : memref<1x26x64xf32, #tpu.memory_space<vmem>> -> memref<26x64xf32, #tpu.memory_space<vmem>>
    %dma_start3A_1459 = arith.constant 0 : i32
    %dma_start3A_1460 = tpu.memref_slice %arg5[%dma_start3A_1453, %dma_start3A_1459] : memref<512x26xi32, #tpu.memory_space<vmem>> -> memref<1x26xi32, #tpu.memory_space<vmem>>
    %dma_start3A_1461 = tpu.memref_squeeze %dma_start3A_1460 : memref<1x26xi32, #tpu.memory_space<vmem>> -> memref<26xi32, #tpu.memory_space<vmem>>
    %dma_start3A_1462 = arith.constant 0 : i32
    %dma_start3A_1463 = arith.constant 0 : i32
    %dma_start3A_1464 = tpu.memref_slice %arg3[%dma_start3A_1462, %dma_start3A_1463] : memref<1000000x64xf32, #tpu.memory_space<hbm>> -> memref<1000000x64xf32, #tpu.memory_space<hbm>>
    tpu.enqueue_indirect_dma source(%dma_start3A_1464 : memref<1000000x64xf32, #tpu.memory_space<hbm>>) target(%dma_start3A_1458 : memref<26x64xf32, #tpu.memory_space<vmem>>) offsets(%dma_start3A_1461 : memref<26xi32, #tpu.memory_space<vmem>>) semaphore(%arg10 : memref<!tpu.dma_semaphore, #tpu.memory_space<semaphore_mem>>)
    %dma_start3A_1465 = arith.constant 71 : i32
    %dma_start3A_1466 = arith.constant 7 : i32
    %dma_start3A_1467 = arith.constant 0 : i32
    %dma_start3A_1468 = arith.constant 0 : i32
    %dma_start3A_1469 = tpu.memref_slice %arg7[%dma_start3A_1466, %dma_start3A_1467, %dma_start3A_1468] : memref<16x26x64xf32, #tpu.memory_space<vmem>> -> memref<1x26x64xf32, #tpu.memory_space<vmem>>
    %dma_start3A_1470 = tpu.memref_squeeze %dma_start3A_1469 : memref<1x26x64xf32, #tpu.memory_space<vmem>> -> memref<26x64xf32, #tpu.memory_space<vmem>>
    %dma_start3A_1471 = arith.constant 0 : i32
    %dma_start3A_1472 = tpu.memref_slice %arg5[%dma_start3A_1465, %dma_start3A_1471] : memref<512x26xi32, #tpu.memory_space<vmem>> -> memref<1x26xi32, #tpu.memory_space<vmem>>
    %dma_start3A_1473 = tpu.memref_squeeze %dma_start3A_1472 : memref<1x26xi32, #tpu.memory_space<vmem>> -> memref<26xi32, #tpu.memory_space<vmem>>
    %dma_start3A_1474 = arith.constant 0 : i32
    %dma_start3A_1475 = arith.constant 0 : i32
    %dma_start3A_1476 = tpu.memref_slice %arg3[%dma_start3A_1474, %dma_start3A_1475] : memref<1000000x64xf32, #tpu.memory_space<hbm>> -> memref<1000000x64xf32, #tpu.memory_space<hbm>>
    tpu.enqueue_indirect_dma source(%dma_start3A_1476 : memref<1000000x64xf32, #tpu.memory_space<hbm>>) target(%dma_start3A_1470 : memref<26x64xf32, #tpu.memory_space<vmem>>) offsets(%dma_start3A_1473 : memref<26xi32, #tpu.memory_space<vmem>>) semaphore(%arg10 : memref<!tpu.dma_semaphore, #tpu.memory_space<semaphore_mem>>)
    %dma_start3A_1477 = arith.constant 72 : i32
    %dma_start3A_1478 = arith.constant 8 : i32
    %dma_start3A_1479 = arith.constant 0 : i32
    %dma_start3A_1480 = arith.constant 0 : i32
    %dma_start3A_1481 = tpu.memref_slice %arg7[%dma_start3A_1478, %dma_start3A_1479, %dma_start3A_1480] : memref<16x26x64xf32, #tpu.memory_space<vmem>> -> memref<1x26x64xf32, #tpu.memory_space<vmem>>
    %dma_start3A_1482 = tpu.memref_squeeze %dma_start3A_1481 : memref<1x26x64xf32, #tpu.memory_space<vmem>> -> memref<26x64xf32, #tpu.memory_space<vmem>>
    %dma_start3A_1483 = arith.constant 0 : i32
    %dma_start3A_1484 = tpu.memref_slice %arg5[%dma_start3A_1477, %dma_start3A_1483] : memref<512x26xi32, #tpu.memory_space<vmem>> -> memref<1x26xi32, #tpu.memory_space<vmem>>
    %dma_start3A_1485 = tpu.memref_squeeze %dma_start3A_1484 : memref<1x26xi32, #tpu.memory_space<vmem>> -> memref<26xi32, #tpu.memory_space<vmem>>
    %dma_start3A_1486 = arith.constant 0 : i32
    %dma_start3A_1487 = arith.constant 0 : i32
    %dma_start3A_1488 = tpu.memref_slice %arg3[%dma_start3A_1486, %dma_start3A_1487] : memref<1000000x64xf32, #tpu.memory_space<hbm>> -> memref<1000000x64xf32, #tpu.memory_space<hbm>>
    tpu.enqueue_indirect_dma source(%dma_start3A_1488 : memref<1000000x64xf32, #tpu.memory_space<hbm>>) target(%dma_start3A_1482 : memref<26x64xf32, #tpu.memory_space<vmem>>) offsets(%dma_start3A_1485 : memref<26xi32, #tpu.memory_space<vmem>>) semaphore(%arg10 : memref<!tpu.dma_semaphore, #tpu.memory_space<semaphore_mem>>)
    %dma_start3A_1489 = arith.constant 73 : i32
    %dma_start3A_1490 = arith.constant 9 : i32
    %dma_start3A_1491 = arith.constant 0 : i32
    %dma_start3A_1492 = arith.constant 0 : i32
    %dma_start3A_1493 = tpu.memref_slice %arg7[%dma_start3A_1490, %dma_start3A_1491, %dma_start3A_1492] : memref<16x26x64xf32, #tpu.memory_space<vmem>> -> memref<1x26x64xf32, #tpu.memory_space<vmem>>
    %dma_start3A_1494 = tpu.memref_squeeze %dma_start3A_1493 : memref<1x26x64xf32, #tpu.memory_space<vmem>> -> memref<26x64xf32, #tpu.memory_space<vmem>>
    %dma_start3A_1495 = arith.constant 0 : i32
    %dma_start3A_1496 = tpu.memref_slice %arg5[%dma_start3A_1489, %dma_start3A_1495] : memref<512x26xi32, #tpu.memory_space<vmem>> -> memref<1x26xi32, #tpu.memory_space<vmem>>
    %dma_start3A_1497 = tpu.memref_squeeze %dma_start3A_1496 : memref<1x26xi32, #tpu.memory_space<vmem>> -> memref<26xi32, #tpu.memory_space<vmem>>
    %dma_start3A_1498 = arith.constant 0 : i32
    %dma_start3A_1499 = arith.constant 0 : i32
    %dma_start3A_1500 = tpu.memref_slice %arg3[%dma_start3A_1498, %dma_start3A_1499] : memref<1000000x64xf32, #tpu.memory_space<hbm>> -> memref<1000000x64xf32, #tpu.memory_space<hbm>>
    tpu.enqueue_indirect_dma source(%dma_start3A_1500 : memref<1000000x64xf32, #tpu.memory_space<hbm>>) target(%dma_start3A_1494 : memref<26x64xf32, #tpu.memory_space<vmem>>) offsets(%dma_start3A_1497 : memref<26xi32, #tpu.memory_space<vmem>>) semaphore(%arg10 : memref<!tpu.dma_semaphore, #tpu.memory_space<semaphore_mem>>)
    %dma_start3A_1501 = arith.constant 74 : i32
    %dma_start3A_1502 = arith.constant 10 : i32
    %dma_start3A_1503 = arith.constant 0 : i32
    %dma_start3A_1504 = arith.constant 0 : i32
    %dma_start3A_1505 = tpu.memref_slice %arg7[%dma_start3A_1502, %dma_start3A_1503, %dma_start3A_1504] : memref<16x26x64xf32, #tpu.memory_space<vmem>> -> memref<1x26x64xf32, #tpu.memory_space<vmem>>
    %dma_start3A_1506 = tpu.memref_squeeze %dma_start3A_1505 : memref<1x26x64xf32, #tpu.memory_space<vmem>> -> memref<26x64xf32, #tpu.memory_space<vmem>>
    %dma_start3A_1507 = arith.constant 0 : i32
    %dma_start3A_1508 = tpu.memref_slice %arg5[%dma_start3A_1501, %dma_start3A_1507] : memref<512x26xi32, #tpu.memory_space<vmem>> -> memref<1x26xi32, #tpu.memory_space<vmem>>
    %dma_start3A_1509 = tpu.memref_squeeze %dma_start3A_1508 : memref<1x26xi32, #tpu.memory_space<vmem>> -> memref<26xi32, #tpu.memory_space<vmem>>
    %dma_start3A_1510 = arith.constant 0 : i32
    %dma_start3A_1511 = arith.constant 0 : i32
    %dma_start3A_1512 = tpu.memref_slice %arg3[%dma_start3A_1510, %dma_start3A_1511] : memref<1000000x64xf32, #tpu.memory_space<hbm>> -> memref<1000000x64xf32, #tpu.memory_space<hbm>>
    tpu.enqueue_indirect_dma source(%dma_start3A_1512 : memref<1000000x64xf32, #tpu.memory_space<hbm>>) target(%dma_start3A_1506 : memref<26x64xf32, #tpu.memory_space<vmem>>) offsets(%dma_start3A_1509 : memref<26xi32, #tpu.memory_space<vmem>>) semaphore(%arg10 : memref<!tpu.dma_semaphore, #tpu.memory_space<semaphore_mem>>)
    %dma_start3A_1513 = arith.constant 75 : i32
    %dma_start3A_1514 = arith.constant 11 : i32
    %dma_start3A_1515 = arith.constant 0 : i32
    %dma_start3A_1516 = arith.constant 0 : i32
    %dma_start3A_1517 = tpu.memref_slice %arg7[%dma_start3A_1514, %dma_start3A_1515, %dma_start3A_1516] : memref<16x26x64xf32, #tpu.memory_space<vmem>> -> memref<1x26x64xf32, #tpu.memory_space<vmem>>
    %dma_start3A_1518 = tpu.memref_squeeze %dma_start3A_1517 : memref<1x26x64xf32, #tpu.memory_space<vmem>> -> memref<26x64xf32, #tpu.memory_space<vmem>>
    %dma_start3A_1519 = arith.constant 0 : i32
    %dma_start3A_1520 = tpu.memref_slice %arg5[%dma_start3A_1513, %dma_start3A_1519] : memref<512x26xi32, #tpu.memory_space<vmem>> -> memref<1x26xi32, #tpu.memory_space<vmem>>
    %dma_start3A_1521 = tpu.memref_squeeze %dma_start3A_1520 : memref<1x26xi32, #tpu.memory_space<vmem>> -> memref<26xi32, #tpu.memory_space<vmem>>
    %dma_start3A_1522 = arith.constant 0 : i32
    %dma_start3A_1523 = arith.constant 0 : i32
    %dma_start3A_1524 = tpu.memref_slice %arg3[%dma_start3A_1522, %dma_start3A_1523] : memref<1000000x64xf32, #tpu.memory_space<hbm>> -> memref<1000000x64xf32, #tpu.memory_space<hbm>>
    tpu.enqueue_indirect_dma source(%dma_start3A_1524 : memref<1000000x64xf32, #tpu.memory_space<hbm>>) target(%dma_start3A_1518 : memref<26x64xf32, #tpu.memory_space<vmem>>) offsets(%dma_start3A_1521 : memref<26xi32, #tpu.memory_space<vmem>>) semaphore(%arg10 : memref<!tpu.dma_semaphore, #tpu.memory_space<semaphore_mem>>)
    %dma_start3A_1525 = arith.constant 76 : i32
    %dma_start3A_1526 = arith.constant 12 : i32
    %dma_start3A_1527 = arith.constant 0 : i32
    %dma_start3A_1528 = arith.constant 0 : i32
    %dma_start3A_1529 = tpu.memref_slice %arg7[%dma_start3A_1526, %dma_start3A_1527, %dma_start3A_1528] : memref<16x26x64xf32, #tpu.memory_space<vmem>> -> memref<1x26x64xf32, #tpu.memory_space<vmem>>
    %dma_start3A_1530 = tpu.memref_squeeze %dma_start3A_1529 : memref<1x26x64xf32, #tpu.memory_space<vmem>> -> memref<26x64xf32, #tpu.memory_space<vmem>>
    %dma_start3A_1531 = arith.constant 0 : i32
    %dma_start3A_1532 = tpu.memref_slice %arg5[%dma_start3A_1525, %dma_start3A_1531] : memref<512x26xi32, #tpu.memory_space<vmem>> -> memref<1x26xi32, #tpu.memory_space<vmem>>
    %dma_start3A_1533 = tpu.memref_squeeze %dma_start3A_1532 : memref<1x26xi32, #tpu.memory_space<vmem>> -> memref<26xi32, #tpu.memory_space<vmem>>
    %dma_start3A_1534 = arith.constant 0 : i32
    %dma_start3A_1535 = arith.constant 0 : i32
    %dma_start3A_1536 = tpu.memref_slice %arg3[%dma_start3A_1534, %dma_start3A_1535] : memref<1000000x64xf32, #tpu.memory_space<hbm>> -> memref<1000000x64xf32, #tpu.memory_space<hbm>>
    tpu.enqueue_indirect_dma source(%dma_start3A_1536 : memref<1000000x64xf32, #tpu.memory_space<hbm>>) target(%dma_start3A_1530 : memref<26x64xf32, #tpu.memory_space<vmem>>) offsets(%dma_start3A_1533 : memref<26xi32, #tpu.memory_space<vmem>>) semaphore(%arg10 : memref<!tpu.dma_semaphore, #tpu.memory_space<semaphore_mem>>)
    %dma_start3A_1537 = arith.constant 77 : i32
    %dma_start3A_1538 = arith.constant 13 : i32
    %dma_start3A_1539 = arith.constant 0 : i32
    %dma_start3A_1540 = arith.constant 0 : i32
    %dma_start3A_1541 = tpu.memref_slice %arg7[%dma_start3A_1538, %dma_start3A_1539, %dma_start3A_1540] : memref<16x26x64xf32, #tpu.memory_space<vmem>> -> memref<1x26x64xf32, #tpu.memory_space<vmem>>
    %dma_start3A_1542 = tpu.memref_squeeze %dma_start3A_1541 : memref<1x26x64xf32, #tpu.memory_space<vmem>> -> memref<26x64xf32, #tpu.memory_space<vmem>>
    %dma_start3A_1543 = arith.constant 0 : i32
    %dma_start3A_1544 = tpu.memref_slice %arg5[%dma_start3A_1537, %dma_start3A_1543] : memref<512x26xi32, #tpu.memory_space<vmem>> -> memref<1x26xi32, #tpu.memory_space<vmem>>
    %dma_start3A_1545 = tpu.memref_squeeze %dma_start3A_1544 : memref<1x26xi32, #tpu.memory_space<vmem>> -> memref<26xi32, #tpu.memory_space<vmem>>
    %dma_start3A_1546 = arith.constant 0 : i32
    %dma_start3A_1547 = arith.constant 0 : i32
    %dma_start3A_1548 = tpu.memref_slice %arg3[%dma_start3A_1546, %dma_start3A_1547] : memref<1000000x64xf32, #tpu.memory_space<hbm>> -> memref<1000000x64xf32, #tpu.memory_space<hbm>>
    tpu.enqueue_indirect_dma source(%dma_start3A_1548 : memref<1000000x64xf32, #tpu.memory_space<hbm>>) target(%dma_start3A_1542 : memref<26x64xf32, #tpu.memory_space<vmem>>) offsets(%dma_start3A_1545 : memref<26xi32, #tpu.memory_space<vmem>>) semaphore(%arg10 : memref<!tpu.dma_semaphore, #tpu.memory_space<semaphore_mem>>)
    %dma_start3A_1549 = arith.constant 78 : i32
    %dma_start3A_1550 = arith.constant 14 : i32
    %dma_start3A_1551 = arith.constant 0 : i32
    %dma_start3A_1552 = arith.constant 0 : i32
    %dma_start3A_1553 = tpu.memref_slice %arg7[%dma_start3A_1550, %dma_start3A_1551, %dma_start3A_1552] : memref<16x26x64xf32, #tpu.memory_space<vmem>> -> memref<1x26x64xf32, #tpu.memory_space<vmem>>
    %dma_start3A_1554 = tpu.memref_squeeze %dma_start3A_1553 : memref<1x26x64xf32, #tpu.memory_space<vmem>> -> memref<26x64xf32, #tpu.memory_space<vmem>>
    %dma_start3A_1555 = arith.constant 0 : i32
    %dma_start3A_1556 = tpu.memref_slice %arg5[%dma_start3A_1549, %dma_start3A_1555] : memref<512x26xi32, #tpu.memory_space<vmem>> -> memref<1x26xi32, #tpu.memory_space<vmem>>
    %dma_start3A_1557 = tpu.memref_squeeze %dma_start3A_1556 : memref<1x26xi32, #tpu.memory_space<vmem>> -> memref<26xi32, #tpu.memory_space<vmem>>
    %dma_start3A_1558 = arith.constant 0 : i32
    %dma_start3A_1559 = arith.constant 0 : i32
    %dma_start3A_1560 = tpu.memref_slice %arg3[%dma_start3A_1558, %dma_start3A_1559] : memref<1000000x64xf32, #tpu.memory_space<hbm>> -> memref<1000000x64xf32, #tpu.memory_space<hbm>>
    tpu.enqueue_indirect_dma source(%dma_start3A_1560 : memref<1000000x64xf32, #tpu.memory_space<hbm>>) target(%dma_start3A_1554 : memref<26x64xf32, #tpu.memory_space<vmem>>) offsets(%dma_start3A_1557 : memref<26xi32, #tpu.memory_space<vmem>>) semaphore(%arg10 : memref<!tpu.dma_semaphore, #tpu.memory_space<semaphore_mem>>)
    %dma_start3A_1561 = arith.constant 79 : i32
    %dma_start3A_1562 = arith.constant 15 : i32
    %dma_start3A_1563 = arith.constant 0 : i32
    %dma_start3A_1564 = arith.constant 0 : i32
    %dma_start3A_1565 = tpu.memref_slice %arg7[%dma_start3A_1562, %dma_start3A_1563, %dma_start3A_1564] : memref<16x26x64xf32, #tpu.memory_space<vmem>> -> memref<1x26x64xf32, #tpu.memory_space<vmem>>
    %dma_start3A_1566 = tpu.memref_squeeze %dma_start3A_1565 : memref<1x26x64xf32, #tpu.memory_space<vmem>> -> memref<26x64xf32, #tpu.memory_space<vmem>>
    %dma_start3A_1567 = arith.constant 0 : i32
    %dma_start3A_1568 = tpu.memref_slice %arg5[%dma_start3A_1561, %dma_start3A_1567] : memref<512x26xi32, #tpu.memory_space<vmem>> -> memref<1x26xi32, #tpu.memory_space<vmem>>
    %dma_start3A_1569 = tpu.memref_squeeze %dma_start3A_1568 : memref<1x26xi32, #tpu.memory_space<vmem>> -> memref<26xi32, #tpu.memory_space<vmem>>
    %dma_start3A_1570 = arith.constant 0 : i32
    %dma_start3A_1571 = arith.constant 0 : i32
    %dma_start3A_1572 = tpu.memref_slice %arg3[%dma_start3A_1570, %dma_start3A_1571] : memref<1000000x64xf32, #tpu.memory_space<hbm>> -> memref<1000000x64xf32, #tpu.memory_space<hbm>>
    tpu.enqueue_indirect_dma source(%dma_start3A_1572 : memref<1000000x64xf32, #tpu.memory_space<hbm>>) target(%dma_start3A_1566 : memref<26x64xf32, #tpu.memory_space<vmem>>) offsets(%dma_start3A_1569 : memref<26xi32, #tpu.memory_space<vmem>>) semaphore(%arg10 : memref<!tpu.dma_semaphore, #tpu.memory_space<semaphore_mem>>)
    %scan3A = arith.constant 1 : i32
    %scan3A_1573 = arith.constant 9 : i32
    %scan3A_1574 = arith.addi %scan3A, %scan3A_1573 : i32
    %scan3A_1575 = arith.constant 1 : i32
    scf.for %scan3A_1995 = %scan3A to %scan3A_1574 step %scan3A_1575  : i32 {
      %mul3A_1996 = arith.constant 3 : i32
      %mul3A_1997 = arith.muli %mul3A_1996, %scan3A_1995 : i32
      %add3A_1998 = arith.constant 0 : i32
      %add3A_1999 = arith.addi %mul3A_1997, %add3A_1998 : i32
      %mul3A_2000 = arith.constant 16 : i32
      %mul3A_2001 = arith.muli %add3A_1999, %mul3A_2000 : i32
      %add3A_2002 = arith.constant 0 : i32
      %add3A_2003 = arith.addi %mul3A_2001, %add3A_2002 : i32
      %dma_wait3A_2004 = arith.constant 0 : i32
      %dma_wait3A_2005 = arith.constant 0 : i32
      %dma_wait3A_2006 = arith.constant 0 : i32
      %dma_wait3A_2007 = tpu.memref_slice %arg6[%dma_wait3A_2004, %dma_wait3A_2005, %dma_wait3A_2006] : memref<16x26x64xf32, #tpu.memory_space<vmem>> -> memref<1x26x64xf32, #tpu.memory_space<vmem>>
      %dma_wait3A_2008 = tpu.memref_squeeze %dma_wait3A_2007 : memref<1x26x64xf32, #tpu.memory_space<vmem>> -> memref<26x64xf32, #tpu.memory_space<vmem>>
      %dma_wait3A_2009 = arith.constant 0 : i32
      %dma_wait3A_2010 = tpu.memref_slice %arg5[%add3A_2003, %dma_wait3A_2009] : memref<512x26xi32, #tpu.memory_space<vmem>> -> memref<1x26xi32, #tpu.memory_space<vmem>>
      %dma_wait3A_2011 = tpu.memref_squeeze %dma_wait3A_2010 : memref<1x26xi32, #tpu.memory_space<vmem>> -> memref<26xi32, #tpu.memory_space<vmem>>
      %dma_wait3A_2012 = arith.constant 0 : i32
      %dma_wait3A_2013 = arith.constant 0 : i32
      %dma_wait3A_2014 = tpu.memref_slice %arg3[%dma_wait3A_2012, %dma_wait3A_2013] : memref<1000000x64xf32, #tpu.memory_space<hbm>> -> memref<1000000x64xf32, #tpu.memory_space<hbm>>
      tpu.wait_indirect_dma semaphore(%arg9 : memref<!tpu.dma_semaphore, #tpu.memory_space<semaphore_mem>>) src(%dma_wait3A_2014 : memref<1000000x64xf32, #tpu.memory_space<hbm>>) dst(%dma_wait3A_2008 : memref<26x64xf32, #tpu.memory_space<vmem>>)
      %mul3A_2015 = arith.constant 16 : i32
      %mul3A_2016 = arith.muli %add3A_1999, %mul3A_2015 : i32
      %add3A_2017 = arith.constant 1 : i32
      %add3A_2018 = arith.addi %mul3A_2016, %add3A_2017 : i32
      %dma_wait3A_2019 = arith.constant 1 : i32
      %dma_wait3A_2020 = arith.constant 0 : i32
      %dma_wait3A_2021 = arith.constant 0 : i32
      %dma_wait3A_2022 = tpu.memref_slice %arg6[%dma_wait3A_2019, %dma_wait3A_2020, %dma_wait3A_2021] : memref<16x26x64xf32, #tpu.memory_space<vmem>> -> memref<1x26x64xf32, #tpu.memory_space<vmem>>
      %dma_wait3A_2023 = tpu.memref_squeeze %dma_wait3A_2022 : memref<1x26x64xf32, #tpu.memory_space<vmem>> -> memref<26x64xf32, #tpu.memory_space<vmem>>
      %dma_wait3A_2024 = arith.constant 0 : i32
      %dma_wait3A_2025 = tpu.memref_slice %arg5[%add3A_2018, %dma_wait3A_2024] : memref<512x26xi32, #tpu.memory_space<vmem>> -> memref<1x26xi32, #tpu.memory_space<vmem>>
      %dma_wait3A_2026 = tpu.memref_squeeze %dma_wait3A_2025 : memref<1x26xi32, #tpu.memory_space<vmem>> -> memref<26xi32, #tpu.memory_space<vmem>>
      %dma_wait3A_2027 = arith.constant 0 : i32
      %dma_wait3A_2028 = arith.constant 0 : i32
      %dma_wait3A_2029 = tpu.memref_slice %arg3[%dma_wait3A_2027, %dma_wait3A_2028] : memref<1000000x64xf32, #tpu.memory_space<hbm>> -> memref<1000000x64xf32, #tpu.memory_space<hbm>>
      tpu.wait_indirect_dma semaphore(%arg9 : memref<!tpu.dma_semaphore, #tpu.memory_space<semaphore_mem>>) src(%dma_wait3A_2029 : memref<1000000x64xf32, #tpu.memory_space<hbm>>) dst(%dma_wait3A_2023 : memref<26x64xf32, #tpu.memory_space<vmem>>)
      %mul3A_2030 = arith.constant 16 : i32
      %mul3A_2031 = arith.muli %add3A_1999, %mul3A_2030 : i32
      %add3A_2032 = arith.constant 2 : i32
      %add3A_2033 = arith.addi %mul3A_2031, %add3A_2032 : i32
      %dma_wait3A_2034 = arith.constant 2 : i32
      %dma_wait3A_2035 = arith.constant 0 : i32
      %dma_wait3A_2036 = arith.constant 0 : i32
      %dma_wait3A_2037 = tpu.memref_slice %arg6[%dma_wait3A_2034, %dma_wait3A_2035, %dma_wait3A_2036] : memref<16x26x64xf32, #tpu.memory_space<vmem>> -> memref<1x26x64xf32, #tpu.memory_space<vmem>>
      %dma_wait3A_2038 = tpu.memref_squeeze %dma_wait3A_2037 : memref<1x26x64xf32, #tpu.memory_space<vmem>> -> memref<26x64xf32, #tpu.memory_space<vmem>>
      %dma_wait3A_2039 = arith.constant 0 : i32
      %dma_wait3A_2040 = tpu.memref_slice %arg5[%add3A_2033, %dma_wait3A_2039] : memref<512x26xi32, #tpu.memory_space<vmem>> -> memref<1x26xi32, #tpu.memory_space<vmem>>
      %dma_wait3A_2041 = tpu.memref_squeeze %dma_wait3A_2040 : memref<1x26xi32, #tpu.memory_space<vmem>> -> memref<26xi32, #tpu.memory_space<vmem>>
      %dma_wait3A_2042 = arith.constant 0 : i32
      %dma_wait3A_2043 = arith.constant 0 : i32
      %dma_wait3A_2044 = tpu.memref_slice %arg3[%dma_wait3A_2042, %dma_wait3A_2043] : memref<1000000x64xf32, #tpu.memory_space<hbm>> -> memref<1000000x64xf32, #tpu.memory_space<hbm>>
      tpu.wait_indirect_dma semaphore(%arg9 : memref<!tpu.dma_semaphore, #tpu.memory_space<semaphore_mem>>) src(%dma_wait3A_2044 : memref<1000000x64xf32, #tpu.memory_space<hbm>>) dst(%dma_wait3A_2038 : memref<26x64xf32, #tpu.memory_space<vmem>>)
      %mul3A_2045 = arith.constant 16 : i32
      %mul3A_2046 = arith.muli %add3A_1999, %mul3A_2045 : i32
      %add3A_2047 = arith.constant 3 : i32
      %add3A_2048 = arith.addi %mul3A_2046, %add3A_2047 : i32
      %dma_wait3A_2049 = arith.constant 3 : i32
      %dma_wait3A_2050 = arith.constant 0 : i32
      %dma_wait3A_2051 = arith.constant 0 : i32
      %dma_wait3A_2052 = tpu.memref_slice %arg6[%dma_wait3A_2049, %dma_wait3A_2050, %dma_wait3A_2051] : memref<16x26x64xf32, #tpu.memory_space<vmem>> -> memref<1x26x64xf32, #tpu.memory_space<vmem>>
      %dma_wait3A_2053 = tpu.memref_squeeze %dma_wait3A_2052 : memref<1x26x64xf32, #tpu.memory_space<vmem>> -> memref<26x64xf32, #tpu.memory_space<vmem>>
      %dma_wait3A_2054 = arith.constant 0 : i32
      %dma_wait3A_2055 = tpu.memref_slice %arg5[%add3A_2048, %dma_wait3A_2054] : memref<512x26xi32, #tpu.memory_space<vmem>> -> memref<1x26xi32, #tpu.memory_space<vmem>>
      %dma_wait3A_2056 = tpu.memref_squeeze %dma_wait3A_2055 : memref<1x26xi32, #tpu.memory_space<vmem>> -> memref<26xi32, #tpu.memory_space<vmem>>
      %dma_wait3A_2057 = arith.constant 0 : i32
      %dma_wait3A_2058 = arith.constant 0 : i32
      %dma_wait3A_2059 = tpu.memref_slice %arg3[%dma_wait3A_2057, %dma_wait3A_2058] : memref<1000000x64xf32, #tpu.memory_space<hbm>> -> memref<1000000x64xf32, #tpu.memory_space<hbm>>
      tpu.wait_indirect_dma semaphore(%arg9 : memref<!tpu.dma_semaphore, #tpu.memory_space<semaphore_mem>>) src(%dma_wait3A_2059 : memref<1000000x64xf32, #tpu.memory_space<hbm>>) dst(%dma_wait3A_2053 : memref<26x64xf32, #tpu.memory_space<vmem>>)
      %mul3A_2060 = arith.constant 16 : i32
      %mul3A_2061 = arith.muli %add3A_1999, %mul3A_2060 : i32
      %add3A_2062 = arith.constant 4 : i32
      %add3A_2063 = arith.addi %mul3A_2061, %add3A_2062 : i32
      %dma_wait3A_2064 = arith.constant 4 : i32
      %dma_wait3A_2065 = arith.constant 0 : i32
      %dma_wait3A_2066 = arith.constant 0 : i32
      %dma_wait3A_2067 = tpu.memref_slice %arg6[%dma_wait3A_2064, %dma_wait3A_2065, %dma_wait3A_2066] : memref<16x26x64xf32, #tpu.memory_space<vmem>> -> memref<1x26x64xf32, #tpu.memory_space<vmem>>
      %dma_wait3A_2068 = tpu.memref_squeeze %dma_wait3A_2067 : memref<1x26x64xf32, #tpu.memory_space<vmem>> -> memref<26x64xf32, #tpu.memory_space<vmem>>
      %dma_wait3A_2069 = arith.constant 0 : i32
      %dma_wait3A_2070 = tpu.memref_slice %arg5[%add3A_2063, %dma_wait3A_2069] : memref<512x26xi32, #tpu.memory_space<vmem>> -> memref<1x26xi32, #tpu.memory_space<vmem>>
      %dma_wait3A_2071 = tpu.memref_squeeze %dma_wait3A_2070 : memref<1x26xi32, #tpu.memory_space<vmem>> -> memref<26xi32, #tpu.memory_space<vmem>>
      %dma_wait3A_2072 = arith.constant 0 : i32
      %dma_wait3A_2073 = arith.constant 0 : i32
      %dma_wait3A_2074 = tpu.memref_slice %arg3[%dma_wait3A_2072, %dma_wait3A_2073] : memref<1000000x64xf32, #tpu.memory_space<hbm>> -> memref<1000000x64xf32, #tpu.memory_space<hbm>>
      tpu.wait_indirect_dma semaphore(%arg9 : memref<!tpu.dma_semaphore, #tpu.memory_space<semaphore_mem>>) src(%dma_wait3A_2074 : memref<1000000x64xf32, #tpu.memory_space<hbm>>) dst(%dma_wait3A_2068 : memref<26x64xf32, #tpu.memory_space<vmem>>)
      %mul3A_2075 = arith.constant 16 : i32
      %mul3A_2076 = arith.muli %add3A_1999, %mul3A_2075 : i32
      %add3A_2077 = arith.constant 5 : i32
      %add3A_2078 = arith.addi %mul3A_2076, %add3A_2077 : i32
      %dma_wait3A_2079 = arith.constant 5 : i32
      %dma_wait3A_2080 = arith.constant 0 : i32
      %dma_wait3A_2081 = arith.constant 0 : i32
      %dma_wait3A_2082 = tpu.memref_slice %arg6[%dma_wait3A_2079, %dma_wait3A_2080, %dma_wait3A_2081] : memref<16x26x64xf32, #tpu.memory_space<vmem>> -> memref<1x26x64xf32, #tpu.memory_space<vmem>>
      %dma_wait3A_2083 = tpu.memref_squeeze %dma_wait3A_2082 : memref<1x26x64xf32, #tpu.memory_space<vmem>> -> memref<26x64xf32, #tpu.memory_space<vmem>>
      %dma_wait3A_2084 = arith.constant 0 : i32
      %dma_wait3A_2085 = tpu.memref_slice %arg5[%add3A_2078, %dma_wait3A_2084] : memref<512x26xi32, #tpu.memory_space<vmem>> -> memref<1x26xi32, #tpu.memory_space<vmem>>
      %dma_wait3A_2086 = tpu.memref_squeeze %dma_wait3A_2085 : memref<1x26xi32, #tpu.memory_space<vmem>> -> memref<26xi32, #tpu.memory_space<vmem>>
      %dma_wait3A_2087 = arith.constant 0 : i32
      %dma_wait3A_2088 = arith.constant 0 : i32
      %dma_wait3A_2089 = tpu.memref_slice %arg3[%dma_wait3A_2087, %dma_wait3A_2088] : memref<1000000x64xf32, #tpu.memory_space<hbm>> -> memref<1000000x64xf32, #tpu.memory_space<hbm>>
      tpu.wait_indirect_dma semaphore(%arg9 : memref<!tpu.dma_semaphore, #tpu.memory_space<semaphore_mem>>) src(%dma_wait3A_2089 : memref<1000000x64xf32, #tpu.memory_space<hbm>>) dst(%dma_wait3A_2083 : memref<26x64xf32, #tpu.memory_space<vmem>>)
      %mul3A_2090 = arith.constant 16 : i32
      %mul3A_2091 = arith.muli %add3A_1999, %mul3A_2090 : i32
      %add3A_2092 = arith.constant 6 : i32
      %add3A_2093 = arith.addi %mul3A_2091, %add3A_2092 : i32
      %dma_wait3A_2094 = arith.constant 6 : i32
      %dma_wait3A_2095 = arith.constant 0 : i32
      %dma_wait3A_2096 = arith.constant 0 : i32
      %dma_wait3A_2097 = tpu.memref_slice %arg6[%dma_wait3A_2094, %dma_wait3A_2095, %dma_wait3A_2096] : memref<16x26x64xf32, #tpu.memory_space<vmem>> -> memref<1x26x64xf32, #tpu.memory_space<vmem>>
      %dma_wait3A_2098 = tpu.memref_squeeze %dma_wait3A_2097 : memref<1x26x64xf32, #tpu.memory_space<vmem>> -> memref<26x64xf32, #tpu.memory_space<vmem>>
      %dma_wait3A_2099 = arith.constant 0 : i32
      %dma_wait3A_2100 = tpu.memref_slice %arg5[%add3A_2093, %dma_wait3A_2099] : memref<512x26xi32, #tpu.memory_space<vmem>> -> memref<1x26xi32, #tpu.memory_space<vmem>>
      %dma_wait3A_2101 = tpu.memref_squeeze %dma_wait3A_2100 : memref<1x26xi32, #tpu.memory_space<vmem>> -> memref<26xi32, #tpu.memory_space<vmem>>
      %dma_wait3A_2102 = arith.constant 0 : i32
      %dma_wait3A_2103 = arith.constant 0 : i32
      %dma_wait3A_2104 = tpu.memref_slice %arg3[%dma_wait3A_2102, %dma_wait3A_2103] : memref<1000000x64xf32, #tpu.memory_space<hbm>> -> memref<1000000x64xf32, #tpu.memory_space<hbm>>
      tpu.wait_indirect_dma semaphore(%arg9 : memref<!tpu.dma_semaphore, #tpu.memory_space<semaphore_mem>>) src(%dma_wait3A_2104 : memref<1000000x64xf32, #tpu.memory_space<hbm>>) dst(%dma_wait3A_2098 : memref<26x64xf32, #tpu.memory_space<vmem>>)
      %mul3A_2105 = arith.constant 16 : i32
      %mul3A_2106 = arith.muli %add3A_1999, %mul3A_2105 : i32
      %add3A_2107 = arith.constant 7 : i32
      %add3A_2108 = arith.addi %mul3A_2106, %add3A_2107 : i32
      %dma_wait3A_2109 = arith.constant 7 : i32
      %dma_wait3A_2110 = arith.constant 0 : i32
      %dma_wait3A_2111 = arith.constant 0 : i32
      %dma_wait3A_2112 = tpu.memref_slice %arg6[%dma_wait3A_2109, %dma_wait3A_2110, %dma_wait3A_2111] : memref<16x26x64xf32, #tpu.memory_space<vmem>> -> memref<1x26x64xf32, #tpu.memory_space<vmem>>
      %dma_wait3A_2113 = tpu.memref_squeeze %dma_wait3A_2112 : memref<1x26x64xf32, #tpu.memory_space<vmem>> -> memref<26x64xf32, #tpu.memory_space<vmem>>
      %dma_wait3A_2114 = arith.constant 0 : i32
      %dma_wait3A_2115 = tpu.memref_slice %arg5[%add3A_2108, %dma_wait3A_2114] : memref<512x26xi32, #tpu.memory_space<vmem>> -> memref<1x26xi32, #tpu.memory_space<vmem>>
      %dma_wait3A_2116 = tpu.memref_squeeze %dma_wait3A_2115 : memref<1x26xi32, #tpu.memory_space<vmem>> -> memref<26xi32, #tpu.memory_space<vmem>>
      %dma_wait3A_2117 = arith.constant 0 : i32
      %dma_wait3A_2118 = arith.constant 0 : i32
      %dma_wait3A_2119 = tpu.memref_slice %arg3[%dma_wait3A_2117, %dma_wait3A_2118] : memref<1000000x64xf32, #tpu.memory_space<hbm>> -> memref<1000000x64xf32, #tpu.memory_space<hbm>>
      tpu.wait_indirect_dma semaphore(%arg9 : memref<!tpu.dma_semaphore, #tpu.memory_space<semaphore_mem>>) src(%dma_wait3A_2119 : memref<1000000x64xf32, #tpu.memory_space<hbm>>) dst(%dma_wait3A_2113 : memref<26x64xf32, #tpu.memory_space<vmem>>)
      %mul3A_2120 = arith.constant 16 : i32
      %mul3A_2121 = arith.muli %add3A_1999, %mul3A_2120 : i32
      %add3A_2122 = arith.constant 8 : i32
      %add3A_2123 = arith.addi %mul3A_2121, %add3A_2122 : i32
      %dma_wait3A_2124 = arith.constant 8 : i32
      %dma_wait3A_2125 = arith.constant 0 : i32
      %dma_wait3A_2126 = arith.constant 0 : i32
      %dma_wait3A_2127 = tpu.memref_slice %arg6[%dma_wait3A_2124, %dma_wait3A_2125, %dma_wait3A_2126] : memref<16x26x64xf32, #tpu.memory_space<vmem>> -> memref<1x26x64xf32, #tpu.memory_space<vmem>>
      %dma_wait3A_2128 = tpu.memref_squeeze %dma_wait3A_2127 : memref<1x26x64xf32, #tpu.memory_space<vmem>> -> memref<26x64xf32, #tpu.memory_space<vmem>>
      %dma_wait3A_2129 = arith.constant 0 : i32
      %dma_wait3A_2130 = tpu.memref_slice %arg5[%add3A_2123, %dma_wait3A_2129] : memref<512x26xi32, #tpu.memory_space<vmem>> -> memref<1x26xi32, #tpu.memory_space<vmem>>
      %dma_wait3A_2131 = tpu.memref_squeeze %dma_wait3A_2130 : memref<1x26xi32, #tpu.memory_space<vmem>> -> memref<26xi32, #tpu.memory_space<vmem>>
      %dma_wait3A_2132 = arith.constant 0 : i32
      %dma_wait3A_2133 = arith.constant 0 : i32
      %dma_wait3A_2134 = tpu.memref_slice %arg3[%dma_wait3A_2132, %dma_wait3A_2133] : memref<1000000x64xf32, #tpu.memory_space<hbm>> -> memref<1000000x64xf32, #tpu.memory_space<hbm>>
      tpu.wait_indirect_dma semaphore(%arg9 : memref<!tpu.dma_semaphore, #tpu.memory_space<semaphore_mem>>) src(%dma_wait3A_2134 : memref<1000000x64xf32, #tpu.memory_space<hbm>>) dst(%dma_wait3A_2128 : memref<26x64xf32, #tpu.memory_space<vmem>>)
      %mul3A_2135 = arith.constant 16 : i32
      %mul3A_2136 = arith.muli %add3A_1999, %mul3A_2135 : i32
      %add3A_2137 = arith.constant 9 : i32
      %add3A_2138 = arith.addi %mul3A_2136, %add3A_2137 : i32
      %dma_wait3A_2139 = arith.constant 9 : i32
      %dma_wait3A_2140 = arith.constant 0 : i32
      %dma_wait3A_2141 = arith.constant 0 : i32
      %dma_wait3A_2142 = tpu.memref_slice %arg6[%dma_wait3A_2139, %dma_wait3A_2140, %dma_wait3A_2141] : memref<16x26x64xf32, #tpu.memory_space<vmem>> -> memref<1x26x64xf32, #tpu.memory_space<vmem>>
      %dma_wait3A_2143 = tpu.memref_squeeze %dma_wait3A_2142 : memref<1x26x64xf32, #tpu.memory_space<vmem>> -> memref<26x64xf32, #tpu.memory_space<vmem>>
      %dma_wait3A_2144 = arith.constant 0 : i32
      %dma_wait3A_2145 = tpu.memref_slice %arg5[%add3A_2138, %dma_wait3A_2144] : memref<512x26xi32, #tpu.memory_space<vmem>> -> memref<1x26xi32, #tpu.memory_space<vmem>>
      %dma_wait3A_2146 = tpu.memref_squeeze %dma_wait3A_2145 : memref<1x26xi32, #tpu.memory_space<vmem>> -> memref<26xi32, #tpu.memory_space<vmem>>
      %dma_wait3A_2147 = arith.constant 0 : i32
      %dma_wait3A_2148 = arith.constant 0 : i32
      %dma_wait3A_2149 = tpu.memref_slice %arg3[%dma_wait3A_2147, %dma_wait3A_2148] : memref<1000000x64xf32, #tpu.memory_space<hbm>> -> memref<1000000x64xf32, #tpu.memory_space<hbm>>
      tpu.wait_indirect_dma semaphore(%arg9 : memref<!tpu.dma_semaphore, #tpu.memory_space<semaphore_mem>>) src(%dma_wait3A_2149 : memref<1000000x64xf32, #tpu.memory_space<hbm>>) dst(%dma_wait3A_2143 : memref<26x64xf32, #tpu.memory_space<vmem>>)
      %mul3A_2150 = arith.constant 16 : i32
      %mul3A_2151 = arith.muli %add3A_1999, %mul3A_2150 : i32
      %add3A_2152 = arith.constant 10 : i32
      %add3A_2153 = arith.addi %mul3A_2151, %add3A_2152 : i32
      %dma_wait3A_2154 = arith.constant 10 : i32
      %dma_wait3A_2155 = arith.constant 0 : i32
      %dma_wait3A_2156 = arith.constant 0 : i32
      %dma_wait3A_2157 = tpu.memref_slice %arg6[%dma_wait3A_2154, %dma_wait3A_2155, %dma_wait3A_2156] : memref<16x26x64xf32, #tpu.memory_space<vmem>> -> memref<1x26x64xf32, #tpu.memory_space<vmem>>
      %dma_wait3A_2158 = tpu.memref_squeeze %dma_wait3A_2157 : memref<1x26x64xf32, #tpu.memory_space<vmem>> -> memref<26x64xf32, #tpu.memory_space<vmem>>
      %dma_wait3A_2159 = arith.constant 0 : i32
      %dma_wait3A_2160 = tpu.memref_slice %arg5[%add3A_2153, %dma_wait3A_2159] : memref<512x26xi32, #tpu.memory_space<vmem>> -> memref<1x26xi32, #tpu.memory_space<vmem>>
      %dma_wait3A_2161 = tpu.memref_squeeze %dma_wait3A_2160 : memref<1x26xi32, #tpu.memory_space<vmem>> -> memref<26xi32, #tpu.memory_space<vmem>>
      %dma_wait3A_2162 = arith.constant 0 : i32
      %dma_wait3A_2163 = arith.constant 0 : i32
      %dma_wait3A_2164 = tpu.memref_slice %arg3[%dma_wait3A_2162, %dma_wait3A_2163] : memref<1000000x64xf32, #tpu.memory_space<hbm>> -> memref<1000000x64xf32, #tpu.memory_space<hbm>>
      tpu.wait_indirect_dma semaphore(%arg9 : memref<!tpu.dma_semaphore, #tpu.memory_space<semaphore_mem>>) src(%dma_wait3A_2164 : memref<1000000x64xf32, #tpu.memory_space<hbm>>) dst(%dma_wait3A_2158 : memref<26x64xf32, #tpu.memory_space<vmem>>)
      %mul3A_2165 = arith.constant 16 : i32
      %mul3A_2166 = arith.muli %add3A_1999, %mul3A_2165 : i32
      %add3A_2167 = arith.constant 11 : i32
      %add3A_2168 = arith.addi %mul3A_2166, %add3A_2167 : i32
      %dma_wait3A_2169 = arith.constant 11 : i32
      %dma_wait3A_2170 = arith.constant 0 : i32
      %dma_wait3A_2171 = arith.constant 0 : i32
      %dma_wait3A_2172 = tpu.memref_slice %arg6[%dma_wait3A_2169, %dma_wait3A_2170, %dma_wait3A_2171] : memref<16x26x64xf32, #tpu.memory_space<vmem>> -> memref<1x26x64xf32, #tpu.memory_space<vmem>>
      %dma_wait3A_2173 = tpu.memref_squeeze %dma_wait3A_2172 : memref<1x26x64xf32, #tpu.memory_space<vmem>> -> memref<26x64xf32, #tpu.memory_space<vmem>>
      %dma_wait3A_2174 = arith.constant 0 : i32
      %dma_wait3A_2175 = tpu.memref_slice %arg5[%add3A_2168, %dma_wait3A_2174] : memref<512x26xi32, #tpu.memory_space<vmem>> -> memref<1x26xi32, #tpu.memory_space<vmem>>
      %dma_wait3A_2176 = tpu.memref_squeeze %dma_wait3A_2175 : memref<1x26xi32, #tpu.memory_space<vmem>> -> memref<26xi32, #tpu.memory_space<vmem>>
      %dma_wait3A_2177 = arith.constant 0 : i32
      %dma_wait3A_2178 = arith.constant 0 : i32
      %dma_wait3A_2179 = tpu.memref_slice %arg3[%dma_wait3A_2177, %dma_wait3A_2178] : memref<1000000x64xf32, #tpu.memory_space<hbm>> -> memref<1000000x64xf32, #tpu.memory_space<hbm>>
      tpu.wait_indirect_dma semaphore(%arg9 : memref<!tpu.dma_semaphore, #tpu.memory_space<semaphore_mem>>) src(%dma_wait3A_2179 : memref<1000000x64xf32, #tpu.memory_space<hbm>>) dst(%dma_wait3A_2173 : memref<26x64xf32, #tpu.memory_space<vmem>>)
      %mul3A_2180 = arith.constant 16 : i32
      %mul3A_2181 = arith.muli %add3A_1999, %mul3A_2180 : i32
      %add3A_2182 = arith.constant 12 : i32
      %add3A_2183 = arith.addi %mul3A_2181, %add3A_2182 : i32
      %dma_wait3A_2184 = arith.constant 12 : i32
      %dma_wait3A_2185 = arith.constant 0 : i32
      %dma_wait3A_2186 = arith.constant 0 : i32
      %dma_wait3A_2187 = tpu.memref_slice %arg6[%dma_wait3A_2184, %dma_wait3A_2185, %dma_wait3A_2186] : memref<16x26x64xf32, #tpu.memory_space<vmem>> -> memref<1x26x64xf32, #tpu.memory_space<vmem>>
      %dma_wait3A_2188 = tpu.memref_squeeze %dma_wait3A_2187 : memref<1x26x64xf32, #tpu.memory_space<vmem>> -> memref<26x64xf32, #tpu.memory_space<vmem>>
      %dma_wait3A_2189 = arith.constant 0 : i32
      %dma_wait3A_2190 = tpu.memref_slice %arg5[%add3A_2183, %dma_wait3A_2189] : memref<512x26xi32, #tpu.memory_space<vmem>> -> memref<1x26xi32, #tpu.memory_space<vmem>>
      %dma_wait3A_2191 = tpu.memref_squeeze %dma_wait3A_2190 : memref<1x26xi32, #tpu.memory_space<vmem>> -> memref<26xi32, #tpu.memory_space<vmem>>
      %dma_wait3A_2192 = arith.constant 0 : i32
      %dma_wait3A_2193 = arith.constant 0 : i32
      %dma_wait3A_2194 = tpu.memref_slice %arg3[%dma_wait3A_2192, %dma_wait3A_2193] : memref<1000000x64xf32, #tpu.memory_space<hbm>> -> memref<1000000x64xf32, #tpu.memory_space<hbm>>
      tpu.wait_indirect_dma semaphore(%arg9 : memref<!tpu.dma_semaphore, #tpu.memory_space<semaphore_mem>>) src(%dma_wait3A_2194 : memref<1000000x64xf32, #tpu.memory_space<hbm>>) dst(%dma_wait3A_2188 : memref<26x64xf32, #tpu.memory_space<vmem>>)
      %mul3A_2195 = arith.constant 16 : i32
      %mul3A_2196 = arith.muli %add3A_1999, %mul3A_2195 : i32
      %add3A_2197 = arith.constant 13 : i32
      %add3A_2198 = arith.addi %mul3A_2196, %add3A_2197 : i32
      %dma_wait3A_2199 = arith.constant 13 : i32
      %dma_wait3A_2200 = arith.constant 0 : i32
      %dma_wait3A_2201 = arith.constant 0 : i32
      %dma_wait3A_2202 = tpu.memref_slice %arg6[%dma_wait3A_2199, %dma_wait3A_2200, %dma_wait3A_2201] : memref<16x26x64xf32, #tpu.memory_space<vmem>> -> memref<1x26x64xf32, #tpu.memory_space<vmem>>
      %dma_wait3A_2203 = tpu.memref_squeeze %dma_wait3A_2202 : memref<1x26x64xf32, #tpu.memory_space<vmem>> -> memref<26x64xf32, #tpu.memory_space<vmem>>
      %dma_wait3A_2204 = arith.constant 0 : i32
      %dma_wait3A_2205 = tpu.memref_slice %arg5[%add3A_2198, %dma_wait3A_2204] : memref<512x26xi32, #tpu.memory_space<vmem>> -> memref<1x26xi32, #tpu.memory_space<vmem>>
      %dma_wait3A_2206 = tpu.memref_squeeze %dma_wait3A_2205 : memref<1x26xi32, #tpu.memory_space<vmem>> -> memref<26xi32, #tpu.memory_space<vmem>>
      %dma_wait3A_2207 = arith.constant 0 : i32
      %dma_wait3A_2208 = arith.constant 0 : i32
      %dma_wait3A_2209 = tpu.memref_slice %arg3[%dma_wait3A_2207, %dma_wait3A_2208] : memref<1000000x64xf32, #tpu.memory_space<hbm>> -> memref<1000000x64xf32, #tpu.memory_space<hbm>>
      tpu.wait_indirect_dma semaphore(%arg9 : memref<!tpu.dma_semaphore, #tpu.memory_space<semaphore_mem>>) src(%dma_wait3A_2209 : memref<1000000x64xf32, #tpu.memory_space<hbm>>) dst(%dma_wait3A_2203 : memref<26x64xf32, #tpu.memory_space<vmem>>)
      %mul3A_2210 = arith.constant 16 : i32
      %mul3A_2211 = arith.muli %add3A_1999, %mul3A_2210 : i32
      %add3A_2212 = arith.constant 14 : i32
      %add3A_2213 = arith.addi %mul3A_2211, %add3A_2212 : i32
      %dma_wait3A_2214 = arith.constant 14 : i32
      %dma_wait3A_2215 = arith.constant 0 : i32
      %dma_wait3A_2216 = arith.constant 0 : i32
      %dma_wait3A_2217 = tpu.memref_slice %arg6[%dma_wait3A_2214, %dma_wait3A_2215, %dma_wait3A_2216] : memref<16x26x64xf32, #tpu.memory_space<vmem>> -> memref<1x26x64xf32, #tpu.memory_space<vmem>>
      %dma_wait3A_2218 = tpu.memref_squeeze %dma_wait3A_2217 : memref<1x26x64xf32, #tpu.memory_space<vmem>> -> memref<26x64xf32, #tpu.memory_space<vmem>>
      %dma_wait3A_2219 = arith.constant 0 : i32
      %dma_wait3A_2220 = tpu.memref_slice %arg5[%add3A_2213, %dma_wait3A_2219] : memref<512x26xi32, #tpu.memory_space<vmem>> -> memref<1x26xi32, #tpu.memory_space<vmem>>
      %dma_wait3A_2221 = tpu.memref_squeeze %dma_wait3A_2220 : memref<1x26xi32, #tpu.memory_space<vmem>> -> memref<26xi32, #tpu.memory_space<vmem>>
      %dma_wait3A_2222 = arith.constant 0 : i32
      %dma_wait3A_2223 = arith.constant 0 : i32
      %dma_wait3A_2224 = tpu.memref_slice %arg3[%dma_wait3A_2222, %dma_wait3A_2223] : memref<1000000x64xf32, #tpu.memory_space<hbm>> -> memref<1000000x64xf32, #tpu.memory_space<hbm>>
      tpu.wait_indirect_dma semaphore(%arg9 : memref<!tpu.dma_semaphore, #tpu.memory_space<semaphore_mem>>) src(%dma_wait3A_2224 : memref<1000000x64xf32, #tpu.memory_space<hbm>>) dst(%dma_wait3A_2218 : memref<26x64xf32, #tpu.memory_space<vmem>>)
      %mul3A_2225 = arith.constant 16 : i32
      %mul3A_2226 = arith.muli %add3A_1999, %mul3A_2225 : i32
      %add3A_2227 = arith.constant 15 : i32
      %add3A_2228 = arith.addi %mul3A_2226, %add3A_2227 : i32
      %dma_wait3A_2229 = arith.constant 15 : i32
      %dma_wait3A_2230 = arith.constant 0 : i32
      %dma_wait3A_2231 = arith.constant 0 : i32
      %dma_wait3A_2232 = tpu.memref_slice %arg6[%dma_wait3A_2229, %dma_wait3A_2230, %dma_wait3A_2231] : memref<16x26x64xf32, #tpu.memory_space<vmem>> -> memref<1x26x64xf32, #tpu.memory_space<vmem>>
      %dma_wait3A_2233 = tpu.memref_squeeze %dma_wait3A_2232 : memref<1x26x64xf32, #tpu.memory_space<vmem>> -> memref<26x64xf32, #tpu.memory_space<vmem>>
      %dma_wait3A_2234 = arith.constant 0 : i32
      %dma_wait3A_2235 = tpu.memref_slice %arg5[%add3A_2228, %dma_wait3A_2234] : memref<512x26xi32, #tpu.memory_space<vmem>> -> memref<1x26xi32, #tpu.memory_space<vmem>>
      %dma_wait3A_2236 = tpu.memref_squeeze %dma_wait3A_2235 : memref<1x26xi32, #tpu.memory_space<vmem>> -> memref<26xi32, #tpu.memory_space<vmem>>
      %dma_wait3A_2237 = arith.constant 0 : i32
      %dma_wait3A_2238 = arith.constant 0 : i32
      %dma_wait3A_2239 = tpu.memref_slice %arg3[%dma_wait3A_2237, %dma_wait3A_2238] : memref<1000000x64xf32, #tpu.memory_space<hbm>> -> memref<1000000x64xf32, #tpu.memory_space<hbm>>
      tpu.wait_indirect_dma semaphore(%arg9 : memref<!tpu.dma_semaphore, #tpu.memory_space<semaphore_mem>>) src(%dma_wait3A_2239 : memref<1000000x64xf32, #tpu.memory_space<hbm>>) dst(%dma_wait3A_2233 : memref<26x64xf32, #tpu.memory_space<vmem>>)
      %mul3A_2240 = arith.constant 16 : i32
      %mul3A_2241 = arith.muli %add3A_1999, %mul3A_2240 : i32
      %add3A_2242 = arith.addi %mul3A_2, %mul3A_2241 : i32
      %dma_start3A_2243 = arith.constant 0 : i32
      %dma_start3A_2244 = arith.constant 0 : i32
      %dma_start3A_2245 = tpu.memref_slice %arg4[%add3A_2242, %dma_start3A_2243, %dma_start3A_2244] : memref<16384x26x64xf32, #tpu.memory_space<hbm>> -> memref<16x26x64xf32, #tpu.memory_space<hbm>>
      %dma_start3A_2246 = arith.constant 0 : i32
      %dma_start3A_2247 = arith.constant 0 : i32
      %dma_start3A_2248 = tpu.memref_slice %arg4[%add3A_2242, %dma_start3A_2246, %dma_start3A_2247] : memref<16384x26x64xf32, #tpu.memory_space<hbm>> -> memref<16x26x64xf32, #tpu.memory_space<hbm>>
      tpu.enqueue_dma source(%arg6 : memref<16x26x64xf32, #tpu.memory_space<vmem>>) target(%dma_start3A_2248 : memref<16x26x64xf32, #tpu.memory_space<hbm>>) target_semaphore(%arg12 : memref<!tpu.dma_semaphore, #tpu.memory_space<semaphore_mem>>)
      %dma_wait3A_2249 = arith.constant 0 : i32
      %dma_wait3A_2250 = arith.constant 0 : i32
      %dma_wait3A_2251 = tpu.memref_slice %arg4[%mul3A_2, %dma_wait3A_2249, %dma_wait3A_2250] : memref<16384x26x64xf32, #tpu.memory_space<hbm>> -> memref<16x26x64xf32, #tpu.memory_space<hbm>>
      %dma_wait3A_2252 = arith.constant 0 : i32
      %dma_wait3A_2253 = arith.constant 0 : i32
      %dma_wait3A_2254 = tpu.memref_slice %arg4[%mul3A_2, %dma_wait3A_2252, %dma_wait3A_2253] : memref<16384x26x64xf32, #tpu.memory_space<hbm>> -> memref<16x26x64xf32, #tpu.memory_space<hbm>>
      tpu.wait_dma2 semaphore(%arg14 : memref<!tpu.dma_semaphore, #tpu.memory_space<semaphore_mem>>) src(%arg8 : memref<16x26x64xf32, #tpu.memory_space<vmem>>) dst(%dma_wait3A_2254 : memref<16x26x64xf32, #tpu.memory_space<hbm>>)
      %add3A_2255 = arith.constant 2 : i32
      %add3A_2256 = arith.addi %add3A_1999, %add3A_2255 : i32
      %mul3A_2257 = arith.constant 16 : i32
      %mul3A_2258 = arith.muli %add3A_2256, %mul3A_2257 : i32
      %add3A_2259 = arith.constant 0 : i32
      %add3A_2260 = arith.addi %mul3A_2258, %add3A_2259 : i32
      %dma_start3A_2261 = arith.constant 0 : i32
      %dma_start3A_2262 = arith.constant 0 : i32
      %dma_start3A_2263 = arith.constant 0 : i32
      %dma_start3A_2264 = tpu.memref_slice %arg8[%dma_start3A_2261, %dma_start3A_2262, %dma_start3A_2263] : memref<16x26x64xf32, #tpu.memory_space<vmem>> -> memref<1x26x64xf32, #tpu.memory_space<vmem>>
      %dma_start3A_2265 = tpu.memref_squeeze %dma_start3A_2264 : memref<1x26x64xf32, #tpu.memory_space<vmem>> -> memref<26x64xf32, #tpu.memory_space<vmem>>
      %dma_start3A_2266 = arith.constant 0 : i32
      %dma_start3A_2267 = tpu.memref_slice %arg5[%add3A_2260, %dma_start3A_2266] : memref<512x26xi32, #tpu.memory_space<vmem>> -> memref<1x26xi32, #tpu.memory_space<vmem>>
      %dma_start3A_2268 = tpu.memref_squeeze %dma_start3A_2267 : memref<1x26xi32, #tpu.memory_space<vmem>> -> memref<26xi32, #tpu.memory_space<vmem>>
      %dma_start3A_2269 = arith.constant 0 : i32
      %dma_start3A_2270 = arith.constant 0 : i32
      %dma_start3A_2271 = tpu.memref_slice %arg3[%dma_start3A_2269, %dma_start3A_2270] : memref<1000000x64xf32, #tpu.memory_space<hbm>> -> memref<1000000x64xf32, #tpu.memory_space<hbm>>
      tpu.enqueue_indirect_dma source(%dma_start3A_2271 : memref<1000000x64xf32, #tpu.memory_space<hbm>>) target(%dma_start3A_2265 : memref<26x64xf32, #tpu.memory_space<vmem>>) offsets(%dma_start3A_2268 : memref<26xi32, #tpu.memory_space<vmem>>) semaphore(%arg11 : memref<!tpu.dma_semaphore, #tpu.memory_space<semaphore_mem>>)
      %mul3A_2272 = arith.constant 16 : i32
      %mul3A_2273 = arith.muli %add3A_2256, %mul3A_2272 : i32
      %add3A_2274 = arith.constant 1 : i32
      %add3A_2275 = arith.addi %mul3A_2273, %add3A_2274 : i32
      %dma_start3A_2276 = arith.constant 1 : i32
      %dma_start3A_2277 = arith.constant 0 : i32
      %dma_start3A_2278 = arith.constant 0 : i32
      %dma_start3A_2279 = tpu.memref_slice %arg8[%dma_start3A_2276, %dma_start3A_2277, %dma_start3A_2278] : memref<16x26x64xf32, #tpu.memory_space<vmem>> -> memref<1x26x64xf32, #tpu.memory_space<vmem>>
      %dma_start3A_2280 = tpu.memref_squeeze %dma_start3A_2279 : memref<1x26x64xf32, #tpu.memory_space<vmem>> -> memref<26x64xf32, #tpu.memory_space<vmem>>
      %dma_start3A_2281 = arith.constant 0 : i32
      %dma_start3A_2282 = tpu.memref_slice %arg5[%add3A_2275, %dma_start3A_2281] : memref<512x26xi32, #tpu.memory_space<vmem>> -> memref<1x26xi32, #tpu.memory_space<vmem>>
      %dma_start3A_2283 = tpu.memref_squeeze %dma_start3A_2282 : memref<1x26xi32, #tpu.memory_space<vmem>> -> memref<26xi32, #tpu.memory_space<vmem>>
      %dma_start3A_2284 = arith.constant 0 : i32
      %dma_start3A_2285 = arith.constant 0 : i32
      %dma_start3A_2286 = tpu.memref_slice %arg3[%dma_start3A_2284, %dma_start3A_2285] : memref<1000000x64xf32, #tpu.memory_space<hbm>> -> memref<1000000x64xf32, #tpu.memory_space<hbm>>
      tpu.enqueue_indirect_dma source(%dma_start3A_2286 : memref<1000000x64xf32, #tpu.memory_space<hbm>>) target(%dma_start3A_2280 : memref<26x64xf32, #tpu.memory_space<vmem>>) offsets(%dma_start3A_2283 : memref<26xi32, #tpu.memory_space<vmem>>) semaphore(%arg11 : memref<!tpu.dma_semaphore, #tpu.memory_space<semaphore_mem>>)
      %mul3A_2287 = arith.constant 16 : i32
      %mul3A_2288 = arith.muli %add3A_2256, %mul3A_2287 : i32
      %add3A_2289 = arith.constant 2 : i32
      %add3A_2290 = arith.addi %mul3A_2288, %add3A_2289 : i32
      %dma_start3A_2291 = arith.constant 2 : i32
      %dma_start3A_2292 = arith.constant 0 : i32
      %dma_start3A_2293 = arith.constant 0 : i32
      %dma_start3A_2294 = tpu.memref_slice %arg8[%dma_start3A_2291, %dma_start3A_2292, %dma_start3A_2293] : memref<16x26x64xf32, #tpu.memory_space<vmem>> -> memref<1x26x64xf32, #tpu.memory_space<vmem>>
      %dma_start3A_2295 = tpu.memref_squeeze %dma_start3A_2294 : memref<1x26x64xf32, #tpu.memory_space<vmem>> -> memref<26x64xf32, #tpu.memory_space<vmem>>
      %dma_start3A_2296 = arith.constant 0 : i32
      %dma_start3A_2297 = tpu.memref_slice %arg5[%add3A_2290, %dma_start3A_2296] : memref<512x26xi32, #tpu.memory_space<vmem>> -> memref<1x26xi32, #tpu.memory_space<vmem>>
      %dma_start3A_2298 = tpu.memref_squeeze %dma_start3A_2297 : memref<1x26xi32, #tpu.memory_space<vmem>> -> memref<26xi32, #tpu.memory_space<vmem>>
      %dma_start3A_2299 = arith.constant 0 : i32
      %dma_start3A_2300 = arith.constant 0 : i32
      %dma_start3A_2301 = tpu.memref_slice %arg3[%dma_start3A_2299, %dma_start3A_2300] : memref<1000000x64xf32, #tpu.memory_space<hbm>> -> memref<1000000x64xf32, #tpu.memory_space<hbm>>
      tpu.enqueue_indirect_dma source(%dma_start3A_2301 : memref<1000000x64xf32, #tpu.memory_space<hbm>>) target(%dma_start3A_2295 : memref<26x64xf32, #tpu.memory_space<vmem>>) offsets(%dma_start3A_2298 : memref<26xi32, #tpu.memory_space<vmem>>) semaphore(%arg11 : memref<!tpu.dma_semaphore, #tpu.memory_space<semaphore_mem>>)
      %mul3A_2302 = arith.constant 16 : i32
      %mul3A_2303 = arith.muli %add3A_2256, %mul3A_2302 : i32
      %add3A_2304 = arith.constant 3 : i32
      %add3A_2305 = arith.addi %mul3A_2303, %add3A_2304 : i32
      %dma_start3A_2306 = arith.constant 3 : i32
      %dma_start3A_2307 = arith.constant 0 : i32
      %dma_start3A_2308 = arith.constant 0 : i32
      %dma_start3A_2309 = tpu.memref_slice %arg8[%dma_start3A_2306, %dma_start3A_2307, %dma_start3A_2308] : memref<16x26x64xf32, #tpu.memory_space<vmem>> -> memref<1x26x64xf32, #tpu.memory_space<vmem>>
      %dma_start3A_2310 = tpu.memref_squeeze %dma_start3A_2309 : memref<1x26x64xf32, #tpu.memory_space<vmem>> -> memref<26x64xf32, #tpu.memory_space<vmem>>
      %dma_start3A_2311 = arith.constant 0 : i32
      %dma_start3A_2312 = tpu.memref_slice %arg5[%add3A_2305, %dma_start3A_2311] : memref<512x26xi32, #tpu.memory_space<vmem>> -> memref<1x26xi32, #tpu.memory_space<vmem>>
      %dma_start3A_2313 = tpu.memref_squeeze %dma_start3A_2312 : memref<1x26xi32, #tpu.memory_space<vmem>> -> memref<26xi32, #tpu.memory_space<vmem>>
      %dma_start3A_2314 = arith.constant 0 : i32
      %dma_start3A_2315 = arith.constant 0 : i32
      %dma_start3A_2316 = tpu.memref_slice %arg3[%dma_start3A_2314, %dma_start3A_2315] : memref<1000000x64xf32, #tpu.memory_space<hbm>> -> memref<1000000x64xf32, #tpu.memory_space<hbm>>
      tpu.enqueue_indirect_dma source(%dma_start3A_2316 : memref<1000000x64xf32, #tpu.memory_space<hbm>>) target(%dma_start3A_2310 : memref<26x64xf32, #tpu.memory_space<vmem>>) offsets(%dma_start3A_2313 : memref<26xi32, #tpu.memory_space<vmem>>) semaphore(%arg11 : memref<!tpu.dma_semaphore, #tpu.memory_space<semaphore_mem>>)
      %mul3A_2317 = arith.constant 16 : i32
      %mul3A_2318 = arith.muli %add3A_2256, %mul3A_2317 : i32
      %add3A_2319 = arith.constant 4 : i32
      %add3A_2320 = arith.addi %mul3A_2318, %add3A_2319 : i32
      %dma_start3A_2321 = arith.constant 4 : i32
      %dma_start3A_2322 = arith.constant 0 : i32
      %dma_start3A_2323 = arith.constant 0 : i32
      %dma_start3A_2324 = tpu.memref_slice %arg8[%dma_start3A_2321, %dma_start3A_2322, %dma_start3A_2323] : memref<16x26x64xf32, #tpu.memory_space<vmem>> -> memref<1x26x64xf32, #tpu.memory_space<vmem>>
      %dma_start3A_2325 = tpu.memref_squeeze %dma_start3A_2324 : memref<1x26x64xf32, #tpu.memory_space<vmem>> -> memref<26x64xf32, #tpu.memory_space<vmem>>
      %dma_start3A_2326 = arith.constant 0 : i32
      %dma_start3A_2327 = tpu.memref_slice %arg5[%add3A_2320, %dma_start3A_2326] : memref<512x26xi32, #tpu.memory_space<vmem>> -> memref<1x26xi32, #tpu.memory_space<vmem>>
      %dma_start3A_2328 = tpu.memref_squeeze %dma_start3A_2327 : memref<1x26xi32, #tpu.memory_space<vmem>> -> memref<26xi32, #tpu.memory_space<vmem>>
      %dma_start3A_2329 = arith.constant 0 : i32
      %dma_start3A_2330 = arith.constant 0 : i32
      %dma_start3A_2331 = tpu.memref_slice %arg3[%dma_start3A_2329, %dma_start3A_2330] : memref<1000000x64xf32, #tpu.memory_space<hbm>> -> memref<1000000x64xf32, #tpu.memory_space<hbm>>
      tpu.enqueue_indirect_dma source(%dma_start3A_2331 : memref<1000000x64xf32, #tpu.memory_space<hbm>>) target(%dma_start3A_2325 : memref<26x64xf32, #tpu.memory_space<vmem>>) offsets(%dma_start3A_2328 : memref<26xi32, #tpu.memory_space<vmem>>) semaphore(%arg11 : memref<!tpu.dma_semaphore, #tpu.memory_space<semaphore_mem>>)
      %mul3A_2332 = arith.constant 16 : i32
      %mul3A_2333 = arith.muli %add3A_2256, %mul3A_2332 : i32
      %add3A_2334 = arith.constant 5 : i32
      %add3A_2335 = arith.addi %mul3A_2333, %add3A_2334 : i32
      %dma_start3A_2336 = arith.constant 5 : i32
      %dma_start3A_2337 = arith.constant 0 : i32
      %dma_start3A_2338 = arith.constant 0 : i32
      %dma_start3A_2339 = tpu.memref_slice %arg8[%dma_start3A_2336, %dma_start3A_2337, %dma_start3A_2338] : memref<16x26x64xf32, #tpu.memory_space<vmem>> -> memref<1x26x64xf32, #tpu.memory_space<vmem>>
      %dma_start3A_2340 = tpu.memref_squeeze %dma_start3A_2339 : memref<1x26x64xf32, #tpu.memory_space<vmem>> -> memref<26x64xf32, #tpu.memory_space<vmem>>
      %dma_start3A_2341 = arith.constant 0 : i32
      %dma_start3A_2342 = tpu.memref_slice %arg5[%add3A_2335, %dma_start3A_2341] : memref<512x26xi32, #tpu.memory_space<vmem>> -> memref<1x26xi32, #tpu.memory_space<vmem>>
      %dma_start3A_2343 = tpu.memref_squeeze %dma_start3A_2342 : memref<1x26xi32, #tpu.memory_space<vmem>> -> memref<26xi32, #tpu.memory_space<vmem>>
      %dma_start3A_2344 = arith.constant 0 : i32
      %dma_start3A_2345 = arith.constant 0 : i32
      %dma_start3A_2346 = tpu.memref_slice %arg3[%dma_start3A_2344, %dma_start3A_2345] : memref<1000000x64xf32, #tpu.memory_space<hbm>> -> memref<1000000x64xf32, #tpu.memory_space<hbm>>
      tpu.enqueue_indirect_dma source(%dma_start3A_2346 : memref<1000000x64xf32, #tpu.memory_space<hbm>>) target(%dma_start3A_2340 : memref<26x64xf32, #tpu.memory_space<vmem>>) offsets(%dma_start3A_2343 : memref<26xi32, #tpu.memory_space<vmem>>) semaphore(%arg11 : memref<!tpu.dma_semaphore, #tpu.memory_space<semaphore_mem>>)
      %mul3A_2347 = arith.constant 16 : i32
      %mul3A_2348 = arith.muli %add3A_2256, %mul3A_2347 : i32
      %add3A_2349 = arith.constant 6 : i32
      %add3A_2350 = arith.addi %mul3A_2348, %add3A_2349 : i32
      %dma_start3A_2351 = arith.constant 6 : i32
      %dma_start3A_2352 = arith.constant 0 : i32
      %dma_start3A_2353 = arith.constant 0 : i32
      %dma_start3A_2354 = tpu.memref_slice %arg8[%dma_start3A_2351, %dma_start3A_2352, %dma_start3A_2353] : memref<16x26x64xf32, #tpu.memory_space<vmem>> -> memref<1x26x64xf32, #tpu.memory_space<vmem>>
      %dma_start3A_2355 = tpu.memref_squeeze %dma_start3A_2354 : memref<1x26x64xf32, #tpu.memory_space<vmem>> -> memref<26x64xf32, #tpu.memory_space<vmem>>
      %dma_start3A_2356 = arith.constant 0 : i32
      %dma_start3A_2357 = tpu.memref_slice %arg5[%add3A_2350, %dma_start3A_2356] : memref<512x26xi32, #tpu.memory_space<vmem>> -> memref<1x26xi32, #tpu.memory_space<vmem>>
      %dma_start3A_2358 = tpu.memref_squeeze %dma_start3A_2357 : memref<1x26xi32, #tpu.memory_space<vmem>> -> memref<26xi32, #tpu.memory_space<vmem>>
      %dma_start3A_2359 = arith.constant 0 : i32
      %dma_start3A_2360 = arith.constant 0 : i32
      %dma_start3A_2361 = tpu.memref_slice %arg3[%dma_start3A_2359, %dma_start3A_2360] : memref<1000000x64xf32, #tpu.memory_space<hbm>> -> memref<1000000x64xf32, #tpu.memory_space<hbm>>
      tpu.enqueue_indirect_dma source(%dma_start3A_2361 : memref<1000000x64xf32, #tpu.memory_space<hbm>>) target(%dma_start3A_2355 : memref<26x64xf32, #tpu.memory_space<vmem>>) offsets(%dma_start3A_2358 : memref<26xi32, #tpu.memory_space<vmem>>) semaphore(%arg11 : memref<!tpu.dma_semaphore, #tpu.memory_space<semaphore_mem>>)
      %mul3A_2362 = arith.constant 16 : i32
      %mul3A_2363 = arith.muli %add3A_2256, %mul3A_2362 : i32
      %add3A_2364 = arith.constant 7 : i32
      %add3A_2365 = arith.addi %mul3A_2363, %add3A_2364 : i32
      %dma_start3A_2366 = arith.constant 7 : i32
      %dma_start3A_2367 = arith.constant 0 : i32
      %dma_start3A_2368 = arith.constant 0 : i32
      %dma_start3A_2369 = tpu.memref_slice %arg8[%dma_start3A_2366, %dma_start3A_2367, %dma_start3A_2368] : memref<16x26x64xf32, #tpu.memory_space<vmem>> -> memref<1x26x64xf32, #tpu.memory_space<vmem>>
      %dma_start3A_2370 = tpu.memref_squeeze %dma_start3A_2369 : memref<1x26x64xf32, #tpu.memory_space<vmem>> -> memref<26x64xf32, #tpu.memory_space<vmem>>
      %dma_start3A_2371 = arith.constant 0 : i32
      %dma_start3A_2372 = tpu.memref_slice %arg5[%add3A_2365, %dma_start3A_2371] : memref<512x26xi32, #tpu.memory_space<vmem>> -> memref<1x26xi32, #tpu.memory_space<vmem>>
      %dma_start3A_2373 = tpu.memref_squeeze %dma_start3A_2372 : memref<1x26xi32, #tpu.memory_space<vmem>> -> memref<26xi32, #tpu.memory_space<vmem>>
      %dma_start3A_2374 = arith.constant 0 : i32
      %dma_start3A_2375 = arith.constant 0 : i32
      %dma_start3A_2376 = tpu.memref_slice %arg3[%dma_start3A_2374, %dma_start3A_2375] : memref<1000000x64xf32, #tpu.memory_space<hbm>> -> memref<1000000x64xf32, #tpu.memory_space<hbm>>
      tpu.enqueue_indirect_dma source(%dma_start3A_2376 : memref<1000000x64xf32, #tpu.memory_space<hbm>>) target(%dma_start3A_2370 : memref<26x64xf32, #tpu.memory_space<vmem>>) offsets(%dma_start3A_2373 : memref<26xi32, #tpu.memory_space<vmem>>) semaphore(%arg11 : memref<!tpu.dma_semaphore, #tpu.memory_space<semaphore_mem>>)
      %mul3A_2377 = arith.constant 16 : i32
      %mul3A_2378 = arith.muli %add3A_2256, %mul3A_2377 : i32
      %add3A_2379 = arith.constant 8 : i32
      %add3A_2380 = arith.addi %mul3A_2378, %add3A_2379 : i32
      %dma_start3A_2381 = arith.constant 8 : i32
      %dma_start3A_2382 = arith.constant 0 : i32
      %dma_start3A_2383 = arith.constant 0 : i32
      %dma_start3A_2384 = tpu.memref_slice %arg8[%dma_start3A_2381, %dma_start3A_2382, %dma_start3A_2383] : memref<16x26x64xf32, #tpu.memory_space<vmem>> -> memref<1x26x64xf32, #tpu.memory_space<vmem>>
      %dma_start3A_2385 = tpu.memref_squeeze %dma_start3A_2384 : memref<1x26x64xf32, #tpu.memory_space<vmem>> -> memref<26x64xf32, #tpu.memory_space<vmem>>
      %dma_start3A_2386 = arith.constant 0 : i32
      %dma_start3A_2387 = tpu.memref_slice %arg5[%add3A_2380, %dma_start3A_2386] : memref<512x26xi32, #tpu.memory_space<vmem>> -> memref<1x26xi32, #tpu.memory_space<vmem>>
      %dma_start3A_2388 = tpu.memref_squeeze %dma_start3A_2387 : memref<1x26xi32, #tpu.memory_space<vmem>> -> memref<26xi32, #tpu.memory_space<vmem>>
      %dma_start3A_2389 = arith.constant 0 : i32
      %dma_start3A_2390 = arith.constant 0 : i32
      %dma_start3A_2391 = tpu.memref_slice %arg3[%dma_start3A_2389, %dma_start3A_2390] : memref<1000000x64xf32, #tpu.memory_space<hbm>> -> memref<1000000x64xf32, #tpu.memory_space<hbm>>
      tpu.enqueue_indirect_dma source(%dma_start3A_2391 : memref<1000000x64xf32, #tpu.memory_space<hbm>>) target(%dma_start3A_2385 : memref<26x64xf32, #tpu.memory_space<vmem>>) offsets(%dma_start3A_2388 : memref<26xi32, #tpu.memory_space<vmem>>) semaphore(%arg11 : memref<!tpu.dma_semaphore, #tpu.memory_space<semaphore_mem>>)
      %mul3A_2392 = arith.constant 16 : i32
      %mul3A_2393 = arith.muli %add3A_2256, %mul3A_2392 : i32
      %add3A_2394 = arith.constant 9 : i32
      %add3A_2395 = arith.addi %mul3A_2393, %add3A_2394 : i32
      %dma_start3A_2396 = arith.constant 9 : i32
      %dma_start3A_2397 = arith.constant 0 : i32
      %dma_start3A_2398 = arith.constant 0 : i32
      %dma_start3A_2399 = tpu.memref_slice %arg8[%dma_start3A_2396, %dma_start3A_2397, %dma_start3A_2398] : memref<16x26x64xf32, #tpu.memory_space<vmem>> -> memref<1x26x64xf32, #tpu.memory_space<vmem>>
      %dma_start3A_2400 = tpu.memref_squeeze %dma_start3A_2399 : memref<1x26x64xf32, #tpu.memory_space<vmem>> -> memref<26x64xf32, #tpu.memory_space<vmem>>
      %dma_start3A_2401 = arith.constant 0 : i32
      %dma_start3A_2402 = tpu.memref_slice %arg5[%add3A_2395, %dma_start3A_2401] : memref<512x26xi32, #tpu.memory_space<vmem>> -> memref<1x26xi32, #tpu.memory_space<vmem>>
      %dma_start3A_2403 = tpu.memref_squeeze %dma_start3A_2402 : memref<1x26xi32, #tpu.memory_space<vmem>> -> memref<26xi32, #tpu.memory_space<vmem>>
      %dma_start3A_2404 = arith.constant 0 : i32
      %dma_start3A_2405 = arith.constant 0 : i32
      %dma_start3A_2406 = tpu.memref_slice %arg3[%dma_start3A_2404, %dma_start3A_2405] : memref<1000000x64xf32, #tpu.memory_space<hbm>> -> memref<1000000x64xf32, #tpu.memory_space<hbm>>
      tpu.enqueue_indirect_dma source(%dma_start3A_2406 : memref<1000000x64xf32, #tpu.memory_space<hbm>>) target(%dma_start3A_2400 : memref<26x64xf32, #tpu.memory_space<vmem>>) offsets(%dma_start3A_2403 : memref<26xi32, #tpu.memory_space<vmem>>) semaphore(%arg11 : memref<!tpu.dma_semaphore, #tpu.memory_space<semaphore_mem>>)
      %mul3A_2407 = arith.constant 16 : i32
      %mul3A_2408 = arith.muli %add3A_2256, %mul3A_2407 : i32
      %add3A_2409 = arith.constant 10 : i32
      %add3A_2410 = arith.addi %mul3A_2408, %add3A_2409 : i32
      %dma_start3A_2411 = arith.constant 10 : i32
      %dma_start3A_2412 = arith.constant 0 : i32
      %dma_start3A_2413 = arith.constant 0 : i32
      %dma_start3A_2414 = tpu.memref_slice %arg8[%dma_start3A_2411, %dma_start3A_2412, %dma_start3A_2413] : memref<16x26x64xf32, #tpu.memory_space<vmem>> -> memref<1x26x64xf32, #tpu.memory_space<vmem>>
      %dma_start3A_2415 = tpu.memref_squeeze %dma_start3A_2414 : memref<1x26x64xf32, #tpu.memory_space<vmem>> -> memref<26x64xf32, #tpu.memory_space<vmem>>
      %dma_start3A_2416 = arith.constant 0 : i32
      %dma_start3A_2417 = tpu.memref_slice %arg5[%add3A_2410, %dma_start3A_2416] : memref<512x26xi32, #tpu.memory_space<vmem>> -> memref<1x26xi32, #tpu.memory_space<vmem>>
      %dma_start3A_2418 = tpu.memref_squeeze %dma_start3A_2417 : memref<1x26xi32, #tpu.memory_space<vmem>> -> memref<26xi32, #tpu.memory_space<vmem>>
      %dma_start3A_2419 = arith.constant 0 : i32
      %dma_start3A_2420 = arith.constant 0 : i32
      %dma_start3A_2421 = tpu.memref_slice %arg3[%dma_start3A_2419, %dma_start3A_2420] : memref<1000000x64xf32, #tpu.memory_space<hbm>> -> memref<1000000x64xf32, #tpu.memory_space<hbm>>
      tpu.enqueue_indirect_dma source(%dma_start3A_2421 : memref<1000000x64xf32, #tpu.memory_space<hbm>>) target(%dma_start3A_2415 : memref<26x64xf32, #tpu.memory_space<vmem>>) offsets(%dma_start3A_2418 : memref<26xi32, #tpu.memory_space<vmem>>) semaphore(%arg11 : memref<!tpu.dma_semaphore, #tpu.memory_space<semaphore_mem>>)
      %mul3A_2422 = arith.constant 16 : i32
      %mul3A_2423 = arith.muli %add3A_2256, %mul3A_2422 : i32
      %add3A_2424 = arith.constant 11 : i32
      %add3A_2425 = arith.addi %mul3A_2423, %add3A_2424 : i32
      %dma_start3A_2426 = arith.constant 11 : i32
      %dma_start3A_2427 = arith.constant 0 : i32
      %dma_start3A_2428 = arith.constant 0 : i32
      %dma_start3A_2429 = tpu.memref_slice %arg8[%dma_start3A_2426, %dma_start3A_2427, %dma_start3A_2428] : memref<16x26x64xf32, #tpu.memory_space<vmem>> -> memref<1x26x64xf32, #tpu.memory_space<vmem>>
      %dma_start3A_2430 = tpu.memref_squeeze %dma_start3A_2429 : memref<1x26x64xf32, #tpu.memory_space<vmem>> -> memref<26x64xf32, #tpu.memory_space<vmem>>
      %dma_start3A_2431 = arith.constant 0 : i32
      %dma_start3A_2432 = tpu.memref_slice %arg5[%add3A_2425, %dma_start3A_2431] : memref<512x26xi32, #tpu.memory_space<vmem>> -> memref<1x26xi32, #tpu.memory_space<vmem>>
      %dma_start3A_2433 = tpu.memref_squeeze %dma_start3A_2432 : memref<1x26xi32, #tpu.memory_space<vmem>> -> memref<26xi32, #tpu.memory_space<vmem>>
      %dma_start3A_2434 = arith.constant 0 : i32
      %dma_start3A_2435 = arith.constant 0 : i32
      %dma_start3A_2436 = tpu.memref_slice %arg3[%dma_start3A_2434, %dma_start3A_2435] : memref<1000000x64xf32, #tpu.memory_space<hbm>> -> memref<1000000x64xf32, #tpu.memory_space<hbm>>
      tpu.enqueue_indirect_dma source(%dma_start3A_2436 : memref<1000000x64xf32, #tpu.memory_space<hbm>>) target(%dma_start3A_2430 : memref<26x64xf32, #tpu.memory_space<vmem>>) offsets(%dma_start3A_2433 : memref<26xi32, #tpu.memory_space<vmem>>) semaphore(%arg11 : memref<!tpu.dma_semaphore, #tpu.memory_space<semaphore_mem>>)
      %mul3A_2437 = arith.constant 16 : i32
      %mul3A_2438 = arith.muli %add3A_2256, %mul3A_2437 : i32
      %add3A_2439 = arith.constant 12 : i32
      %add3A_2440 = arith.addi %mul3A_2438, %add3A_2439 : i32
      %dma_start3A_2441 = arith.constant 12 : i32
      %dma_start3A_2442 = arith.constant 0 : i32
      %dma_start3A_2443 = arith.constant 0 : i32
      %dma_start3A_2444 = tpu.memref_slice %arg8[%dma_start3A_2441, %dma_start3A_2442, %dma_start3A_2443] : memref<16x26x64xf32, #tpu.memory_space<vmem>> -> memref<1x26x64xf32, #tpu.memory_space<vmem>>
      %dma_start3A_2445 = tpu.memref_squeeze %dma_start3A_2444 : memref<1x26x64xf32, #tpu.memory_space<vmem>> -> memref<26x64xf32, #tpu.memory_space<vmem>>
      %dma_start3A_2446 = arith.constant 0 : i32
      %dma_start3A_2447 = tpu.memref_slice %arg5[%add3A_2440, %dma_start3A_2446] : memref<512x26xi32, #tpu.memory_space<vmem>> -> memref<1x26xi32, #tpu.memory_space<vmem>>
      %dma_start3A_2448 = tpu.memref_squeeze %dma_start3A_2447 : memref<1x26xi32, #tpu.memory_space<vmem>> -> memref<26xi32, #tpu.memory_space<vmem>>
      %dma_start3A_2449 = arith.constant 0 : i32
      %dma_start3A_2450 = arith.constant 0 : i32
      %dma_start3A_2451 = tpu.memref_slice %arg3[%dma_start3A_2449, %dma_start3A_2450] : memref<1000000x64xf32, #tpu.memory_space<hbm>> -> memref<1000000x64xf32, #tpu.memory_space<hbm>>
      tpu.enqueue_indirect_dma source(%dma_start3A_2451 : memref<1000000x64xf32, #tpu.memory_space<hbm>>) target(%dma_start3A_2445 : memref<26x64xf32, #tpu.memory_space<vmem>>) offsets(%dma_start3A_2448 : memref<26xi32, #tpu.memory_space<vmem>>) semaphore(%arg11 : memref<!tpu.dma_semaphore, #tpu.memory_space<semaphore_mem>>)
      %mul3A_2452 = arith.constant 16 : i32
      %mul3A_2453 = arith.muli %add3A_2256, %mul3A_2452 : i32
      %add3A_2454 = arith.constant 13 : i32
      %add3A_2455 = arith.addi %mul3A_2453, %add3A_2454 : i32
      %dma_start3A_2456 = arith.constant 13 : i32
      %dma_start3A_2457 = arith.constant 0 : i32
      %dma_start3A_2458 = arith.constant 0 : i32
      %dma_start3A_2459 = tpu.memref_slice %arg8[%dma_start3A_2456, %dma_start3A_2457, %dma_start3A_2458] : memref<16x26x64xf32, #tpu.memory_space<vmem>> -> memref<1x26x64xf32, #tpu.memory_space<vmem>>
      %dma_start3A_2460 = tpu.memref_squeeze %dma_start3A_2459 : memref<1x26x64xf32, #tpu.memory_space<vmem>> -> memref<26x64xf32, #tpu.memory_space<vmem>>
      %dma_start3A_2461 = arith.constant 0 : i32
      %dma_start3A_2462 = tpu.memref_slice %arg5[%add3A_2455, %dma_start3A_2461] : memref<512x26xi32, #tpu.memory_space<vmem>> -> memref<1x26xi32, #tpu.memory_space<vmem>>
      %dma_start3A_2463 = tpu.memref_squeeze %dma_start3A_2462 : memref<1x26xi32, #tpu.memory_space<vmem>> -> memref<26xi32, #tpu.memory_space<vmem>>
      %dma_start3A_2464 = arith.constant 0 : i32
      %dma_start3A_2465 = arith.constant 0 : i32
      %dma_start3A_2466 = tpu.memref_slice %arg3[%dma_start3A_2464, %dma_start3A_2465] : memref<1000000x64xf32, #tpu.memory_space<hbm>> -> memref<1000000x64xf32, #tpu.memory_space<hbm>>
      tpu.enqueue_indirect_dma source(%dma_start3A_2466 : memref<1000000x64xf32, #tpu.memory_space<hbm>>) target(%dma_start3A_2460 : memref<26x64xf32, #tpu.memory_space<vmem>>) offsets(%dma_start3A_2463 : memref<26xi32, #tpu.memory_space<vmem>>) semaphore(%arg11 : memref<!tpu.dma_semaphore, #tpu.memory_space<semaphore_mem>>)
      %mul3A_2467 = arith.constant 16 : i32
      %mul3A_2468 = arith.muli %add3A_2256, %mul3A_2467 : i32
      %add3A_2469 = arith.constant 14 : i32
      %add3A_2470 = arith.addi %mul3A_2468, %add3A_2469 : i32
      %dma_start3A_2471 = arith.constant 14 : i32
      %dma_start3A_2472 = arith.constant 0 : i32
      %dma_start3A_2473 = arith.constant 0 : i32
      %dma_start3A_2474 = tpu.memref_slice %arg8[%dma_start3A_2471, %dma_start3A_2472, %dma_start3A_2473] : memref<16x26x64xf32, #tpu.memory_space<vmem>> -> memref<1x26x64xf32, #tpu.memory_space<vmem>>
      %dma_start3A_2475 = tpu.memref_squeeze %dma_start3A_2474 : memref<1x26x64xf32, #tpu.memory_space<vmem>> -> memref<26x64xf32, #tpu.memory_space<vmem>>
      %dma_start3A_2476 = arith.constant 0 : i32
      %dma_start3A_2477 = tpu.memref_slice %arg5[%add3A_2470, %dma_start3A_2476] : memref<512x26xi32, #tpu.memory_space<vmem>> -> memref<1x26xi32, #tpu.memory_space<vmem>>
      %dma_start3A_2478 = tpu.memref_squeeze %dma_start3A_2477 : memref<1x26xi32, #tpu.memory_space<vmem>> -> memref<26xi32, #tpu.memory_space<vmem>>
      %dma_start3A_2479 = arith.constant 0 : i32
      %dma_start3A_2480 = arith.constant 0 : i32
      %dma_start3A_2481 = tpu.memref_slice %arg3[%dma_start3A_2479, %dma_start3A_2480] : memref<1000000x64xf32, #tpu.memory_space<hbm>> -> memref<1000000x64xf32, #tpu.memory_space<hbm>>
      tpu.enqueue_indirect_dma source(%dma_start3A_2481 : memref<1000000x64xf32, #tpu.memory_space<hbm>>) target(%dma_start3A_2475 : memref<26x64xf32, #tpu.memory_space<vmem>>) offsets(%dma_start3A_2478 : memref<26xi32, #tpu.memory_space<vmem>>) semaphore(%arg11 : memref<!tpu.dma_semaphore, #tpu.memory_space<semaphore_mem>>)
      %mul3A_2482 = arith.constant 16 : i32
      %mul3A_2483 = arith.muli %add3A_2256, %mul3A_2482 : i32
      %add3A_2484 = arith.constant 15 : i32
      %add3A_2485 = arith.addi %mul3A_2483, %add3A_2484 : i32
      %dma_start3A_2486 = arith.constant 15 : i32
      %dma_start3A_2487 = arith.constant 0 : i32
      %dma_start3A_2488 = arith.constant 0 : i32
      %dma_start3A_2489 = tpu.memref_slice %arg8[%dma_start3A_2486, %dma_start3A_2487, %dma_start3A_2488] : memref<16x26x64xf32, #tpu.memory_space<vmem>> -> memref<1x26x64xf32, #tpu.memory_space<vmem>>
      %dma_start3A_2490 = tpu.memref_squeeze %dma_start3A_2489 : memref<1x26x64xf32, #tpu.memory_space<vmem>> -> memref<26x64xf32, #tpu.memory_space<vmem>>
      %dma_start3A_2491 = arith.constant 0 : i32
      %dma_start3A_2492 = tpu.memref_slice %arg5[%add3A_2485, %dma_start3A_2491] : memref<512x26xi32, #tpu.memory_space<vmem>> -> memref<1x26xi32, #tpu.memory_space<vmem>>
      %dma_start3A_2493 = tpu.memref_squeeze %dma_start3A_2492 : memref<1x26xi32, #tpu.memory_space<vmem>> -> memref<26xi32, #tpu.memory_space<vmem>>
      %dma_start3A_2494 = arith.constant 0 : i32
      %dma_start3A_2495 = arith.constant 0 : i32
      %dma_start3A_2496 = tpu.memref_slice %arg3[%dma_start3A_2494, %dma_start3A_2495] : memref<1000000x64xf32, #tpu.memory_space<hbm>> -> memref<1000000x64xf32, #tpu.memory_space<hbm>>
      tpu.enqueue_indirect_dma source(%dma_start3A_2496 : memref<1000000x64xf32, #tpu.memory_space<hbm>>) target(%dma_start3A_2490 : memref<26x64xf32, #tpu.memory_space<vmem>>) offsets(%dma_start3A_2493 : memref<26xi32, #tpu.memory_space<vmem>>) semaphore(%arg11 : memref<!tpu.dma_semaphore, #tpu.memory_space<semaphore_mem>>)
      %mul3A_2497 = arith.constant 3 : i32
      %mul3A_2498 = arith.muli %mul3A_2497, %scan3A_1995 : i32
      %add3A_2499 = arith.constant 1 : i32
      %add3A_2500 = arith.addi %mul3A_2498, %add3A_2499 : i32
      %mul3A_2501 = arith.constant 16 : i32
      %mul3A_2502 = arith.muli %add3A_2500, %mul3A_2501 : i32
      %add3A_2503 = arith.constant 0 : i32
      %add3A_2504 = arith.addi %mul3A_2502, %add3A_2503 : i32
      %dma_wait3A_2505 = arith.constant 0 : i32
      %dma_wait3A_2506 = arith.constant 0 : i32
      %dma_wait3A_2507 = arith.constant 0 : i32
      %dma_wait3A_2508 = tpu.memref_slice %arg7[%dma_wait3A_2505, %dma_wait3A_2506, %dma_wait3A_2507] : memref<16x26x64xf32, #tpu.memory_space<vmem>> -> memref<1x26x64xf32, #tpu.memory_space<vmem>>
      %dma_wait3A_2509 = tpu.memref_squeeze %dma_wait3A_2508 : memref<1x26x64xf32, #tpu.memory_space<vmem>> -> memref<26x64xf32, #tpu.memory_space<vmem>>
      %dma_wait3A_2510 = arith.constant 0 : i32
      %dma_wait3A_2511 = tpu.memref_slice %arg5[%add3A_2504, %dma_wait3A_2510] : memref<512x26xi32, #tpu.memory_space<vmem>> -> memref<1x26xi32, #tpu.memory_space<vmem>>
      %dma_wait3A_2512 = tpu.memref_squeeze %dma_wait3A_2511 : memref<1x26xi32, #tpu.memory_space<vmem>> -> memref<26xi32, #tpu.memory_space<vmem>>
      %dma_wait3A_2513 = arith.constant 0 : i32
      %dma_wait3A_2514 = arith.constant 0 : i32
      %dma_wait3A_2515 = tpu.memref_slice %arg3[%dma_wait3A_2513, %dma_wait3A_2514] : memref<1000000x64xf32, #tpu.memory_space<hbm>> -> memref<1000000x64xf32, #tpu.memory_space<hbm>>
      tpu.wait_indirect_dma semaphore(%arg10 : memref<!tpu.dma_semaphore, #tpu.memory_space<semaphore_mem>>) src(%dma_wait3A_2515 : memref<1000000x64xf32, #tpu.memory_space<hbm>>) dst(%dma_wait3A_2509 : memref<26x64xf32, #tpu.memory_space<vmem>>)
      %mul3A_2516 = arith.constant 16 : i32
      %mul3A_2517 = arith.muli %add3A_2500, %mul3A_2516 : i32
      %add3A_2518 = arith.constant 1 : i32
      %add3A_2519 = arith.addi %mul3A_2517, %add3A_2518 : i32
      %dma_wait3A_2520 = arith.constant 1 : i32
      %dma_wait3A_2521 = arith.constant 0 : i32
      %dma_wait3A_2522 = arith.constant 0 : i32
      %dma_wait3A_2523 = tpu.memref_slice %arg7[%dma_wait3A_2520, %dma_wait3A_2521, %dma_wait3A_2522] : memref<16x26x64xf32, #tpu.memory_space<vmem>> -> memref<1x26x64xf32, #tpu.memory_space<vmem>>
      %dma_wait3A_2524 = tpu.memref_squeeze %dma_wait3A_2523 : memref<1x26x64xf32, #tpu.memory_space<vmem>> -> memref<26x64xf32, #tpu.memory_space<vmem>>
      %dma_wait3A_2525 = arith.constant 0 : i32
      %dma_wait3A_2526 = tpu.memref_slice %arg5[%add3A_2519, %dma_wait3A_2525] : memref<512x26xi32, #tpu.memory_space<vmem>> -> memref<1x26xi32, #tpu.memory_space<vmem>>
      %dma_wait3A_2527 = tpu.memref_squeeze %dma_wait3A_2526 : memref<1x26xi32, #tpu.memory_space<vmem>> -> memref<26xi32, #tpu.memory_space<vmem>>
      %dma_wait3A_2528 = arith.constant 0 : i32
      %dma_wait3A_2529 = arith.constant 0 : i32
      %dma_wait3A_2530 = tpu.memref_slice %arg3[%dma_wait3A_2528, %dma_wait3A_2529] : memref<1000000x64xf32, #tpu.memory_space<hbm>> -> memref<1000000x64xf32, #tpu.memory_space<hbm>>
      tpu.wait_indirect_dma semaphore(%arg10 : memref<!tpu.dma_semaphore, #tpu.memory_space<semaphore_mem>>) src(%dma_wait3A_2530 : memref<1000000x64xf32, #tpu.memory_space<hbm>>) dst(%dma_wait3A_2524 : memref<26x64xf32, #tpu.memory_space<vmem>>)
      %mul3A_2531 = arith.constant 16 : i32
      %mul3A_2532 = arith.muli %add3A_2500, %mul3A_2531 : i32
      %add3A_2533 = arith.constant 2 : i32
      %add3A_2534 = arith.addi %mul3A_2532, %add3A_2533 : i32
      %dma_wait3A_2535 = arith.constant 2 : i32
      %dma_wait3A_2536 = arith.constant 0 : i32
      %dma_wait3A_2537 = arith.constant 0 : i32
      %dma_wait3A_2538 = tpu.memref_slice %arg7[%dma_wait3A_2535, %dma_wait3A_2536, %dma_wait3A_2537] : memref<16x26x64xf32, #tpu.memory_space<vmem>> -> memref<1x26x64xf32, #tpu.memory_space<vmem>>
      %dma_wait3A_2539 = tpu.memref_squeeze %dma_wait3A_2538 : memref<1x26x64xf32, #tpu.memory_space<vmem>> -> memref<26x64xf32, #tpu.memory_space<vmem>>
      %dma_wait3A_2540 = arith.constant 0 : i32
      %dma_wait3A_2541 = tpu.memref_slice %arg5[%add3A_2534, %dma_wait3A_2540] : memref<512x26xi32, #tpu.memory_space<vmem>> -> memref<1x26xi32, #tpu.memory_space<vmem>>
      %dma_wait3A_2542 = tpu.memref_squeeze %dma_wait3A_2541 : memref<1x26xi32, #tpu.memory_space<vmem>> -> memref<26xi32, #tpu.memory_space<vmem>>
      %dma_wait3A_2543 = arith.constant 0 : i32
      %dma_wait3A_2544 = arith.constant 0 : i32
      %dma_wait3A_2545 = tpu.memref_slice %arg3[%dma_wait3A_2543, %dma_wait3A_2544] : memref<1000000x64xf32, #tpu.memory_space<hbm>> -> memref<1000000x64xf32, #tpu.memory_space<hbm>>
      tpu.wait_indirect_dma semaphore(%arg10 : memref<!tpu.dma_semaphore, #tpu.memory_space<semaphore_mem>>) src(%dma_wait3A_2545 : memref<1000000x64xf32, #tpu.memory_space<hbm>>) dst(%dma_wait3A_2539 : memref<26x64xf32, #tpu.memory_space<vmem>>)
      %mul3A_2546 = arith.constant 16 : i32
      %mul3A_2547 = arith.muli %add3A_2500, %mul3A_2546 : i32
      %add3A_2548 = arith.constant 3 : i32
      %add3A_2549 = arith.addi %mul3A_2547, %add3A_2548 : i32
      %dma_wait3A_2550 = arith.constant 3 : i32
      %dma_wait3A_2551 = arith.constant 0 : i32
      %dma_wait3A_2552 = arith.constant 0 : i32
      %dma_wait3A_2553 = tpu.memref_slice %arg7[%dma_wait3A_2550, %dma_wait3A_2551, %dma_wait3A_2552] : memref<16x26x64xf32, #tpu.memory_space<vmem>> -> memref<1x26x64xf32, #tpu.memory_space<vmem>>
      %dma_wait3A_2554 = tpu.memref_squeeze %dma_wait3A_2553 : memref<1x26x64xf32, #tpu.memory_space<vmem>> -> memref<26x64xf32, #tpu.memory_space<vmem>>
      %dma_wait3A_2555 = arith.constant 0 : i32
      %dma_wait3A_2556 = tpu.memref_slice %arg5[%add3A_2549, %dma_wait3A_2555] : memref<512x26xi32, #tpu.memory_space<vmem>> -> memref<1x26xi32, #tpu.memory_space<vmem>>
      %dma_wait3A_2557 = tpu.memref_squeeze %dma_wait3A_2556 : memref<1x26xi32, #tpu.memory_space<vmem>> -> memref<26xi32, #tpu.memory_space<vmem>>
      %dma_wait3A_2558 = arith.constant 0 : i32
      %dma_wait3A_2559 = arith.constant 0 : i32
      %dma_wait3A_2560 = tpu.memref_slice %arg3[%dma_wait3A_2558, %dma_wait3A_2559] : memref<1000000x64xf32, #tpu.memory_space<hbm>> -> memref<1000000x64xf32, #tpu.memory_space<hbm>>
      tpu.wait_indirect_dma semaphore(%arg10 : memref<!tpu.dma_semaphore, #tpu.memory_space<semaphore_mem>>) src(%dma_wait3A_2560 : memref<1000000x64xf32, #tpu.memory_space<hbm>>) dst(%dma_wait3A_2554 : memref<26x64xf32, #tpu.memory_space<vmem>>)
      %mul3A_2561 = arith.constant 16 : i32
      %mul3A_2562 = arith.muli %add3A_2500, %mul3A_2561 : i32
      %add3A_2563 = arith.constant 4 : i32
      %add3A_2564 = arith.addi %mul3A_2562, %add3A_2563 : i32
      %dma_wait3A_2565 = arith.constant 4 : i32
      %dma_wait3A_2566 = arith.constant 0 : i32
      %dma_wait3A_2567 = arith.constant 0 : i32
      %dma_wait3A_2568 = tpu.memref_slice %arg7[%dma_wait3A_2565, %dma_wait3A_2566, %dma_wait3A_2567] : memref<16x26x64xf32, #tpu.memory_space<vmem>> -> memref<1x26x64xf32, #tpu.memory_space<vmem>>
      %dma_wait3A_2569 = tpu.memref_squeeze %dma_wait3A_2568 : memref<1x26x64xf32, #tpu.memory_space<vmem>> -> memref<26x64xf32, #tpu.memory_space<vmem>>
      %dma_wait3A_2570 = arith.constant 0 : i32
      %dma_wait3A_2571 = tpu.memref_slice %arg5[%add3A_2564, %dma_wait3A_2570] : memref<512x26xi32, #tpu.memory_space<vmem>> -> memref<1x26xi32, #tpu.memory_space<vmem>>
      %dma_wait3A_2572 = tpu.memref_squeeze %dma_wait3A_2571 : memref<1x26xi32, #tpu.memory_space<vmem>> -> memref<26xi32, #tpu.memory_space<vmem>>
      %dma_wait3A_2573 = arith.constant 0 : i32
      %dma_wait3A_2574 = arith.constant 0 : i32
      %dma_wait3A_2575 = tpu.memref_slice %arg3[%dma_wait3A_2573, %dma_wait3A_2574] : memref<1000000x64xf32, #tpu.memory_space<hbm>> -> memref<1000000x64xf32, #tpu.memory_space<hbm>>
      tpu.wait_indirect_dma semaphore(%arg10 : memref<!tpu.dma_semaphore, #tpu.memory_space<semaphore_mem>>) src(%dma_wait3A_2575 : memref<1000000x64xf32, #tpu.memory_space<hbm>>) dst(%dma_wait3A_2569 : memref<26x64xf32, #tpu.memory_space<vmem>>)
      %mul3A_2576 = arith.constant 16 : i32
      %mul3A_2577 = arith.muli %add3A_2500, %mul3A_2576 : i32
      %add3A_2578 = arith.constant 5 : i32
      %add3A_2579 = arith.addi %mul3A_2577, %add3A_2578 : i32
      %dma_wait3A_2580 = arith.constant 5 : i32
      %dma_wait3A_2581 = arith.constant 0 : i32
      %dma_wait3A_2582 = arith.constant 0 : i32
      %dma_wait3A_2583 = tpu.memref_slice %arg7[%dma_wait3A_2580, %dma_wait3A_2581, %dma_wait3A_2582] : memref<16x26x64xf32, #tpu.memory_space<vmem>> -> memref<1x26x64xf32, #tpu.memory_space<vmem>>
      %dma_wait3A_2584 = tpu.memref_squeeze %dma_wait3A_2583 : memref<1x26x64xf32, #tpu.memory_space<vmem>> -> memref<26x64xf32, #tpu.memory_space<vmem>>
      %dma_wait3A_2585 = arith.constant 0 : i32
      %dma_wait3A_2586 = tpu.memref_slice %arg5[%add3A_2579, %dma_wait3A_2585] : memref<512x26xi32, #tpu.memory_space<vmem>> -> memref<1x26xi32, #tpu.memory_space<vmem>>
      %dma_wait3A_2587 = tpu.memref_squeeze %dma_wait3A_2586 : memref<1x26xi32, #tpu.memory_space<vmem>> -> memref<26xi32, #tpu.memory_space<vmem>>
      %dma_wait3A_2588 = arith.constant 0 : i32
      %dma_wait3A_2589 = arith.constant 0 : i32
      %dma_wait3A_2590 = tpu.memref_slice %arg3[%dma_wait3A_2588, %dma_wait3A_2589] : memref<1000000x64xf32, #tpu.memory_space<hbm>> -> memref<1000000x64xf32, #tpu.memory_space<hbm>>
      tpu.wait_indirect_dma semaphore(%arg10 : memref<!tpu.dma_semaphore, #tpu.memory_space<semaphore_mem>>) src(%dma_wait3A_2590 : memref<1000000x64xf32, #tpu.memory_space<hbm>>) dst(%dma_wait3A_2584 : memref<26x64xf32, #tpu.memory_space<vmem>>)
      %mul3A_2591 = arith.constant 16 : i32
      %mul3A_2592 = arith.muli %add3A_2500, %mul3A_2591 : i32
      %add3A_2593 = arith.constant 6 : i32
      %add3A_2594 = arith.addi %mul3A_2592, %add3A_2593 : i32
      %dma_wait3A_2595 = arith.constant 6 : i32
      %dma_wait3A_2596 = arith.constant 0 : i32
      %dma_wait3A_2597 = arith.constant 0 : i32
      %dma_wait3A_2598 = tpu.memref_slice %arg7[%dma_wait3A_2595, %dma_wait3A_2596, %dma_wait3A_2597] : memref<16x26x64xf32, #tpu.memory_space<vmem>> -> memref<1x26x64xf32, #tpu.memory_space<vmem>>
      %dma_wait3A_2599 = tpu.memref_squeeze %dma_wait3A_2598 : memref<1x26x64xf32, #tpu.memory_space<vmem>> -> memref<26x64xf32, #tpu.memory_space<vmem>>
      %dma_wait3A_2600 = arith.constant 0 : i32
      %dma_wait3A_2601 = tpu.memref_slice %arg5[%add3A_2594, %dma_wait3A_2600] : memref<512x26xi32, #tpu.memory_space<vmem>> -> memref<1x26xi32, #tpu.memory_space<vmem>>
      %dma_wait3A_2602 = tpu.memref_squeeze %dma_wait3A_2601 : memref<1x26xi32, #tpu.memory_space<vmem>> -> memref<26xi32, #tpu.memory_space<vmem>>
      %dma_wait3A_2603 = arith.constant 0 : i32
      %dma_wait3A_2604 = arith.constant 0 : i32
      %dma_wait3A_2605 = tpu.memref_slice %arg3[%dma_wait3A_2603, %dma_wait3A_2604] : memref<1000000x64xf32, #tpu.memory_space<hbm>> -> memref<1000000x64xf32, #tpu.memory_space<hbm>>
      tpu.wait_indirect_dma semaphore(%arg10 : memref<!tpu.dma_semaphore, #tpu.memory_space<semaphore_mem>>) src(%dma_wait3A_2605 : memref<1000000x64xf32, #tpu.memory_space<hbm>>) dst(%dma_wait3A_2599 : memref<26x64xf32, #tpu.memory_space<vmem>>)
      %mul3A_2606 = arith.constant 16 : i32
      %mul3A_2607 = arith.muli %add3A_2500, %mul3A_2606 : i32
      %add3A_2608 = arith.constant 7 : i32
      %add3A_2609 = arith.addi %mul3A_2607, %add3A_2608 : i32
      %dma_wait3A_2610 = arith.constant 7 : i32
      %dma_wait3A_2611 = arith.constant 0 : i32
      %dma_wait3A_2612 = arith.constant 0 : i32
      %dma_wait3A_2613 = tpu.memref_slice %arg7[%dma_wait3A_2610, %dma_wait3A_2611, %dma_wait3A_2612] : memref<16x26x64xf32, #tpu.memory_space<vmem>> -> memref<1x26x64xf32, #tpu.memory_space<vmem>>
      %dma_wait3A_2614 = tpu.memref_squeeze %dma_wait3A_2613 : memref<1x26x64xf32, #tpu.memory_space<vmem>> -> memref<26x64xf32, #tpu.memory_space<vmem>>
      %dma_wait3A_2615 = arith.constant 0 : i32
      %dma_wait3A_2616 = tpu.memref_slice %arg5[%add3A_2609, %dma_wait3A_2615] : memref<512x26xi32, #tpu.memory_space<vmem>> -> memref<1x26xi32, #tpu.memory_space<vmem>>
      %dma_wait3A_2617 = tpu.memref_squeeze %dma_wait3A_2616 : memref<1x26xi32, #tpu.memory_space<vmem>> -> memref<26xi32, #tpu.memory_space<vmem>>
      %dma_wait3A_2618 = arith.constant 0 : i32
      %dma_wait3A_2619 = arith.constant 0 : i32
      %dma_wait3A_2620 = tpu.memref_slice %arg3[%dma_wait3A_2618, %dma_wait3A_2619] : memref<1000000x64xf32, #tpu.memory_space<hbm>> -> memref<1000000x64xf32, #tpu.memory_space<hbm>>
      tpu.wait_indirect_dma semaphore(%arg10 : memref<!tpu.dma_semaphore, #tpu.memory_space<semaphore_mem>>) src(%dma_wait3A_2620 : memref<1000000x64xf32, #tpu.memory_space<hbm>>) dst(%dma_wait3A_2614 : memref<26x64xf32, #tpu.memory_space<vmem>>)
      %mul3A_2621 = arith.constant 16 : i32
      %mul3A_2622 = arith.muli %add3A_2500, %mul3A_2621 : i32
      %add3A_2623 = arith.constant 8 : i32
      %add3A_2624 = arith.addi %mul3A_2622, %add3A_2623 : i32
      %dma_wait3A_2625 = arith.constant 8 : i32
      %dma_wait3A_2626 = arith.constant 0 : i32
      %dma_wait3A_2627 = arith.constant 0 : i32
      %dma_wait3A_2628 = tpu.memref_slice %arg7[%dma_wait3A_2625, %dma_wait3A_2626, %dma_wait3A_2627] : memref<16x26x64xf32, #tpu.memory_space<vmem>> -> memref<1x26x64xf32, #tpu.memory_space<vmem>>
      %dma_wait3A_2629 = tpu.memref_squeeze %dma_wait3A_2628 : memref<1x26x64xf32, #tpu.memory_space<vmem>> -> memref<26x64xf32, #tpu.memory_space<vmem>>
      %dma_wait3A_2630 = arith.constant 0 : i32
      %dma_wait3A_2631 = tpu.memref_slice %arg5[%add3A_2624, %dma_wait3A_2630] : memref<512x26xi32, #tpu.memory_space<vmem>> -> memref<1x26xi32, #tpu.memory_space<vmem>>
      %dma_wait3A_2632 = tpu.memref_squeeze %dma_wait3A_2631 : memref<1x26xi32, #tpu.memory_space<vmem>> -> memref<26xi32, #tpu.memory_space<vmem>>
      %dma_wait3A_2633 = arith.constant 0 : i32
      %dma_wait3A_2634 = arith.constant 0 : i32
      %dma_wait3A_2635 = tpu.memref_slice %arg3[%dma_wait3A_2633, %dma_wait3A_2634] : memref<1000000x64xf32, #tpu.memory_space<hbm>> -> memref<1000000x64xf32, #tpu.memory_space<hbm>>
      tpu.wait_indirect_dma semaphore(%arg10 : memref<!tpu.dma_semaphore, #tpu.memory_space<semaphore_mem>>) src(%dma_wait3A_2635 : memref<1000000x64xf32, #tpu.memory_space<hbm>>) dst(%dma_wait3A_2629 : memref<26x64xf32, #tpu.memory_space<vmem>>)
      %mul3A_2636 = arith.constant 16 : i32
      %mul3A_2637 = arith.muli %add3A_2500, %mul3A_2636 : i32
      %add3A_2638 = arith.constant 9 : i32
      %add3A_2639 = arith.addi %mul3A_2637, %add3A_2638 : i32
      %dma_wait3A_2640 = arith.constant 9 : i32
      %dma_wait3A_2641 = arith.constant 0 : i32
      %dma_wait3A_2642 = arith.constant 0 : i32
      %dma_wait3A_2643 = tpu.memref_slice %arg7[%dma_wait3A_2640, %dma_wait3A_2641, %dma_wait3A_2642] : memref<16x26x64xf32, #tpu.memory_space<vmem>> -> memref<1x26x64xf32, #tpu.memory_space<vmem>>
      %dma_wait3A_2644 = tpu.memref_squeeze %dma_wait3A_2643 : memref<1x26x64xf32, #tpu.memory_space<vmem>> -> memref<26x64xf32, #tpu.memory_space<vmem>>
      %dma_wait3A_2645 = arith.constant 0 : i32
      %dma_wait3A_2646 = tpu.memref_slice %arg5[%add3A_2639, %dma_wait3A_2645] : memref<512x26xi32, #tpu.memory_space<vmem>> -> memref<1x26xi32, #tpu.memory_space<vmem>>
      %dma_wait3A_2647 = tpu.memref_squeeze %dma_wait3A_2646 : memref<1x26xi32, #tpu.memory_space<vmem>> -> memref<26xi32, #tpu.memory_space<vmem>>
      %dma_wait3A_2648 = arith.constant 0 : i32
      %dma_wait3A_2649 = arith.constant 0 : i32
      %dma_wait3A_2650 = tpu.memref_slice %arg3[%dma_wait3A_2648, %dma_wait3A_2649] : memref<1000000x64xf32, #tpu.memory_space<hbm>> -> memref<1000000x64xf32, #tpu.memory_space<hbm>>
      tpu.wait_indirect_dma semaphore(%arg10 : memref<!tpu.dma_semaphore, #tpu.memory_space<semaphore_mem>>) src(%dma_wait3A_2650 : memref<1000000x64xf32, #tpu.memory_space<hbm>>) dst(%dma_wait3A_2644 : memref<26x64xf32, #tpu.memory_space<vmem>>)
      %mul3A_2651 = arith.constant 16 : i32
      %mul3A_2652 = arith.muli %add3A_2500, %mul3A_2651 : i32
      %add3A_2653 = arith.constant 10 : i32
      %add3A_2654 = arith.addi %mul3A_2652, %add3A_2653 : i32
      %dma_wait3A_2655 = arith.constant 10 : i32
      %dma_wait3A_2656 = arith.constant 0 : i32
      %dma_wait3A_2657 = arith.constant 0 : i32
      %dma_wait3A_2658 = tpu.memref_slice %arg7[%dma_wait3A_2655, %dma_wait3A_2656, %dma_wait3A_2657] : memref<16x26x64xf32, #tpu.memory_space<vmem>> -> memref<1x26x64xf32, #tpu.memory_space<vmem>>
      %dma_wait3A_2659 = tpu.memref_squeeze %dma_wait3A_2658 : memref<1x26x64xf32, #tpu.memory_space<vmem>> -> memref<26x64xf32, #tpu.memory_space<vmem>>
      %dma_wait3A_2660 = arith.constant 0 : i32
      %dma_wait3A_2661 = tpu.memref_slice %arg5[%add3A_2654, %dma_wait3A_2660] : memref<512x26xi32, #tpu.memory_space<vmem>> -> memref<1x26xi32, #tpu.memory_space<vmem>>
      %dma_wait3A_2662 = tpu.memref_squeeze %dma_wait3A_2661 : memref<1x26xi32, #tpu.memory_space<vmem>> -> memref<26xi32, #tpu.memory_space<vmem>>
      %dma_wait3A_2663 = arith.constant 0 : i32
      %dma_wait3A_2664 = arith.constant 0 : i32
      %dma_wait3A_2665 = tpu.memref_slice %arg3[%dma_wait3A_2663, %dma_wait3A_2664] : memref<1000000x64xf32, #tpu.memory_space<hbm>> -> memref<1000000x64xf32, #tpu.memory_space<hbm>>
      tpu.wait_indirect_dma semaphore(%arg10 : memref<!tpu.dma_semaphore, #tpu.memory_space<semaphore_mem>>) src(%dma_wait3A_2665 : memref<1000000x64xf32, #tpu.memory_space<hbm>>) dst(%dma_wait3A_2659 : memref<26x64xf32, #tpu.memory_space<vmem>>)
      %mul3A_2666 = arith.constant 16 : i32
      %mul3A_2667 = arith.muli %add3A_2500, %mul3A_2666 : i32
      %add3A_2668 = arith.constant 11 : i32
      %add3A_2669 = arith.addi %mul3A_2667, %add3A_2668 : i32
      %dma_wait3A_2670 = arith.constant 11 : i32
      %dma_wait3A_2671 = arith.constant 0 : i32
      %dma_wait3A_2672 = arith.constant 0 : i32
      %dma_wait3A_2673 = tpu.memref_slice %arg7[%dma_wait3A_2670, %dma_wait3A_2671, %dma_wait3A_2672] : memref<16x26x64xf32, #tpu.memory_space<vmem>> -> memref<1x26x64xf32, #tpu.memory_space<vmem>>
      %dma_wait3A_2674 = tpu.memref_squeeze %dma_wait3A_2673 : memref<1x26x64xf32, #tpu.memory_space<vmem>> -> memref<26x64xf32, #tpu.memory_space<vmem>>
      %dma_wait3A_2675 = arith.constant 0 : i32
      %dma_wait3A_2676 = tpu.memref_slice %arg5[%add3A_2669, %dma_wait3A_2675] : memref<512x26xi32, #tpu.memory_space<vmem>> -> memref<1x26xi32, #tpu.memory_space<vmem>>
      %dma_wait3A_2677 = tpu.memref_squeeze %dma_wait3A_2676 : memref<1x26xi32, #tpu.memory_space<vmem>> -> memref<26xi32, #tpu.memory_space<vmem>>
      %dma_wait3A_2678 = arith.constant 0 : i32
      %dma_wait3A_2679 = arith.constant 0 : i32
      %dma_wait3A_2680 = tpu.memref_slice %arg3[%dma_wait3A_2678, %dma_wait3A_2679] : memref<1000000x64xf32, #tpu.memory_space<hbm>> -> memref<1000000x64xf32, #tpu.memory_space<hbm>>
      tpu.wait_indirect_dma semaphore(%arg10 : memref<!tpu.dma_semaphore, #tpu.memory_space<semaphore_mem>>) src(%dma_wait3A_2680 : memref<1000000x64xf32, #tpu.memory_space<hbm>>) dst(%dma_wait3A_2674 : memref<26x64xf32, #tpu.memory_space<vmem>>)
      %mul3A_2681 = arith.constant 16 : i32
      %mul3A_2682 = arith.muli %add3A_2500, %mul3A_2681 : i32
      %add3A_2683 = arith.constant 12 : i32
      %add3A_2684 = arith.addi %mul3A_2682, %add3A_2683 : i32
      %dma_wait3A_2685 = arith.constant 12 : i32
      %dma_wait3A_2686 = arith.constant 0 : i32
      %dma_wait3A_2687 = arith.constant 0 : i32
      %dma_wait3A_2688 = tpu.memref_slice %arg7[%dma_wait3A_2685, %dma_wait3A_2686, %dma_wait3A_2687] : memref<16x26x64xf32, #tpu.memory_space<vmem>> -> memref<1x26x64xf32, #tpu.memory_space<vmem>>
      %dma_wait3A_2689 = tpu.memref_squeeze %dma_wait3A_2688 : memref<1x26x64xf32, #tpu.memory_space<vmem>> -> memref<26x64xf32, #tpu.memory_space<vmem>>
      %dma_wait3A_2690 = arith.constant 0 : i32
      %dma_wait3A_2691 = tpu.memref_slice %arg5[%add3A_2684, %dma_wait3A_2690] : memref<512x26xi32, #tpu.memory_space<vmem>> -> memref<1x26xi32, #tpu.memory_space<vmem>>
      %dma_wait3A_2692 = tpu.memref_squeeze %dma_wait3A_2691 : memref<1x26xi32, #tpu.memory_space<vmem>> -> memref<26xi32, #tpu.memory_space<vmem>>
      %dma_wait3A_2693 = arith.constant 0 : i32
      %dma_wait3A_2694 = arith.constant 0 : i32
      %dma_wait3A_2695 = tpu.memref_slice %arg3[%dma_wait3A_2693, %dma_wait3A_2694] : memref<1000000x64xf32, #tpu.memory_space<hbm>> -> memref<1000000x64xf32, #tpu.memory_space<hbm>>
      tpu.wait_indirect_dma semaphore(%arg10 : memref<!tpu.dma_semaphore, #tpu.memory_space<semaphore_mem>>) src(%dma_wait3A_2695 : memref<1000000x64xf32, #tpu.memory_space<hbm>>) dst(%dma_wait3A_2689 : memref<26x64xf32, #tpu.memory_space<vmem>>)
      %mul3A_2696 = arith.constant 16 : i32
      %mul3A_2697 = arith.muli %add3A_2500, %mul3A_2696 : i32
      %add3A_2698 = arith.constant 13 : i32
      %add3A_2699 = arith.addi %mul3A_2697, %add3A_2698 : i32
      %dma_wait3A_2700 = arith.constant 13 : i32
      %dma_wait3A_2701 = arith.constant 0 : i32
      %dma_wait3A_2702 = arith.constant 0 : i32
      %dma_wait3A_2703 = tpu.memref_slice %arg7[%dma_wait3A_2700, %dma_wait3A_2701, %dma_wait3A_2702] : memref<16x26x64xf32, #tpu.memory_space<vmem>> -> memref<1x26x64xf32, #tpu.memory_space<vmem>>
      %dma_wait3A_2704 = tpu.memref_squeeze %dma_wait3A_2703 : memref<1x26x64xf32, #tpu.memory_space<vmem>> -> memref<26x64xf32, #tpu.memory_space<vmem>>
      %dma_wait3A_2705 = arith.constant 0 : i32
      %dma_wait3A_2706 = tpu.memref_slice %arg5[%add3A_2699, %dma_wait3A_2705] : memref<512x26xi32, #tpu.memory_space<vmem>> -> memref<1x26xi32, #tpu.memory_space<vmem>>
      %dma_wait3A_2707 = tpu.memref_squeeze %dma_wait3A_2706 : memref<1x26xi32, #tpu.memory_space<vmem>> -> memref<26xi32, #tpu.memory_space<vmem>>
      %dma_wait3A_2708 = arith.constant 0 : i32
      %dma_wait3A_2709 = arith.constant 0 : i32
      %dma_wait3A_2710 = tpu.memref_slice %arg3[%dma_wait3A_2708, %dma_wait3A_2709] : memref<1000000x64xf32, #tpu.memory_space<hbm>> -> memref<1000000x64xf32, #tpu.memory_space<hbm>>
      tpu.wait_indirect_dma semaphore(%arg10 : memref<!tpu.dma_semaphore, #tpu.memory_space<semaphore_mem>>) src(%dma_wait3A_2710 : memref<1000000x64xf32, #tpu.memory_space<hbm>>) dst(%dma_wait3A_2704 : memref<26x64xf32, #tpu.memory_space<vmem>>)
      %mul3A_2711 = arith.constant 16 : i32
      %mul3A_2712 = arith.muli %add3A_2500, %mul3A_2711 : i32
      %add3A_2713 = arith.constant 14 : i32
      %add3A_2714 = arith.addi %mul3A_2712, %add3A_2713 : i32
      %dma_wait3A_2715 = arith.constant 14 : i32
      %dma_wait3A_2716 = arith.constant 0 : i32
      %dma_wait3A_2717 = arith.constant 0 : i32
      %dma_wait3A_2718 = tpu.memref_slice %arg7[%dma_wait3A_2715, %dma_wait3A_2716, %dma_wait3A_2717] : memref<16x26x64xf32, #tpu.memory_space<vmem>> -> memref<1x26x64xf32, #tpu.memory_space<vmem>>
      %dma_wait3A_2719 = tpu.memref_squeeze %dma_wait3A_2718 : memref<1x26x64xf32, #tpu.memory_space<vmem>> -> memref<26x64xf32, #tpu.memory_space<vmem>>
      %dma_wait3A_2720 = arith.constant 0 : i32
      %dma_wait3A_2721 = tpu.memref_slice %arg5[%add3A_2714, %dma_wait3A_2720] : memref<512x26xi32, #tpu.memory_space<vmem>> -> memref<1x26xi32, #tpu.memory_space<vmem>>
      %dma_wait3A_2722 = tpu.memref_squeeze %dma_wait3A_2721 : memref<1x26xi32, #tpu.memory_space<vmem>> -> memref<26xi32, #tpu.memory_space<vmem>>
      %dma_wait3A_2723 = arith.constant 0 : i32
      %dma_wait3A_2724 = arith.constant 0 : i32
      %dma_wait3A_2725 = tpu.memref_slice %arg3[%dma_wait3A_2723, %dma_wait3A_2724] : memref<1000000x64xf32, #tpu.memory_space<hbm>> -> memref<1000000x64xf32, #tpu.memory_space<hbm>>
      tpu.wait_indirect_dma semaphore(%arg10 : memref<!tpu.dma_semaphore, #tpu.memory_space<semaphore_mem>>) src(%dma_wait3A_2725 : memref<1000000x64xf32, #tpu.memory_space<hbm>>) dst(%dma_wait3A_2719 : memref<26x64xf32, #tpu.memory_space<vmem>>)
      %mul3A_2726 = arith.constant 16 : i32
      %mul3A_2727 = arith.muli %add3A_2500, %mul3A_2726 : i32
      %add3A_2728 = arith.constant 15 : i32
      %add3A_2729 = arith.addi %mul3A_2727, %add3A_2728 : i32
      %dma_wait3A_2730 = arith.constant 15 : i32
      %dma_wait3A_2731 = arith.constant 0 : i32
      %dma_wait3A_2732 = arith.constant 0 : i32
      %dma_wait3A_2733 = tpu.memref_slice %arg7[%dma_wait3A_2730, %dma_wait3A_2731, %dma_wait3A_2732] : memref<16x26x64xf32, #tpu.memory_space<vmem>> -> memref<1x26x64xf32, #tpu.memory_space<vmem>>
      %dma_wait3A_2734 = tpu.memref_squeeze %dma_wait3A_2733 : memref<1x26x64xf32, #tpu.memory_space<vmem>> -> memref<26x64xf32, #tpu.memory_space<vmem>>
      %dma_wait3A_2735 = arith.constant 0 : i32
      %dma_wait3A_2736 = tpu.memref_slice %arg5[%add3A_2729, %dma_wait3A_2735] : memref<512x26xi32, #tpu.memory_space<vmem>> -> memref<1x26xi32, #tpu.memory_space<vmem>>
      %dma_wait3A_2737 = tpu.memref_squeeze %dma_wait3A_2736 : memref<1x26xi32, #tpu.memory_space<vmem>> -> memref<26xi32, #tpu.memory_space<vmem>>
      %dma_wait3A_2738 = arith.constant 0 : i32
      %dma_wait3A_2739 = arith.constant 0 : i32
      %dma_wait3A_2740 = tpu.memref_slice %arg3[%dma_wait3A_2738, %dma_wait3A_2739] : memref<1000000x64xf32, #tpu.memory_space<hbm>> -> memref<1000000x64xf32, #tpu.memory_space<hbm>>
      tpu.wait_indirect_dma semaphore(%arg10 : memref<!tpu.dma_semaphore, #tpu.memory_space<semaphore_mem>>) src(%dma_wait3A_2740 : memref<1000000x64xf32, #tpu.memory_space<hbm>>) dst(%dma_wait3A_2734 : memref<26x64xf32, #tpu.memory_space<vmem>>)
      %mul3A_2741 = arith.constant 16 : i32
      %mul3A_2742 = arith.muli %add3A_2500, %mul3A_2741 : i32
      %add3A_2743 = arith.addi %mul3A_2, %mul3A_2742 : i32
      %dma_start3A_2744 = arith.constant 0 : i32
      %dma_start3A_2745 = arith.constant 0 : i32
      %dma_start3A_2746 = tpu.memref_slice %arg4[%add3A_2743, %dma_start3A_2744, %dma_start3A_2745] : memref<16384x26x64xf32, #tpu.memory_space<hbm>> -> memref<16x26x64xf32, #tpu.memory_space<hbm>>
      %dma_start3A_2747 = arith.constant 0 : i32
      %dma_start3A_2748 = arith.constant 0 : i32
      %dma_start3A_2749 = tpu.memref_slice %arg4[%add3A_2743, %dma_start3A_2747, %dma_start3A_2748] : memref<16384x26x64xf32, #tpu.memory_space<hbm>> -> memref<16x26x64xf32, #tpu.memory_space<hbm>>
      tpu.enqueue_dma source(%arg7 : memref<16x26x64xf32, #tpu.memory_space<vmem>>) target(%dma_start3A_2749 : memref<16x26x64xf32, #tpu.memory_space<hbm>>) target_semaphore(%arg13 : memref<!tpu.dma_semaphore, #tpu.memory_space<semaphore_mem>>)
      %dma_wait3A_2750 = arith.constant 0 : i32
      %dma_wait3A_2751 = arith.constant 0 : i32
      %dma_wait3A_2752 = tpu.memref_slice %arg4[%mul3A_2, %dma_wait3A_2750, %dma_wait3A_2751] : memref<16384x26x64xf32, #tpu.memory_space<hbm>> -> memref<16x26x64xf32, #tpu.memory_space<hbm>>
      %dma_wait3A_2753 = arith.constant 0 : i32
      %dma_wait3A_2754 = arith.constant 0 : i32
      %dma_wait3A_2755 = tpu.memref_slice %arg4[%mul3A_2, %dma_wait3A_2753, %dma_wait3A_2754] : memref<16384x26x64xf32, #tpu.memory_space<hbm>> -> memref<16x26x64xf32, #tpu.memory_space<hbm>>
      tpu.wait_dma2 semaphore(%arg12 : memref<!tpu.dma_semaphore, #tpu.memory_space<semaphore_mem>>) src(%arg6 : memref<16x26x64xf32, #tpu.memory_space<vmem>>) dst(%dma_wait3A_2755 : memref<16x26x64xf32, #tpu.memory_space<hbm>>)
      %add3A_2756 = arith.constant 2 : i32
      %add3A_2757 = arith.addi %add3A_2500, %add3A_2756 : i32
      %mul3A_2758 = arith.constant 16 : i32
      %mul3A_2759 = arith.muli %add3A_2757, %mul3A_2758 : i32
      %add3A_2760 = arith.constant 0 : i32
      %add3A_2761 = arith.addi %mul3A_2759, %add3A_2760 : i32
      %dma_start3A_2762 = arith.constant 0 : i32
      %dma_start3A_2763 = arith.constant 0 : i32
      %dma_start3A_2764 = arith.constant 0 : i32
      %dma_start3A_2765 = tpu.memref_slice %arg6[%dma_start3A_2762, %dma_start3A_2763, %dma_start3A_2764] : memref<16x26x64xf32, #tpu.memory_space<vmem>> -> memref<1x26x64xf32, #tpu.memory_space<vmem>>
      %dma_start3A_2766 = tpu.memref_squeeze %dma_start3A_2765 : memref<1x26x64xf32, #tpu.memory_space<vmem>> -> memref<26x64xf32, #tpu.memory_space<vmem>>
      %dma_start3A_2767 = arith.constant 0 : i32
      %dma_start3A_2768 = tpu.memref_slice %arg5[%add3A_2761, %dma_start3A_2767] : memref<512x26xi32, #tpu.memory_space<vmem>> -> memref<1x26xi32, #tpu.memory_space<vmem>>
      %dma_start3A_2769 = tpu.memref_squeeze %dma_start3A_2768 : memref<1x26xi32, #tpu.memory_space<vmem>> -> memref<26xi32, #tpu.memory_space<vmem>>
      %dma_start3A_2770 = arith.constant 0 : i32
      %dma_start3A_2771 = arith.constant 0 : i32
      %dma_start3A_2772 = tpu.memref_slice %arg3[%dma_start3A_2770, %dma_start3A_2771] : memref<1000000x64xf32, #tpu.memory_space<hbm>> -> memref<1000000x64xf32, #tpu.memory_space<hbm>>
      tpu.enqueue_indirect_dma source(%dma_start3A_2772 : memref<1000000x64xf32, #tpu.memory_space<hbm>>) target(%dma_start3A_2766 : memref<26x64xf32, #tpu.memory_space<vmem>>) offsets(%dma_start3A_2769 : memref<26xi32, #tpu.memory_space<vmem>>) semaphore(%arg9 : memref<!tpu.dma_semaphore, #tpu.memory_space<semaphore_mem>>)
      %mul3A_2773 = arith.constant 16 : i32
      %mul3A_2774 = arith.muli %add3A_2757, %mul3A_2773 : i32
      %add3A_2775 = arith.constant 1 : i32
      %add3A_2776 = arith.addi %mul3A_2774, %add3A_2775 : i32
      %dma_start3A_2777 = arith.constant 1 : i32
      %dma_start3A_2778 = arith.constant 0 : i32
      %dma_start3A_2779 = arith.constant 0 : i32
      %dma_start3A_2780 = tpu.memref_slice %arg6[%dma_start3A_2777, %dma_start3A_2778, %dma_start3A_2779] : memref<16x26x64xf32, #tpu.memory_space<vmem>> -> memref<1x26x64xf32, #tpu.memory_space<vmem>>
      %dma_start3A_2781 = tpu.memref_squeeze %dma_start3A_2780 : memref<1x26x64xf32, #tpu.memory_space<vmem>> -> memref<26x64xf32, #tpu.memory_space<vmem>>
      %dma_start3A_2782 = arith.constant 0 : i32
      %dma_start3A_2783 = tpu.memref_slice %arg5[%add3A_2776, %dma_start3A_2782] : memref<512x26xi32, #tpu.memory_space<vmem>> -> memref<1x26xi32, #tpu.memory_space<vmem>>
      %dma_start3A_2784 = tpu.memref_squeeze %dma_start3A_2783 : memref<1x26xi32, #tpu.memory_space<vmem>> -> memref<26xi32, #tpu.memory_space<vmem>>
      %dma_start3A_2785 = arith.constant 0 : i32
      %dma_start3A_2786 = arith.constant 0 : i32
      %dma_start3A_2787 = tpu.memref_slice %arg3[%dma_start3A_2785, %dma_start3A_2786] : memref<1000000x64xf32, #tpu.memory_space<hbm>> -> memref<1000000x64xf32, #tpu.memory_space<hbm>>
      tpu.enqueue_indirect_dma source(%dma_start3A_2787 : memref<1000000x64xf32, #tpu.memory_space<hbm>>) target(%dma_start3A_2781 : memref<26x64xf32, #tpu.memory_space<vmem>>) offsets(%dma_start3A_2784 : memref<26xi32, #tpu.memory_space<vmem>>) semaphore(%arg9 : memref<!tpu.dma_semaphore, #tpu.memory_space<semaphore_mem>>)
      %mul3A_2788 = arith.constant 16 : i32
      %mul3A_2789 = arith.muli %add3A_2757, %mul3A_2788 : i32
      %add3A_2790 = arith.constant 2 : i32
      %add3A_2791 = arith.addi %mul3A_2789, %add3A_2790 : i32
      %dma_start3A_2792 = arith.constant 2 : i32
      %dma_start3A_2793 = arith.constant 0 : i32
      %dma_start3A_2794 = arith.constant 0 : i32
      %dma_start3A_2795 = tpu.memref_slice %arg6[%dma_start3A_2792, %dma_start3A_2793, %dma_start3A_2794] : memref<16x26x64xf32, #tpu.memory_space<vmem>> -> memref<1x26x64xf32, #tpu.memory_space<vmem>>
      %dma_start3A_2796 = tpu.memref_squeeze %dma_start3A_2795 : memref<1x26x64xf32, #tpu.memory_space<vmem>> -> memref<26x64xf32, #tpu.memory_space<vmem>>
      %dma_start3A_2797 = arith.constant 0 : i32
      %dma_start3A_2798 = tpu.memref_slice %arg5[%add3A_2791, %dma_start3A_2797] : memref<512x26xi32, #tpu.memory_space<vmem>> -> memref<1x26xi32, #tpu.memory_space<vmem>>
      %dma_start3A_2799 = tpu.memref_squeeze %dma_start3A_2798 : memref<1x26xi32, #tpu.memory_space<vmem>> -> memref<26xi32, #tpu.memory_space<vmem>>
      %dma_start3A_2800 = arith.constant 0 : i32
      %dma_start3A_2801 = arith.constant 0 : i32
      %dma_start3A_2802 = tpu.memref_slice %arg3[%dma_start3A_2800, %dma_start3A_2801] : memref<1000000x64xf32, #tpu.memory_space<hbm>> -> memref<1000000x64xf32, #tpu.memory_space<hbm>>
      tpu.enqueue_indirect_dma source(%dma_start3A_2802 : memref<1000000x64xf32, #tpu.memory_space<hbm>>) target(%dma_start3A_2796 : memref<26x64xf32, #tpu.memory_space<vmem>>) offsets(%dma_start3A_2799 : memref<26xi32, #tpu.memory_space<vmem>>) semaphore(%arg9 : memref<!tpu.dma_semaphore, #tpu.memory_space<semaphore_mem>>)
      %mul3A_2803 = arith.constant 16 : i32
      %mul3A_2804 = arith.muli %add3A_2757, %mul3A_2803 : i32
      %add3A_2805 = arith.constant 3 : i32
      %add3A_2806 = arith.addi %mul3A_2804, %add3A_2805 : i32
      %dma_start3A_2807 = arith.constant 3 : i32
      %dma_start3A_2808 = arith.constant 0 : i32
      %dma_start3A_2809 = arith.constant 0 : i32
      %dma_start3A_2810 = tpu.memref_slice %arg6[%dma_start3A_2807, %dma_start3A_2808, %dma_start3A_2809] : memref<16x26x64xf32, #tpu.memory_space<vmem>> -> memref<1x26x64xf32, #tpu.memory_space<vmem>>
      %dma_start3A_2811 = tpu.memref_squeeze %dma_start3A_2810 : memref<1x26x64xf32, #tpu.memory_space<vmem>> -> memref<26x64xf32, #tpu.memory_space<vmem>>
      %dma_start3A_2812 = arith.constant 0 : i32
      %dma_start3A_2813 = tpu.memref_slice %arg5[%add3A_2806, %dma_start3A_2812] : memref<512x26xi32, #tpu.memory_space<vmem>> -> memref<1x26xi32, #tpu.memory_space<vmem>>
      %dma_start3A_2814 = tpu.memref_squeeze %dma_start3A_2813 : memref<1x26xi32, #tpu.memory_space<vmem>> -> memref<26xi32, #tpu.memory_space<vmem>>
      %dma_start3A_2815 = arith.constant 0 : i32
      %dma_start3A_2816 = arith.constant 0 : i32
      %dma_start3A_2817 = tpu.memref_slice %arg3[%dma_start3A_2815, %dma_start3A_2816] : memref<1000000x64xf32, #tpu.memory_space<hbm>> -> memref<1000000x64xf32, #tpu.memory_space<hbm>>
      tpu.enqueue_indirect_dma source(%dma_start3A_2817 : memref<1000000x64xf32, #tpu.memory_space<hbm>>) target(%dma_start3A_2811 : memref<26x64xf32, #tpu.memory_space<vmem>>) offsets(%dma_start3A_2814 : memref<26xi32, #tpu.memory_space<vmem>>) semaphore(%arg9 : memref<!tpu.dma_semaphore, #tpu.memory_space<semaphore_mem>>)
      %mul3A_2818 = arith.constant 16 : i32
      %mul3A_2819 = arith.muli %add3A_2757, %mul3A_2818 : i32
      %add3A_2820 = arith.constant 4 : i32
      %add3A_2821 = arith.addi %mul3A_2819, %add3A_2820 : i32
      %dma_start3A_2822 = arith.constant 4 : i32
      %dma_start3A_2823 = arith.constant 0 : i32
      %dma_start3A_2824 = arith.constant 0 : i32
      %dma_start3A_2825 = tpu.memref_slice %arg6[%dma_start3A_2822, %dma_start3A_2823, %dma_start3A_2824] : memref<16x26x64xf32, #tpu.memory_space<vmem>> -> memref<1x26x64xf32, #tpu.memory_space<vmem>>
      %dma_start3A_2826 = tpu.memref_squeeze %dma_start3A_2825 : memref<1x26x64xf32, #tpu.memory_space<vmem>> -> memref<26x64xf32, #tpu.memory_space<vmem>>
      %dma_start3A_2827 = arith.constant 0 : i32
      %dma_start3A_2828 = tpu.memref_slice %arg5[%add3A_2821, %dma_start3A_2827] : memref<512x26xi32, #tpu.memory_space<vmem>> -> memref<1x26xi32, #tpu.memory_space<vmem>>
      %dma_start3A_2829 = tpu.memref_squeeze %dma_start3A_2828 : memref<1x26xi32, #tpu.memory_space<vmem>> -> memref<26xi32, #tpu.memory_space<vmem>>
      %dma_start3A_2830 = arith.constant 0 : i32
      %dma_start3A_2831 = arith.constant 0 : i32
      %dma_start3A_2832 = tpu.memref_slice %arg3[%dma_start3A_2830, %dma_start3A_2831] : memref<1000000x64xf32, #tpu.memory_space<hbm>> -> memref<1000000x64xf32, #tpu.memory_space<hbm>>
      tpu.enqueue_indirect_dma source(%dma_start3A_2832 : memref<1000000x64xf32, #tpu.memory_space<hbm>>) target(%dma_start3A_2826 : memref<26x64xf32, #tpu.memory_space<vmem>>) offsets(%dma_start3A_2829 : memref<26xi32, #tpu.memory_space<vmem>>) semaphore(%arg9 : memref<!tpu.dma_semaphore, #tpu.memory_space<semaphore_mem>>)
      %mul3A_2833 = arith.constant 16 : i32
      %mul3A_2834 = arith.muli %add3A_2757, %mul3A_2833 : i32
      %add3A_2835 = arith.constant 5 : i32
      %add3A_2836 = arith.addi %mul3A_2834, %add3A_2835 : i32
      %dma_start3A_2837 = arith.constant 5 : i32
      %dma_start3A_2838 = arith.constant 0 : i32
      %dma_start3A_2839 = arith.constant 0 : i32
      %dma_start3A_2840 = tpu.memref_slice %arg6[%dma_start3A_2837, %dma_start3A_2838, %dma_start3A_2839] : memref<16x26x64xf32, #tpu.memory_space<vmem>> -> memref<1x26x64xf32, #tpu.memory_space<vmem>>
      %dma_start3A_2841 = tpu.memref_squeeze %dma_start3A_2840 : memref<1x26x64xf32, #tpu.memory_space<vmem>> -> memref<26x64xf32, #tpu.memory_space<vmem>>
      %dma_start3A_2842 = arith.constant 0 : i32
      %dma_start3A_2843 = tpu.memref_slice %arg5[%add3A_2836, %dma_start3A_2842] : memref<512x26xi32, #tpu.memory_space<vmem>> -> memref<1x26xi32, #tpu.memory_space<vmem>>
      %dma_start3A_2844 = tpu.memref_squeeze %dma_start3A_2843 : memref<1x26xi32, #tpu.memory_space<vmem>> -> memref<26xi32, #tpu.memory_space<vmem>>
      %dma_start3A_2845 = arith.constant 0 : i32
      %dma_start3A_2846 = arith.constant 0 : i32
      %dma_start3A_2847 = tpu.memref_slice %arg3[%dma_start3A_2845, %dma_start3A_2846] : memref<1000000x64xf32, #tpu.memory_space<hbm>> -> memref<1000000x64xf32, #tpu.memory_space<hbm>>
      tpu.enqueue_indirect_dma source(%dma_start3A_2847 : memref<1000000x64xf32, #tpu.memory_space<hbm>>) target(%dma_start3A_2841 : memref<26x64xf32, #tpu.memory_space<vmem>>) offsets(%dma_start3A_2844 : memref<26xi32, #tpu.memory_space<vmem>>) semaphore(%arg9 : memref<!tpu.dma_semaphore, #tpu.memory_space<semaphore_mem>>)
      %mul3A_2848 = arith.constant 16 : i32
      %mul3A_2849 = arith.muli %add3A_2757, %mul3A_2848 : i32
      %add3A_2850 = arith.constant 6 : i32
      %add3A_2851 = arith.addi %mul3A_2849, %add3A_2850 : i32
      %dma_start3A_2852 = arith.constant 6 : i32
      %dma_start3A_2853 = arith.constant 0 : i32
      %dma_start3A_2854 = arith.constant 0 : i32
      %dma_start3A_2855 = tpu.memref_slice %arg6[%dma_start3A_2852, %dma_start3A_2853, %dma_start3A_2854] : memref<16x26x64xf32, #tpu.memory_space<vmem>> -> memref<1x26x64xf32, #tpu.memory_space<vmem>>
      %dma_start3A_2856 = tpu.memref_squeeze %dma_start3A_2855 : memref<1x26x64xf32, #tpu.memory_space<vmem>> -> memref<26x64xf32, #tpu.memory_space<vmem>>
      %dma_start3A_2857 = arith.constant 0 : i32
      %dma_start3A_2858 = tpu.memref_slice %arg5[%add3A_2851, %dma_start3A_2857] : memref<512x26xi32, #tpu.memory_space<vmem>> -> memref<1x26xi32, #tpu.memory_space<vmem>>
      %dma_start3A_2859 = tpu.memref_squeeze %dma_start3A_2858 : memref<1x26xi32, #tpu.memory_space<vmem>> -> memref<26xi32, #tpu.memory_space<vmem>>
      %dma_start3A_2860 = arith.constant 0 : i32
      %dma_start3A_2861 = arith.constant 0 : i32
      %dma_start3A_2862 = tpu.memref_slice %arg3[%dma_start3A_2860, %dma_start3A_2861] : memref<1000000x64xf32, #tpu.memory_space<hbm>> -> memref<1000000x64xf32, #tpu.memory_space<hbm>>
      tpu.enqueue_indirect_dma source(%dma_start3A_2862 : memref<1000000x64xf32, #tpu.memory_space<hbm>>) target(%dma_start3A_2856 : memref<26x64xf32, #tpu.memory_space<vmem>>) offsets(%dma_start3A_2859 : memref<26xi32, #tpu.memory_space<vmem>>) semaphore(%arg9 : memref<!tpu.dma_semaphore, #tpu.memory_space<semaphore_mem>>)
      %mul3A_2863 = arith.constant 16 : i32
      %mul3A_2864 = arith.muli %add3A_2757, %mul3A_2863 : i32
      %add3A_2865 = arith.constant 7 : i32
      %add3A_2866 = arith.addi %mul3A_2864, %add3A_2865 : i32
      %dma_start3A_2867 = arith.constant 7 : i32
      %dma_start3A_2868 = arith.constant 0 : i32
      %dma_start3A_2869 = arith.constant 0 : i32
      %dma_start3A_2870 = tpu.memref_slice %arg6[%dma_start3A_2867, %dma_start3A_2868, %dma_start3A_2869] : memref<16x26x64xf32, #tpu.memory_space<vmem>> -> memref<1x26x64xf32, #tpu.memory_space<vmem>>
      %dma_start3A_2871 = tpu.memref_squeeze %dma_start3A_2870 : memref<1x26x64xf32, #tpu.memory_space<vmem>> -> memref<26x64xf32, #tpu.memory_space<vmem>>
      %dma_start3A_2872 = arith.constant 0 : i32
      %dma_start3A_2873 = tpu.memref_slice %arg5[%add3A_2866, %dma_start3A_2872] : memref<512x26xi32, #tpu.memory_space<vmem>> -> memref<1x26xi32, #tpu.memory_space<vmem>>
      %dma_start3A_2874 = tpu.memref_squeeze %dma_start3A_2873 : memref<1x26xi32, #tpu.memory_space<vmem>> -> memref<26xi32, #tpu.memory_space<vmem>>
      %dma_start3A_2875 = arith.constant 0 : i32
      %dma_start3A_2876 = arith.constant 0 : i32
      %dma_start3A_2877 = tpu.memref_slice %arg3[%dma_start3A_2875, %dma_start3A_2876] : memref<1000000x64xf32, #tpu.memory_space<hbm>> -> memref<1000000x64xf32, #tpu.memory_space<hbm>>
      tpu.enqueue_indirect_dma source(%dma_start3A_2877 : memref<1000000x64xf32, #tpu.memory_space<hbm>>) target(%dma_start3A_2871 : memref<26x64xf32, #tpu.memory_space<vmem>>) offsets(%dma_start3A_2874 : memref<26xi32, #tpu.memory_space<vmem>>) semaphore(%arg9 : memref<!tpu.dma_semaphore, #tpu.memory_space<semaphore_mem>>)
      %mul3A_2878 = arith.constant 16 : i32
      %mul3A_2879 = arith.muli %add3A_2757, %mul3A_2878 : i32
      %add3A_2880 = arith.constant 8 : i32
      %add3A_2881 = arith.addi %mul3A_2879, %add3A_2880 : i32
      %dma_start3A_2882 = arith.constant 8 : i32
      %dma_start3A_2883 = arith.constant 0 : i32
      %dma_start3A_2884 = arith.constant 0 : i32
      %dma_start3A_2885 = tpu.memref_slice %arg6[%dma_start3A_2882, %dma_start3A_2883, %dma_start3A_2884] : memref<16x26x64xf32, #tpu.memory_space<vmem>> -> memref<1x26x64xf32, #tpu.memory_space<vmem>>
      %dma_start3A_2886 = tpu.memref_squeeze %dma_start3A_2885 : memref<1x26x64xf32, #tpu.memory_space<vmem>> -> memref<26x64xf32, #tpu.memory_space<vmem>>
      %dma_start3A_2887 = arith.constant 0 : i32
      %dma_start3A_2888 = tpu.memref_slice %arg5[%add3A_2881, %dma_start3A_2887] : memref<512x26xi32, #tpu.memory_space<vmem>> -> memref<1x26xi32, #tpu.memory_space<vmem>>
      %dma_start3A_2889 = tpu.memref_squeeze %dma_start3A_2888 : memref<1x26xi32, #tpu.memory_space<vmem>> -> memref<26xi32, #tpu.memory_space<vmem>>
      %dma_start3A_2890 = arith.constant 0 : i32
      %dma_start3A_2891 = arith.constant 0 : i32
      %dma_start3A_2892 = tpu.memref_slice %arg3[%dma_start3A_2890, %dma_start3A_2891] : memref<1000000x64xf32, #tpu.memory_space<hbm>> -> memref<1000000x64xf32, #tpu.memory_space<hbm>>
      tpu.enqueue_indirect_dma source(%dma_start3A_2892 : memref<1000000x64xf32, #tpu.memory_space<hbm>>) target(%dma_start3A_2886 : memref<26x64xf32, #tpu.memory_space<vmem>>) offsets(%dma_start3A_2889 : memref<26xi32, #tpu.memory_space<vmem>>) semaphore(%arg9 : memref<!tpu.dma_semaphore, #tpu.memory_space<semaphore_mem>>)
      %mul3A_2893 = arith.constant 16 : i32
      %mul3A_2894 = arith.muli %add3A_2757, %mul3A_2893 : i32
      %add3A_2895 = arith.constant 9 : i32
      %add3A_2896 = arith.addi %mul3A_2894, %add3A_2895 : i32
      %dma_start3A_2897 = arith.constant 9 : i32
      %dma_start3A_2898 = arith.constant 0 : i32
      %dma_start3A_2899 = arith.constant 0 : i32
      %dma_start3A_2900 = tpu.memref_slice %arg6[%dma_start3A_2897, %dma_start3A_2898, %dma_start3A_2899] : memref<16x26x64xf32, #tpu.memory_space<vmem>> -> memref<1x26x64xf32, #tpu.memory_space<vmem>>
      %dma_start3A_2901 = tpu.memref_squeeze %dma_start3A_2900 : memref<1x26x64xf32, #tpu.memory_space<vmem>> -> memref<26x64xf32, #tpu.memory_space<vmem>>
      %dma_start3A_2902 = arith.constant 0 : i32
      %dma_start3A_2903 = tpu.memref_slice %arg5[%add3A_2896, %dma_start3A_2902] : memref<512x26xi32, #tpu.memory_space<vmem>> -> memref<1x26xi32, #tpu.memory_space<vmem>>
      %dma_start3A_2904 = tpu.memref_squeeze %dma_start3A_2903 : memref<1x26xi32, #tpu.memory_space<vmem>> -> memref<26xi32, #tpu.memory_space<vmem>>
      %dma_start3A_2905 = arith.constant 0 : i32
      %dma_start3A_2906 = arith.constant 0 : i32
      %dma_start3A_2907 = tpu.memref_slice %arg3[%dma_start3A_2905, %dma_start3A_2906] : memref<1000000x64xf32, #tpu.memory_space<hbm>> -> memref<1000000x64xf32, #tpu.memory_space<hbm>>
      tpu.enqueue_indirect_dma source(%dma_start3A_2907 : memref<1000000x64xf32, #tpu.memory_space<hbm>>) target(%dma_start3A_2901 : memref<26x64xf32, #tpu.memory_space<vmem>>) offsets(%dma_start3A_2904 : memref<26xi32, #tpu.memory_space<vmem>>) semaphore(%arg9 : memref<!tpu.dma_semaphore, #tpu.memory_space<semaphore_mem>>)
      %mul3A_2908 = arith.constant 16 : i32
      %mul3A_2909 = arith.muli %add3A_2757, %mul3A_2908 : i32
      %add3A_2910 = arith.constant 10 : i32
      %add3A_2911 = arith.addi %mul3A_2909, %add3A_2910 : i32
      %dma_start3A_2912 = arith.constant 10 : i32
      %dma_start3A_2913 = arith.constant 0 : i32
      %dma_start3A_2914 = arith.constant 0 : i32
      %dma_start3A_2915 = tpu.memref_slice %arg6[%dma_start3A_2912, %dma_start3A_2913, %dma_start3A_2914] : memref<16x26x64xf32, #tpu.memory_space<vmem>> -> memref<1x26x64xf32, #tpu.memory_space<vmem>>
      %dma_start3A_2916 = tpu.memref_squeeze %dma_start3A_2915 : memref<1x26x64xf32, #tpu.memory_space<vmem>> -> memref<26x64xf32, #tpu.memory_space<vmem>>
      %dma_start3A_2917 = arith.constant 0 : i32
      %dma_start3A_2918 = tpu.memref_slice %arg5[%add3A_2911, %dma_start3A_2917] : memref<512x26xi32, #tpu.memory_space<vmem>> -> memref<1x26xi32, #tpu.memory_space<vmem>>
      %dma_start3A_2919 = tpu.memref_squeeze %dma_start3A_2918 : memref<1x26xi32, #tpu.memory_space<vmem>> -> memref<26xi32, #tpu.memory_space<vmem>>
      %dma_start3A_2920 = arith.constant 0 : i32
      %dma_start3A_2921 = arith.constant 0 : i32
      %dma_start3A_2922 = tpu.memref_slice %arg3[%dma_start3A_2920, %dma_start3A_2921] : memref<1000000x64xf32, #tpu.memory_space<hbm>> -> memref<1000000x64xf32, #tpu.memory_space<hbm>>
      tpu.enqueue_indirect_dma source(%dma_start3A_2922 : memref<1000000x64xf32, #tpu.memory_space<hbm>>) target(%dma_start3A_2916 : memref<26x64xf32, #tpu.memory_space<vmem>>) offsets(%dma_start3A_2919 : memref<26xi32, #tpu.memory_space<vmem>>) semaphore(%arg9 : memref<!tpu.dma_semaphore, #tpu.memory_space<semaphore_mem>>)
      %mul3A_2923 = arith.constant 16 : i32
      %mul3A_2924 = arith.muli %add3A_2757, %mul3A_2923 : i32
      %add3A_2925 = arith.constant 11 : i32
      %add3A_2926 = arith.addi %mul3A_2924, %add3A_2925 : i32
      %dma_start3A_2927 = arith.constant 11 : i32
      %dma_start3A_2928 = arith.constant 0 : i32
      %dma_start3A_2929 = arith.constant 0 : i32
      %dma_start3A_2930 = tpu.memref_slice %arg6[%dma_start3A_2927, %dma_start3A_2928, %dma_start3A_2929] : memref<16x26x64xf32, #tpu.memory_space<vmem>> -> memref<1x26x64xf32, #tpu.memory_space<vmem>>
      %dma_start3A_2931 = tpu.memref_squeeze %dma_start3A_2930 : memref<1x26x64xf32, #tpu.memory_space<vmem>> -> memref<26x64xf32, #tpu.memory_space<vmem>>
      %dma_start3A_2932 = arith.constant 0 : i32
      %dma_start3A_2933 = tpu.memref_slice %arg5[%add3A_2926, %dma_start3A_2932] : memref<512x26xi32, #tpu.memory_space<vmem>> -> memref<1x26xi32, #tpu.memory_space<vmem>>
      %dma_start3A_2934 = tpu.memref_squeeze %dma_start3A_2933 : memref<1x26xi32, #tpu.memory_space<vmem>> -> memref<26xi32, #tpu.memory_space<vmem>>
      %dma_start3A_2935 = arith.constant 0 : i32
      %dma_start3A_2936 = arith.constant 0 : i32
      %dma_start3A_2937 = tpu.memref_slice %arg3[%dma_start3A_2935, %dma_start3A_2936] : memref<1000000x64xf32, #tpu.memory_space<hbm>> -> memref<1000000x64xf32, #tpu.memory_space<hbm>>
      tpu.enqueue_indirect_dma source(%dma_start3A_2937 : memref<1000000x64xf32, #tpu.memory_space<hbm>>) target(%dma_start3A_2931 : memref<26x64xf32, #tpu.memory_space<vmem>>) offsets(%dma_start3A_2934 : memref<26xi32, #tpu.memory_space<vmem>>) semaphore(%arg9 : memref<!tpu.dma_semaphore, #tpu.memory_space<semaphore_mem>>)
      %mul3A_2938 = arith.constant 16 : i32
      %mul3A_2939 = arith.muli %add3A_2757, %mul3A_2938 : i32
      %add3A_2940 = arith.constant 12 : i32
      %add3A_2941 = arith.addi %mul3A_2939, %add3A_2940 : i32
      %dma_start3A_2942 = arith.constant 12 : i32
      %dma_start3A_2943 = arith.constant 0 : i32
      %dma_start3A_2944 = arith.constant 0 : i32
      %dma_start3A_2945 = tpu.memref_slice %arg6[%dma_start3A_2942, %dma_start3A_2943, %dma_start3A_2944] : memref<16x26x64xf32, #tpu.memory_space<vmem>> -> memref<1x26x64xf32, #tpu.memory_space<vmem>>
      %dma_start3A_2946 = tpu.memref_squeeze %dma_start3A_2945 : memref<1x26x64xf32, #tpu.memory_space<vmem>> -> memref<26x64xf32, #tpu.memory_space<vmem>>
      %dma_start3A_2947 = arith.constant 0 : i32
      %dma_start3A_2948 = tpu.memref_slice %arg5[%add3A_2941, %dma_start3A_2947] : memref<512x26xi32, #tpu.memory_space<vmem>> -> memref<1x26xi32, #tpu.memory_space<vmem>>
      %dma_start3A_2949 = tpu.memref_squeeze %dma_start3A_2948 : memref<1x26xi32, #tpu.memory_space<vmem>> -> memref<26xi32, #tpu.memory_space<vmem>>
      %dma_start3A_2950 = arith.constant 0 : i32
      %dma_start3A_2951 = arith.constant 0 : i32
      %dma_start3A_2952 = tpu.memref_slice %arg3[%dma_start3A_2950, %dma_start3A_2951] : memref<1000000x64xf32, #tpu.memory_space<hbm>> -> memref<1000000x64xf32, #tpu.memory_space<hbm>>
      tpu.enqueue_indirect_dma source(%dma_start3A_2952 : memref<1000000x64xf32, #tpu.memory_space<hbm>>) target(%dma_start3A_2946 : memref<26x64xf32, #tpu.memory_space<vmem>>) offsets(%dma_start3A_2949 : memref<26xi32, #tpu.memory_space<vmem>>) semaphore(%arg9 : memref<!tpu.dma_semaphore, #tpu.memory_space<semaphore_mem>>)
      %mul3A_2953 = arith.constant 16 : i32
      %mul3A_2954 = arith.muli %add3A_2757, %mul3A_2953 : i32
      %add3A_2955 = arith.constant 13 : i32
      %add3A_2956 = arith.addi %mul3A_2954, %add3A_2955 : i32
      %dma_start3A_2957 = arith.constant 13 : i32
      %dma_start3A_2958 = arith.constant 0 : i32
      %dma_start3A_2959 = arith.constant 0 : i32
      %dma_start3A_2960 = tpu.memref_slice %arg6[%dma_start3A_2957, %dma_start3A_2958, %dma_start3A_2959] : memref<16x26x64xf32, #tpu.memory_space<vmem>> -> memref<1x26x64xf32, #tpu.memory_space<vmem>>
      %dma_start3A_2961 = tpu.memref_squeeze %dma_start3A_2960 : memref<1x26x64xf32, #tpu.memory_space<vmem>> -> memref<26x64xf32, #tpu.memory_space<vmem>>
      %dma_start3A_2962 = arith.constant 0 : i32
      %dma_start3A_2963 = tpu.memref_slice %arg5[%add3A_2956, %dma_start3A_2962] : memref<512x26xi32, #tpu.memory_space<vmem>> -> memref<1x26xi32, #tpu.memory_space<vmem>>
      %dma_start3A_2964 = tpu.memref_squeeze %dma_start3A_2963 : memref<1x26xi32, #tpu.memory_space<vmem>> -> memref<26xi32, #tpu.memory_space<vmem>>
      %dma_start3A_2965 = arith.constant 0 : i32
      %dma_start3A_2966 = arith.constant 0 : i32
      %dma_start3A_2967 = tpu.memref_slice %arg3[%dma_start3A_2965, %dma_start3A_2966] : memref<1000000x64xf32, #tpu.memory_space<hbm>> -> memref<1000000x64xf32, #tpu.memory_space<hbm>>
      tpu.enqueue_indirect_dma source(%dma_start3A_2967 : memref<1000000x64xf32, #tpu.memory_space<hbm>>) target(%dma_start3A_2961 : memref<26x64xf32, #tpu.memory_space<vmem>>) offsets(%dma_start3A_2964 : memref<26xi32, #tpu.memory_space<vmem>>) semaphore(%arg9 : memref<!tpu.dma_semaphore, #tpu.memory_space<semaphore_mem>>)
      %mul3A_2968 = arith.constant 16 : i32
      %mul3A_2969 = arith.muli %add3A_2757, %mul3A_2968 : i32
      %add3A_2970 = arith.constant 14 : i32
      %add3A_2971 = arith.addi %mul3A_2969, %add3A_2970 : i32
      %dma_start3A_2972 = arith.constant 14 : i32
      %dma_start3A_2973 = arith.constant 0 : i32
      %dma_start3A_2974 = arith.constant 0 : i32
      %dma_start3A_2975 = tpu.memref_slice %arg6[%dma_start3A_2972, %dma_start3A_2973, %dma_start3A_2974] : memref<16x26x64xf32, #tpu.memory_space<vmem>> -> memref<1x26x64xf32, #tpu.memory_space<vmem>>
      %dma_start3A_2976 = tpu.memref_squeeze %dma_start3A_2975 : memref<1x26x64xf32, #tpu.memory_space<vmem>> -> memref<26x64xf32, #tpu.memory_space<vmem>>
      %dma_start3A_2977 = arith.constant 0 : i32
      %dma_start3A_2978 = tpu.memref_slice %arg5[%add3A_2971, %dma_start3A_2977] : memref<512x26xi32, #tpu.memory_space<vmem>> -> memref<1x26xi32, #tpu.memory_space<vmem>>
      %dma_start3A_2979 = tpu.memref_squeeze %dma_start3A_2978 : memref<1x26xi32, #tpu.memory_space<vmem>> -> memref<26xi32, #tpu.memory_space<vmem>>
      %dma_start3A_2980 = arith.constant 0 : i32
      %dma_start3A_2981 = arith.constant 0 : i32
      %dma_start3A_2982 = tpu.memref_slice %arg3[%dma_start3A_2980, %dma_start3A_2981] : memref<1000000x64xf32, #tpu.memory_space<hbm>> -> memref<1000000x64xf32, #tpu.memory_space<hbm>>
      tpu.enqueue_indirect_dma source(%dma_start3A_2982 : memref<1000000x64xf32, #tpu.memory_space<hbm>>) target(%dma_start3A_2976 : memref<26x64xf32, #tpu.memory_space<vmem>>) offsets(%dma_start3A_2979 : memref<26xi32, #tpu.memory_space<vmem>>) semaphore(%arg9 : memref<!tpu.dma_semaphore, #tpu.memory_space<semaphore_mem>>)
      %mul3A_2983 = arith.constant 16 : i32
      %mul3A_2984 = arith.muli %add3A_2757, %mul3A_2983 : i32
      %add3A_2985 = arith.constant 15 : i32
      %add3A_2986 = arith.addi %mul3A_2984, %add3A_2985 : i32
      %dma_start3A_2987 = arith.constant 15 : i32
      %dma_start3A_2988 = arith.constant 0 : i32
      %dma_start3A_2989 = arith.constant 0 : i32
      %dma_start3A_2990 = tpu.memref_slice %arg6[%dma_start3A_2987, %dma_start3A_2988, %dma_start3A_2989] : memref<16x26x64xf32, #tpu.memory_space<vmem>> -> memref<1x26x64xf32, #tpu.memory_space<vmem>>
      %dma_start3A_2991 = tpu.memref_squeeze %dma_start3A_2990 : memref<1x26x64xf32, #tpu.memory_space<vmem>> -> memref<26x64xf32, #tpu.memory_space<vmem>>
      %dma_start3A_2992 = arith.constant 0 : i32
      %dma_start3A_2993 = tpu.memref_slice %arg5[%add3A_2986, %dma_start3A_2992] : memref<512x26xi32, #tpu.memory_space<vmem>> -> memref<1x26xi32, #tpu.memory_space<vmem>>
      %dma_start3A_2994 = tpu.memref_squeeze %dma_start3A_2993 : memref<1x26xi32, #tpu.memory_space<vmem>> -> memref<26xi32, #tpu.memory_space<vmem>>
      %dma_start3A_2995 = arith.constant 0 : i32
      %dma_start3A_2996 = arith.constant 0 : i32
      %dma_start3A_2997 = tpu.memref_slice %arg3[%dma_start3A_2995, %dma_start3A_2996] : memref<1000000x64xf32, #tpu.memory_space<hbm>> -> memref<1000000x64xf32, #tpu.memory_space<hbm>>
      tpu.enqueue_indirect_dma source(%dma_start3A_2997 : memref<1000000x64xf32, #tpu.memory_space<hbm>>) target(%dma_start3A_2991 : memref<26x64xf32, #tpu.memory_space<vmem>>) offsets(%dma_start3A_2994 : memref<26xi32, #tpu.memory_space<vmem>>) semaphore(%arg9 : memref<!tpu.dma_semaphore, #tpu.memory_space<semaphore_mem>>)
      %mul3A_2998 = arith.constant 3 : i32
      %mul3A_2999 = arith.muli %mul3A_2998, %scan3A_1995 : i32
      %add3A_3000 = arith.constant 2 : i32
      %add3A_3001 = arith.addi %mul3A_2999, %add3A_3000 : i32
      %mul3A_3002 = arith.constant 16 : i32
      %mul3A_3003 = arith.muli %add3A_3001, %mul3A_3002 : i32
      %add3A_3004 = arith.constant 0 : i32
      %add3A_3005 = arith.addi %mul3A_3003, %add3A_3004 : i32
      %dma_wait3A_3006 = arith.constant 0 : i32
      %dma_wait3A_3007 = arith.constant 0 : i32
      %dma_wait3A_3008 = arith.constant 0 : i32
      %dma_wait3A_3009 = tpu.memref_slice %arg8[%dma_wait3A_3006, %dma_wait3A_3007, %dma_wait3A_3008] : memref<16x26x64xf32, #tpu.memory_space<vmem>> -> memref<1x26x64xf32, #tpu.memory_space<vmem>>
      %dma_wait3A_3010 = tpu.memref_squeeze %dma_wait3A_3009 : memref<1x26x64xf32, #tpu.memory_space<vmem>> -> memref<26x64xf32, #tpu.memory_space<vmem>>
      %dma_wait3A_3011 = arith.constant 0 : i32
      %dma_wait3A_3012 = tpu.memref_slice %arg5[%add3A_3005, %dma_wait3A_3011] : memref<512x26xi32, #tpu.memory_space<vmem>> -> memref<1x26xi32, #tpu.memory_space<vmem>>
      %dma_wait3A_3013 = tpu.memref_squeeze %dma_wait3A_3012 : memref<1x26xi32, #tpu.memory_space<vmem>> -> memref<26xi32, #tpu.memory_space<vmem>>
      %dma_wait3A_3014 = arith.constant 0 : i32
      %dma_wait3A_3015 = arith.constant 0 : i32
      %dma_wait3A_3016 = tpu.memref_slice %arg3[%dma_wait3A_3014, %dma_wait3A_3015] : memref<1000000x64xf32, #tpu.memory_space<hbm>> -> memref<1000000x64xf32, #tpu.memory_space<hbm>>
      tpu.wait_indirect_dma semaphore(%arg11 : memref<!tpu.dma_semaphore, #tpu.memory_space<semaphore_mem>>) src(%dma_wait3A_3016 : memref<1000000x64xf32, #tpu.memory_space<hbm>>) dst(%dma_wait3A_3010 : memref<26x64xf32, #tpu.memory_space<vmem>>)
      %mul3A_3017 = arith.constant 16 : i32
      %mul3A_3018 = arith.muli %add3A_3001, %mul3A_3017 : i32
      %add3A_3019 = arith.constant 1 : i32
      %add3A_3020 = arith.addi %mul3A_3018, %add3A_3019 : i32
      %dma_wait3A_3021 = arith.constant 1 : i32
      %dma_wait3A_3022 = arith.constant 0 : i32
      %dma_wait3A_3023 = arith.constant 0 : i32
      %dma_wait3A_3024 = tpu.memref_slice %arg8[%dma_wait3A_3021, %dma_wait3A_3022, %dma_wait3A_3023] : memref<16x26x64xf32, #tpu.memory_space<vmem>> -> memref<1x26x64xf32, #tpu.memory_space<vmem>>
      %dma_wait3A_3025 = tpu.memref_squeeze %dma_wait3A_3024 : memref<1x26x64xf32, #tpu.memory_space<vmem>> -> memref<26x64xf32, #tpu.memory_space<vmem>>
      %dma_wait3A_3026 = arith.constant 0 : i32
      %dma_wait3A_3027 = tpu.memref_slice %arg5[%add3A_3020, %dma_wait3A_3026] : memref<512x26xi32, #tpu.memory_space<vmem>> -> memref<1x26xi32, #tpu.memory_space<vmem>>
      %dma_wait3A_3028 = tpu.memref_squeeze %dma_wait3A_3027 : memref<1x26xi32, #tpu.memory_space<vmem>> -> memref<26xi32, #tpu.memory_space<vmem>>
      %dma_wait3A_3029 = arith.constant 0 : i32
      %dma_wait3A_3030 = arith.constant 0 : i32
      %dma_wait3A_3031 = tpu.memref_slice %arg3[%dma_wait3A_3029, %dma_wait3A_3030] : memref<1000000x64xf32, #tpu.memory_space<hbm>> -> memref<1000000x64xf32, #tpu.memory_space<hbm>>
      tpu.wait_indirect_dma semaphore(%arg11 : memref<!tpu.dma_semaphore, #tpu.memory_space<semaphore_mem>>) src(%dma_wait3A_3031 : memref<1000000x64xf32, #tpu.memory_space<hbm>>) dst(%dma_wait3A_3025 : memref<26x64xf32, #tpu.memory_space<vmem>>)
      %mul3A_3032 = arith.constant 16 : i32
      %mul3A_3033 = arith.muli %add3A_3001, %mul3A_3032 : i32
      %add3A_3034 = arith.constant 2 : i32
      %add3A_3035 = arith.addi %mul3A_3033, %add3A_3034 : i32
      %dma_wait3A_3036 = arith.constant 2 : i32
      %dma_wait3A_3037 = arith.constant 0 : i32
      %dma_wait3A_3038 = arith.constant 0 : i32
      %dma_wait3A_3039 = tpu.memref_slice %arg8[%dma_wait3A_3036, %dma_wait3A_3037, %dma_wait3A_3038] : memref<16x26x64xf32, #tpu.memory_space<vmem>> -> memref<1x26x64xf32, #tpu.memory_space<vmem>>
      %dma_wait3A_3040 = tpu.memref_squeeze %dma_wait3A_3039 : memref<1x26x64xf32, #tpu.memory_space<vmem>> -> memref<26x64xf32, #tpu.memory_space<vmem>>
      %dma_wait3A_3041 = arith.constant 0 : i32
      %dma_wait3A_3042 = tpu.memref_slice %arg5[%add3A_3035, %dma_wait3A_3041] : memref<512x26xi32, #tpu.memory_space<vmem>> -> memref<1x26xi32, #tpu.memory_space<vmem>>
      %dma_wait3A_3043 = tpu.memref_squeeze %dma_wait3A_3042 : memref<1x26xi32, #tpu.memory_space<vmem>> -> memref<26xi32, #tpu.memory_space<vmem>>
      %dma_wait3A_3044 = arith.constant 0 : i32
      %dma_wait3A_3045 = arith.constant 0 : i32
      %dma_wait3A_3046 = tpu.memref_slice %arg3[%dma_wait3A_3044, %dma_wait3A_3045] : memref<1000000x64xf32, #tpu.memory_space<hbm>> -> memref<1000000x64xf32, #tpu.memory_space<hbm>>
      tpu.wait_indirect_dma semaphore(%arg11 : memref<!tpu.dma_semaphore, #tpu.memory_space<semaphore_mem>>) src(%dma_wait3A_3046 : memref<1000000x64xf32, #tpu.memory_space<hbm>>) dst(%dma_wait3A_3040 : memref<26x64xf32, #tpu.memory_space<vmem>>)
      %mul3A_3047 = arith.constant 16 : i32
      %mul3A_3048 = arith.muli %add3A_3001, %mul3A_3047 : i32
      %add3A_3049 = arith.constant 3 : i32
      %add3A_3050 = arith.addi %mul3A_3048, %add3A_3049 : i32
      %dma_wait3A_3051 = arith.constant 3 : i32
      %dma_wait3A_3052 = arith.constant 0 : i32
      %dma_wait3A_3053 = arith.constant 0 : i32
      %dma_wait3A_3054 = tpu.memref_slice %arg8[%dma_wait3A_3051, %dma_wait3A_3052, %dma_wait3A_3053] : memref<16x26x64xf32, #tpu.memory_space<vmem>> -> memref<1x26x64xf32, #tpu.memory_space<vmem>>
      %dma_wait3A_3055 = tpu.memref_squeeze %dma_wait3A_3054 : memref<1x26x64xf32, #tpu.memory_space<vmem>> -> memref<26x64xf32, #tpu.memory_space<vmem>>
      %dma_wait3A_3056 = arith.constant 0 : i32
      %dma_wait3A_3057 = tpu.memref_slice %arg5[%add3A_3050, %dma_wait3A_3056] : memref<512x26xi32, #tpu.memory_space<vmem>> -> memref<1x26xi32, #tpu.memory_space<vmem>>
      %dma_wait3A_3058 = tpu.memref_squeeze %dma_wait3A_3057 : memref<1x26xi32, #tpu.memory_space<vmem>> -> memref<26xi32, #tpu.memory_space<vmem>>
      %dma_wait3A_3059 = arith.constant 0 : i32
      %dma_wait3A_3060 = arith.constant 0 : i32
      %dma_wait3A_3061 = tpu.memref_slice %arg3[%dma_wait3A_3059, %dma_wait3A_3060] : memref<1000000x64xf32, #tpu.memory_space<hbm>> -> memref<1000000x64xf32, #tpu.memory_space<hbm>>
      tpu.wait_indirect_dma semaphore(%arg11 : memref<!tpu.dma_semaphore, #tpu.memory_space<semaphore_mem>>) src(%dma_wait3A_3061 : memref<1000000x64xf32, #tpu.memory_space<hbm>>) dst(%dma_wait3A_3055 : memref<26x64xf32, #tpu.memory_space<vmem>>)
      %mul3A_3062 = arith.constant 16 : i32
      %mul3A_3063 = arith.muli %add3A_3001, %mul3A_3062 : i32
      %add3A_3064 = arith.constant 4 : i32
      %add3A_3065 = arith.addi %mul3A_3063, %add3A_3064 : i32
      %dma_wait3A_3066 = arith.constant 4 : i32
      %dma_wait3A_3067 = arith.constant 0 : i32
      %dma_wait3A_3068 = arith.constant 0 : i32
      %dma_wait3A_3069 = tpu.memref_slice %arg8[%dma_wait3A_3066, %dma_wait3A_3067, %dma_wait3A_3068] : memref<16x26x64xf32, #tpu.memory_space<vmem>> -> memref<1x26x64xf32, #tpu.memory_space<vmem>>
      %dma_wait3A_3070 = tpu.memref_squeeze %dma_wait3A_3069 : memref<1x26x64xf32, #tpu.memory_space<vmem>> -> memref<26x64xf32, #tpu.memory_space<vmem>>
      %dma_wait3A_3071 = arith.constant 0 : i32
      %dma_wait3A_3072 = tpu.memref_slice %arg5[%add3A_3065, %dma_wait3A_3071] : memref<512x26xi32, #tpu.memory_space<vmem>> -> memref<1x26xi32, #tpu.memory_space<vmem>>
      %dma_wait3A_3073 = tpu.memref_squeeze %dma_wait3A_3072 : memref<1x26xi32, #tpu.memory_space<vmem>> -> memref<26xi32, #tpu.memory_space<vmem>>
      %dma_wait3A_3074 = arith.constant 0 : i32
      %dma_wait3A_3075 = arith.constant 0 : i32
      %dma_wait3A_3076 = tpu.memref_slice %arg3[%dma_wait3A_3074, %dma_wait3A_3075] : memref<1000000x64xf32, #tpu.memory_space<hbm>> -> memref<1000000x64xf32, #tpu.memory_space<hbm>>
      tpu.wait_indirect_dma semaphore(%arg11 : memref<!tpu.dma_semaphore, #tpu.memory_space<semaphore_mem>>) src(%dma_wait3A_3076 : memref<1000000x64xf32, #tpu.memory_space<hbm>>) dst(%dma_wait3A_3070 : memref<26x64xf32, #tpu.memory_space<vmem>>)
      %mul3A_3077 = arith.constant 16 : i32
      %mul3A_3078 = arith.muli %add3A_3001, %mul3A_3077 : i32
      %add3A_3079 = arith.constant 5 : i32
      %add3A_3080 = arith.addi %mul3A_3078, %add3A_3079 : i32
      %dma_wait3A_3081 = arith.constant 5 : i32
      %dma_wait3A_3082 = arith.constant 0 : i32
      %dma_wait3A_3083 = arith.constant 0 : i32
      %dma_wait3A_3084 = tpu.memref_slice %arg8[%dma_wait3A_3081, %dma_wait3A_3082, %dma_wait3A_3083] : memref<16x26x64xf32, #tpu.memory_space<vmem>> -> memref<1x26x64xf32, #tpu.memory_space<vmem>>
      %dma_wait3A_3085 = tpu.memref_squeeze %dma_wait3A_3084 : memref<1x26x64xf32, #tpu.memory_space<vmem>> -> memref<26x64xf32, #tpu.memory_space<vmem>>
      %dma_wait3A_3086 = arith.constant 0 : i32
      %dma_wait3A_3087 = tpu.memref_slice %arg5[%add3A_3080, %dma_wait3A_3086] : memref<512x26xi32, #tpu.memory_space<vmem>> -> memref<1x26xi32, #tpu.memory_space<vmem>>
      %dma_wait3A_3088 = tpu.memref_squeeze %dma_wait3A_3087 : memref<1x26xi32, #tpu.memory_space<vmem>> -> memref<26xi32, #tpu.memory_space<vmem>>
      %dma_wait3A_3089 = arith.constant 0 : i32
      %dma_wait3A_3090 = arith.constant 0 : i32
      %dma_wait3A_3091 = tpu.memref_slice %arg3[%dma_wait3A_3089, %dma_wait3A_3090] : memref<1000000x64xf32, #tpu.memory_space<hbm>> -> memref<1000000x64xf32, #tpu.memory_space<hbm>>
      tpu.wait_indirect_dma semaphore(%arg11 : memref<!tpu.dma_semaphore, #tpu.memory_space<semaphore_mem>>) src(%dma_wait3A_3091 : memref<1000000x64xf32, #tpu.memory_space<hbm>>) dst(%dma_wait3A_3085 : memref<26x64xf32, #tpu.memory_space<vmem>>)
      %mul3A_3092 = arith.constant 16 : i32
      %mul3A_3093 = arith.muli %add3A_3001, %mul3A_3092 : i32
      %add3A_3094 = arith.constant 6 : i32
      %add3A_3095 = arith.addi %mul3A_3093, %add3A_3094 : i32
      %dma_wait3A_3096 = arith.constant 6 : i32
      %dma_wait3A_3097 = arith.constant 0 : i32
      %dma_wait3A_3098 = arith.constant 0 : i32
      %dma_wait3A_3099 = tpu.memref_slice %arg8[%dma_wait3A_3096, %dma_wait3A_3097, %dma_wait3A_3098] : memref<16x26x64xf32, #tpu.memory_space<vmem>> -> memref<1x26x64xf32, #tpu.memory_space<vmem>>
      %dma_wait3A_3100 = tpu.memref_squeeze %dma_wait3A_3099 : memref<1x26x64xf32, #tpu.memory_space<vmem>> -> memref<26x64xf32, #tpu.memory_space<vmem>>
      %dma_wait3A_3101 = arith.constant 0 : i32
      %dma_wait3A_3102 = tpu.memref_slice %arg5[%add3A_3095, %dma_wait3A_3101] : memref<512x26xi32, #tpu.memory_space<vmem>> -> memref<1x26xi32, #tpu.memory_space<vmem>>
      %dma_wait3A_3103 = tpu.memref_squeeze %dma_wait3A_3102 : memref<1x26xi32, #tpu.memory_space<vmem>> -> memref<26xi32, #tpu.memory_space<vmem>>
      %dma_wait3A_3104 = arith.constant 0 : i32
      %dma_wait3A_3105 = arith.constant 0 : i32
      %dma_wait3A_3106 = tpu.memref_slice %arg3[%dma_wait3A_3104, %dma_wait3A_3105] : memref<1000000x64xf32, #tpu.memory_space<hbm>> -> memref<1000000x64xf32, #tpu.memory_space<hbm>>
      tpu.wait_indirect_dma semaphore(%arg11 : memref<!tpu.dma_semaphore, #tpu.memory_space<semaphore_mem>>) src(%dma_wait3A_3106 : memref<1000000x64xf32, #tpu.memory_space<hbm>>) dst(%dma_wait3A_3100 : memref<26x64xf32, #tpu.memory_space<vmem>>)
      %mul3A_3107 = arith.constant 16 : i32
      %mul3A_3108 = arith.muli %add3A_3001, %mul3A_3107 : i32
      %add3A_3109 = arith.constant 7 : i32
      %add3A_3110 = arith.addi %mul3A_3108, %add3A_3109 : i32
      %dma_wait3A_3111 = arith.constant 7 : i32
      %dma_wait3A_3112 = arith.constant 0 : i32
      %dma_wait3A_3113 = arith.constant 0 : i32
      %dma_wait3A_3114 = tpu.memref_slice %arg8[%dma_wait3A_3111, %dma_wait3A_3112, %dma_wait3A_3113] : memref<16x26x64xf32, #tpu.memory_space<vmem>> -> memref<1x26x64xf32, #tpu.memory_space<vmem>>
      %dma_wait3A_3115 = tpu.memref_squeeze %dma_wait3A_3114 : memref<1x26x64xf32, #tpu.memory_space<vmem>> -> memref<26x64xf32, #tpu.memory_space<vmem>>
      %dma_wait3A_3116 = arith.constant 0 : i32
      %dma_wait3A_3117 = tpu.memref_slice %arg5[%add3A_3110, %dma_wait3A_3116] : memref<512x26xi32, #tpu.memory_space<vmem>> -> memref<1x26xi32, #tpu.memory_space<vmem>>
      %dma_wait3A_3118 = tpu.memref_squeeze %dma_wait3A_3117 : memref<1x26xi32, #tpu.memory_space<vmem>> -> memref<26xi32, #tpu.memory_space<vmem>>
      %dma_wait3A_3119 = arith.constant 0 : i32
      %dma_wait3A_3120 = arith.constant 0 : i32
      %dma_wait3A_3121 = tpu.memref_slice %arg3[%dma_wait3A_3119, %dma_wait3A_3120] : memref<1000000x64xf32, #tpu.memory_space<hbm>> -> memref<1000000x64xf32, #tpu.memory_space<hbm>>
      tpu.wait_indirect_dma semaphore(%arg11 : memref<!tpu.dma_semaphore, #tpu.memory_space<semaphore_mem>>) src(%dma_wait3A_3121 : memref<1000000x64xf32, #tpu.memory_space<hbm>>) dst(%dma_wait3A_3115 : memref<26x64xf32, #tpu.memory_space<vmem>>)
      %mul3A_3122 = arith.constant 16 : i32
      %mul3A_3123 = arith.muli %add3A_3001, %mul3A_3122 : i32
      %add3A_3124 = arith.constant 8 : i32
      %add3A_3125 = arith.addi %mul3A_3123, %add3A_3124 : i32
      %dma_wait3A_3126 = arith.constant 8 : i32
      %dma_wait3A_3127 = arith.constant 0 : i32
      %dma_wait3A_3128 = arith.constant 0 : i32
      %dma_wait3A_3129 = tpu.memref_slice %arg8[%dma_wait3A_3126, %dma_wait3A_3127, %dma_wait3A_3128] : memref<16x26x64xf32, #tpu.memory_space<vmem>> -> memref<1x26x64xf32, #tpu.memory_space<vmem>>
      %dma_wait3A_3130 = tpu.memref_squeeze %dma_wait3A_3129 : memref<1x26x64xf32, #tpu.memory_space<vmem>> -> memref<26x64xf32, #tpu.memory_space<vmem>>
      %dma_wait3A_3131 = arith.constant 0 : i32
      %dma_wait3A_3132 = tpu.memref_slice %arg5[%add3A_3125, %dma_wait3A_3131] : memref<512x26xi32, #tpu.memory_space<vmem>> -> memref<1x26xi32, #tpu.memory_space<vmem>>
      %dma_wait3A_3133 = tpu.memref_squeeze %dma_wait3A_3132 : memref<1x26xi32, #tpu.memory_space<vmem>> -> memref<26xi32, #tpu.memory_space<vmem>>
      %dma_wait3A_3134 = arith.constant 0 : i32
      %dma_wait3A_3135 = arith.constant 0 : i32
      %dma_wait3A_3136 = tpu.memref_slice %arg3[%dma_wait3A_3134, %dma_wait3A_3135] : memref<1000000x64xf32, #tpu.memory_space<hbm>> -> memref<1000000x64xf32, #tpu.memory_space<hbm>>
      tpu.wait_indirect_dma semaphore(%arg11 : memref<!tpu.dma_semaphore, #tpu.memory_space<semaphore_mem>>) src(%dma_wait3A_3136 : memref<1000000x64xf32, #tpu.memory_space<hbm>>) dst(%dma_wait3A_3130 : memref<26x64xf32, #tpu.memory_space<vmem>>)
      %mul3A_3137 = arith.constant 16 : i32
      %mul3A_3138 = arith.muli %add3A_3001, %mul3A_3137 : i32
      %add3A_3139 = arith.constant 9 : i32
      %add3A_3140 = arith.addi %mul3A_3138, %add3A_3139 : i32
      %dma_wait3A_3141 = arith.constant 9 : i32
      %dma_wait3A_3142 = arith.constant 0 : i32
      %dma_wait3A_3143 = arith.constant 0 : i32
      %dma_wait3A_3144 = tpu.memref_slice %arg8[%dma_wait3A_3141, %dma_wait3A_3142, %dma_wait3A_3143] : memref<16x26x64xf32, #tpu.memory_space<vmem>> -> memref<1x26x64xf32, #tpu.memory_space<vmem>>
      %dma_wait3A_3145 = tpu.memref_squeeze %dma_wait3A_3144 : memref<1x26x64xf32, #tpu.memory_space<vmem>> -> memref<26x64xf32, #tpu.memory_space<vmem>>
      %dma_wait3A_3146 = arith.constant 0 : i32
      %dma_wait3A_3147 = tpu.memref_slice %arg5[%add3A_3140, %dma_wait3A_3146] : memref<512x26xi32, #tpu.memory_space<vmem>> -> memref<1x26xi32, #tpu.memory_space<vmem>>
      %dma_wait3A_3148 = tpu.memref_squeeze %dma_wait3A_3147 : memref<1x26xi32, #tpu.memory_space<vmem>> -> memref<26xi32, #tpu.memory_space<vmem>>
      %dma_wait3A_3149 = arith.constant 0 : i32
      %dma_wait3A_3150 = arith.constant 0 : i32
      %dma_wait3A_3151 = tpu.memref_slice %arg3[%dma_wait3A_3149, %dma_wait3A_3150] : memref<1000000x64xf32, #tpu.memory_space<hbm>> -> memref<1000000x64xf32, #tpu.memory_space<hbm>>
      tpu.wait_indirect_dma semaphore(%arg11 : memref<!tpu.dma_semaphore, #tpu.memory_space<semaphore_mem>>) src(%dma_wait3A_3151 : memref<1000000x64xf32, #tpu.memory_space<hbm>>) dst(%dma_wait3A_3145 : memref<26x64xf32, #tpu.memory_space<vmem>>)
      %mul3A_3152 = arith.constant 16 : i32
      %mul3A_3153 = arith.muli %add3A_3001, %mul3A_3152 : i32
      %add3A_3154 = arith.constant 10 : i32
      %add3A_3155 = arith.addi %mul3A_3153, %add3A_3154 : i32
      %dma_wait3A_3156 = arith.constant 10 : i32
      %dma_wait3A_3157 = arith.constant 0 : i32
      %dma_wait3A_3158 = arith.constant 0 : i32
      %dma_wait3A_3159 = tpu.memref_slice %arg8[%dma_wait3A_3156, %dma_wait3A_3157, %dma_wait3A_3158] : memref<16x26x64xf32, #tpu.memory_space<vmem>> -> memref<1x26x64xf32, #tpu.memory_space<vmem>>
      %dma_wait3A_3160 = tpu.memref_squeeze %dma_wait3A_3159 : memref<1x26x64xf32, #tpu.memory_space<vmem>> -> memref<26x64xf32, #tpu.memory_space<vmem>>
      %dma_wait3A_3161 = arith.constant 0 : i32
      %dma_wait3A_3162 = tpu.memref_slice %arg5[%add3A_3155, %dma_wait3A_3161] : memref<512x26xi32, #tpu.memory_space<vmem>> -> memref<1x26xi32, #tpu.memory_space<vmem>>
      %dma_wait3A_3163 = tpu.memref_squeeze %dma_wait3A_3162 : memref<1x26xi32, #tpu.memory_space<vmem>> -> memref<26xi32, #tpu.memory_space<vmem>>
      %dma_wait3A_3164 = arith.constant 0 : i32
      %dma_wait3A_3165 = arith.constant 0 : i32
      %dma_wait3A_3166 = tpu.memref_slice %arg3[%dma_wait3A_3164, %dma_wait3A_3165] : memref<1000000x64xf32, #tpu.memory_space<hbm>> -> memref<1000000x64xf32, #tpu.memory_space<hbm>>
      tpu.wait_indirect_dma semaphore(%arg11 : memref<!tpu.dma_semaphore, #tpu.memory_space<semaphore_mem>>) src(%dma_wait3A_3166 : memref<1000000x64xf32, #tpu.memory_space<hbm>>) dst(%dma_wait3A_3160 : memref<26x64xf32, #tpu.memory_space<vmem>>)
      %mul3A_3167 = arith.constant 16 : i32
      %mul3A_3168 = arith.muli %add3A_3001, %mul3A_3167 : i32
      %add3A_3169 = arith.constant 11 : i32
      %add3A_3170 = arith.addi %mul3A_3168, %add3A_3169 : i32
      %dma_wait3A_3171 = arith.constant 11 : i32
      %dma_wait3A_3172 = arith.constant 0 : i32
      %dma_wait3A_3173 = arith.constant 0 : i32
      %dma_wait3A_3174 = tpu.memref_slice %arg8[%dma_wait3A_3171, %dma_wait3A_3172, %dma_wait3A_3173] : memref<16x26x64xf32, #tpu.memory_space<vmem>> -> memref<1x26x64xf32, #tpu.memory_space<vmem>>
      %dma_wait3A_3175 = tpu.memref_squeeze %dma_wait3A_3174 : memref<1x26x64xf32, #tpu.memory_space<vmem>> -> memref<26x64xf32, #tpu.memory_space<vmem>>
      %dma_wait3A_3176 = arith.constant 0 : i32
      %dma_wait3A_3177 = tpu.memref_slice %arg5[%add3A_3170, %dma_wait3A_3176] : memref<512x26xi32, #tpu.memory_space<vmem>> -> memref<1x26xi32, #tpu.memory_space<vmem>>
      %dma_wait3A_3178 = tpu.memref_squeeze %dma_wait3A_3177 : memref<1x26xi32, #tpu.memory_space<vmem>> -> memref<26xi32, #tpu.memory_space<vmem>>
      %dma_wait3A_3179 = arith.constant 0 : i32
      %dma_wait3A_3180 = arith.constant 0 : i32
      %dma_wait3A_3181 = tpu.memref_slice %arg3[%dma_wait3A_3179, %dma_wait3A_3180] : memref<1000000x64xf32, #tpu.memory_space<hbm>> -> memref<1000000x64xf32, #tpu.memory_space<hbm>>
      tpu.wait_indirect_dma semaphore(%arg11 : memref<!tpu.dma_semaphore, #tpu.memory_space<semaphore_mem>>) src(%dma_wait3A_3181 : memref<1000000x64xf32, #tpu.memory_space<hbm>>) dst(%dma_wait3A_3175 : memref<26x64xf32, #tpu.memory_space<vmem>>)
      %mul3A_3182 = arith.constant 16 : i32
      %mul3A_3183 = arith.muli %add3A_3001, %mul3A_3182 : i32
      %add3A_3184 = arith.constant 12 : i32
      %add3A_3185 = arith.addi %mul3A_3183, %add3A_3184 : i32
      %dma_wait3A_3186 = arith.constant 12 : i32
      %dma_wait3A_3187 = arith.constant 0 : i32
      %dma_wait3A_3188 = arith.constant 0 : i32
      %dma_wait3A_3189 = tpu.memref_slice %arg8[%dma_wait3A_3186, %dma_wait3A_3187, %dma_wait3A_3188] : memref<16x26x64xf32, #tpu.memory_space<vmem>> -> memref<1x26x64xf32, #tpu.memory_space<vmem>>
      %dma_wait3A_3190 = tpu.memref_squeeze %dma_wait3A_3189 : memref<1x26x64xf32, #tpu.memory_space<vmem>> -> memref<26x64xf32, #tpu.memory_space<vmem>>
      %dma_wait3A_3191 = arith.constant 0 : i32
      %dma_wait3A_3192 = tpu.memref_slice %arg5[%add3A_3185, %dma_wait3A_3191] : memref<512x26xi32, #tpu.memory_space<vmem>> -> memref<1x26xi32, #tpu.memory_space<vmem>>
      %dma_wait3A_3193 = tpu.memref_squeeze %dma_wait3A_3192 : memref<1x26xi32, #tpu.memory_space<vmem>> -> memref<26xi32, #tpu.memory_space<vmem>>
      %dma_wait3A_3194 = arith.constant 0 : i32
      %dma_wait3A_3195 = arith.constant 0 : i32
      %dma_wait3A_3196 = tpu.memref_slice %arg3[%dma_wait3A_3194, %dma_wait3A_3195] : memref<1000000x64xf32, #tpu.memory_space<hbm>> -> memref<1000000x64xf32, #tpu.memory_space<hbm>>
      tpu.wait_indirect_dma semaphore(%arg11 : memref<!tpu.dma_semaphore, #tpu.memory_space<semaphore_mem>>) src(%dma_wait3A_3196 : memref<1000000x64xf32, #tpu.memory_space<hbm>>) dst(%dma_wait3A_3190 : memref<26x64xf32, #tpu.memory_space<vmem>>)
      %mul3A_3197 = arith.constant 16 : i32
      %mul3A_3198 = arith.muli %add3A_3001, %mul3A_3197 : i32
      %add3A_3199 = arith.constant 13 : i32
      %add3A_3200 = arith.addi %mul3A_3198, %add3A_3199 : i32
      %dma_wait3A_3201 = arith.constant 13 : i32
      %dma_wait3A_3202 = arith.constant 0 : i32
      %dma_wait3A_3203 = arith.constant 0 : i32
      %dma_wait3A_3204 = tpu.memref_slice %arg8[%dma_wait3A_3201, %dma_wait3A_3202, %dma_wait3A_3203] : memref<16x26x64xf32, #tpu.memory_space<vmem>> -> memref<1x26x64xf32, #tpu.memory_space<vmem>>
      %dma_wait3A_3205 = tpu.memref_squeeze %dma_wait3A_3204 : memref<1x26x64xf32, #tpu.memory_space<vmem>> -> memref<26x64xf32, #tpu.memory_space<vmem>>
      %dma_wait3A_3206 = arith.constant 0 : i32
      %dma_wait3A_3207 = tpu.memref_slice %arg5[%add3A_3200, %dma_wait3A_3206] : memref<512x26xi32, #tpu.memory_space<vmem>> -> memref<1x26xi32, #tpu.memory_space<vmem>>
      %dma_wait3A_3208 = tpu.memref_squeeze %dma_wait3A_3207 : memref<1x26xi32, #tpu.memory_space<vmem>> -> memref<26xi32, #tpu.memory_space<vmem>>
      %dma_wait3A_3209 = arith.constant 0 : i32
      %dma_wait3A_3210 = arith.constant 0 : i32
      %dma_wait3A_3211 = tpu.memref_slice %arg3[%dma_wait3A_3209, %dma_wait3A_3210] : memref<1000000x64xf32, #tpu.memory_space<hbm>> -> memref<1000000x64xf32, #tpu.memory_space<hbm>>
      tpu.wait_indirect_dma semaphore(%arg11 : memref<!tpu.dma_semaphore, #tpu.memory_space<semaphore_mem>>) src(%dma_wait3A_3211 : memref<1000000x64xf32, #tpu.memory_space<hbm>>) dst(%dma_wait3A_3205 : memref<26x64xf32, #tpu.memory_space<vmem>>)
      %mul3A_3212 = arith.constant 16 : i32
      %mul3A_3213 = arith.muli %add3A_3001, %mul3A_3212 : i32
      %add3A_3214 = arith.constant 14 : i32
      %add3A_3215 = arith.addi %mul3A_3213, %add3A_3214 : i32
      %dma_wait3A_3216 = arith.constant 14 : i32
      %dma_wait3A_3217 = arith.constant 0 : i32
      %dma_wait3A_3218 = arith.constant 0 : i32
      %dma_wait3A_3219 = tpu.memref_slice %arg8[%dma_wait3A_3216, %dma_wait3A_3217, %dma_wait3A_3218] : memref<16x26x64xf32, #tpu.memory_space<vmem>> -> memref<1x26x64xf32, #tpu.memory_space<vmem>>
      %dma_wait3A_3220 = tpu.memref_squeeze %dma_wait3A_3219 : memref<1x26x64xf32, #tpu.memory_space<vmem>> -> memref<26x64xf32, #tpu.memory_space<vmem>>
      %dma_wait3A_3221 = arith.constant 0 : i32
      %dma_wait3A_3222 = tpu.memref_slice %arg5[%add3A_3215, %dma_wait3A_3221] : memref<512x26xi32, #tpu.memory_space<vmem>> -> memref<1x26xi32, #tpu.memory_space<vmem>>
      %dma_wait3A_3223 = tpu.memref_squeeze %dma_wait3A_3222 : memref<1x26xi32, #tpu.memory_space<vmem>> -> memref<26xi32, #tpu.memory_space<vmem>>
      %dma_wait3A_3224 = arith.constant 0 : i32
      %dma_wait3A_3225 = arith.constant 0 : i32
      %dma_wait3A_3226 = tpu.memref_slice %arg3[%dma_wait3A_3224, %dma_wait3A_3225] : memref<1000000x64xf32, #tpu.memory_space<hbm>> -> memref<1000000x64xf32, #tpu.memory_space<hbm>>
      tpu.wait_indirect_dma semaphore(%arg11 : memref<!tpu.dma_semaphore, #tpu.memory_space<semaphore_mem>>) src(%dma_wait3A_3226 : memref<1000000x64xf32, #tpu.memory_space<hbm>>) dst(%dma_wait3A_3220 : memref<26x64xf32, #tpu.memory_space<vmem>>)
      %mul3A_3227 = arith.constant 16 : i32
      %mul3A_3228 = arith.muli %add3A_3001, %mul3A_3227 : i32
      %add3A_3229 = arith.constant 15 : i32
      %add3A_3230 = arith.addi %mul3A_3228, %add3A_3229 : i32
      %dma_wait3A_3231 = arith.constant 15 : i32
      %dma_wait3A_3232 = arith.constant 0 : i32
      %dma_wait3A_3233 = arith.constant 0 : i32
      %dma_wait3A_3234 = tpu.memref_slice %arg8[%dma_wait3A_3231, %dma_wait3A_3232, %dma_wait3A_3233] : memref<16x26x64xf32, #tpu.memory_space<vmem>> -> memref<1x26x64xf32, #tpu.memory_space<vmem>>
      %dma_wait3A_3235 = tpu.memref_squeeze %dma_wait3A_3234 : memref<1x26x64xf32, #tpu.memory_space<vmem>> -> memref<26x64xf32, #tpu.memory_space<vmem>>
      %dma_wait3A_3236 = arith.constant 0 : i32
      %dma_wait3A_3237 = tpu.memref_slice %arg5[%add3A_3230, %dma_wait3A_3236] : memref<512x26xi32, #tpu.memory_space<vmem>> -> memref<1x26xi32, #tpu.memory_space<vmem>>
      %dma_wait3A_3238 = tpu.memref_squeeze %dma_wait3A_3237 : memref<1x26xi32, #tpu.memory_space<vmem>> -> memref<26xi32, #tpu.memory_space<vmem>>
      %dma_wait3A_3239 = arith.constant 0 : i32
      %dma_wait3A_3240 = arith.constant 0 : i32
      %dma_wait3A_3241 = tpu.memref_slice %arg3[%dma_wait3A_3239, %dma_wait3A_3240] : memref<1000000x64xf32, #tpu.memory_space<hbm>> -> memref<1000000x64xf32, #tpu.memory_space<hbm>>
      tpu.wait_indirect_dma semaphore(%arg11 : memref<!tpu.dma_semaphore, #tpu.memory_space<semaphore_mem>>) src(%dma_wait3A_3241 : memref<1000000x64xf32, #tpu.memory_space<hbm>>) dst(%dma_wait3A_3235 : memref<26x64xf32, #tpu.memory_space<vmem>>)
      %mul3A_3242 = arith.constant 16 : i32
      %mul3A_3243 = arith.muli %add3A_3001, %mul3A_3242 : i32
      %add3A_3244 = arith.addi %mul3A_2, %mul3A_3243 : i32
      %dma_start3A_3245 = arith.constant 0 : i32
      %dma_start3A_3246 = arith.constant 0 : i32
      %dma_start3A_3247 = tpu.memref_slice %arg4[%add3A_3244, %dma_start3A_3245, %dma_start3A_3246] : memref<16384x26x64xf32, #tpu.memory_space<hbm>> -> memref<16x26x64xf32, #tpu.memory_space<hbm>>
      %dma_start3A_3248 = arith.constant 0 : i32
      %dma_start3A_3249 = arith.constant 0 : i32
      %dma_start3A_3250 = tpu.memref_slice %arg4[%add3A_3244, %dma_start3A_3248, %dma_start3A_3249] : memref<16384x26x64xf32, #tpu.memory_space<hbm>> -> memref<16x26x64xf32, #tpu.memory_space<hbm>>
      tpu.enqueue_dma source(%arg8 : memref<16x26x64xf32, #tpu.memory_space<vmem>>) target(%dma_start3A_3250 : memref<16x26x64xf32, #tpu.memory_space<hbm>>) target_semaphore(%arg14 : memref<!tpu.dma_semaphore, #tpu.memory_space<semaphore_mem>>)
      %dma_wait3A_3251 = arith.constant 0 : i32
      %dma_wait3A_3252 = arith.constant 0 : i32
      %dma_wait3A_3253 = tpu.memref_slice %arg4[%mul3A_2, %dma_wait3A_3251, %dma_wait3A_3252] : memref<16384x26x64xf32, #tpu.memory_space<hbm>> -> memref<16x26x64xf32, #tpu.memory_space<hbm>>
      %dma_wait3A_3254 = arith.constant 0 : i32
      %dma_wait3A_3255 = arith.constant 0 : i32
      %dma_wait3A_3256 = tpu.memref_slice %arg4[%mul3A_2, %dma_wait3A_3254, %dma_wait3A_3255] : memref<16384x26x64xf32, #tpu.memory_space<hbm>> -> memref<16x26x64xf32, #tpu.memory_space<hbm>>
      tpu.wait_dma2 semaphore(%arg13 : memref<!tpu.dma_semaphore, #tpu.memory_space<semaphore_mem>>) src(%arg7 : memref<16x26x64xf32, #tpu.memory_space<vmem>>) dst(%dma_wait3A_3256 : memref<16x26x64xf32, #tpu.memory_space<hbm>>)
      %add3A_3257 = arith.constant 2 : i32
      %add3A_3258 = arith.addi %add3A_3001, %add3A_3257 : i32
      %mul3A_3259 = arith.constant 16 : i32
      %mul3A_3260 = arith.muli %add3A_3258, %mul3A_3259 : i32
      %add3A_3261 = arith.constant 0 : i32
      %add3A_3262 = arith.addi %mul3A_3260, %add3A_3261 : i32
      %dma_start3A_3263 = arith.constant 0 : i32
      %dma_start3A_3264 = arith.constant 0 : i32
      %dma_start3A_3265 = arith.constant 0 : i32
      %dma_start3A_3266 = tpu.memref_slice %arg7[%dma_start3A_3263, %dma_start3A_3264, %dma_start3A_3265] : memref<16x26x64xf32, #tpu.memory_space<vmem>> -> memref<1x26x64xf32, #tpu.memory_space<vmem>>
      %dma_start3A_3267 = tpu.memref_squeeze %dma_start3A_3266 : memref<1x26x64xf32, #tpu.memory_space<vmem>> -> memref<26x64xf32, #tpu.memory_space<vmem>>
      %dma_start3A_3268 = arith.constant 0 : i32
      %dma_start3A_3269 = tpu.memref_slice %arg5[%add3A_3262, %dma_start3A_3268] : memref<512x26xi32, #tpu.memory_space<vmem>> -> memref<1x26xi32, #tpu.memory_space<vmem>>
      %dma_start3A_3270 = tpu.memref_squeeze %dma_start3A_3269 : memref<1x26xi32, #tpu.memory_space<vmem>> -> memref<26xi32, #tpu.memory_space<vmem>>
      %dma_start3A_3271 = arith.constant 0 : i32
      %dma_start3A_3272 = arith.constant 0 : i32
      %dma_start3A_3273 = tpu.memref_slice %arg3[%dma_start3A_3271, %dma_start3A_3272] : memref<1000000x64xf32, #tpu.memory_space<hbm>> -> memref<1000000x64xf32, #tpu.memory_space<hbm>>
      tpu.enqueue_indirect_dma source(%dma_start3A_3273 : memref<1000000x64xf32, #tpu.memory_space<hbm>>) target(%dma_start3A_3267 : memref<26x64xf32, #tpu.memory_space<vmem>>) offsets(%dma_start3A_3270 : memref<26xi32, #tpu.memory_space<vmem>>) semaphore(%arg10 : memref<!tpu.dma_semaphore, #tpu.memory_space<semaphore_mem>>)
      %mul3A_3274 = arith.constant 16 : i32
      %mul3A_3275 = arith.muli %add3A_3258, %mul3A_3274 : i32
      %add3A_3276 = arith.constant 1 : i32
      %add3A_3277 = arith.addi %mul3A_3275, %add3A_3276 : i32
      %dma_start3A_3278 = arith.constant 1 : i32
      %dma_start3A_3279 = arith.constant 0 : i32
      %dma_start3A_3280 = arith.constant 0 : i32
      %dma_start3A_3281 = tpu.memref_slice %arg7[%dma_start3A_3278, %dma_start3A_3279, %dma_start3A_3280] : memref<16x26x64xf32, #tpu.memory_space<vmem>> -> memref<1x26x64xf32, #tpu.memory_space<vmem>>
      %dma_start3A_3282 = tpu.memref_squeeze %dma_start3A_3281 : memref<1x26x64xf32, #tpu.memory_space<vmem>> -> memref<26x64xf32, #tpu.memory_space<vmem>>
      %dma_start3A_3283 = arith.constant 0 : i32
      %dma_start3A_3284 = tpu.memref_slice %arg5[%add3A_3277, %dma_start3A_3283] : memref<512x26xi32, #tpu.memory_space<vmem>> -> memref<1x26xi32, #tpu.memory_space<vmem>>
      %dma_start3A_3285 = tpu.memref_squeeze %dma_start3A_3284 : memref<1x26xi32, #tpu.memory_space<vmem>> -> memref<26xi32, #tpu.memory_space<vmem>>
      %dma_start3A_3286 = arith.constant 0 : i32
      %dma_start3A_3287 = arith.constant 0 : i32
      %dma_start3A_3288 = tpu.memref_slice %arg3[%dma_start3A_3286, %dma_start3A_3287] : memref<1000000x64xf32, #tpu.memory_space<hbm>> -> memref<1000000x64xf32, #tpu.memory_space<hbm>>
      tpu.enqueue_indirect_dma source(%dma_start3A_3288 : memref<1000000x64xf32, #tpu.memory_space<hbm>>) target(%dma_start3A_3282 : memref<26x64xf32, #tpu.memory_space<vmem>>) offsets(%dma_start3A_3285 : memref<26xi32, #tpu.memory_space<vmem>>) semaphore(%arg10 : memref<!tpu.dma_semaphore, #tpu.memory_space<semaphore_mem>>)
      %mul3A_3289 = arith.constant 16 : i32
      %mul3A_3290 = arith.muli %add3A_3258, %mul3A_3289 : i32
      %add3A_3291 = arith.constant 2 : i32
      %add3A_3292 = arith.addi %mul3A_3290, %add3A_3291 : i32
      %dma_start3A_3293 = arith.constant 2 : i32
      %dma_start3A_3294 = arith.constant 0 : i32
      %dma_start3A_3295 = arith.constant 0 : i32
      %dma_start3A_3296 = tpu.memref_slice %arg7[%dma_start3A_3293, %dma_start3A_3294, %dma_start3A_3295] : memref<16x26x64xf32, #tpu.memory_space<vmem>> -> memref<1x26x64xf32, #tpu.memory_space<vmem>>
      %dma_start3A_3297 = tpu.memref_squeeze %dma_start3A_3296 : memref<1x26x64xf32, #tpu.memory_space<vmem>> -> memref<26x64xf32, #tpu.memory_space<vmem>>
      %dma_start3A_3298 = arith.constant 0 : i32
      %dma_start3A_3299 = tpu.memref_slice %arg5[%add3A_3292, %dma_start3A_3298] : memref<512x26xi32, #tpu.memory_space<vmem>> -> memref<1x26xi32, #tpu.memory_space<vmem>>
      %dma_start3A_3300 = tpu.memref_squeeze %dma_start3A_3299 : memref<1x26xi32, #tpu.memory_space<vmem>> -> memref<26xi32, #tpu.memory_space<vmem>>
      %dma_start3A_3301 = arith.constant 0 : i32
      %dma_start3A_3302 = arith.constant 0 : i32
      %dma_start3A_3303 = tpu.memref_slice %arg3[%dma_start3A_3301, %dma_start3A_3302] : memref<1000000x64xf32, #tpu.memory_space<hbm>> -> memref<1000000x64xf32, #tpu.memory_space<hbm>>
      tpu.enqueue_indirect_dma source(%dma_start3A_3303 : memref<1000000x64xf32, #tpu.memory_space<hbm>>) target(%dma_start3A_3297 : memref<26x64xf32, #tpu.memory_space<vmem>>) offsets(%dma_start3A_3300 : memref<26xi32, #tpu.memory_space<vmem>>) semaphore(%arg10 : memref<!tpu.dma_semaphore, #tpu.memory_space<semaphore_mem>>)
      %mul3A_3304 = arith.constant 16 : i32
      %mul3A_3305 = arith.muli %add3A_3258, %mul3A_3304 : i32
      %add3A_3306 = arith.constant 3 : i32
      %add3A_3307 = arith.addi %mul3A_3305, %add3A_3306 : i32
      %dma_start3A_3308 = arith.constant 3 : i32
      %dma_start3A_3309 = arith.constant 0 : i32
      %dma_start3A_3310 = arith.constant 0 : i32
      %dma_start3A_3311 = tpu.memref_slice %arg7[%dma_start3A_3308, %dma_start3A_3309, %dma_start3A_3310] : memref<16x26x64xf32, #tpu.memory_space<vmem>> -> memref<1x26x64xf32, #tpu.memory_space<vmem>>
      %dma_start3A_3312 = tpu.memref_squeeze %dma_start3A_3311 : memref<1x26x64xf32, #tpu.memory_space<vmem>> -> memref<26x64xf32, #tpu.memory_space<vmem>>
      %dma_start3A_3313 = arith.constant 0 : i32
      %dma_start3A_3314 = tpu.memref_slice %arg5[%add3A_3307, %dma_start3A_3313] : memref<512x26xi32, #tpu.memory_space<vmem>> -> memref<1x26xi32, #tpu.memory_space<vmem>>
      %dma_start3A_3315 = tpu.memref_squeeze %dma_start3A_3314 : memref<1x26xi32, #tpu.memory_space<vmem>> -> memref<26xi32, #tpu.memory_space<vmem>>
      %dma_start3A_3316 = arith.constant 0 : i32
      %dma_start3A_3317 = arith.constant 0 : i32
      %dma_start3A_3318 = tpu.memref_slice %arg3[%dma_start3A_3316, %dma_start3A_3317] : memref<1000000x64xf32, #tpu.memory_space<hbm>> -> memref<1000000x64xf32, #tpu.memory_space<hbm>>
      tpu.enqueue_indirect_dma source(%dma_start3A_3318 : memref<1000000x64xf32, #tpu.memory_space<hbm>>) target(%dma_start3A_3312 : memref<26x64xf32, #tpu.memory_space<vmem>>) offsets(%dma_start3A_3315 : memref<26xi32, #tpu.memory_space<vmem>>) semaphore(%arg10 : memref<!tpu.dma_semaphore, #tpu.memory_space<semaphore_mem>>)
      %mul3A_3319 = arith.constant 16 : i32
      %mul3A_3320 = arith.muli %add3A_3258, %mul3A_3319 : i32
      %add3A_3321 = arith.constant 4 : i32
      %add3A_3322 = arith.addi %mul3A_3320, %add3A_3321 : i32
      %dma_start3A_3323 = arith.constant 4 : i32
      %dma_start3A_3324 = arith.constant 0 : i32
      %dma_start3A_3325 = arith.constant 0 : i32
      %dma_start3A_3326 = tpu.memref_slice %arg7[%dma_start3A_3323, %dma_start3A_3324, %dma_start3A_3325] : memref<16x26x64xf32, #tpu.memory_space<vmem>> -> memref<1x26x64xf32, #tpu.memory_space<vmem>>
      %dma_start3A_3327 = tpu.memref_squeeze %dma_start3A_3326 : memref<1x26x64xf32, #tpu.memory_space<vmem>> -> memref<26x64xf32, #tpu.memory_space<vmem>>
      %dma_start3A_3328 = arith.constant 0 : i32
      %dma_start3A_3329 = tpu.memref_slice %arg5[%add3A_3322, %dma_start3A_3328] : memref<512x26xi32, #tpu.memory_space<vmem>> -> memref<1x26xi32, #tpu.memory_space<vmem>>
      %dma_start3A_3330 = tpu.memref_squeeze %dma_start3A_3329 : memref<1x26xi32, #tpu.memory_space<vmem>> -> memref<26xi32, #tpu.memory_space<vmem>>
      %dma_start3A_3331 = arith.constant 0 : i32
      %dma_start3A_3332 = arith.constant 0 : i32
      %dma_start3A_3333 = tpu.memref_slice %arg3[%dma_start3A_3331, %dma_start3A_3332] : memref<1000000x64xf32, #tpu.memory_space<hbm>> -> memref<1000000x64xf32, #tpu.memory_space<hbm>>
      tpu.enqueue_indirect_dma source(%dma_start3A_3333 : memref<1000000x64xf32, #tpu.memory_space<hbm>>) target(%dma_start3A_3327 : memref<26x64xf32, #tpu.memory_space<vmem>>) offsets(%dma_start3A_3330 : memref<26xi32, #tpu.memory_space<vmem>>) semaphore(%arg10 : memref<!tpu.dma_semaphore, #tpu.memory_space<semaphore_mem>>)
      %mul3A_3334 = arith.constant 16 : i32
      %mul3A_3335 = arith.muli %add3A_3258, %mul3A_3334 : i32
      %add3A_3336 = arith.constant 5 : i32
      %add3A_3337 = arith.addi %mul3A_3335, %add3A_3336 : i32
      %dma_start3A_3338 = arith.constant 5 : i32
      %dma_start3A_3339 = arith.constant 0 : i32
      %dma_start3A_3340 = arith.constant 0 : i32
      %dma_start3A_3341 = tpu.memref_slice %arg7[%dma_start3A_3338, %dma_start3A_3339, %dma_start3A_3340] : memref<16x26x64xf32, #tpu.memory_space<vmem>> -> memref<1x26x64xf32, #tpu.memory_space<vmem>>
      %dma_start3A_3342 = tpu.memref_squeeze %dma_start3A_3341 : memref<1x26x64xf32, #tpu.memory_space<vmem>> -> memref<26x64xf32, #tpu.memory_space<vmem>>
      %dma_start3A_3343 = arith.constant 0 : i32
      %dma_start3A_3344 = tpu.memref_slice %arg5[%add3A_3337, %dma_start3A_3343] : memref<512x26xi32, #tpu.memory_space<vmem>> -> memref<1x26xi32, #tpu.memory_space<vmem>>
      %dma_start3A_3345 = tpu.memref_squeeze %dma_start3A_3344 : memref<1x26xi32, #tpu.memory_space<vmem>> -> memref<26xi32, #tpu.memory_space<vmem>>
      %dma_start3A_3346 = arith.constant 0 : i32
      %dma_start3A_3347 = arith.constant 0 : i32
      %dma_start3A_3348 = tpu.memref_slice %arg3[%dma_start3A_3346, %dma_start3A_3347] : memref<1000000x64xf32, #tpu.memory_space<hbm>> -> memref<1000000x64xf32, #tpu.memory_space<hbm>>
      tpu.enqueue_indirect_dma source(%dma_start3A_3348 : memref<1000000x64xf32, #tpu.memory_space<hbm>>) target(%dma_start3A_3342 : memref<26x64xf32, #tpu.memory_space<vmem>>) offsets(%dma_start3A_3345 : memref<26xi32, #tpu.memory_space<vmem>>) semaphore(%arg10 : memref<!tpu.dma_semaphore, #tpu.memory_space<semaphore_mem>>)
      %mul3A_3349 = arith.constant 16 : i32
      %mul3A_3350 = arith.muli %add3A_3258, %mul3A_3349 : i32
      %add3A_3351 = arith.constant 6 : i32
      %add3A_3352 = arith.addi %mul3A_3350, %add3A_3351 : i32
      %dma_start3A_3353 = arith.constant 6 : i32
      %dma_start3A_3354 = arith.constant 0 : i32
      %dma_start3A_3355 = arith.constant 0 : i32
      %dma_start3A_3356 = tpu.memref_slice %arg7[%dma_start3A_3353, %dma_start3A_3354, %dma_start3A_3355] : memref<16x26x64xf32, #tpu.memory_space<vmem>> -> memref<1x26x64xf32, #tpu.memory_space<vmem>>
      %dma_start3A_3357 = tpu.memref_squeeze %dma_start3A_3356 : memref<1x26x64xf32, #tpu.memory_space<vmem>> -> memref<26x64xf32, #tpu.memory_space<vmem>>
      %dma_start3A_3358 = arith.constant 0 : i32
      %dma_start3A_3359 = tpu.memref_slice %arg5[%add3A_3352, %dma_start3A_3358] : memref<512x26xi32, #tpu.memory_space<vmem>> -> memref<1x26xi32, #tpu.memory_space<vmem>>
      %dma_start3A_3360 = tpu.memref_squeeze %dma_start3A_3359 : memref<1x26xi32, #tpu.memory_space<vmem>> -> memref<26xi32, #tpu.memory_space<vmem>>
      %dma_start3A_3361 = arith.constant 0 : i32
      %dma_start3A_3362 = arith.constant 0 : i32
      %dma_start3A_3363 = tpu.memref_slice %arg3[%dma_start3A_3361, %dma_start3A_3362] : memref<1000000x64xf32, #tpu.memory_space<hbm>> -> memref<1000000x64xf32, #tpu.memory_space<hbm>>
      tpu.enqueue_indirect_dma source(%dma_start3A_3363 : memref<1000000x64xf32, #tpu.memory_space<hbm>>) target(%dma_start3A_3357 : memref<26x64xf32, #tpu.memory_space<vmem>>) offsets(%dma_start3A_3360 : memref<26xi32, #tpu.memory_space<vmem>>) semaphore(%arg10 : memref<!tpu.dma_semaphore, #tpu.memory_space<semaphore_mem>>)
      %mul3A_3364 = arith.constant 16 : i32
      %mul3A_3365 = arith.muli %add3A_3258, %mul3A_3364 : i32
      %add3A_3366 = arith.constant 7 : i32
      %add3A_3367 = arith.addi %mul3A_3365, %add3A_3366 : i32
      %dma_start3A_3368 = arith.constant 7 : i32
      %dma_start3A_3369 = arith.constant 0 : i32
      %dma_start3A_3370 = arith.constant 0 : i32
      %dma_start3A_3371 = tpu.memref_slice %arg7[%dma_start3A_3368, %dma_start3A_3369, %dma_start3A_3370] : memref<16x26x64xf32, #tpu.memory_space<vmem>> -> memref<1x26x64xf32, #tpu.memory_space<vmem>>
      %dma_start3A_3372 = tpu.memref_squeeze %dma_start3A_3371 : memref<1x26x64xf32, #tpu.memory_space<vmem>> -> memref<26x64xf32, #tpu.memory_space<vmem>>
      %dma_start3A_3373 = arith.constant 0 : i32
      %dma_start3A_3374 = tpu.memref_slice %arg5[%add3A_3367, %dma_start3A_3373] : memref<512x26xi32, #tpu.memory_space<vmem>> -> memref<1x26xi32, #tpu.memory_space<vmem>>
      %dma_start3A_3375 = tpu.memref_squeeze %dma_start3A_3374 : memref<1x26xi32, #tpu.memory_space<vmem>> -> memref<26xi32, #tpu.memory_space<vmem>>
      %dma_start3A_3376 = arith.constant 0 : i32
      %dma_start3A_3377 = arith.constant 0 : i32
      %dma_start3A_3378 = tpu.memref_slice %arg3[%dma_start3A_3376, %dma_start3A_3377] : memref<1000000x64xf32, #tpu.memory_space<hbm>> -> memref<1000000x64xf32, #tpu.memory_space<hbm>>
      tpu.enqueue_indirect_dma source(%dma_start3A_3378 : memref<1000000x64xf32, #tpu.memory_space<hbm>>) target(%dma_start3A_3372 : memref<26x64xf32, #tpu.memory_space<vmem>>) offsets(%dma_start3A_3375 : memref<26xi32, #tpu.memory_space<vmem>>) semaphore(%arg10 : memref<!tpu.dma_semaphore, #tpu.memory_space<semaphore_mem>>)
      %mul3A_3379 = arith.constant 16 : i32
      %mul3A_3380 = arith.muli %add3A_3258, %mul3A_3379 : i32
      %add3A_3381 = arith.constant 8 : i32
      %add3A_3382 = arith.addi %mul3A_3380, %add3A_3381 : i32
      %dma_start3A_3383 = arith.constant 8 : i32
      %dma_start3A_3384 = arith.constant 0 : i32
      %dma_start3A_3385 = arith.constant 0 : i32
      %dma_start3A_3386 = tpu.memref_slice %arg7[%dma_start3A_3383, %dma_start3A_3384, %dma_start3A_3385] : memref<16x26x64xf32, #tpu.memory_space<vmem>> -> memref<1x26x64xf32, #tpu.memory_space<vmem>>
      %dma_start3A_3387 = tpu.memref_squeeze %dma_start3A_3386 : memref<1x26x64xf32, #tpu.memory_space<vmem>> -> memref<26x64xf32, #tpu.memory_space<vmem>>
      %dma_start3A_3388 = arith.constant 0 : i32
      %dma_start3A_3389 = tpu.memref_slice %arg5[%add3A_3382, %dma_start3A_3388] : memref<512x26xi32, #tpu.memory_space<vmem>> -> memref<1x26xi32, #tpu.memory_space<vmem>>
      %dma_start3A_3390 = tpu.memref_squeeze %dma_start3A_3389 : memref<1x26xi32, #tpu.memory_space<vmem>> -> memref<26xi32, #tpu.memory_space<vmem>>
      %dma_start3A_3391 = arith.constant 0 : i32
      %dma_start3A_3392 = arith.constant 0 : i32
      %dma_start3A_3393 = tpu.memref_slice %arg3[%dma_start3A_3391, %dma_start3A_3392] : memref<1000000x64xf32, #tpu.memory_space<hbm>> -> memref<1000000x64xf32, #tpu.memory_space<hbm>>
      tpu.enqueue_indirect_dma source(%dma_start3A_3393 : memref<1000000x64xf32, #tpu.memory_space<hbm>>) target(%dma_start3A_3387 : memref<26x64xf32, #tpu.memory_space<vmem>>) offsets(%dma_start3A_3390 : memref<26xi32, #tpu.memory_space<vmem>>) semaphore(%arg10 : memref<!tpu.dma_semaphore, #tpu.memory_space<semaphore_mem>>)
      %mul3A_3394 = arith.constant 16 : i32
      %mul3A_3395 = arith.muli %add3A_3258, %mul3A_3394 : i32
      %add3A_3396 = arith.constant 9 : i32
      %add3A_3397 = arith.addi %mul3A_3395, %add3A_3396 : i32
      %dma_start3A_3398 = arith.constant 9 : i32
      %dma_start3A_3399 = arith.constant 0 : i32
      %dma_start3A_3400 = arith.constant 0 : i32
      %dma_start3A_3401 = tpu.memref_slice %arg7[%dma_start3A_3398, %dma_start3A_3399, %dma_start3A_3400] : memref<16x26x64xf32, #tpu.memory_space<vmem>> -> memref<1x26x64xf32, #tpu.memory_space<vmem>>
      %dma_start3A_3402 = tpu.memref_squeeze %dma_start3A_3401 : memref<1x26x64xf32, #tpu.memory_space<vmem>> -> memref<26x64xf32, #tpu.memory_space<vmem>>
      %dma_start3A_3403 = arith.constant 0 : i32
      %dma_start3A_3404 = tpu.memref_slice %arg5[%add3A_3397, %dma_start3A_3403] : memref<512x26xi32, #tpu.memory_space<vmem>> -> memref<1x26xi32, #tpu.memory_space<vmem>>
      %dma_start3A_3405 = tpu.memref_squeeze %dma_start3A_3404 : memref<1x26xi32, #tpu.memory_space<vmem>> -> memref<26xi32, #tpu.memory_space<vmem>>
      %dma_start3A_3406 = arith.constant 0 : i32
      %dma_start3A_3407 = arith.constant 0 : i32
      %dma_start3A_3408 = tpu.memref_slice %arg3[%dma_start3A_3406, %dma_start3A_3407] : memref<1000000x64xf32, #tpu.memory_space<hbm>> -> memref<1000000x64xf32, #tpu.memory_space<hbm>>
      tpu.enqueue_indirect_dma source(%dma_start3A_3408 : memref<1000000x64xf32, #tpu.memory_space<hbm>>) target(%dma_start3A_3402 : memref<26x64xf32, #tpu.memory_space<vmem>>) offsets(%dma_start3A_3405 : memref<26xi32, #tpu.memory_space<vmem>>) semaphore(%arg10 : memref<!tpu.dma_semaphore, #tpu.memory_space<semaphore_mem>>)
      %mul3A_3409 = arith.constant 16 : i32
      %mul3A_3410 = arith.muli %add3A_3258, %mul3A_3409 : i32
      %add3A_3411 = arith.constant 10 : i32
      %add3A_3412 = arith.addi %mul3A_3410, %add3A_3411 : i32
      %dma_start3A_3413 = arith.constant 10 : i32
      %dma_start3A_3414 = arith.constant 0 : i32
      %dma_start3A_3415 = arith.constant 0 : i32
      %dma_start3A_3416 = tpu.memref_slice %arg7[%dma_start3A_3413, %dma_start3A_3414, %dma_start3A_3415] : memref<16x26x64xf32, #tpu.memory_space<vmem>> -> memref<1x26x64xf32, #tpu.memory_space<vmem>>
      %dma_start3A_3417 = tpu.memref_squeeze %dma_start3A_3416 : memref<1x26x64xf32, #tpu.memory_space<vmem>> -> memref<26x64xf32, #tpu.memory_space<vmem>>
      %dma_start3A_3418 = arith.constant 0 : i32
      %dma_start3A_3419 = tpu.memref_slice %arg5[%add3A_3412, %dma_start3A_3418] : memref<512x26xi32, #tpu.memory_space<vmem>> -> memref<1x26xi32, #tpu.memory_space<vmem>>
      %dma_start3A_3420 = tpu.memref_squeeze %dma_start3A_3419 : memref<1x26xi32, #tpu.memory_space<vmem>> -> memref<26xi32, #tpu.memory_space<vmem>>
      %dma_start3A_3421 = arith.constant 0 : i32
      %dma_start3A_3422 = arith.constant 0 : i32
      %dma_start3A_3423 = tpu.memref_slice %arg3[%dma_start3A_3421, %dma_start3A_3422] : memref<1000000x64xf32, #tpu.memory_space<hbm>> -> memref<1000000x64xf32, #tpu.memory_space<hbm>>
      tpu.enqueue_indirect_dma source(%dma_start3A_3423 : memref<1000000x64xf32, #tpu.memory_space<hbm>>) target(%dma_start3A_3417 : memref<26x64xf32, #tpu.memory_space<vmem>>) offsets(%dma_start3A_3420 : memref<26xi32, #tpu.memory_space<vmem>>) semaphore(%arg10 : memref<!tpu.dma_semaphore, #tpu.memory_space<semaphore_mem>>)
      %mul3A_3424 = arith.constant 16 : i32
      %mul3A_3425 = arith.muli %add3A_3258, %mul3A_3424 : i32
      %add3A_3426 = arith.constant 11 : i32
      %add3A_3427 = arith.addi %mul3A_3425, %add3A_3426 : i32
      %dma_start3A_3428 = arith.constant 11 : i32
      %dma_start3A_3429 = arith.constant 0 : i32
      %dma_start3A_3430 = arith.constant 0 : i32
      %dma_start3A_3431 = tpu.memref_slice %arg7[%dma_start3A_3428, %dma_start3A_3429, %dma_start3A_3430] : memref<16x26x64xf32, #tpu.memory_space<vmem>> -> memref<1x26x64xf32, #tpu.memory_space<vmem>>
      %dma_start3A_3432 = tpu.memref_squeeze %dma_start3A_3431 : memref<1x26x64xf32, #tpu.memory_space<vmem>> -> memref<26x64xf32, #tpu.memory_space<vmem>>
      %dma_start3A_3433 = arith.constant 0 : i32
      %dma_start3A_3434 = tpu.memref_slice %arg5[%add3A_3427, %dma_start3A_3433] : memref<512x26xi32, #tpu.memory_space<vmem>> -> memref<1x26xi32, #tpu.memory_space<vmem>>
      %dma_start3A_3435 = tpu.memref_squeeze %dma_start3A_3434 : memref<1x26xi32, #tpu.memory_space<vmem>> -> memref<26xi32, #tpu.memory_space<vmem>>
      %dma_start3A_3436 = arith.constant 0 : i32
      %dma_start3A_3437 = arith.constant 0 : i32
      %dma_start3A_3438 = tpu.memref_slice %arg3[%dma_start3A_3436, %dma_start3A_3437] : memref<1000000x64xf32, #tpu.memory_space<hbm>> -> memref<1000000x64xf32, #tpu.memory_space<hbm>>
      tpu.enqueue_indirect_dma source(%dma_start3A_3438 : memref<1000000x64xf32, #tpu.memory_space<hbm>>) target(%dma_start3A_3432 : memref<26x64xf32, #tpu.memory_space<vmem>>) offsets(%dma_start3A_3435 : memref<26xi32, #tpu.memory_space<vmem>>) semaphore(%arg10 : memref<!tpu.dma_semaphore, #tpu.memory_space<semaphore_mem>>)
      %mul3A_3439 = arith.constant 16 : i32
      %mul3A_3440 = arith.muli %add3A_3258, %mul3A_3439 : i32
      %add3A_3441 = arith.constant 12 : i32
      %add3A_3442 = arith.addi %mul3A_3440, %add3A_3441 : i32
      %dma_start3A_3443 = arith.constant 12 : i32
      %dma_start3A_3444 = arith.constant 0 : i32
      %dma_start3A_3445 = arith.constant 0 : i32
      %dma_start3A_3446 = tpu.memref_slice %arg7[%dma_start3A_3443, %dma_start3A_3444, %dma_start3A_3445] : memref<16x26x64xf32, #tpu.memory_space<vmem>> -> memref<1x26x64xf32, #tpu.memory_space<vmem>>
      %dma_start3A_3447 = tpu.memref_squeeze %dma_start3A_3446 : memref<1x26x64xf32, #tpu.memory_space<vmem>> -> memref<26x64xf32, #tpu.memory_space<vmem>>
      %dma_start3A_3448 = arith.constant 0 : i32
      %dma_start3A_3449 = tpu.memref_slice %arg5[%add3A_3442, %dma_start3A_3448] : memref<512x26xi32, #tpu.memory_space<vmem>> -> memref<1x26xi32, #tpu.memory_space<vmem>>
      %dma_start3A_3450 = tpu.memref_squeeze %dma_start3A_3449 : memref<1x26xi32, #tpu.memory_space<vmem>> -> memref<26xi32, #tpu.memory_space<vmem>>
      %dma_start3A_3451 = arith.constant 0 : i32
      %dma_start3A_3452 = arith.constant 0 : i32
      %dma_start3A_3453 = tpu.memref_slice %arg3[%dma_start3A_3451, %dma_start3A_3452] : memref<1000000x64xf32, #tpu.memory_space<hbm>> -> memref<1000000x64xf32, #tpu.memory_space<hbm>>
      tpu.enqueue_indirect_dma source(%dma_start3A_3453 : memref<1000000x64xf32, #tpu.memory_space<hbm>>) target(%dma_start3A_3447 : memref<26x64xf32, #tpu.memory_space<vmem>>) offsets(%dma_start3A_3450 : memref<26xi32, #tpu.memory_space<vmem>>) semaphore(%arg10 : memref<!tpu.dma_semaphore, #tpu.memory_space<semaphore_mem>>)
      %mul3A_3454 = arith.constant 16 : i32
      %mul3A_3455 = arith.muli %add3A_3258, %mul3A_3454 : i32
      %add3A_3456 = arith.constant 13 : i32
      %add3A_3457 = arith.addi %mul3A_3455, %add3A_3456 : i32
      %dma_start3A_3458 = arith.constant 13 : i32
      %dma_start3A_3459 = arith.constant 0 : i32
      %dma_start3A_3460 = arith.constant 0 : i32
      %dma_start3A_3461 = tpu.memref_slice %arg7[%dma_start3A_3458, %dma_start3A_3459, %dma_start3A_3460] : memref<16x26x64xf32, #tpu.memory_space<vmem>> -> memref<1x26x64xf32, #tpu.memory_space<vmem>>
      %dma_start3A_3462 = tpu.memref_squeeze %dma_start3A_3461 : memref<1x26x64xf32, #tpu.memory_space<vmem>> -> memref<26x64xf32, #tpu.memory_space<vmem>>
      %dma_start3A_3463 = arith.constant 0 : i32
      %dma_start3A_3464 = tpu.memref_slice %arg5[%add3A_3457, %dma_start3A_3463] : memref<512x26xi32, #tpu.memory_space<vmem>> -> memref<1x26xi32, #tpu.memory_space<vmem>>
      %dma_start3A_3465 = tpu.memref_squeeze %dma_start3A_3464 : memref<1x26xi32, #tpu.memory_space<vmem>> -> memref<26xi32, #tpu.memory_space<vmem>>
      %dma_start3A_3466 = arith.constant 0 : i32
      %dma_start3A_3467 = arith.constant 0 : i32
      %dma_start3A_3468 = tpu.memref_slice %arg3[%dma_start3A_3466, %dma_start3A_3467] : memref<1000000x64xf32, #tpu.memory_space<hbm>> -> memref<1000000x64xf32, #tpu.memory_space<hbm>>
      tpu.enqueue_indirect_dma source(%dma_start3A_3468 : memref<1000000x64xf32, #tpu.memory_space<hbm>>) target(%dma_start3A_3462 : memref<26x64xf32, #tpu.memory_space<vmem>>) offsets(%dma_start3A_3465 : memref<26xi32, #tpu.memory_space<vmem>>) semaphore(%arg10 : memref<!tpu.dma_semaphore, #tpu.memory_space<semaphore_mem>>)
      %mul3A_3469 = arith.constant 16 : i32
      %mul3A_3470 = arith.muli %add3A_3258, %mul3A_3469 : i32
      %add3A_3471 = arith.constant 14 : i32
      %add3A_3472 = arith.addi %mul3A_3470, %add3A_3471 : i32
      %dma_start3A_3473 = arith.constant 14 : i32
      %dma_start3A_3474 = arith.constant 0 : i32
      %dma_start3A_3475 = arith.constant 0 : i32
      %dma_start3A_3476 = tpu.memref_slice %arg7[%dma_start3A_3473, %dma_start3A_3474, %dma_start3A_3475] : memref<16x26x64xf32, #tpu.memory_space<vmem>> -> memref<1x26x64xf32, #tpu.memory_space<vmem>>
      %dma_start3A_3477 = tpu.memref_squeeze %dma_start3A_3476 : memref<1x26x64xf32, #tpu.memory_space<vmem>> -> memref<26x64xf32, #tpu.memory_space<vmem>>
      %dma_start3A_3478 = arith.constant 0 : i32
      %dma_start3A_3479 = tpu.memref_slice %arg5[%add3A_3472, %dma_start3A_3478] : memref<512x26xi32, #tpu.memory_space<vmem>> -> memref<1x26xi32, #tpu.memory_space<vmem>>
      %dma_start3A_3480 = tpu.memref_squeeze %dma_start3A_3479 : memref<1x26xi32, #tpu.memory_space<vmem>> -> memref<26xi32, #tpu.memory_space<vmem>>
      %dma_start3A_3481 = arith.constant 0 : i32
      %dma_start3A_3482 = arith.constant 0 : i32
      %dma_start3A_3483 = tpu.memref_slice %arg3[%dma_start3A_3481, %dma_start3A_3482] : memref<1000000x64xf32, #tpu.memory_space<hbm>> -> memref<1000000x64xf32, #tpu.memory_space<hbm>>
      tpu.enqueue_indirect_dma source(%dma_start3A_3483 : memref<1000000x64xf32, #tpu.memory_space<hbm>>) target(%dma_start3A_3477 : memref<26x64xf32, #tpu.memory_space<vmem>>) offsets(%dma_start3A_3480 : memref<26xi32, #tpu.memory_space<vmem>>) semaphore(%arg10 : memref<!tpu.dma_semaphore, #tpu.memory_space<semaphore_mem>>)
      %mul3A_3484 = arith.constant 16 : i32
      %mul3A_3485 = arith.muli %add3A_3258, %mul3A_3484 : i32
      %add3A_3486 = arith.constant 15 : i32
      %add3A_3487 = arith.addi %mul3A_3485, %add3A_3486 : i32
      %dma_start3A_3488 = arith.constant 15 : i32
      %dma_start3A_3489 = arith.constant 0 : i32
      %dma_start3A_3490 = arith.constant 0 : i32
      %dma_start3A_3491 = tpu.memref_slice %arg7[%dma_start3A_3488, %dma_start3A_3489, %dma_start3A_3490] : memref<16x26x64xf32, #tpu.memory_space<vmem>> -> memref<1x26x64xf32, #tpu.memory_space<vmem>>
      %dma_start3A_3492 = tpu.memref_squeeze %dma_start3A_3491 : memref<1x26x64xf32, #tpu.memory_space<vmem>> -> memref<26x64xf32, #tpu.memory_space<vmem>>
      %dma_start3A_3493 = arith.constant 0 : i32
      %dma_start3A_3494 = tpu.memref_slice %arg5[%add3A_3487, %dma_start3A_3493] : memref<512x26xi32, #tpu.memory_space<vmem>> -> memref<1x26xi32, #tpu.memory_space<vmem>>
      %dma_start3A_3495 = tpu.memref_squeeze %dma_start3A_3494 : memref<1x26xi32, #tpu.memory_space<vmem>> -> memref<26xi32, #tpu.memory_space<vmem>>
      %dma_start3A_3496 = arith.constant 0 : i32
      %dma_start3A_3497 = arith.constant 0 : i32
      %dma_start3A_3498 = tpu.memref_slice %arg3[%dma_start3A_3496, %dma_start3A_3497] : memref<1000000x64xf32, #tpu.memory_space<hbm>> -> memref<1000000x64xf32, #tpu.memory_space<hbm>>
      tpu.enqueue_indirect_dma source(%dma_start3A_3498 : memref<1000000x64xf32, #tpu.memory_space<hbm>>) target(%dma_start3A_3492 : memref<26x64xf32, #tpu.memory_space<vmem>>) offsets(%dma_start3A_3495 : memref<26xi32, #tpu.memory_space<vmem>>) semaphore(%arg10 : memref<!tpu.dma_semaphore, #tpu.memory_space<semaphore_mem>>)
    }
    %scan3A_1576 = arith.constant 9 : i32
    %dma_wait3A_1577 = arith.constant 480 : i32
    %dma_wait3A_1578 = arith.constant 0 : i32
    %dma_wait3A_1579 = arith.constant 0 : i32
    %dma_wait3A_1580 = arith.constant 0 : i32
    %dma_wait3A_1581 = tpu.memref_slice %arg6[%dma_wait3A_1578, %dma_wait3A_1579, %dma_wait3A_1580] : memref<16x26x64xf32, #tpu.memory_space<vmem>> -> memref<1x26x64xf32, #tpu.memory_space<vmem>>
    %dma_wait3A_1582 = tpu.memref_squeeze %dma_wait3A_1581 : memref<1x26x64xf32, #tpu.memory_space<vmem>> -> memref<26x64xf32, #tpu.memory_space<vmem>>
    %dma_wait3A_1583 = arith.constant 0 : i32
    %dma_wait3A_1584 = tpu.memref_slice %arg5[%dma_wait3A_1577, %dma_wait3A_1583] : memref<512x26xi32, #tpu.memory_space<vmem>> -> memref<1x26xi32, #tpu.memory_space<vmem>>
    %dma_wait3A_1585 = tpu.memref_squeeze %dma_wait3A_1584 : memref<1x26xi32, #tpu.memory_space<vmem>> -> memref<26xi32, #tpu.memory_space<vmem>>
    %dma_wait3A_1586 = arith.constant 0 : i32
    %dma_wait3A_1587 = arith.constant 0 : i32
    %dma_wait3A_1588 = tpu.memref_slice %arg3[%dma_wait3A_1586, %dma_wait3A_1587] : memref<1000000x64xf32, #tpu.memory_space<hbm>> -> memref<1000000x64xf32, #tpu.memory_space<hbm>>
    tpu.wait_indirect_dma semaphore(%arg9 : memref<!tpu.dma_semaphore, #tpu.memory_space<semaphore_mem>>) src(%dma_wait3A_1588 : memref<1000000x64xf32, #tpu.memory_space<hbm>>) dst(%dma_wait3A_1582 : memref<26x64xf32, #tpu.memory_space<vmem>>)
    %dma_wait3A_1589 = arith.constant 481 : i32
    %dma_wait3A_1590 = arith.constant 1 : i32
    %dma_wait3A_1591 = arith.constant 0 : i32
    %dma_wait3A_1592 = arith.constant 0 : i32
    %dma_wait3A_1593 = tpu.memref_slice %arg6[%dma_wait3A_1590, %dma_wait3A_1591, %dma_wait3A_1592] : memref<16x26x64xf32, #tpu.memory_space<vmem>> -> memref<1x26x64xf32, #tpu.memory_space<vmem>>
    %dma_wait3A_1594 = tpu.memref_squeeze %dma_wait3A_1593 : memref<1x26x64xf32, #tpu.memory_space<vmem>> -> memref<26x64xf32, #tpu.memory_space<vmem>>
    %dma_wait3A_1595 = arith.constant 0 : i32
    %dma_wait3A_1596 = tpu.memref_slice %arg5[%dma_wait3A_1589, %dma_wait3A_1595] : memref<512x26xi32, #tpu.memory_space<vmem>> -> memref<1x26xi32, #tpu.memory_space<vmem>>
    %dma_wait3A_1597 = tpu.memref_squeeze %dma_wait3A_1596 : memref<1x26xi32, #tpu.memory_space<vmem>> -> memref<26xi32, #tpu.memory_space<vmem>>
    %dma_wait3A_1598 = arith.constant 0 : i32
    %dma_wait3A_1599 = arith.constant 0 : i32
    %dma_wait3A_1600 = tpu.memref_slice %arg3[%dma_wait3A_1598, %dma_wait3A_1599] : memref<1000000x64xf32, #tpu.memory_space<hbm>> -> memref<1000000x64xf32, #tpu.memory_space<hbm>>
    tpu.wait_indirect_dma semaphore(%arg9 : memref<!tpu.dma_semaphore, #tpu.memory_space<semaphore_mem>>) src(%dma_wait3A_1600 : memref<1000000x64xf32, #tpu.memory_space<hbm>>) dst(%dma_wait3A_1594 : memref<26x64xf32, #tpu.memory_space<vmem>>)
    %dma_wait3A_1601 = arith.constant 482 : i32
    %dma_wait3A_1602 = arith.constant 2 : i32
    %dma_wait3A_1603 = arith.constant 0 : i32
    %dma_wait3A_1604 = arith.constant 0 : i32
    %dma_wait3A_1605 = tpu.memref_slice %arg6[%dma_wait3A_1602, %dma_wait3A_1603, %dma_wait3A_1604] : memref<16x26x64xf32, #tpu.memory_space<vmem>> -> memref<1x26x64xf32, #tpu.memory_space<vmem>>
    %dma_wait3A_1606 = tpu.memref_squeeze %dma_wait3A_1605 : memref<1x26x64xf32, #tpu.memory_space<vmem>> -> memref<26x64xf32, #tpu.memory_space<vmem>>
    %dma_wait3A_1607 = arith.constant 0 : i32
    %dma_wait3A_1608 = tpu.memref_slice %arg5[%dma_wait3A_1601, %dma_wait3A_1607] : memref<512x26xi32, #tpu.memory_space<vmem>> -> memref<1x26xi32, #tpu.memory_space<vmem>>
    %dma_wait3A_1609 = tpu.memref_squeeze %dma_wait3A_1608 : memref<1x26xi32, #tpu.memory_space<vmem>> -> memref<26xi32, #tpu.memory_space<vmem>>
    %dma_wait3A_1610 = arith.constant 0 : i32
    %dma_wait3A_1611 = arith.constant 0 : i32
    %dma_wait3A_1612 = tpu.memref_slice %arg3[%dma_wait3A_1610, %dma_wait3A_1611] : memref<1000000x64xf32, #tpu.memory_space<hbm>> -> memref<1000000x64xf32, #tpu.memory_space<hbm>>
    tpu.wait_indirect_dma semaphore(%arg9 : memref<!tpu.dma_semaphore, #tpu.memory_space<semaphore_mem>>) src(%dma_wait3A_1612 : memref<1000000x64xf32, #tpu.memory_space<hbm>>) dst(%dma_wait3A_1606 : memref<26x64xf32, #tpu.memory_space<vmem>>)
    %dma_wait3A_1613 = arith.constant 483 : i32
    %dma_wait3A_1614 = arith.constant 3 : i32
    %dma_wait3A_1615 = arith.constant 0 : i32
    %dma_wait3A_1616 = arith.constant 0 : i32
    %dma_wait3A_1617 = tpu.memref_slice %arg6[%dma_wait3A_1614, %dma_wait3A_1615, %dma_wait3A_1616] : memref<16x26x64xf32, #tpu.memory_space<vmem>> -> memref<1x26x64xf32, #tpu.memory_space<vmem>>
    %dma_wait3A_1618 = tpu.memref_squeeze %dma_wait3A_1617 : memref<1x26x64xf32, #tpu.memory_space<vmem>> -> memref<26x64xf32, #tpu.memory_space<vmem>>
    %dma_wait3A_1619 = arith.constant 0 : i32
    %dma_wait3A_1620 = tpu.memref_slice %arg5[%dma_wait3A_1613, %dma_wait3A_1619] : memref<512x26xi32, #tpu.memory_space<vmem>> -> memref<1x26xi32, #tpu.memory_space<vmem>>
    %dma_wait3A_1621 = tpu.memref_squeeze %dma_wait3A_1620 : memref<1x26xi32, #tpu.memory_space<vmem>> -> memref<26xi32, #tpu.memory_space<vmem>>
    %dma_wait3A_1622 = arith.constant 0 : i32
    %dma_wait3A_1623 = arith.constant 0 : i32
    %dma_wait3A_1624 = tpu.memref_slice %arg3[%dma_wait3A_1622, %dma_wait3A_1623] : memref<1000000x64xf32, #tpu.memory_space<hbm>> -> memref<1000000x64xf32, #tpu.memory_space<hbm>>
    tpu.wait_indirect_dma semaphore(%arg9 : memref<!tpu.dma_semaphore, #tpu.memory_space<semaphore_mem>>) src(%dma_wait3A_1624 : memref<1000000x64xf32, #tpu.memory_space<hbm>>) dst(%dma_wait3A_1618 : memref<26x64xf32, #tpu.memory_space<vmem>>)
    %dma_wait3A_1625 = arith.constant 484 : i32
    %dma_wait3A_1626 = arith.constant 4 : i32
    %dma_wait3A_1627 = arith.constant 0 : i32
    %dma_wait3A_1628 = arith.constant 0 : i32
    %dma_wait3A_1629 = tpu.memref_slice %arg6[%dma_wait3A_1626, %dma_wait3A_1627, %dma_wait3A_1628] : memref<16x26x64xf32, #tpu.memory_space<vmem>> -> memref<1x26x64xf32, #tpu.memory_space<vmem>>
    %dma_wait3A_1630 = tpu.memref_squeeze %dma_wait3A_1629 : memref<1x26x64xf32, #tpu.memory_space<vmem>> -> memref<26x64xf32, #tpu.memory_space<vmem>>
    %dma_wait3A_1631 = arith.constant 0 : i32
    %dma_wait3A_1632 = tpu.memref_slice %arg5[%dma_wait3A_1625, %dma_wait3A_1631] : memref<512x26xi32, #tpu.memory_space<vmem>> -> memref<1x26xi32, #tpu.memory_space<vmem>>
    %dma_wait3A_1633 = tpu.memref_squeeze %dma_wait3A_1632 : memref<1x26xi32, #tpu.memory_space<vmem>> -> memref<26xi32, #tpu.memory_space<vmem>>
    %dma_wait3A_1634 = arith.constant 0 : i32
    %dma_wait3A_1635 = arith.constant 0 : i32
    %dma_wait3A_1636 = tpu.memref_slice %arg3[%dma_wait3A_1634, %dma_wait3A_1635] : memref<1000000x64xf32, #tpu.memory_space<hbm>> -> memref<1000000x64xf32, #tpu.memory_space<hbm>>
    tpu.wait_indirect_dma semaphore(%arg9 : memref<!tpu.dma_semaphore, #tpu.memory_space<semaphore_mem>>) src(%dma_wait3A_1636 : memref<1000000x64xf32, #tpu.memory_space<hbm>>) dst(%dma_wait3A_1630 : memref<26x64xf32, #tpu.memory_space<vmem>>)
    %dma_wait3A_1637 = arith.constant 485 : i32
    %dma_wait3A_1638 = arith.constant 5 : i32
    %dma_wait3A_1639 = arith.constant 0 : i32
    %dma_wait3A_1640 = arith.constant 0 : i32
    %dma_wait3A_1641 = tpu.memref_slice %arg6[%dma_wait3A_1638, %dma_wait3A_1639, %dma_wait3A_1640] : memref<16x26x64xf32, #tpu.memory_space<vmem>> -> memref<1x26x64xf32, #tpu.memory_space<vmem>>
    %dma_wait3A_1642 = tpu.memref_squeeze %dma_wait3A_1641 : memref<1x26x64xf32, #tpu.memory_space<vmem>> -> memref<26x64xf32, #tpu.memory_space<vmem>>
    %dma_wait3A_1643 = arith.constant 0 : i32
    %dma_wait3A_1644 = tpu.memref_slice %arg5[%dma_wait3A_1637, %dma_wait3A_1643] : memref<512x26xi32, #tpu.memory_space<vmem>> -> memref<1x26xi32, #tpu.memory_space<vmem>>
    %dma_wait3A_1645 = tpu.memref_squeeze %dma_wait3A_1644 : memref<1x26xi32, #tpu.memory_space<vmem>> -> memref<26xi32, #tpu.memory_space<vmem>>
    %dma_wait3A_1646 = arith.constant 0 : i32
    %dma_wait3A_1647 = arith.constant 0 : i32
    %dma_wait3A_1648 = tpu.memref_slice %arg3[%dma_wait3A_1646, %dma_wait3A_1647] : memref<1000000x64xf32, #tpu.memory_space<hbm>> -> memref<1000000x64xf32, #tpu.memory_space<hbm>>
    tpu.wait_indirect_dma semaphore(%arg9 : memref<!tpu.dma_semaphore, #tpu.memory_space<semaphore_mem>>) src(%dma_wait3A_1648 : memref<1000000x64xf32, #tpu.memory_space<hbm>>) dst(%dma_wait3A_1642 : memref<26x64xf32, #tpu.memory_space<vmem>>)
    %dma_wait3A_1649 = arith.constant 486 : i32
    %dma_wait3A_1650 = arith.constant 6 : i32
    %dma_wait3A_1651 = arith.constant 0 : i32
    %dma_wait3A_1652 = arith.constant 0 : i32
    %dma_wait3A_1653 = tpu.memref_slice %arg6[%dma_wait3A_1650, %dma_wait3A_1651, %dma_wait3A_1652] : memref<16x26x64xf32, #tpu.memory_space<vmem>> -> memref<1x26x64xf32, #tpu.memory_space<vmem>>
    %dma_wait3A_1654 = tpu.memref_squeeze %dma_wait3A_1653 : memref<1x26x64xf32, #tpu.memory_space<vmem>> -> memref<26x64xf32, #tpu.memory_space<vmem>>
    %dma_wait3A_1655 = arith.constant 0 : i32
    %dma_wait3A_1656 = tpu.memref_slice %arg5[%dma_wait3A_1649, %dma_wait3A_1655] : memref<512x26xi32, #tpu.memory_space<vmem>> -> memref<1x26xi32, #tpu.memory_space<vmem>>
    %dma_wait3A_1657 = tpu.memref_squeeze %dma_wait3A_1656 : memref<1x26xi32, #tpu.memory_space<vmem>> -> memref<26xi32, #tpu.memory_space<vmem>>
    %dma_wait3A_1658 = arith.constant 0 : i32
    %dma_wait3A_1659 = arith.constant 0 : i32
    %dma_wait3A_1660 = tpu.memref_slice %arg3[%dma_wait3A_1658, %dma_wait3A_1659] : memref<1000000x64xf32, #tpu.memory_space<hbm>> -> memref<1000000x64xf32, #tpu.memory_space<hbm>>
    tpu.wait_indirect_dma semaphore(%arg9 : memref<!tpu.dma_semaphore, #tpu.memory_space<semaphore_mem>>) src(%dma_wait3A_1660 : memref<1000000x64xf32, #tpu.memory_space<hbm>>) dst(%dma_wait3A_1654 : memref<26x64xf32, #tpu.memory_space<vmem>>)
    %dma_wait3A_1661 = arith.constant 487 : i32
    %dma_wait3A_1662 = arith.constant 7 : i32
    %dma_wait3A_1663 = arith.constant 0 : i32
    %dma_wait3A_1664 = arith.constant 0 : i32
    %dma_wait3A_1665 = tpu.memref_slice %arg6[%dma_wait3A_1662, %dma_wait3A_1663, %dma_wait3A_1664] : memref<16x26x64xf32, #tpu.memory_space<vmem>> -> memref<1x26x64xf32, #tpu.memory_space<vmem>>
    %dma_wait3A_1666 = tpu.memref_squeeze %dma_wait3A_1665 : memref<1x26x64xf32, #tpu.memory_space<vmem>> -> memref<26x64xf32, #tpu.memory_space<vmem>>
    %dma_wait3A_1667 = arith.constant 0 : i32
    %dma_wait3A_1668 = tpu.memref_slice %arg5[%dma_wait3A_1661, %dma_wait3A_1667] : memref<512x26xi32, #tpu.memory_space<vmem>> -> memref<1x26xi32, #tpu.memory_space<vmem>>
    %dma_wait3A_1669 = tpu.memref_squeeze %dma_wait3A_1668 : memref<1x26xi32, #tpu.memory_space<vmem>> -> memref<26xi32, #tpu.memory_space<vmem>>
    %dma_wait3A_1670 = arith.constant 0 : i32
    %dma_wait3A_1671 = arith.constant 0 : i32
    %dma_wait3A_1672 = tpu.memref_slice %arg3[%dma_wait3A_1670, %dma_wait3A_1671] : memref<1000000x64xf32, #tpu.memory_space<hbm>> -> memref<1000000x64xf32, #tpu.memory_space<hbm>>
    tpu.wait_indirect_dma semaphore(%arg9 : memref<!tpu.dma_semaphore, #tpu.memory_space<semaphore_mem>>) src(%dma_wait3A_1672 : memref<1000000x64xf32, #tpu.memory_space<hbm>>) dst(%dma_wait3A_1666 : memref<26x64xf32, #tpu.memory_space<vmem>>)
    %dma_wait3A_1673 = arith.constant 488 : i32
    %dma_wait3A_1674 = arith.constant 8 : i32
    %dma_wait3A_1675 = arith.constant 0 : i32
    %dma_wait3A_1676 = arith.constant 0 : i32
    %dma_wait3A_1677 = tpu.memref_slice %arg6[%dma_wait3A_1674, %dma_wait3A_1675, %dma_wait3A_1676] : memref<16x26x64xf32, #tpu.memory_space<vmem>> -> memref<1x26x64xf32, #tpu.memory_space<vmem>>
    %dma_wait3A_1678 = tpu.memref_squeeze %dma_wait3A_1677 : memref<1x26x64xf32, #tpu.memory_space<vmem>> -> memref<26x64xf32, #tpu.memory_space<vmem>>
    %dma_wait3A_1679 = arith.constant 0 : i32
    %dma_wait3A_1680 = tpu.memref_slice %arg5[%dma_wait3A_1673, %dma_wait3A_1679] : memref<512x26xi32, #tpu.memory_space<vmem>> -> memref<1x26xi32, #tpu.memory_space<vmem>>
    %dma_wait3A_1681 = tpu.memref_squeeze %dma_wait3A_1680 : memref<1x26xi32, #tpu.memory_space<vmem>> -> memref<26xi32, #tpu.memory_space<vmem>>
    %dma_wait3A_1682 = arith.constant 0 : i32
    %dma_wait3A_1683 = arith.constant 0 : i32
    %dma_wait3A_1684 = tpu.memref_slice %arg3[%dma_wait3A_1682, %dma_wait3A_1683] : memref<1000000x64xf32, #tpu.memory_space<hbm>> -> memref<1000000x64xf32, #tpu.memory_space<hbm>>
    tpu.wait_indirect_dma semaphore(%arg9 : memref<!tpu.dma_semaphore, #tpu.memory_space<semaphore_mem>>) src(%dma_wait3A_1684 : memref<1000000x64xf32, #tpu.memory_space<hbm>>) dst(%dma_wait3A_1678 : memref<26x64xf32, #tpu.memory_space<vmem>>)
    %dma_wait3A_1685 = arith.constant 489 : i32
    %dma_wait3A_1686 = arith.constant 9 : i32
    %dma_wait3A_1687 = arith.constant 0 : i32
    %dma_wait3A_1688 = arith.constant 0 : i32
    %dma_wait3A_1689 = tpu.memref_slice %arg6[%dma_wait3A_1686, %dma_wait3A_1687, %dma_wait3A_1688] : memref<16x26x64xf32, #tpu.memory_space<vmem>> -> memref<1x26x64xf32, #tpu.memory_space<vmem>>
    %dma_wait3A_1690 = tpu.memref_squeeze %dma_wait3A_1689 : memref<1x26x64xf32, #tpu.memory_space<vmem>> -> memref<26x64xf32, #tpu.memory_space<vmem>>
    %dma_wait3A_1691 = arith.constant 0 : i32
    %dma_wait3A_1692 = tpu.memref_slice %arg5[%dma_wait3A_1685, %dma_wait3A_1691] : memref<512x26xi32, #tpu.memory_space<vmem>> -> memref<1x26xi32, #tpu.memory_space<vmem>>
    %dma_wait3A_1693 = tpu.memref_squeeze %dma_wait3A_1692 : memref<1x26xi32, #tpu.memory_space<vmem>> -> memref<26xi32, #tpu.memory_space<vmem>>
    %dma_wait3A_1694 = arith.constant 0 : i32
    %dma_wait3A_1695 = arith.constant 0 : i32
    %dma_wait3A_1696 = tpu.memref_slice %arg3[%dma_wait3A_1694, %dma_wait3A_1695] : memref<1000000x64xf32, #tpu.memory_space<hbm>> -> memref<1000000x64xf32, #tpu.memory_space<hbm>>
    tpu.wait_indirect_dma semaphore(%arg9 : memref<!tpu.dma_semaphore, #tpu.memory_space<semaphore_mem>>) src(%dma_wait3A_1696 : memref<1000000x64xf32, #tpu.memory_space<hbm>>) dst(%dma_wait3A_1690 : memref<26x64xf32, #tpu.memory_space<vmem>>)
    %dma_wait3A_1697 = arith.constant 490 : i32
    %dma_wait3A_1698 = arith.constant 10 : i32
    %dma_wait3A_1699 = arith.constant 0 : i32
    %dma_wait3A_1700 = arith.constant 0 : i32
    %dma_wait3A_1701 = tpu.memref_slice %arg6[%dma_wait3A_1698, %dma_wait3A_1699, %dma_wait3A_1700] : memref<16x26x64xf32, #tpu.memory_space<vmem>> -> memref<1x26x64xf32, #tpu.memory_space<vmem>>
    %dma_wait3A_1702 = tpu.memref_squeeze %dma_wait3A_1701 : memref<1x26x64xf32, #tpu.memory_space<vmem>> -> memref<26x64xf32, #tpu.memory_space<vmem>>
    %dma_wait3A_1703 = arith.constant 0 : i32
    %dma_wait3A_1704 = tpu.memref_slice %arg5[%dma_wait3A_1697, %dma_wait3A_1703] : memref<512x26xi32, #tpu.memory_space<vmem>> -> memref<1x26xi32, #tpu.memory_space<vmem>>
    %dma_wait3A_1705 = tpu.memref_squeeze %dma_wait3A_1704 : memref<1x26xi32, #tpu.memory_space<vmem>> -> memref<26xi32, #tpu.memory_space<vmem>>
    %dma_wait3A_1706 = arith.constant 0 : i32
    %dma_wait3A_1707 = arith.constant 0 : i32
    %dma_wait3A_1708 = tpu.memref_slice %arg3[%dma_wait3A_1706, %dma_wait3A_1707] : memref<1000000x64xf32, #tpu.memory_space<hbm>> -> memref<1000000x64xf32, #tpu.memory_space<hbm>>
    tpu.wait_indirect_dma semaphore(%arg9 : memref<!tpu.dma_semaphore, #tpu.memory_space<semaphore_mem>>) src(%dma_wait3A_1708 : memref<1000000x64xf32, #tpu.memory_space<hbm>>) dst(%dma_wait3A_1702 : memref<26x64xf32, #tpu.memory_space<vmem>>)
    %dma_wait3A_1709 = arith.constant 491 : i32
    %dma_wait3A_1710 = arith.constant 11 : i32
    %dma_wait3A_1711 = arith.constant 0 : i32
    %dma_wait3A_1712 = arith.constant 0 : i32
    %dma_wait3A_1713 = tpu.memref_slice %arg6[%dma_wait3A_1710, %dma_wait3A_1711, %dma_wait3A_1712] : memref<16x26x64xf32, #tpu.memory_space<vmem>> -> memref<1x26x64xf32, #tpu.memory_space<vmem>>
    %dma_wait3A_1714 = tpu.memref_squeeze %dma_wait3A_1713 : memref<1x26x64xf32, #tpu.memory_space<vmem>> -> memref<26x64xf32, #tpu.memory_space<vmem>>
    %dma_wait3A_1715 = arith.constant 0 : i32
    %dma_wait3A_1716 = tpu.memref_slice %arg5[%dma_wait3A_1709, %dma_wait3A_1715] : memref<512x26xi32, #tpu.memory_space<vmem>> -> memref<1x26xi32, #tpu.memory_space<vmem>>
    %dma_wait3A_1717 = tpu.memref_squeeze %dma_wait3A_1716 : memref<1x26xi32, #tpu.memory_space<vmem>> -> memref<26xi32, #tpu.memory_space<vmem>>
    %dma_wait3A_1718 = arith.constant 0 : i32
    %dma_wait3A_1719 = arith.constant 0 : i32
    %dma_wait3A_1720 = tpu.memref_slice %arg3[%dma_wait3A_1718, %dma_wait3A_1719] : memref<1000000x64xf32, #tpu.memory_space<hbm>> -> memref<1000000x64xf32, #tpu.memory_space<hbm>>
    tpu.wait_indirect_dma semaphore(%arg9 : memref<!tpu.dma_semaphore, #tpu.memory_space<semaphore_mem>>) src(%dma_wait3A_1720 : memref<1000000x64xf32, #tpu.memory_space<hbm>>) dst(%dma_wait3A_1714 : memref<26x64xf32, #tpu.memory_space<vmem>>)
    %dma_wait3A_1721 = arith.constant 492 : i32
    %dma_wait3A_1722 = arith.constant 12 : i32
    %dma_wait3A_1723 = arith.constant 0 : i32
    %dma_wait3A_1724 = arith.constant 0 : i32
    %dma_wait3A_1725 = tpu.memref_slice %arg6[%dma_wait3A_1722, %dma_wait3A_1723, %dma_wait3A_1724] : memref<16x26x64xf32, #tpu.memory_space<vmem>> -> memref<1x26x64xf32, #tpu.memory_space<vmem>>
    %dma_wait3A_1726 = tpu.memref_squeeze %dma_wait3A_1725 : memref<1x26x64xf32, #tpu.memory_space<vmem>> -> memref<26x64xf32, #tpu.memory_space<vmem>>
    %dma_wait3A_1727 = arith.constant 0 : i32
    %dma_wait3A_1728 = tpu.memref_slice %arg5[%dma_wait3A_1721, %dma_wait3A_1727] : memref<512x26xi32, #tpu.memory_space<vmem>> -> memref<1x26xi32, #tpu.memory_space<vmem>>
    %dma_wait3A_1729 = tpu.memref_squeeze %dma_wait3A_1728 : memref<1x26xi32, #tpu.memory_space<vmem>> -> memref<26xi32, #tpu.memory_space<vmem>>
    %dma_wait3A_1730 = arith.constant 0 : i32
    %dma_wait3A_1731 = arith.constant 0 : i32
    %dma_wait3A_1732 = tpu.memref_slice %arg3[%dma_wait3A_1730, %dma_wait3A_1731] : memref<1000000x64xf32, #tpu.memory_space<hbm>> -> memref<1000000x64xf32, #tpu.memory_space<hbm>>
    tpu.wait_indirect_dma semaphore(%arg9 : memref<!tpu.dma_semaphore, #tpu.memory_space<semaphore_mem>>) src(%dma_wait3A_1732 : memref<1000000x64xf32, #tpu.memory_space<hbm>>) dst(%dma_wait3A_1726 : memref<26x64xf32, #tpu.memory_space<vmem>>)
    %dma_wait3A_1733 = arith.constant 493 : i32
    %dma_wait3A_1734 = arith.constant 13 : i32
    %dma_wait3A_1735 = arith.constant 0 : i32
    %dma_wait3A_1736 = arith.constant 0 : i32
    %dma_wait3A_1737 = tpu.memref_slice %arg6[%dma_wait3A_1734, %dma_wait3A_1735, %dma_wait3A_1736] : memref<16x26x64xf32, #tpu.memory_space<vmem>> -> memref<1x26x64xf32, #tpu.memory_space<vmem>>
    %dma_wait3A_1738 = tpu.memref_squeeze %dma_wait3A_1737 : memref<1x26x64xf32, #tpu.memory_space<vmem>> -> memref<26x64xf32, #tpu.memory_space<vmem>>
    %dma_wait3A_1739 = arith.constant 0 : i32
    %dma_wait3A_1740 = tpu.memref_slice %arg5[%dma_wait3A_1733, %dma_wait3A_1739] : memref<512x26xi32, #tpu.memory_space<vmem>> -> memref<1x26xi32, #tpu.memory_space<vmem>>
    %dma_wait3A_1741 = tpu.memref_squeeze %dma_wait3A_1740 : memref<1x26xi32, #tpu.memory_space<vmem>> -> memref<26xi32, #tpu.memory_space<vmem>>
    %dma_wait3A_1742 = arith.constant 0 : i32
    %dma_wait3A_1743 = arith.constant 0 : i32
    %dma_wait3A_1744 = tpu.memref_slice %arg3[%dma_wait3A_1742, %dma_wait3A_1743] : memref<1000000x64xf32, #tpu.memory_space<hbm>> -> memref<1000000x64xf32, #tpu.memory_space<hbm>>
    tpu.wait_indirect_dma semaphore(%arg9 : memref<!tpu.dma_semaphore, #tpu.memory_space<semaphore_mem>>) src(%dma_wait3A_1744 : memref<1000000x64xf32, #tpu.memory_space<hbm>>) dst(%dma_wait3A_1738 : memref<26x64xf32, #tpu.memory_space<vmem>>)
    %dma_wait3A_1745 = arith.constant 494 : i32
    %dma_wait3A_1746 = arith.constant 14 : i32
    %dma_wait3A_1747 = arith.constant 0 : i32
    %dma_wait3A_1748 = arith.constant 0 : i32
    %dma_wait3A_1749 = tpu.memref_slice %arg6[%dma_wait3A_1746, %dma_wait3A_1747, %dma_wait3A_1748] : memref<16x26x64xf32, #tpu.memory_space<vmem>> -> memref<1x26x64xf32, #tpu.memory_space<vmem>>
    %dma_wait3A_1750 = tpu.memref_squeeze %dma_wait3A_1749 : memref<1x26x64xf32, #tpu.memory_space<vmem>> -> memref<26x64xf32, #tpu.memory_space<vmem>>
    %dma_wait3A_1751 = arith.constant 0 : i32
    %dma_wait3A_1752 = tpu.memref_slice %arg5[%dma_wait3A_1745, %dma_wait3A_1751] : memref<512x26xi32, #tpu.memory_space<vmem>> -> memref<1x26xi32, #tpu.memory_space<vmem>>
    %dma_wait3A_1753 = tpu.memref_squeeze %dma_wait3A_1752 : memref<1x26xi32, #tpu.memory_space<vmem>> -> memref<26xi32, #tpu.memory_space<vmem>>
    %dma_wait3A_1754 = arith.constant 0 : i32
    %dma_wait3A_1755 = arith.constant 0 : i32
    %dma_wait3A_1756 = tpu.memref_slice %arg3[%dma_wait3A_1754, %dma_wait3A_1755] : memref<1000000x64xf32, #tpu.memory_space<hbm>> -> memref<1000000x64xf32, #tpu.memory_space<hbm>>
    tpu.wait_indirect_dma semaphore(%arg9 : memref<!tpu.dma_semaphore, #tpu.memory_space<semaphore_mem>>) src(%dma_wait3A_1756 : memref<1000000x64xf32, #tpu.memory_space<hbm>>) dst(%dma_wait3A_1750 : memref<26x64xf32, #tpu.memory_space<vmem>>)
    %dma_wait3A_1757 = arith.constant 495 : i32
    %dma_wait3A_1758 = arith.constant 15 : i32
    %dma_wait3A_1759 = arith.constant 0 : i32
    %dma_wait3A_1760 = arith.constant 0 : i32
    %dma_wait3A_1761 = tpu.memref_slice %arg6[%dma_wait3A_1758, %dma_wait3A_1759, %dma_wait3A_1760] : memref<16x26x64xf32, #tpu.memory_space<vmem>> -> memref<1x26x64xf32, #tpu.memory_space<vmem>>
    %dma_wait3A_1762 = tpu.memref_squeeze %dma_wait3A_1761 : memref<1x26x64xf32, #tpu.memory_space<vmem>> -> memref<26x64xf32, #tpu.memory_space<vmem>>
    %dma_wait3A_1763 = arith.constant 0 : i32
    %dma_wait3A_1764 = tpu.memref_slice %arg5[%dma_wait3A_1757, %dma_wait3A_1763] : memref<512x26xi32, #tpu.memory_space<vmem>> -> memref<1x26xi32, #tpu.memory_space<vmem>>
    %dma_wait3A_1765 = tpu.memref_squeeze %dma_wait3A_1764 : memref<1x26xi32, #tpu.memory_space<vmem>> -> memref<26xi32, #tpu.memory_space<vmem>>
    %dma_wait3A_1766 = arith.constant 0 : i32
    %dma_wait3A_1767 = arith.constant 0 : i32
    %dma_wait3A_1768 = tpu.memref_slice %arg3[%dma_wait3A_1766, %dma_wait3A_1767] : memref<1000000x64xf32, #tpu.memory_space<hbm>> -> memref<1000000x64xf32, #tpu.memory_space<hbm>>
    tpu.wait_indirect_dma semaphore(%arg9 : memref<!tpu.dma_semaphore, #tpu.memory_space<semaphore_mem>>) src(%dma_wait3A_1768 : memref<1000000x64xf32, #tpu.memory_space<hbm>>) dst(%dma_wait3A_1762 : memref<26x64xf32, #tpu.memory_space<vmem>>)
    %add3A_1769 = arith.constant 480 : i32
    %add3A_1770 = arith.addi %mul3A_2, %add3A_1769 : i32
    %dma_start3A_1771 = arith.constant 0 : i32
    %dma_start3A_1772 = arith.constant 0 : i32
    %dma_start3A_1773 = tpu.memref_slice %arg4[%add3A_1770, %dma_start3A_1771, %dma_start3A_1772] : memref<16384x26x64xf32, #tpu.memory_space<hbm>> -> memref<16x26x64xf32, #tpu.memory_space<hbm>>
    %dma_start3A_1774 = arith.constant 0 : i32
    %dma_start3A_1775 = arith.constant 0 : i32
    %dma_start3A_1776 = tpu.memref_slice %arg4[%add3A_1770, %dma_start3A_1774, %dma_start3A_1775] : memref<16384x26x64xf32, #tpu.memory_space<hbm>> -> memref<16x26x64xf32, #tpu.memory_space<hbm>>
    tpu.enqueue_dma source(%arg6 : memref<16x26x64xf32, #tpu.memory_space<vmem>>) target(%dma_start3A_1776 : memref<16x26x64xf32, #tpu.memory_space<hbm>>) target_semaphore(%arg12 : memref<!tpu.dma_semaphore, #tpu.memory_space<semaphore_mem>>)
    %dma_wait3A_1777 = arith.constant 496 : i32
    %dma_wait3A_1778 = arith.constant 0 : i32
    %dma_wait3A_1779 = arith.constant 0 : i32
    %dma_wait3A_1780 = arith.constant 0 : i32
    %dma_wait3A_1781 = tpu.memref_slice %arg7[%dma_wait3A_1778, %dma_wait3A_1779, %dma_wait3A_1780] : memref<16x26x64xf32, #tpu.memory_space<vmem>> -> memref<1x26x64xf32, #tpu.memory_space<vmem>>
    %dma_wait3A_1782 = tpu.memref_squeeze %dma_wait3A_1781 : memref<1x26x64xf32, #tpu.memory_space<vmem>> -> memref<26x64xf32, #tpu.memory_space<vmem>>
    %dma_wait3A_1783 = arith.constant 0 : i32
    %dma_wait3A_1784 = tpu.memref_slice %arg5[%dma_wait3A_1777, %dma_wait3A_1783] : memref<512x26xi32, #tpu.memory_space<vmem>> -> memref<1x26xi32, #tpu.memory_space<vmem>>
    %dma_wait3A_1785 = tpu.memref_squeeze %dma_wait3A_1784 : memref<1x26xi32, #tpu.memory_space<vmem>> -> memref<26xi32, #tpu.memory_space<vmem>>
    %dma_wait3A_1786 = arith.constant 0 : i32
    %dma_wait3A_1787 = arith.constant 0 : i32
    %dma_wait3A_1788 = tpu.memref_slice %arg3[%dma_wait3A_1786, %dma_wait3A_1787] : memref<1000000x64xf32, #tpu.memory_space<hbm>> -> memref<1000000x64xf32, #tpu.memory_space<hbm>>
    tpu.wait_indirect_dma semaphore(%arg10 : memref<!tpu.dma_semaphore, #tpu.memory_space<semaphore_mem>>) src(%dma_wait3A_1788 : memref<1000000x64xf32, #tpu.memory_space<hbm>>) dst(%dma_wait3A_1782 : memref<26x64xf32, #tpu.memory_space<vmem>>)
    %dma_wait3A_1789 = arith.constant 497 : i32
    %dma_wait3A_1790 = arith.constant 1 : i32
    %dma_wait3A_1791 = arith.constant 0 : i32
    %dma_wait3A_1792 = arith.constant 0 : i32
    %dma_wait3A_1793 = tpu.memref_slice %arg7[%dma_wait3A_1790, %dma_wait3A_1791, %dma_wait3A_1792] : memref<16x26x64xf32, #tpu.memory_space<vmem>> -> memref<1x26x64xf32, #tpu.memory_space<vmem>>
    %dma_wait3A_1794 = tpu.memref_squeeze %dma_wait3A_1793 : memref<1x26x64xf32, #tpu.memory_space<vmem>> -> memref<26x64xf32, #tpu.memory_space<vmem>>
    %dma_wait3A_1795 = arith.constant 0 : i32
    %dma_wait3A_1796 = tpu.memref_slice %arg5[%dma_wait3A_1789, %dma_wait3A_1795] : memref<512x26xi32, #tpu.memory_space<vmem>> -> memref<1x26xi32, #tpu.memory_space<vmem>>
    %dma_wait3A_1797 = tpu.memref_squeeze %dma_wait3A_1796 : memref<1x26xi32, #tpu.memory_space<vmem>> -> memref<26xi32, #tpu.memory_space<vmem>>
    %dma_wait3A_1798 = arith.constant 0 : i32
    %dma_wait3A_1799 = arith.constant 0 : i32
    %dma_wait3A_1800 = tpu.memref_slice %arg3[%dma_wait3A_1798, %dma_wait3A_1799] : memref<1000000x64xf32, #tpu.memory_space<hbm>> -> memref<1000000x64xf32, #tpu.memory_space<hbm>>
    tpu.wait_indirect_dma semaphore(%arg10 : memref<!tpu.dma_semaphore, #tpu.memory_space<semaphore_mem>>) src(%dma_wait3A_1800 : memref<1000000x64xf32, #tpu.memory_space<hbm>>) dst(%dma_wait3A_1794 : memref<26x64xf32, #tpu.memory_space<vmem>>)
    %dma_wait3A_1801 = arith.constant 498 : i32
    %dma_wait3A_1802 = arith.constant 2 : i32
    %dma_wait3A_1803 = arith.constant 0 : i32
    %dma_wait3A_1804 = arith.constant 0 : i32
    %dma_wait3A_1805 = tpu.memref_slice %arg7[%dma_wait3A_1802, %dma_wait3A_1803, %dma_wait3A_1804] : memref<16x26x64xf32, #tpu.memory_space<vmem>> -> memref<1x26x64xf32, #tpu.memory_space<vmem>>
    %dma_wait3A_1806 = tpu.memref_squeeze %dma_wait3A_1805 : memref<1x26x64xf32, #tpu.memory_space<vmem>> -> memref<26x64xf32, #tpu.memory_space<vmem>>
    %dma_wait3A_1807 = arith.constant 0 : i32
    %dma_wait3A_1808 = tpu.memref_slice %arg5[%dma_wait3A_1801, %dma_wait3A_1807] : memref<512x26xi32, #tpu.memory_space<vmem>> -> memref<1x26xi32, #tpu.memory_space<vmem>>
    %dma_wait3A_1809 = tpu.memref_squeeze %dma_wait3A_1808 : memref<1x26xi32, #tpu.memory_space<vmem>> -> memref<26xi32, #tpu.memory_space<vmem>>
    %dma_wait3A_1810 = arith.constant 0 : i32
    %dma_wait3A_1811 = arith.constant 0 : i32
    %dma_wait3A_1812 = tpu.memref_slice %arg3[%dma_wait3A_1810, %dma_wait3A_1811] : memref<1000000x64xf32, #tpu.memory_space<hbm>> -> memref<1000000x64xf32, #tpu.memory_space<hbm>>
    tpu.wait_indirect_dma semaphore(%arg10 : memref<!tpu.dma_semaphore, #tpu.memory_space<semaphore_mem>>) src(%dma_wait3A_1812 : memref<1000000x64xf32, #tpu.memory_space<hbm>>) dst(%dma_wait3A_1806 : memref<26x64xf32, #tpu.memory_space<vmem>>)
    %dma_wait3A_1813 = arith.constant 499 : i32
    %dma_wait3A_1814 = arith.constant 3 : i32
    %dma_wait3A_1815 = arith.constant 0 : i32
    %dma_wait3A_1816 = arith.constant 0 : i32
    %dma_wait3A_1817 = tpu.memref_slice %arg7[%dma_wait3A_1814, %dma_wait3A_1815, %dma_wait3A_1816] : memref<16x26x64xf32, #tpu.memory_space<vmem>> -> memref<1x26x64xf32, #tpu.memory_space<vmem>>
    %dma_wait3A_1818 = tpu.memref_squeeze %dma_wait3A_1817 : memref<1x26x64xf32, #tpu.memory_space<vmem>> -> memref<26x64xf32, #tpu.memory_space<vmem>>
    %dma_wait3A_1819 = arith.constant 0 : i32
    %dma_wait3A_1820 = tpu.memref_slice %arg5[%dma_wait3A_1813, %dma_wait3A_1819] : memref<512x26xi32, #tpu.memory_space<vmem>> -> memref<1x26xi32, #tpu.memory_space<vmem>>
    %dma_wait3A_1821 = tpu.memref_squeeze %dma_wait3A_1820 : memref<1x26xi32, #tpu.memory_space<vmem>> -> memref<26xi32, #tpu.memory_space<vmem>>
    %dma_wait3A_1822 = arith.constant 0 : i32
    %dma_wait3A_1823 = arith.constant 0 : i32
    %dma_wait3A_1824 = tpu.memref_slice %arg3[%dma_wait3A_1822, %dma_wait3A_1823] : memref<1000000x64xf32, #tpu.memory_space<hbm>> -> memref<1000000x64xf32, #tpu.memory_space<hbm>>
    tpu.wait_indirect_dma semaphore(%arg10 : memref<!tpu.dma_semaphore, #tpu.memory_space<semaphore_mem>>) src(%dma_wait3A_1824 : memref<1000000x64xf32, #tpu.memory_space<hbm>>) dst(%dma_wait3A_1818 : memref<26x64xf32, #tpu.memory_space<vmem>>)
    %dma_wait3A_1825 = arith.constant 500 : i32
    %dma_wait3A_1826 = arith.constant 4 : i32
    %dma_wait3A_1827 = arith.constant 0 : i32
    %dma_wait3A_1828 = arith.constant 0 : i32
    %dma_wait3A_1829 = tpu.memref_slice %arg7[%dma_wait3A_1826, %dma_wait3A_1827, %dma_wait3A_1828] : memref<16x26x64xf32, #tpu.memory_space<vmem>> -> memref<1x26x64xf32, #tpu.memory_space<vmem>>
    %dma_wait3A_1830 = tpu.memref_squeeze %dma_wait3A_1829 : memref<1x26x64xf32, #tpu.memory_space<vmem>> -> memref<26x64xf32, #tpu.memory_space<vmem>>
    %dma_wait3A_1831 = arith.constant 0 : i32
    %dma_wait3A_1832 = tpu.memref_slice %arg5[%dma_wait3A_1825, %dma_wait3A_1831] : memref<512x26xi32, #tpu.memory_space<vmem>> -> memref<1x26xi32, #tpu.memory_space<vmem>>
    %dma_wait3A_1833 = tpu.memref_squeeze %dma_wait3A_1832 : memref<1x26xi32, #tpu.memory_space<vmem>> -> memref<26xi32, #tpu.memory_space<vmem>>
    %dma_wait3A_1834 = arith.constant 0 : i32
    %dma_wait3A_1835 = arith.constant 0 : i32
    %dma_wait3A_1836 = tpu.memref_slice %arg3[%dma_wait3A_1834, %dma_wait3A_1835] : memref<1000000x64xf32, #tpu.memory_space<hbm>> -> memref<1000000x64xf32, #tpu.memory_space<hbm>>
    tpu.wait_indirect_dma semaphore(%arg10 : memref<!tpu.dma_semaphore, #tpu.memory_space<semaphore_mem>>) src(%dma_wait3A_1836 : memref<1000000x64xf32, #tpu.memory_space<hbm>>) dst(%dma_wait3A_1830 : memref<26x64xf32, #tpu.memory_space<vmem>>)
    %dma_wait3A_1837 = arith.constant 501 : i32
    %dma_wait3A_1838 = arith.constant 5 : i32
    %dma_wait3A_1839 = arith.constant 0 : i32
    %dma_wait3A_1840 = arith.constant 0 : i32
    %dma_wait3A_1841 = tpu.memref_slice %arg7[%dma_wait3A_1838, %dma_wait3A_1839, %dma_wait3A_1840] : memref<16x26x64xf32, #tpu.memory_space<vmem>> -> memref<1x26x64xf32, #tpu.memory_space<vmem>>
    %dma_wait3A_1842 = tpu.memref_squeeze %dma_wait3A_1841 : memref<1x26x64xf32, #tpu.memory_space<vmem>> -> memref<26x64xf32, #tpu.memory_space<vmem>>
    %dma_wait3A_1843 = arith.constant 0 : i32
    %dma_wait3A_1844 = tpu.memref_slice %arg5[%dma_wait3A_1837, %dma_wait3A_1843] : memref<512x26xi32, #tpu.memory_space<vmem>> -> memref<1x26xi32, #tpu.memory_space<vmem>>
    %dma_wait3A_1845 = tpu.memref_squeeze %dma_wait3A_1844 : memref<1x26xi32, #tpu.memory_space<vmem>> -> memref<26xi32, #tpu.memory_space<vmem>>
    %dma_wait3A_1846 = arith.constant 0 : i32
    %dma_wait3A_1847 = arith.constant 0 : i32
    %dma_wait3A_1848 = tpu.memref_slice %arg3[%dma_wait3A_1846, %dma_wait3A_1847] : memref<1000000x64xf32, #tpu.memory_space<hbm>> -> memref<1000000x64xf32, #tpu.memory_space<hbm>>
    tpu.wait_indirect_dma semaphore(%arg10 : memref<!tpu.dma_semaphore, #tpu.memory_space<semaphore_mem>>) src(%dma_wait3A_1848 : memref<1000000x64xf32, #tpu.memory_space<hbm>>) dst(%dma_wait3A_1842 : memref<26x64xf32, #tpu.memory_space<vmem>>)
    %dma_wait3A_1849 = arith.constant 502 : i32
    %dma_wait3A_1850 = arith.constant 6 : i32
    %dma_wait3A_1851 = arith.constant 0 : i32
    %dma_wait3A_1852 = arith.constant 0 : i32
    %dma_wait3A_1853 = tpu.memref_slice %arg7[%dma_wait3A_1850, %dma_wait3A_1851, %dma_wait3A_1852] : memref<16x26x64xf32, #tpu.memory_space<vmem>> -> memref<1x26x64xf32, #tpu.memory_space<vmem>>
    %dma_wait3A_1854 = tpu.memref_squeeze %dma_wait3A_1853 : memref<1x26x64xf32, #tpu.memory_space<vmem>> -> memref<26x64xf32, #tpu.memory_space<vmem>>
    %dma_wait3A_1855 = arith.constant 0 : i32
    %dma_wait3A_1856 = tpu.memref_slice %arg5[%dma_wait3A_1849, %dma_wait3A_1855] : memref<512x26xi32, #tpu.memory_space<vmem>> -> memref<1x26xi32, #tpu.memory_space<vmem>>
    %dma_wait3A_1857 = tpu.memref_squeeze %dma_wait3A_1856 : memref<1x26xi32, #tpu.memory_space<vmem>> -> memref<26xi32, #tpu.memory_space<vmem>>
    %dma_wait3A_1858 = arith.constant 0 : i32
    %dma_wait3A_1859 = arith.constant 0 : i32
    %dma_wait3A_1860 = tpu.memref_slice %arg3[%dma_wait3A_1858, %dma_wait3A_1859] : memref<1000000x64xf32, #tpu.memory_space<hbm>> -> memref<1000000x64xf32, #tpu.memory_space<hbm>>
    tpu.wait_indirect_dma semaphore(%arg10 : memref<!tpu.dma_semaphore, #tpu.memory_space<semaphore_mem>>) src(%dma_wait3A_1860 : memref<1000000x64xf32, #tpu.memory_space<hbm>>) dst(%dma_wait3A_1854 : memref<26x64xf32, #tpu.memory_space<vmem>>)
    %dma_wait3A_1861 = arith.constant 503 : i32
    %dma_wait3A_1862 = arith.constant 7 : i32
    %dma_wait3A_1863 = arith.constant 0 : i32
    %dma_wait3A_1864 = arith.constant 0 : i32
    %dma_wait3A_1865 = tpu.memref_slice %arg7[%dma_wait3A_1862, %dma_wait3A_1863, %dma_wait3A_1864] : memref<16x26x64xf32, #tpu.memory_space<vmem>> -> memref<1x26x64xf32, #tpu.memory_space<vmem>>
    %dma_wait3A_1866 = tpu.memref_squeeze %dma_wait3A_1865 : memref<1x26x64xf32, #tpu.memory_space<vmem>> -> memref<26x64xf32, #tpu.memory_space<vmem>>
    %dma_wait3A_1867 = arith.constant 0 : i32
    %dma_wait3A_1868 = tpu.memref_slice %arg5[%dma_wait3A_1861, %dma_wait3A_1867] : memref<512x26xi32, #tpu.memory_space<vmem>> -> memref<1x26xi32, #tpu.memory_space<vmem>>
    %dma_wait3A_1869 = tpu.memref_squeeze %dma_wait3A_1868 : memref<1x26xi32, #tpu.memory_space<vmem>> -> memref<26xi32, #tpu.memory_space<vmem>>
    %dma_wait3A_1870 = arith.constant 0 : i32
    %dma_wait3A_1871 = arith.constant 0 : i32
    %dma_wait3A_1872 = tpu.memref_slice %arg3[%dma_wait3A_1870, %dma_wait3A_1871] : memref<1000000x64xf32, #tpu.memory_space<hbm>> -> memref<1000000x64xf32, #tpu.memory_space<hbm>>
    tpu.wait_indirect_dma semaphore(%arg10 : memref<!tpu.dma_semaphore, #tpu.memory_space<semaphore_mem>>) src(%dma_wait3A_1872 : memref<1000000x64xf32, #tpu.memory_space<hbm>>) dst(%dma_wait3A_1866 : memref<26x64xf32, #tpu.memory_space<vmem>>)
    %dma_wait3A_1873 = arith.constant 504 : i32
    %dma_wait3A_1874 = arith.constant 8 : i32
    %dma_wait3A_1875 = arith.constant 0 : i32
    %dma_wait3A_1876 = arith.constant 0 : i32
    %dma_wait3A_1877 = tpu.memref_slice %arg7[%dma_wait3A_1874, %dma_wait3A_1875, %dma_wait3A_1876] : memref<16x26x64xf32, #tpu.memory_space<vmem>> -> memref<1x26x64xf32, #tpu.memory_space<vmem>>
    %dma_wait3A_1878 = tpu.memref_squeeze %dma_wait3A_1877 : memref<1x26x64xf32, #tpu.memory_space<vmem>> -> memref<26x64xf32, #tpu.memory_space<vmem>>
    %dma_wait3A_1879 = arith.constant 0 : i32
    %dma_wait3A_1880 = tpu.memref_slice %arg5[%dma_wait3A_1873, %dma_wait3A_1879] : memref<512x26xi32, #tpu.memory_space<vmem>> -> memref<1x26xi32, #tpu.memory_space<vmem>>
    %dma_wait3A_1881 = tpu.memref_squeeze %dma_wait3A_1880 : memref<1x26xi32, #tpu.memory_space<vmem>> -> memref<26xi32, #tpu.memory_space<vmem>>
    %dma_wait3A_1882 = arith.constant 0 : i32
    %dma_wait3A_1883 = arith.constant 0 : i32
    %dma_wait3A_1884 = tpu.memref_slice %arg3[%dma_wait3A_1882, %dma_wait3A_1883] : memref<1000000x64xf32, #tpu.memory_space<hbm>> -> memref<1000000x64xf32, #tpu.memory_space<hbm>>
    tpu.wait_indirect_dma semaphore(%arg10 : memref<!tpu.dma_semaphore, #tpu.memory_space<semaphore_mem>>) src(%dma_wait3A_1884 : memref<1000000x64xf32, #tpu.memory_space<hbm>>) dst(%dma_wait3A_1878 : memref<26x64xf32, #tpu.memory_space<vmem>>)
    %dma_wait3A_1885 = arith.constant 505 : i32
    %dma_wait3A_1886 = arith.constant 9 : i32
    %dma_wait3A_1887 = arith.constant 0 : i32
    %dma_wait3A_1888 = arith.constant 0 : i32
    %dma_wait3A_1889 = tpu.memref_slice %arg7[%dma_wait3A_1886, %dma_wait3A_1887, %dma_wait3A_1888] : memref<16x26x64xf32, #tpu.memory_space<vmem>> -> memref<1x26x64xf32, #tpu.memory_space<vmem>>
    %dma_wait3A_1890 = tpu.memref_squeeze %dma_wait3A_1889 : memref<1x26x64xf32, #tpu.memory_space<vmem>> -> memref<26x64xf32, #tpu.memory_space<vmem>>
    %dma_wait3A_1891 = arith.constant 0 : i32
    %dma_wait3A_1892 = tpu.memref_slice %arg5[%dma_wait3A_1885, %dma_wait3A_1891] : memref<512x26xi32, #tpu.memory_space<vmem>> -> memref<1x26xi32, #tpu.memory_space<vmem>>
    %dma_wait3A_1893 = tpu.memref_squeeze %dma_wait3A_1892 : memref<1x26xi32, #tpu.memory_space<vmem>> -> memref<26xi32, #tpu.memory_space<vmem>>
    %dma_wait3A_1894 = arith.constant 0 : i32
    %dma_wait3A_1895 = arith.constant 0 : i32
    %dma_wait3A_1896 = tpu.memref_slice %arg3[%dma_wait3A_1894, %dma_wait3A_1895] : memref<1000000x64xf32, #tpu.memory_space<hbm>> -> memref<1000000x64xf32, #tpu.memory_space<hbm>>
    tpu.wait_indirect_dma semaphore(%arg10 : memref<!tpu.dma_semaphore, #tpu.memory_space<semaphore_mem>>) src(%dma_wait3A_1896 : memref<1000000x64xf32, #tpu.memory_space<hbm>>) dst(%dma_wait3A_1890 : memref<26x64xf32, #tpu.memory_space<vmem>>)
    %dma_wait3A_1897 = arith.constant 506 : i32
    %dma_wait3A_1898 = arith.constant 10 : i32
    %dma_wait3A_1899 = arith.constant 0 : i32
    %dma_wait3A_1900 = arith.constant 0 : i32
    %dma_wait3A_1901 = tpu.memref_slice %arg7[%dma_wait3A_1898, %dma_wait3A_1899, %dma_wait3A_1900] : memref<16x26x64xf32, #tpu.memory_space<vmem>> -> memref<1x26x64xf32, #tpu.memory_space<vmem>>
    %dma_wait3A_1902 = tpu.memref_squeeze %dma_wait3A_1901 : memref<1x26x64xf32, #tpu.memory_space<vmem>> -> memref<26x64xf32, #tpu.memory_space<vmem>>
    %dma_wait3A_1903 = arith.constant 0 : i32
    %dma_wait3A_1904 = tpu.memref_slice %arg5[%dma_wait3A_1897, %dma_wait3A_1903] : memref<512x26xi32, #tpu.memory_space<vmem>> -> memref<1x26xi32, #tpu.memory_space<vmem>>
    %dma_wait3A_1905 = tpu.memref_squeeze %dma_wait3A_1904 : memref<1x26xi32, #tpu.memory_space<vmem>> -> memref<26xi32, #tpu.memory_space<vmem>>
    %dma_wait3A_1906 = arith.constant 0 : i32
    %dma_wait3A_1907 = arith.constant 0 : i32
    %dma_wait3A_1908 = tpu.memref_slice %arg3[%dma_wait3A_1906, %dma_wait3A_1907] : memref<1000000x64xf32, #tpu.memory_space<hbm>> -> memref<1000000x64xf32, #tpu.memory_space<hbm>>
    tpu.wait_indirect_dma semaphore(%arg10 : memref<!tpu.dma_semaphore, #tpu.memory_space<semaphore_mem>>) src(%dma_wait3A_1908 : memref<1000000x64xf32, #tpu.memory_space<hbm>>) dst(%dma_wait3A_1902 : memref<26x64xf32, #tpu.memory_space<vmem>>)
    %dma_wait3A_1909 = arith.constant 507 : i32
    %dma_wait3A_1910 = arith.constant 11 : i32
    %dma_wait3A_1911 = arith.constant 0 : i32
    %dma_wait3A_1912 = arith.constant 0 : i32
    %dma_wait3A_1913 = tpu.memref_slice %arg7[%dma_wait3A_1910, %dma_wait3A_1911, %dma_wait3A_1912] : memref<16x26x64xf32, #tpu.memory_space<vmem>> -> memref<1x26x64xf32, #tpu.memory_space<vmem>>
    %dma_wait3A_1914 = tpu.memref_squeeze %dma_wait3A_1913 : memref<1x26x64xf32, #tpu.memory_space<vmem>> -> memref<26x64xf32, #tpu.memory_space<vmem>>
    %dma_wait3A_1915 = arith.constant 0 : i32
    %dma_wait3A_1916 = tpu.memref_slice %arg5[%dma_wait3A_1909, %dma_wait3A_1915] : memref<512x26xi32, #tpu.memory_space<vmem>> -> memref<1x26xi32, #tpu.memory_space<vmem>>
    %dma_wait3A_1917 = tpu.memref_squeeze %dma_wait3A_1916 : memref<1x26xi32, #tpu.memory_space<vmem>> -> memref<26xi32, #tpu.memory_space<vmem>>
    %dma_wait3A_1918 = arith.constant 0 : i32
    %dma_wait3A_1919 = arith.constant 0 : i32
    %dma_wait3A_1920 = tpu.memref_slice %arg3[%dma_wait3A_1918, %dma_wait3A_1919] : memref<1000000x64xf32, #tpu.memory_space<hbm>> -> memref<1000000x64xf32, #tpu.memory_space<hbm>>
    tpu.wait_indirect_dma semaphore(%arg10 : memref<!tpu.dma_semaphore, #tpu.memory_space<semaphore_mem>>) src(%dma_wait3A_1920 : memref<1000000x64xf32, #tpu.memory_space<hbm>>) dst(%dma_wait3A_1914 : memref<26x64xf32, #tpu.memory_space<vmem>>)
    %dma_wait3A_1921 = arith.constant 508 : i32
    %dma_wait3A_1922 = arith.constant 12 : i32
    %dma_wait3A_1923 = arith.constant 0 : i32
    %dma_wait3A_1924 = arith.constant 0 : i32
    %dma_wait3A_1925 = tpu.memref_slice %arg7[%dma_wait3A_1922, %dma_wait3A_1923, %dma_wait3A_1924] : memref<16x26x64xf32, #tpu.memory_space<vmem>> -> memref<1x26x64xf32, #tpu.memory_space<vmem>>
    %dma_wait3A_1926 = tpu.memref_squeeze %dma_wait3A_1925 : memref<1x26x64xf32, #tpu.memory_space<vmem>> -> memref<26x64xf32, #tpu.memory_space<vmem>>
    %dma_wait3A_1927 = arith.constant 0 : i32
    %dma_wait3A_1928 = tpu.memref_slice %arg5[%dma_wait3A_1921, %dma_wait3A_1927] : memref<512x26xi32, #tpu.memory_space<vmem>> -> memref<1x26xi32, #tpu.memory_space<vmem>>
    %dma_wait3A_1929 = tpu.memref_squeeze %dma_wait3A_1928 : memref<1x26xi32, #tpu.memory_space<vmem>> -> memref<26xi32, #tpu.memory_space<vmem>>
    %dma_wait3A_1930 = arith.constant 0 : i32
    %dma_wait3A_1931 = arith.constant 0 : i32
    %dma_wait3A_1932 = tpu.memref_slice %arg3[%dma_wait3A_1930, %dma_wait3A_1931] : memref<1000000x64xf32, #tpu.memory_space<hbm>> -> memref<1000000x64xf32, #tpu.memory_space<hbm>>
    tpu.wait_indirect_dma semaphore(%arg10 : memref<!tpu.dma_semaphore, #tpu.memory_space<semaphore_mem>>) src(%dma_wait3A_1932 : memref<1000000x64xf32, #tpu.memory_space<hbm>>) dst(%dma_wait3A_1926 : memref<26x64xf32, #tpu.memory_space<vmem>>)
    %dma_wait3A_1933 = arith.constant 509 : i32
    %dma_wait3A_1934 = arith.constant 13 : i32
    %dma_wait3A_1935 = arith.constant 0 : i32
    %dma_wait3A_1936 = arith.constant 0 : i32
    %dma_wait3A_1937 = tpu.memref_slice %arg7[%dma_wait3A_1934, %dma_wait3A_1935, %dma_wait3A_1936] : memref<16x26x64xf32, #tpu.memory_space<vmem>> -> memref<1x26x64xf32, #tpu.memory_space<vmem>>
    %dma_wait3A_1938 = tpu.memref_squeeze %dma_wait3A_1937 : memref<1x26x64xf32, #tpu.memory_space<vmem>> -> memref<26x64xf32, #tpu.memory_space<vmem>>
    %dma_wait3A_1939 = arith.constant 0 : i32
    %dma_wait3A_1940 = tpu.memref_slice %arg5[%dma_wait3A_1933, %dma_wait3A_1939] : memref<512x26xi32, #tpu.memory_space<vmem>> -> memref<1x26xi32, #tpu.memory_space<vmem>>
    %dma_wait3A_1941 = tpu.memref_squeeze %dma_wait3A_1940 : memref<1x26xi32, #tpu.memory_space<vmem>> -> memref<26xi32, #tpu.memory_space<vmem>>
    %dma_wait3A_1942 = arith.constant 0 : i32
    %dma_wait3A_1943 = arith.constant 0 : i32
    %dma_wait3A_1944 = tpu.memref_slice %arg3[%dma_wait3A_1942, %dma_wait3A_1943] : memref<1000000x64xf32, #tpu.memory_space<hbm>> -> memref<1000000x64xf32, #tpu.memory_space<hbm>>
    tpu.wait_indirect_dma semaphore(%arg10 : memref<!tpu.dma_semaphore, #tpu.memory_space<semaphore_mem>>) src(%dma_wait3A_1944 : memref<1000000x64xf32, #tpu.memory_space<hbm>>) dst(%dma_wait3A_1938 : memref<26x64xf32, #tpu.memory_space<vmem>>)
    %dma_wait3A_1945 = arith.constant 510 : i32
    %dma_wait3A_1946 = arith.constant 14 : i32
    %dma_wait3A_1947 = arith.constant 0 : i32
    %dma_wait3A_1948 = arith.constant 0 : i32
    %dma_wait3A_1949 = tpu.memref_slice %arg7[%dma_wait3A_1946, %dma_wait3A_1947, %dma_wait3A_1948] : memref<16x26x64xf32, #tpu.memory_space<vmem>> -> memref<1x26x64xf32, #tpu.memory_space<vmem>>
    %dma_wait3A_1950 = tpu.memref_squeeze %dma_wait3A_1949 : memref<1x26x64xf32, #tpu.memory_space<vmem>> -> memref<26x64xf32, #tpu.memory_space<vmem>>
    %dma_wait3A_1951 = arith.constant 0 : i32
    %dma_wait3A_1952 = tpu.memref_slice %arg5[%dma_wait3A_1945, %dma_wait3A_1951] : memref<512x26xi32, #tpu.memory_space<vmem>> -> memref<1x26xi32, #tpu.memory_space<vmem>>
    %dma_wait3A_1953 = tpu.memref_squeeze %dma_wait3A_1952 : memref<1x26xi32, #tpu.memory_space<vmem>> -> memref<26xi32, #tpu.memory_space<vmem>>
    %dma_wait3A_1954 = arith.constant 0 : i32
    %dma_wait3A_1955 = arith.constant 0 : i32
    %dma_wait3A_1956 = tpu.memref_slice %arg3[%dma_wait3A_1954, %dma_wait3A_1955] : memref<1000000x64xf32, #tpu.memory_space<hbm>> -> memref<1000000x64xf32, #tpu.memory_space<hbm>>
    tpu.wait_indirect_dma semaphore(%arg10 : memref<!tpu.dma_semaphore, #tpu.memory_space<semaphore_mem>>) src(%dma_wait3A_1956 : memref<1000000x64xf32, #tpu.memory_space<hbm>>) dst(%dma_wait3A_1950 : memref<26x64xf32, #tpu.memory_space<vmem>>)
    %dma_wait3A_1957 = arith.constant 511 : i32
    %dma_wait3A_1958 = arith.constant 15 : i32
    %dma_wait3A_1959 = arith.constant 0 : i32
    %dma_wait3A_1960 = arith.constant 0 : i32
    %dma_wait3A_1961 = tpu.memref_slice %arg7[%dma_wait3A_1958, %dma_wait3A_1959, %dma_wait3A_1960] : memref<16x26x64xf32, #tpu.memory_space<vmem>> -> memref<1x26x64xf32, #tpu.memory_space<vmem>>
    %dma_wait3A_1962 = tpu.memref_squeeze %dma_wait3A_1961 : memref<1x26x64xf32, #tpu.memory_space<vmem>> -> memref<26x64xf32, #tpu.memory_space<vmem>>
    %dma_wait3A_1963 = arith.constant 0 : i32
    %dma_wait3A_1964 = tpu.memref_slice %arg5[%dma_wait3A_1957, %dma_wait3A_1963] : memref<512x26xi32, #tpu.memory_space<vmem>> -> memref<1x26xi32, #tpu.memory_space<vmem>>
    %dma_wait3A_1965 = tpu.memref_squeeze %dma_wait3A_1964 : memref<1x26xi32, #tpu.memory_space<vmem>> -> memref<26xi32, #tpu.memory_space<vmem>>
    %dma_wait3A_1966 = arith.constant 0 : i32
    %dma_wait3A_1967 = arith.constant 0 : i32
    %dma_wait3A_1968 = tpu.memref_slice %arg3[%dma_wait3A_1966, %dma_wait3A_1967] : memref<1000000x64xf32, #tpu.memory_space<hbm>> -> memref<1000000x64xf32, #tpu.memory_space<hbm>>
    tpu.wait_indirect_dma semaphore(%arg10 : memref<!tpu.dma_semaphore, #tpu.memory_space<semaphore_mem>>) src(%dma_wait3A_1968 : memref<1000000x64xf32, #tpu.memory_space<hbm>>) dst(%dma_wait3A_1962 : memref<26x64xf32, #tpu.memory_space<vmem>>)
    %add3A_1969 = arith.constant 496 : i32
    %add3A_1970 = arith.addi %mul3A_2, %add3A_1969 : i32
    %dma_start3A_1971 = arith.constant 0 : i32
    %dma_start3A_1972 = arith.constant 0 : i32
    %dma_start3A_1973 = tpu.memref_slice %arg4[%add3A_1970, %dma_start3A_1971, %dma_start3A_1972] : memref<16384x26x64xf32, #tpu.memory_space<hbm>> -> memref<16x26x64xf32, #tpu.memory_space<hbm>>
    %dma_start3A_1974 = arith.constant 0 : i32
    %dma_start3A_1975 = arith.constant 0 : i32
    %dma_start3A_1976 = tpu.memref_slice %arg4[%add3A_1970, %dma_start3A_1974, %dma_start3A_1975] : memref<16384x26x64xf32, #tpu.memory_space<hbm>> -> memref<16x26x64xf32, #tpu.memory_space<hbm>>
    tpu.enqueue_dma source(%arg7 : memref<16x26x64xf32, #tpu.memory_space<vmem>>) target(%dma_start3A_1976 : memref<16x26x64xf32, #tpu.memory_space<hbm>>) target_semaphore(%arg13 : memref<!tpu.dma_semaphore, #tpu.memory_space<semaphore_mem>>)
    %dma_wait3A_1977 = arith.constant 0 : i32
    %dma_wait3A_1978 = arith.constant 0 : i32
    %dma_wait3A_1979 = tpu.memref_slice %arg4[%mul3A_2, %dma_wait3A_1977, %dma_wait3A_1978] : memref<16384x26x64xf32, #tpu.memory_space<hbm>> -> memref<16x26x64xf32, #tpu.memory_space<hbm>>
    %dma_wait3A_1980 = arith.constant 0 : i32
    %dma_wait3A_1981 = arith.constant 0 : i32
    %dma_wait3A_1982 = tpu.memref_slice %arg4[%mul3A_2, %dma_wait3A_1980, %dma_wait3A_1981] : memref<16384x26x64xf32, #tpu.memory_space<hbm>> -> memref<16x26x64xf32, #tpu.memory_space<hbm>>
    tpu.wait_dma2 semaphore(%arg14 : memref<!tpu.dma_semaphore, #tpu.memory_space<semaphore_mem>>) src(%arg8 : memref<16x26x64xf32, #tpu.memory_space<vmem>>) dst(%dma_wait3A_1982 : memref<16x26x64xf32, #tpu.memory_space<hbm>>)
    %dma_wait3A_1983 = arith.constant 0 : i32
    %dma_wait3A_1984 = arith.constant 0 : i32
    %dma_wait3A_1985 = tpu.memref_slice %arg4[%mul3A_2, %dma_wait3A_1983, %dma_wait3A_1984] : memref<16384x26x64xf32, #tpu.memory_space<hbm>> -> memref<16x26x64xf32, #tpu.memory_space<hbm>>
    %dma_wait3A_1986 = arith.constant 0 : i32
    %dma_wait3A_1987 = arith.constant 0 : i32
    %dma_wait3A_1988 = tpu.memref_slice %arg4[%mul3A_2, %dma_wait3A_1986, %dma_wait3A_1987] : memref<16384x26x64xf32, #tpu.memory_space<hbm>> -> memref<16x26x64xf32, #tpu.memory_space<hbm>>
    tpu.wait_dma2 semaphore(%arg12 : memref<!tpu.dma_semaphore, #tpu.memory_space<semaphore_mem>>) src(%arg6 : memref<16x26x64xf32, #tpu.memory_space<vmem>>) dst(%dma_wait3A_1988 : memref<16x26x64xf32, #tpu.memory_space<hbm>>)
    %dma_wait3A_1989 = arith.constant 0 : i32
    %dma_wait3A_1990 = arith.constant 0 : i32
    %dma_wait3A_1991 = tpu.memref_slice %arg4[%mul3A_2, %dma_wait3A_1989, %dma_wait3A_1990] : memref<16384x26x64xf32, #tpu.memory_space<hbm>> -> memref<16x26x64xf32, #tpu.memory_space<hbm>>
    %dma_wait3A_1992 = arith.constant 0 : i32
    %dma_wait3A_1993 = arith.constant 0 : i32
    %dma_wait3A_1994 = tpu.memref_slice %arg4[%mul3A_2, %dma_wait3A_1992, %dma_wait3A_1993] : memref<16384x26x64xf32, #tpu.memory_space<hbm>> -> memref<16x26x64xf32, #tpu.memory_space<hbm>>
    tpu.wait_dma2 semaphore(%arg13 : memref<!tpu.dma_semaphore, #tpu.memory_space<semaphore_mem>>) src(%arg7 : memref<16x26x64xf32, #tpu.memory_space<vmem>>) dst(%dma_wait3A_1994 : memref<16x26x64xf32, #tpu.memory_space<hbm>>)
    return
  }
}

</mosaic_0001>

<sc_bundles>
// kernel: kernel.3.cloned.1.call-start
scs
__scs_entry_jumppad:
0x0: {  	(pc) =	sbr.rel $0x88, $3  }
0x1: {  	(tag) =	ssettag $0x0;
	lr =	simm.s32 $0x1  }
0x2: {  	[smem:$0x3F9F] =	sst lr;
	_ =	strace $0xD0000000  }
0x3: {  	_ = 	snop  }
0x4: {  	_ = 	snop  }
0x5: {  	_ = 	snop  }
0x6: {  	_ = 	snop  }
0x7: {  	_ = 	snop  }
__scs_overlays_trampoline_lowered:
0x8: {  	[smem:$0x3FAE] =	sst s0  }
0x9: {  	[smem:$0x3FAF] =	sst s1  }
0xa: {  	[smem:$0x3FB0] =	sst s2  }
0xb: {  	[smem:$0x3FB1] =	sst s3  }
0xc: {  	[smem:$0x3FB2] =	sst s4  }
0xd: {  	[smem:$0x3FB3] =	sst s5  }
0xe: {  	[smem:$0x3FB4] =	sst s6  }
0xf: {  	[smem:$0x3FB5] =	sst s7  }
0x10: {  	[smem:$0x3FB6] =	sst s8  }
0x11: {  	[smem:$0x3FB7] =	sst s9;
	s0 =	simm.s32 @!p0 $0x0  }
0x12: {  	s1 =	sld [smem:$0x3F9D];
	s0 =	simm.s32 @p0 $0x1  }
0x13: {  	[smem:$0x3FB8] =	sst s0;
	s0 =	simm.s32 @!p1 $0x0  }
0x14: {  	s2 =	sld [smem:$0x3F9C];
	s0 =	simm.s32 @p1 $0x1  }
0x15: {  	[smem:$0x3FB9] =	sst s0;
	s0 =	simm.s32 @!p2 $0x0  }
0x16: {  	s3 =	sld [smem:$0x3FDB];
	s0 =	simm.s32 @p2 $0x1  }
0x17: {  	s4 =	simm.s32 $0x1BF5;
	[smem:$0x3FBB] =	sst s0  }
0x18: {  	s0 =	sld [smem:$0x3F9E];
	_ =	swait.ge [sflag:s4], $0x0  }
0x19: {  	s7 =	sld [smem:$0x3F9F]  }
0x1a: {  	s8 =	sadd.s32 $0xFFFFE003, lr  }
0x1b: {  	s9 =	sadd.s32 $0xFFFFFEF7, lr;
	s5 =	simm.s32 $0xFFFFFFFF;
	p2 =	slt.u32 s8, $0xFFFFF086  }
0x1c: {  	p1 =	slt.u32 s9, $0xF7A;
	s5 =	simm.s32 @!p2 $0x0  }
0x1d: {  	s5 =	simm.s32 @p1 $0x1;
	p0 =	seq.s32 s7, s2  }
0x1e: {  	s7 =	smul.u32 @!p0 $0xF7A, s2;
	p2 =	seq.s32 @!p0 s5, $0x0  }
0x1f: {  	s9 =	smul.u32 $0xF7A, s1;
	s8 =	simm.s32 @!p0 $0x1BF5;
	p2 =	por !p2, p0  }
0x20: {  	[sflag:s8] =	ssyncset.s32 @!p0 $0xFFFFF086;
	s6 =	sadd.s32 @!p0 s3, s7;
	s7 =	simm.s32 @!p0 $0x108  }
0x21: {  	s3 =	sadd.s32 s3, s9;
	s6 =	sadd.s32 @!p0 $0x88, s6;
	s7 =	simm.s32 @p2 $0x1082  }
0x22: {  	[simem:s7], [sflag:s8] =	dma.local @!p0 [hbm:s6], $0xF7A  }
0x23: {  	s9 =	sor.u32 $0xD0000000, s2;
	s6 =	simm.s32 $0x108;
	_ =	swait.ge @!p0 [sflag:s8], $0x0  }
0x24: {  	s3 =	sadd.s32 $0x88, s3;
	s6 =	simm.s32 @!p1 $0x1082;
	[sflag:s4] =	ssyncset.s32 $0xFFFFF086  }
0x25: {  	[simem:s6], [sflag:s4] =	dma.local [hbm:s3], $0xF7A  }
0x26: {  	[smem:$0x3F9F] =	sst s1;
	(tag) =	ssettag s2;
	_ =	strace s9  }
0x27: {  	s1 =	sld [smem:$0x3FAF]  }
0x28: {  	s2 =	sld [smem:$0x3FB0]  }
0x29: {  	s4 =	sld [smem:$0x3FB2]  }
0x2a: {  	p0 =	seq.s32 s5, $0x0;
	s5 =	sld [smem:$0x3FB3]  }
0x2b: {  	s6 =	sld [smem:$0x3FB4]  }
0x2c: {  	s7 =	sld [smem:$0x3FB5]  }
0x2d: {  	s3 =	simm.s32 $0x108;
	s8 =	sld [smem:$0x3FB6]  }
0x2e: {  	s3 =	simm.s32 @!p0 $0x1082;
	s9 =	sld [smem:$0x3FB7]  }
0x2f: {  	lr =	sadd.s32 s0, s3;
	s0 =	sld [smem:$0x3FAE]  }
0x30: {  	s3 =	sld [smem:$0x3FB1]  }
0x31: {  	[smem:$0x3FBA] =	sst s10  }
0x32: {  	s10 =	sld [smem:$0x3FB8];
	_ =	sdelay $0x3  }
0x33: {  	p0 =	seq.s32 s10, $0x1;
	s10 =	sld [smem:$0x3FBA];
	_ =	sdelay $0x3  }
0x34: {  	[smem:$0x3FBA] =	sst s10  }
0x35: {  	s10 =	sld [smem:$0x3FB9];
	_ =	sdelay $0x3  }
0x36: {  	p1 =	seq.s32 s10, $0x1;
	s10 =	sld [smem:$0x3FBA];
	_ =	sdelay $0x3  }
0x37: {  	[smem:$0x3FBA] =	sst s10  }
0x38: {  	s10 =	sld [smem:$0x3FBB]  }
0x39: {  	_ = 	snop;
	(pc) =	sbr.ind lr, $3  }
0x3a: {  	_ = 	snop  }
0x3b: {  	_ = 	snop  }
0x3c: {  	p2 =	seq.s32 s10, $0x1;
	s10 =	sld [smem:$0x3FBA]  }
0x3d: {  	_ =	shalt  }
0x3e: {  	_ =	shalt  }
0x3f: {  	_ =	shalt  }
0x40: {  	_ =	shalt  }
0x41: {  	_ =	shalt  }
0x42: {  	_ =	shalt  }
0x43: {  	_ =	shalt  }
0x44: {  	_ =	shalt  }
0x45: {  	_ =	shalt  }
0x46: {  	_ =	shalt  }
0x47: {  	_ =	shalt  }
0x48: {  	_ =	shalt  }
0x49: {  	_ =	shalt  }
0x4a: {  	_ =	shalt  }
0x4b: {  	_ =	shalt  }
0x4c: {  	_ =	shalt  }
0x4d: {  	_ =	shalt  }
0x4e: {  	_ =	shalt  }
0x4f: {  	_ =	shalt  }
0x50: {  	_ =	shalt  }
0x51: {  	_ =	shalt  }
0x52: {  	_ =	shalt  }
0x53: {  	_ =	shalt  }
0x54: {  	_ =	shalt  }
0x55: {  	_ =	shalt  }
0x56: {  	_ =	shalt  }
0x57: {  	_ =	shalt  }
0x58: {  	_ =	shalt  }
0x59: {  	_ =	shalt  }
0x5a: {  	_ =	shalt  }
0x5b: {  	_ =	shalt  }
0x5c: {  	_ =	shalt  }
0x5d: {  	_ =	shalt  }
0x5e: {  	_ =	shalt  }
0x5f: {  	_ =	shalt  }
0x60: {  	_ =	shalt  }
0x61: {  	_ =	shalt  }
0x62: {  	_ =	shalt  }
0x63: {  	_ =	shalt  }
0x64: {  	_ =	shalt  }
0x65: {  	_ =	shalt  }
0x66: {  	_ =	shalt  }
0x67: {  	_ =	shalt  }
0x68: {  	_ =	shalt  }
0x69: {  	_ =	shalt  }
0x6a: {  	_ =	shalt  }
0x6b: {  	_ =	shalt  }
0x6c: {  	_ =	shalt  }
0x6d: {  	_ =	shalt  }
0x6e: {  	_ =	shalt  }
0x6f: {  	_ =	shalt  }
0x70: {  	_ =	shalt  }
0x71: {  	_ =	shalt  }
0x72: {  	_ =	shalt  }
0x73: {  	_ =	shalt  }
0x74: {  	_ =	shalt  }
0x75: {  	_ =	shalt  }
0x76: {  	_ =	shalt  }
0x77: {  	_ =	shalt  }
0x78: {  	_ =	shalt  }
0x79: {  	_ =	shalt  }
0x7a: {  	_ =	shalt  }
0x7b: {  	_ =	shalt  }
0x7c: {  	_ =	shalt  }
0x7d: {  	_ =	shalt  }
0x7e: {  	_ =	shalt  }
0x7f: {  	_ =	shalt  }
0x80: {  	_ =	shalt  }
0x81: {  	_ =	shalt  }
0x82: {  	_ =	shalt  }
0x83: {  	_ =	shalt  }
0x84: {  	_ =	shalt  }
0x85: {  	_ =	shalt  }
0x86: {  	_ =	shalt  }
0x87: {  	_ =	shalt  }
.Lfunc_end0:
.L_simem_size_0:
called_computation.1_lowered:
.L_overlay_start_0:
0x88: {  	s2 =	sld [smem:$0x3FD9]  }
0x89: {  	s3 =	sld [smem:$0x3FFE];
	_ =	sdelay $0x1  }
0x8a: {  	s1 =	srdreg.scid  }
0x8b: {  	s0 =	sand.u32 $0x1, s1  }
0x8c: {  	s17 =	sshll.u32 s0, $0xA;
	s2 =	sadd.s32 s3, s2  }
0x8d: {  	s2 =	sadd.s32 s2, s17  }
0x8e: {  	[smem:$0x3FC6] =	sst s2  }
0x8f: {  	_ = 	snop  }
0x90: {  	s2 =	sld [smem:$0x3FD0];
	(tm) =	ssettm $0x1  }
0x91: {  	s18 =	sld [smem:$0x3FFB];
	_ =	sdelay $0x3  }
0x92: {  	_ =	strace s18  }
0x93: {  	s3 =	sld [smem:$0x3FFC];
	_ =	sdelay $0x3  }
0x94: {  	_ =	strace s3  }
0x95: {  	s3 =	sld [smem:$0x3FFD];
	_ =	sdelay $0x3  }
0x96: {  	_ =	strace s3  }
0x97: {  	_ =	strace $0x8FFFFFFF  }
0x98: {  	s19 =	sld [smem:$0x3FDB];
	_ =	sdelay $0x1  }
0x99: {  	s4 =	simm.s32 $_scs_section_size  }
0x9a: {  	s5 =	simm.s32 $_size__tile_overlayer_lowered;
	s6 =	simm.s32 $_tile_overlayer_lowered  }
0x9b: {  	s22 =	simm.s32 $0x1BFF;
	s21 =	sshll.u32 s6, $0x1;
	s3 =	sadd.s32 s4, s19  }
0x9c: {  	s7 =	simm.s32 $0x0;
	s20 =	sshll.u32 s5, $0x1;
	s5 =	sadd.s32 s21, s3  }
0x9d: {  	[timem:s7], [sflag:s22] =	dma.local [hbm:s5], s20  }
0x9e: {  	_ =	swait.ge [sflag:s22], s20  }
0x9f: {  	s4 =	ssub.s32 $0x0, s20;
	[sflag:s22] =	ssyncset.done $0x0  }
0xa0: {  	[sflag:s22] =	ssyncadd.s32 s4;
	_ =	sdelay $0x1  }
0xa1: {  	s23 =	simm.s32 $0x1B8B  }
0xa2: {  	_ =	swait.ge [sflag:s23], $0x1  }
0xa3: {  	[sflag:s23] =	ssyncset.done $0x0  }
0xa4: {  	s25 =	simm.s32 $0x1B8E;
	s24 =	sld [smem:$0x3FFE];
	[sflag:s23] =	ssyncadd.s32 $0xFFFFFFFF  }
0xa5: {  	s26 =	simm.s32 $execute0_lowered;
	[smem:$0x3FD2] =	sst s25  }
0xa6: {  	s5 =	sshll.u32 s26, $0x1;
	_ =	strace $0x80000046;
	[dreg:$0x1] =	wrdreg $0xFFFFFFFF  }
0xa7: {  	s28 =	simm.s32 $_size_execute0_lowered;
	s3 =	sadd.s32 s3, s5;
	[dreg:$0x0] =	wrdreg $0x0  }
0xa8: {  	s5 =	sshll.u32 s28, $0x1;
	[dreg:$0x2] =	wrdreg s3  }
0xa9: {  	[dreg:$0x3] =	wrdreg s5  }
0xaa: {  	[dreg:$0x4] =	wrdreg $0xC0  }
0xab: {  	_ =	task [dreg:s7], $0x5FFFF  }
0xac: {  	[dreg:$0x1] =	wrdreg $0xFFFFFFFF  }
0xad: {  	[dreg:$0x0] =	wrdreg $0x60  }
0xae: {  	[dreg:$0x2] =	wrdreg s24  }
0xaf: {  	[dreg:$0x3] =	wrdreg s2  }
0xb0: {  	[dreg:$0x4] =	wrdreg $0x9  }
0xb1: {  	_ =	task.clear_ibuf [dreg:s7], $0x5FFFF;
	_ =	strace $0x90000046  }
0xb2: {  	s29 =	simm.s32 $0x9;
	_ =	strace $0x80000048  }
0xb3: {  	_ =	swait.ge [sflag:s29], $0x1  }
0xb4: {  	[sflag:s29] =	ssyncadd.s32 $0xFFFFFFFF  }
0xb5: {  	_ =	strace $0x90000048  }
0xb6: {  	_ =	sfence  }
0xb7: {  	s30 =	sld [smem:$0x0];
	_ =	sdelay $0x2  }
0xb8: {  	s31 =	sshll.u32 s1, $0xD;
	s1 =	sshrl.u32 s1, $0x2  }
0xb9: {  	s3 =	sand.u32 $0x4000, s31;
	s1 =	sadd.s32 s1, s30  }
0xba: {  	s0 =	sor.u32 s3, s0;
	s1 =	sshll.u32 s1, $0x11  }
0xbb: {  	s0 =	sor.u32 s1, s0  }
0xbc: {  	s0 =	sadd.s32 $0x8F2B, s0  }
0xbd: {  	[sflag:s0] =	ssyncadd.remote.s32 $0x1  }
0xbe: {  	_ =	sfence.sel $0xFFFF  }
0xbf: {  	[dreg:$0x0] =	wrdreg $0xFFFFFFFF;
	(pc) =	sbr.abs _section_cstart, $3  }
0xc0: {  	[dreg:$0x1] =	wrdreg $0xFFFFFFFF  }
0xc1: {  	_ =	task.clear_ibuf [dreg:s7], $0x2FFFF;
	_ =	strace $0x9FFFFFFF  }
0xc2: {  	(tm) =	ssettm $0x7FFFFFFF  }
0xc3: {  	_ =	shalt  }
tec
execute0_lowered:
.L_overlay_start_1:
0x0: {  	(tag) =	ssettag $0x1  }
0x1: {  	s0 =	rddreg [dreg:$0x0]  }
0x2: {  	s1 =	rddreg [dreg:$0x1]  }
0x3: {  	s2 =	srdreg.scid;
	s10 =	stileid.u32  }
0x4: {  	s13 =	simm.s32 $0x1A;
	s29 =	simm.s32 $0x6D80;
	s15 =	simm.s32 $0x7400  }
0x5: {  	s30 =	simm.s32 $0x8100;
	s28 =	simm.s32 $0x8780;
	s19 =	simm.s32 $0x8E00  }
0x6: {  	s31 =	simm.s32 $0x9480;
	s14 =	simm.s32 $0xB500;
	s18 =	simm.s32 $0xBB80  }
0x7: {  	s12 =	simm.s32 $0x5;
	s11 =	simm.s32 $0x6;
	s4 =	sand.u32 $0x1, s2  }
0x8: {  	s2 =	simm.s32 $0x0;
	s3 =	sshll.u32 s10, $0xA;
	s23 =	smul.u32 $0x34000, s10  }
0x9: {  	s10 =	simm.s32 $0x4;
	s5 =	sshll.u32 s4, $0x9;
	[smem:$0x7FF] =	sst s2  }
0xa: {  	s6 =	ssub.s32 $0x2, s4;
	s4 =	smul.u32 $0x1A000, s4;
	s5 =	sor.u32 s5, s3  }
0xb: {  	_ =	strace $0x80000047;
	s8 =	sshrl.u32 s6, $0x1;
	s9 =	smul.u32 $0xD0, s5  }
0xc: {  	s3 =	sshll.u32 s5, $0x2;
	s20 =	ssub.s32 s6, s8;
	s5 =	smul.u32 $0x680, s5  }
0xd: {  	s6 =	simm.s32 $0x9B00;
	s8 =	simm.s32 $0xAE80;
	s7 =	sadd.s32 s3, s0  }
0xe: {  	s3 =	sadd.s32 $0xF42E00, s0;
	s0 =	smax.u32 s20, $0x1;
	s20 =	simm.s32 $0x4680  }
0xf: {  	s21 =	sadd.s32 $0xA00, s7;
	s22 =	sadd.s32 s1, s9;
	[dreg:$0x9] =	wrdreg s0  }
0x10: {  	s5 =	sshrl.u32 s5, $0x3;
	s0 =	simm.s32 $0x5A00;
	[dreg:$0x3] =	wrdreg s21  }
0x11: {  	s9 =	simm.s32 $0x2;
	s24 =	sadd.s32 $0xD00, s22;
	[dreg:$0x4] =	wrdreg s22  }
0x12: {  	s7 =	sadd.s32 $0x1A00, s22;
	s5 =	sadd.s32 s1, s5;
	s1 =	sadd.s32 s23, s1  }
0x13: {  	s22 =	simm.s32 $0x4D00;
	s21 =	simm.s32 $0x6080;
	[dreg:$0x5] =	wrdreg s24  }
0x14: {  	s23 =	simm.s32 $0x7A80;
	[dreg:$0x6] =	wrdreg s7;
	s25 =	sadd.s32 $0x18600, s5  }
0x15: {  	s5 =	sadd.s32 $0x19300, s5;
	s1 =	sadd.s32 s4, s1;
	s7 =	simm.s32 $0xA180  }
0x16: {  	s24 =	simm.s32 $0x1;
	s4 =	simm.s32 $0x0;
	[dreg:$0x7] =	wrdreg s25  }
0x17: {  	[dreg:$0x8] =	wrdreg s5;
	s26 =	sadd.s32 $0x2700, s1;
	s1 =	simm.s32 $0x5380  }
0x18: {  	s25 =	simm.s32 $0x6700;
	s5 =	simm.s32 $0x3;
	[dreg:$0xa] =	wrdreg s26  }
.LBB2_1:
0x19: {  	[dreg:$0xb] =	wrdreg s4  }
0x1a: {  	s16 =	rddreg [dreg:$0x3];
	s4 =	simm.s32 $0x7  }
0x1b: {  	[tilespmem:s2], [sflag:$0x7] =	stream.linear.gather [hbm4b:s16+s2], $0x4000, $0x38;
	[tilespmem:$0x17800] =	vst v63  }
0x1c: {  	_ =	swait.ge [sflag:s4], $0x4000  }
0x1d: {  	[sflag:s4] =	ssyncset.done $0x0  }
0x1e: {  	s17 =	simm.s32 $0x4000;
	[sflag:s4] =	ssyncadd.s32 $0xFFFFC000  }
0x1f: {  	[tilespmem:s17], [sflag:$0x1] =	stream.indirect.gather [hbm4b:s3+s13], $0x40, s2, s13, $0xb8;
	[tilespmem:$0x17800] =	vst v63  }
0x20: {  	s26 =	simm.s32 $0x20  }
0x21: {  	[tilespmem:s20], [sflag:$0x1] =	stream.indirect.gather [hbm4b:s3+s13], $0x40, s26, s13, $0xb8;
	[tilespmem:$0x17800] =	vst v63  }
0x22: {  	s4 =	simm.s32 $0x40  }
0x23: {  	[tilespmem:s22], [sflag:$0x1] =	stream.indirect.gather [hbm4b:s3+s13], $0x40, s4, s13, $0xb8;
	[tilespmem:$0x17800] =	vst v63  }
0x24: {  	s26 =	simm.s32 $0x60  }
0x25: {  	[tilespmem:s1], [sflag:$0x1] =	stream.indirect.gather [hbm4b:s3+s13], $0x40, s26, s13, $0xb8;
	[tilespmem:$0x17800] =	vst v63  }
0x26: {  	s4 =	simm.s32 $0x80  }
0x27: {  	[tilespmem:s0], [sflag:$0x1] =	stream.indirect.gather [hbm4b:s3+s13], $0x40, s4, s13, $0xb8;
	[tilespmem:$0x17800] =	vst v63  }
0x28: {  	s26 =	simm.s32 $0xA0  }
0x29: {  	[tilespmem:s21], [sflag:$0x1] =	stream.indirect.gather [hbm4b:s3+s13], $0x40, s26, s13, $0xb8;
	[tilespmem:$0x17800] =	vst v63  }
0x2a: {  	s4 =	simm.s32 $0xC0  }
0x2b: {  	[tilespmem:s25], [sflag:$0x1] =	stream.indirect.gather [hbm4b:s3+s13], $0x40, s4, s13, $0xb8;
	[tilespmem:$0x17800] =	vst v63  }
0x2c: {  	s26 =	simm.s32 $0xE0  }
0x2d: {  	[tilespmem:s29], [sflag:$0x1] =	stream.indirect.gather [hbm4b:s3+s13], $0x40, s26, s13, $0xb8;
	[tilespmem:$0x17800] =	vst v63  }
0x2e: {  	s4 =	simm.s32 $0x100  }
0x2f: {  	[tilespmem:s15], [sflag:$0x1] =	stream.indirect.gather [hbm4b:s3+s13], $0x40, s4, s13, $0xb8;
	[tilespmem:$0x17800] =	vst v63  }
0x30: {  	s26 =	simm.s32 $0x120  }
0x31: {  	[tilespmem:s23], [sflag:$0x1] =	stream.indirect.gather [hbm4b:s3+s13], $0x40, s26, s13, $0xb8;
	[tilespmem:$0x17800] =	vst v63  }
0x32: {  	s4 =	simm.s32 $0x140  }
0x33: {  	[tilespmem:s30], [sflag:$0x1] =	stream.indirect.gather [hbm4b:s3+s13], $0x40, s4, s13, $0xb8;
	[tilespmem:$0x17800] =	vst v63  }
0x34: {  	s26 =	simm.s32 $0x160  }
0x35: {  	[tilespmem:s28], [sflag:$0x1] =	stream.indirect.gather [hbm4b:s3+s13], $0x40, s26, s13, $0xb8;
	[tilespmem:$0x17800] =	vst v63  }
0x36: {  	s4 =	simm.s32 $0x180  }
0x37: {  	[tilespmem:s19], [sflag:$0x1] =	stream.indirect.gather [hbm4b:s3+s13], $0x40, s4, s13, $0xb8;
	[tilespmem:$0x17800] =	vst v63  }
0x38: {  	s26 =	simm.s32 $0x1A0  }
0x39: {  	[tilespmem:s31], [sflag:$0x1] =	stream.indirect.gather [hbm4b:s3+s13], $0x40, s26, s13, $0xb8;
	[tilespmem:$0x17800] =	vst v63  }
0x3a: {  	s16 =	simm.s32 $0x1C0  }
0x3b: {  	[tilespmem:s6], [sflag:$0x1] =	stream.indirect.gather [hbm4b:s3+s13], $0x40, s16, s13, $0xb8;
	[tilespmem:$0x17800] =	vst v63  }
0x3c: {  	s26 =	simm.s32 $0x1E0  }
0x3d: {  	[tilespmem:s7], [sflag:$0x1] =	stream.indirect.gather [hbm4b:s3+s13], $0x40, s26, s13, $0xb8;
	[tilespmem:$0x17800] =	vst v63  }
0x3e: {  	s16 =	simm.s32 $0x200;
	s26 =	simm.s32 $0xA800  }
0x3f: {  	[tilespmem:s26], [sflag:$0x2] =	stream.indirect.gather [hbm4b:s3+s13], $0x40, s16, s13, $0xb8;
	[tilespmem:$0x17800] =	vst v63  }
0x40: {  	s26 =	simm.s32 $0x220  }
0x41: {  	[tilespmem:s8], [sflag:$0x2] =	stream.indirect.gather [hbm4b:s3+s13], $0x40, s26, s13, $0xb8;
	[tilespmem:$0x17800] =	vst v63  }
0x42: {  	s8 =	simm.s32 $0x240  }
0x43: {  	[tilespmem:s14], [sflag:$0x2] =	stream.indirect.gather [hbm4b:s3+s13], $0x40, s8, s13, $0xb8;
	[tilespmem:$0x17800] =	vst v63  }
0x44: {  	s16 =	simm.s32 $0x260  }
0x45: {  	[tilespmem:s18], [sflag:$0x2] =	stream.indirect.gather [hbm4b:s3+s13], $0x40, s16, s13, $0xb8;
	[tilespmem:$0x17800] =	vst v63  }
0x46: {  	s26 =	simm.s32 $0x280;
	s8 =	simm.s32 $0xC200  }
0x47: {  	[tilespmem:s8], [sflag:$0x2] =	stream.indirect.gather [hbm4b:s3+s13], $0x40, s26, s13, $0xb8;
	[tilespmem:$0x17800] =	vst v63  }
0x48: {  	s26 =	simm.s32 $0x2A0;
	s8 =	simm.s32 $0xC880  }
0x49: {  	[tilespmem:s8], [sflag:$0x2] =	stream.indirect.gather [hbm4b:s3+s13], $0x40, s26, s13, $0xb8;
	[tilespmem:$0x17800] =	vst v63  }
0x4a: {  	s26 =	simm.s32 $0x2C0;
	s8 =	simm.s32 $0xCF00  }
0x4b: {  	[tilespmem:s8], [sflag:$0x2] =	stream.indirect.gather [hbm4b:s3+s13], $0x40, s26, s13, $0xb8;
	[tilespmem:$0x17800] =	vst v63  }
0x4c: {  	s26 =	simm.s32 $0x2E0;
	s8 =	simm.s32 $0xD580  }
0x4d: {  	[tilespmem:s8], [sflag:$0x2] =	stream.indirect.gather [hbm4b:s3+s13], $0x40, s26, s13, $0xb8;
	[tilespmem:$0x17800] =	vst v63  }
0x4e: {  	s26 =	simm.s32 $0x300;
	s8 =	simm.s32 $0xDC00  }
0x4f: {  	[tilespmem:s8], [sflag:$0x2] =	stream.indirect.gather [hbm4b:s3+s13], $0x40, s26, s13, $0xb8;
	[tilespmem:$0x17800] =	vst v63  }
0x50: {  	s26 =	simm.s32 $0x320;
	s8 =	simm.s32 $0xE280  }
0x51: {  	[tilespmem:s8], [sflag:$0x2] =	stream.indirect.gather [hbm4b:s3+s13], $0x40, s26, s13, $0xb8;
	[tilespmem:$0x17800] =	vst v63  }
0x52: {  	s26 =	simm.s32 $0x340;
	s8 =	simm.s32 $0xE900  }
0x53: {  	[tilespmem:s8], [sflag:$0x2] =	stream.indirect.gather [hbm4b:s3+s13], $0x40, s26, s13, $0xb8;
	[tilespmem:$0x17800] =	vst v63  }
0x54: {  	s26 =	simm.s32 $0x360;
	s8 =	simm.s32 $0xEF80  }
0x55: {  	[tilespmem:s8], [sflag:$0x2] =	stream.indirect.gather [hbm4b:s3+s13], $0x40, s26, s13, $0xb8;
	[tilespmem:$0x17800] =	vst v63  }
0x56: {  	s26 =	simm.s32 $0x380;
	s8 =	simm.s32 $0xF600  }
0x57: {  	[tilespmem:s8], [sflag:$0x2] =	stream.indirect.gather [hbm4b:s3+s13], $0x40, s26, s13, $0xb8;
	[tilespmem:$0x17800] =	vst v63  }
0x58: {  	s26 =	simm.s32 $0x3A0;
	s8 =	simm.s32 $0xFC80  }
0x59: {  	[tilespmem:s8], [sflag:$0x2] =	stream.indirect.gather [hbm4b:s3+s13], $0x40, s26, s13, $0xb8;
	[tilespmem:$0x17800] =	vst v63  }
0x5a: {  	s26 =	simm.s32 $0x3C0;
	s8 =	simm.s32 $0x10300  }
0x5b: {  	[tilespmem:s8], [sflag:$0x2] =	stream.indirect.gather [hbm4b:s3+s13], $0x40, s26, s13, $0xb8;
	[tilespmem:$0x17800] =	vst v63  }
0x5c: {  	s16 =	simm.s32 $0x3E0;
	s26 =	simm.s32 $0x10980  }
0x5d: {  	[tilespmem:s26], [sflag:$0x2] =	stream.indirect.gather [hbm4b:s3+s13], $0x40, s16, s13, $0xb8;
	[tilespmem:$0x17800] =	vst v63  }
0x5e: {  	_ =	swait.ge [sflag:s24], $0x680  }
0x5f: {  	[sflag:s24] =	ssyncset.done $0x0  }
0x60: {  	[sflag:s24] =	ssyncadd.s32 $0xFFFFF980  }
0x61: {  	_ =	swait.ge [sflag:s24], $0x680  }
0x62: {  	[sflag:s24] =	ssyncset.done $0x0  }
0x63: {  	[sflag:s24] =	ssyncadd.s32 $0xFFFFF980  }
0x64: {  	_ =	swait.ge [sflag:s24], $0x680  }
0x65: {  	[sflag:s24] =	ssyncset.done $0x0  }
0x66: {  	[sflag:s24] =	ssyncadd.s32 $0xFFFFF980  }
0x67: {  	_ =	swait.ge [sflag:s24], $0x680  }
0x68: {  	[sflag:s24] =	ssyncset.done $0x0  }
0x69: {  	[sflag:s24] =	ssyncadd.s32 $0xFFFFF980  }
0x6a: {  	_ =	swait.ge [sflag:s24], $0x680  }
0x6b: {  	[sflag:s24] =	ssyncset.done $0x0  }
0x6c: {  	[sflag:s24] =	ssyncadd.s32 $0xFFFFF980  }
0x6d: {  	_ =	swait.ge [sflag:s24], $0x680  }
0x6e: {  	[sflag:s24] =	ssyncset.done $0x0  }
0x6f: {  	[sflag:s24] =	ssyncadd.s32 $0xFFFFF980  }
0x70: {  	_ =	swait.ge [sflag:s24], $0x680  }
0x71: {  	[sflag:s24] =	ssyncset.done $0x0  }
0x72: {  	[sflag:s24] =	ssyncadd.s32 $0xFFFFF980  }
0x73: {  	_ =	swait.ge [sflag:s24], $0x680  }
0x74: {  	[sflag:s24] =	ssyncset.done $0x0  }
0x75: {  	[sflag:s24] =	ssyncadd.s32 $0xFFFFF980  }
0x76: {  	_ =	swait.ge [sflag:s24], $0x680  }
0x77: {  	[sflag:s24] =	ssyncset.done $0x0  }
0x78: {  	[sflag:s24] =	ssyncadd.s32 $0xFFFFF980  }
0x79: {  	_ =	swait.ge [sflag:s24], $0x680  }
0x7a: {  	[sflag:s24] =	ssyncset.done $0x0  }
0x7b: {  	[sflag:s24] =	ssyncadd.s32 $0xFFFFF980  }
0x7c: {  	_ =	swait.ge [sflag:s24], $0x680  }
0x7d: {  	[sflag:s24] =	ssyncset.done $0x0  }
0x7e: {  	[sflag:s24] =	ssyncadd.s32 $0xFFFFF980  }
0x7f: {  	_ =	swait.ge [sflag:s24], $0x680  }
0x80: {  	[sflag:s24] =	ssyncset.done $0x0  }
0x81: {  	[sflag:s24] =	ssyncadd.s32 $0xFFFFF980  }
0x82: {  	_ =	swait.ge [sflag:s24], $0x680  }
0x83: {  	[sflag:s24] =	ssyncset.done $0x0  }
0x84: {  	[sflag:s24] =	ssyncadd.s32 $0xFFFFF980  }
0x85: {  	_ =	swait.ge [sflag:s24], $0x680  }
0x86: {  	[sflag:s24] =	ssyncset.done $0x0  }
0x87: {  	[sflag:s24] =	ssyncadd.s32 $0xFFFFF980  }
0x88: {  	_ =	swait.ge [sflag:s24], $0x680  }
0x89: {  	[sflag:s24] =	ssyncset.done $0x0  }
0x8a: {  	[sflag:s24] =	ssyncadd.s32 $0xFFFFF980  }
0x8b: {  	_ =	swait.ge [sflag:s24], $0x680  }
0x8c: {  	[sflag:s24] =	ssyncset.done $0x0  }
0x8d: {  	s17 =	simm.s32 $0x4000;
	s4 =	rddreg [dreg:$0x4];
	[sflag:s24] =	ssyncadd.s32 $0xFFFFF980  }
0x8e: {  	[hbm4b:s4+s2] =	stream.linear.scatter [tilespmem:s17], [sflag:$0x4], $0x6800, $0x38;
	[tilespmem:$0x17800] =	vst v63  }
0x8f: {  	s8 =	simm.s32 $0x400;
	s17 =	simm.s32 $0x11000  }
0x90: {  	[tilespmem:s17], [sflag:$0x3] =	stream.indirect.gather [hbm4b:s3+s13], $0x40, s8, s13, $0xb8;
	[tilespmem:$0x17800] =	vst v63  }
0x91: {  	s16 =	simm.s32 $0x420;
	s8 =	simm.s32 $0x11680  }
0x92: {  	[tilespmem:s8], [sflag:$0x3] =	stream.indirect.gather [hbm4b:s3+s13], $0x40, s16, s13, $0xb8;
	[tilespmem:$0x17800] =	vst v63  }
0x93: {  	s16 =	simm.s32 $0x440;
	s8 =	simm.s32 $0x11D00  }
0x94: {  	[tilespmem:s8], [sflag:$0x3] =	stream.indirect.gather [hbm4b:s3+s13], $0x40, s16, s13, $0xb8;
	[tilespmem:$0x17800] =	vst v63  }
0x95: {  	s16 =	simm.s32 $0x460;
	s8 =	simm.s32 $0x12380  }
0x96: {  	[tilespmem:s8], [sflag:$0x3] =	stream.indirect.gather [hbm4b:s3+s13], $0x40, s16, s13, $0xb8;
	[tilespmem:$0x17800] =	vst v63  }
0x97: {  	s16 =	simm.s32 $0x480;
	s8 =	simm.s32 $0x12A00  }
0x98: {  	[tilespmem:s8], [sflag:$0x3] =	stream.indirect.gather [hbm4b:s3+s13], $0x40, s16, s13, $0xb8;
	[tilespmem:$0x17800] =	vst v63  }
0x99: {  	s16 =	simm.s32 $0x4A0;
	s8 =	simm.s32 $0x13080  }
0x9a: {  	[tilespmem:s8], [sflag:$0x3] =	stream.indirect.gather [hbm4b:s3+s13], $0x40, s16, s13, $0xb8;
	[tilespmem:$0x17800] =	vst v63  }
0x9b: {  	s16 =	simm.s32 $0x4C0;
	s8 =	simm.s32 $0x13700  }
0x9c: {  	[tilespmem:s8], [sflag:$0x3] =	stream.indirect.gather [hbm4b:s3+s13], $0x40, s16, s13, $0xb8;
	[tilespmem:$0x17800] =	vst v63  }
0x9d: {  	s4 =	simm.s32 $0x13D80;
	s8 =	simm.s32 $0x4E0  }
0x9e: {  	[tilespmem:s4], [sflag:$0x3] =	stream.indirect.gather [hbm4b:s3+s13], $0x40, s8, s13, $0xb8;
	[tilespmem:$0x17800] =	vst v63  }
0x9f: {  	s4 =	simm.s32 $0x14400;
	s8 =	simm.s32 $0x500  }
0xa0: {  	[tilespmem:s4], [sflag:$0x3] =	stream.indirect.gather [hbm4b:s3+s13], $0x40, s8, s13, $0xb8;
	[tilespmem:$0x17800] =	vst v63  }
0xa1: {  	s4 =	simm.s32 $0x14A80;
	s8 =	simm.s32 $0x520  }
0xa2: {  	[tilespmem:s4], [sflag:$0x3] =	stream.indirect.gather [hbm4b:s3+s13], $0x40, s8, s13, $0xb8;
	[tilespmem:$0x17800] =	vst v63  }
0xa3: {  	s4 =	simm.s32 $0x15100;
	s8 =	simm.s32 $0x540  }
0xa4: {  	[tilespmem:s4], [sflag:$0x3] =	stream.indirect.gather [hbm4b:s3+s13], $0x40, s8, s13, $0xb8;
	[tilespmem:$0x17800] =	vst v63  }
0xa5: {  	s4 =	simm.s32 $0x15780;
	s8 =	simm.s32 $0x560  }
0xa6: {  	[tilespmem:s4], [sflag:$0x3] =	stream.indirect.gather [hbm4b:s3+s13], $0x40, s8, s13, $0xb8;
	[tilespmem:$0x17800] =	vst v63  }
0xa7: {  	s4 =	simm.s32 $0x15E00;
	s8 =	simm.s32 $0x580  }
0xa8: {  	[tilespmem:s4], [sflag:$0x3] =	stream.indirect.gather [hbm4b:s3+s13], $0x40, s8, s13, $0xb8;
	[tilespmem:$0x17800] =	vst v63  }
0xa9: {  	s4 =	simm.s32 $0x16480;
	s8 =	simm.s32 $0x5A0  }
0xaa: {  	[tilespmem:s4], [sflag:$0x3] =	stream.indirect.gather [hbm4b:s3+s13], $0x40, s8, s13, $0xb8;
	[tilespmem:$0x17800] =	vst v63  }
0xab: {  	s4 =	simm.s32 $0x16B00;
	s8 =	simm.s32 $0x5C0  }
0xac: {  	[tilespmem:s4], [sflag:$0x3] =	stream.indirect.gather [hbm4b:s3+s13], $0x40, s8, s13, $0xb8;
	[tilespmem:$0x17800] =	vst v63  }
0xad: {  	s4 =	simm.s32 $0x17180;
	s8 =	simm.s32 $0x5E0  }
0xae: {  	[tilespmem:s4], [sflag:$0x3] =	stream.indirect.gather [hbm4b:s3+s13], $0x40, s8, s13, $0xb8;
	[tilespmem:$0x17800] =	vst v63  }
0xaf: {  	_ =	swait.ge [sflag:s9], $0x680  }
0xb0: {  	[sflag:s9] =	ssyncset.done $0x0  }
0xb1: {  	[sflag:s9] =	ssyncadd.s32 $0xFFFFF980  }
0xb2: {  	_ =	swait.ge [sflag:s9], $0x680  }
0xb3: {  	[sflag:s9] =	ssyncset.done $0x0  }
0xb4: {  	[sflag:s9] =	ssyncadd.s32 $0xFFFFF980  }
0xb5: {  	_ =	swait.ge [sflag:s9], $0x680  }
0xb6: {  	[sflag:s9] =	ssyncset.done $0x0  }
0xb7: {  	[sflag:s9] =	ssyncadd.s32 $0xFFFFF980  }
0xb8: {  	_ =	swait.ge [sflag:s9], $0x680  }
0xb9: {  	[sflag:s9] =	ssyncset.done $0x0  }
0xba: {  	[sflag:s9] =	ssyncadd.s32 $0xFFFFF980  }
0xbb: {  	_ =	swait.ge [sflag:s9], $0x680  }
0xbc: {  	[sflag:s9] =	ssyncset.done $0x0  }
0xbd: {  	[sflag:s9] =	ssyncadd.s32 $0xFFFFF980  }
0xbe: {  	_ =	swait.ge [sflag:s9], $0x680  }
0xbf: {  	[sflag:s9] =	ssyncset.done $0x0  }
0xc0: {  	[sflag:s9] =	ssyncadd.s32 $0xFFFFF980  }
0xc1: {  	_ =	swait.ge [sflag:s9], $0x680  }
0xc2: {  	[sflag:s9] =	ssyncset.done $0x0  }
0xc3: {  	[sflag:s9] =	ssyncadd.s32 $0xFFFFF980  }
0xc4: {  	_ =	swait.ge [sflag:s9], $0x680  }
0xc5: {  	[sflag:s9] =	ssyncset.done $0x0  }
0xc6: {  	[sflag:s9] =	ssyncadd.s32 $0xFFFFF980  }
0xc7: {  	_ =	swait.ge [sflag:s9], $0x680  }
0xc8: {  	[sflag:s9] =	ssyncset.done $0x0  }
0xc9: {  	[sflag:s9] =	ssyncadd.s32 $0xFFFFF980  }
0xca: {  	_ =	swait.ge [sflag:s9], $0x680  }
0xcb: {  	[sflag:s9] =	ssyncset.done $0x0  }
0xcc: {  	[sflag:s9] =	ssyncadd.s32 $0xFFFFF980  }
0xcd: {  	_ =	swait.ge [sflag:s9], $0x680  }
0xce: {  	[sflag:s9] =	ssyncset.done $0x0  }
0xcf: {  	[sflag:s9] =	ssyncadd.s32 $0xFFFFF980  }
0xd0: {  	_ =	swait.ge [sflag:s9], $0x680  }
0xd1: {  	[sflag:s9] =	ssyncset.done $0x0  }
0xd2: {  	[sflag:s9] =	ssyncadd.s32 $0xFFFFF980  }
0xd3: {  	_ =	swait.ge [sflag:s9], $0x680  }
0xd4: {  	[sflag:s9] =	ssyncset.done $0x0  }
0xd5: {  	[sflag:s9] =	ssyncadd.s32 $0xFFFFF980  }
0xd6: {  	_ =	swait.ge [sflag:s9], $0x680  }
0xd7: {  	[sflag:s9] =	ssyncset.done $0x0  }
0xd8: {  	[sflag:s9] =	ssyncadd.s32 $0xFFFFF980  }
0xd9: {  	_ =	swait.ge [sflag:s9], $0x680  }
0xda: {  	[sflag:s9] =	ssyncset.done $0x0  }
0xdb: {  	[sflag:s9] =	ssyncadd.s32 $0xFFFFF980  }
0xdc: {  	_ =	swait.ge [sflag:s9], $0x680  }
0xdd: {  	[sflag:s9] =	ssyncset.done $0x0  }
0xde: {  	s8 =	simm.s32 $0xA800;
	s4 =	rddreg [dreg:$0x5];
	[sflag:s9] =	ssyncadd.s32 $0xFFFFF980  }
0xdf: {  	[hbm4b:s4+s2] =	stream.linear.scatter [tilespmem:s8], [sflag:$0x5], $0x6800, $0x38;
	[tilespmem:$0x17800] =	vst v63  }
0xe0: {  	_ =	swait.ge [sflag:s10], $0x6800  }
0xe1: {  	[sflag:s10] =	ssyncset.done $0x0  }
0xe2: {  	s26 =	simm.s32 $0x4000;
	s16 =	simm.s32 $0x600;
	[sflag:s10] =	ssyncadd.s32 $0xFFFF9800  }
0xe3: {  	[tilespmem:s26], [sflag:$0x1] =	stream.indirect.gather [hbm4b:s3+s13], $0x40, s16, s13, $0xb8;
	[tilespmem:$0x17800] =	vst v63  }
0xe4: {  	s26 =	simm.s32 $0x620  }
0xe5: {  	[tilespmem:s20], [sflag:$0x1] =	stream.indirect.gather [hbm4b:s3+s13], $0x40, s26, s13, $0xb8;
	[tilespmem:$0x17800] =	vst v63  }
0xe6: {  	s16 =	simm.s32 $0x640  }
0xe7: {  	[tilespmem:s22], [sflag:$0x1] =	stream.indirect.gather [hbm4b:s3+s13], $0x40, s16, s13, $0xb8;
	[tilespmem:$0x17800] =	vst v63  }
0xe8: {  	s26 =	simm.s32 $0x660  }
0xe9: {  	[tilespmem:s1], [sflag:$0x1] =	stream.indirect.gather [hbm4b:s3+s13], $0x40, s26, s13, $0xb8;
	[tilespmem:$0x17800] =	vst v63  }
0xea: {  	s16 =	simm.s32 $0x680  }
0xeb: {  	[tilespmem:s0], [sflag:$0x1] =	stream.indirect.gather [hbm4b:s3+s13], $0x40, s16, s13, $0xb8;
	[tilespmem:$0x17800] =	vst v63  }
0xec: {  	s26 =	simm.s32 $0x6A0  }
0xed: {  	[tilespmem:s21], [sflag:$0x1] =	stream.indirect.gather [hbm4b:s3+s13], $0x40, s26, s13, $0xb8;
	[tilespmem:$0x17800] =	vst v63  }
0xee: {  	s16 =	simm.s32 $0x6C0  }
0xef: {  	[tilespmem:s25], [sflag:$0x1] =	stream.indirect.gather [hbm4b:s3+s13], $0x40, s16, s13, $0xb8;
	[tilespmem:$0x17800] =	vst v63  }
0xf0: {  	s26 =	simm.s32 $0x6E0  }
0xf1: {  	[tilespmem:s29], [sflag:$0x1] =	stream.indirect.gather [hbm4b:s3+s13], $0x40, s26, s13, $0xb8;
	[tilespmem:$0x17800] =	vst v63  }
0xf2: {  	s16 =	simm.s32 $0x700  }
0xf3: {  	[tilespmem:s15], [sflag:$0x1] =	stream.indirect.gather [hbm4b:s3+s13], $0x40, s16, s13, $0xb8;
	[tilespmem:$0x17800] =	vst v63  }
0xf4: {  	s26 =	simm.s32 $0x720  }
0xf5: {  	[tilespmem:s23], [sflag:$0x1] =	stream.indirect.gather [hbm4b:s3+s13], $0x40, s26, s13, $0xb8;
	[tilespmem:$0x17800] =	vst v63  }
0xf6: {  	s16 =	simm.s32 $0x740  }
0xf7: {  	[tilespmem:s30], [sflag:$0x1] =	stream.indirect.gather [hbm4b:s3+s13], $0x40, s16, s13, $0xb8;
	[tilespmem:$0x17800] =	vst v63  }
0xf8: {  	s26 =	simm.s32 $0x760  }
0xf9: {  	[tilespmem:s28], [sflag:$0x1] =	stream.indirect.gather [hbm4b:s3+s13], $0x40, s26, s13, $0xb8;
	[tilespmem:$0x17800] =	vst v63  }
0xfa: {  	s16 =	simm.s32 $0x780  }
0xfb: {  	[tilespmem:s19], [sflag:$0x1] =	stream.indirect.gather [hbm4b:s3+s13], $0x40, s16, s13, $0xb8;
	[tilespmem:$0x17800] =	vst v63  }
0xfc: {  	s26 =	simm.s32 $0x7A0  }
0xfd: {  	[tilespmem:s31], [sflag:$0x1] =	stream.indirect.gather [hbm4b:s3+s13], $0x40, s26, s13, $0xb8;
	[tilespmem:$0x17800] =	vst v63  }
0xfe: {  	s16 =	simm.s32 $0x7C0  }
0xff: {  	[tilespmem:s6], [sflag:$0x1] =	stream.indirect.gather [hbm4b:s3+s13], $0x40, s16, s13, $0xb8;
	[tilespmem:$0x17800] =	vst v63  }
0x100: {  	s26 =	simm.s32 $0x7E0  }
0x101: {  	[tilespmem:s7], [sflag:$0x1] =	stream.indirect.gather [hbm4b:s3+s13], $0x40, s26, s13, $0xb8;
	[tilespmem:$0x17800] =	vst v63  }
0x102: {  	_ =	swait.ge [sflag:s5], $0x680  }
0x103: {  	[sflag:s5] =	ssyncset.done $0x0  }
0x104: {  	[sflag:s5] =	ssyncadd.s32 $0xFFFFF980  }
0x105: {  	_ =	swait.ge [sflag:s5], $0x680  }
0x106: {  	[sflag:s5] =	ssyncset.done $0x0  }
0x107: {  	[sflag:s5] =	ssyncadd.s32 $0xFFFFF980  }
0x108: {  	_ =	swait.ge [sflag:s5], $0x680  }
0x109: {  	[sflag:s5] =	ssyncset.done $0x0  }
0x10a: {  	[sflag:s5] =	ssyncadd.s32 $0xFFFFF980  }
0x10b: {  	_ =	swait.ge [sflag:s5], $0x680  }
0x10c: {  	[sflag:s5] =	ssyncset.done $0x0  }
0x10d: {  	[sflag:s5] =	ssyncadd.s32 $0xFFFFF980  }
0x10e: {  	_ =	swait.ge [sflag:s5], $0x680  }
0x10f: {  	[sflag:s5] =	ssyncset.done $0x0  }
0x110: {  	[sflag:s5] =	ssyncadd.s32 $0xFFFFF980  }
0x111: {  	_ =	swait.ge [sflag:s5], $0x680  }
0x112: {  	[sflag:s5] =	ssyncset.done $0x0  }
0x113: {  	[sflag:s5] =	ssyncadd.s32 $0xFFFFF980  }
0x114: {  	_ =	swait.ge [sflag:s5], $0x680  }
0x115: {  	[sflag:s5] =	ssyncset.done $0x0  }
0x116: {  	[sflag:s5] =	ssyncadd.s32 $0xFFFFF980  }
0x117: {  	_ =	swait.ge [sflag:s5], $0x680  }
0x118: {  	[sflag:s5] =	ssyncset.done $0x0  }
0x119: {  	[sflag:s5] =	ssyncadd.s32 $0xFFFFF980  }
0x11a: {  	_ =	swait.ge [sflag:s5], $0x680  }
0x11b: {  	[sflag:s5] =	ssyncset.done $0x0  }
0x11c: {  	[sflag:s5] =	ssyncadd.s32 $0xFFFFF980  }
0x11d: {  	_ =	swait.ge [sflag:s5], $0x680  }
0x11e: {  	[sflag:s5] =	ssyncset.done $0x0  }
0x11f: {  	[sflag:s5] =	ssyncadd.s32 $0xFFFFF980  }
0x120: {  	_ =	swait.ge [sflag:s5], $0x680  }
0x121: {  	[sflag:s5] =	ssyncset.done $0x0  }
0x122: {  	[sflag:s5] =	ssyncadd.s32 $0xFFFFF980  }
0x123: {  	_ =	swait.ge [sflag:s5], $0x680  }
0x124: {  	[sflag:s5] =	ssyncset.done $0x0  }
0x125: {  	[sflag:s5] =	ssyncadd.s32 $0xFFFFF980  }
0x126: {  	_ =	swait.ge [sflag:s5], $0x680  }
0x127: {  	[sflag:s5] =	ssyncset.done $0x0  }
0x128: {  	[sflag:s5] =	ssyncadd.s32 $0xFFFFF980  }
0x129: {  	_ =	swait.ge [sflag:s5], $0x680  }
0x12a: {  	[sflag:s5] =	ssyncset.done $0x0  }
0x12b: {  	[sflag:s5] =	ssyncadd.s32 $0xFFFFF980  }
0x12c: {  	_ =	swait.ge [sflag:s5], $0x680  }
0x12d: {  	[sflag:s5] =	ssyncset.done $0x0  }
0x12e: {  	[sflag:s5] =	ssyncadd.s32 $0xFFFFF980  }
0x12f: {  	_ =	swait.ge [sflag:s5], $0x680  }
0x130: {  	[sflag:s5] =	ssyncset.done $0x0  }
0x131: {  	s4 =	rddreg [dreg:$0x6];
	[sflag:s5] =	ssyncadd.s32 $0xFFFFF980  }
0x132: {  	[hbm4b:s4+s2] =	stream.linear.scatter [tilespmem:s17], [sflag:$0x6], $0x6800, $0x38;
	[tilespmem:$0x17800] =	vst v63  }
0x133: {  	_ =	swait.ge [sflag:s12], $0x6800  }
0x134: {  	[sflag:s12] =	ssyncset.done $0x0  }
0x135: {  	s8 =	simm.s32 $0xA800;
	s26 =	simm.s32 $0x800;
	[sflag:s12] =	ssyncadd.s32 $0xFFFF9800  }
0x136: {  	[tilespmem:s8], [sflag:$0x2] =	stream.indirect.gather [hbm4b:s3+s13], $0x40, s26, s13, $0xb8;
	[tilespmem:$0x17800] =	vst v63  }
0x137: {  	s16 =	simm.s32 $0xAE80;
	s8 =	simm.s32 $0x820  }
0x138: {  	[tilespmem:s16], [sflag:$0x2] =	stream.indirect.gather [hbm4b:s3+s13], $0x40, s8, s13, $0xb8;
	[tilespmem:$0x17800] =	vst v63  }
0x139: {  	s26 =	simm.s32 $0x840  }
0x13a: {  	[tilespmem:s14], [sflag:$0x2] =	stream.indirect.gather [hbm4b:s3+s13], $0x40, s26, s13, $0xb8;
	[tilespmem:$0x17800] =	vst v63  }
0x13b: {  	s16 =	simm.s32 $0x860  }
0x13c: {  	[tilespmem:s18], [sflag:$0x2] =	stream.indirect.gather [hbm4b:s3+s13], $0x40, s16, s13, $0xb8;
	[tilespmem:$0x17800] =	vst v63  }
0x13d: {  	s26 =	simm.s32 $0x880;
	s14 =	simm.s32 $0xC200  }
0x13e: {  	[tilespmem:s14], [sflag:$0x2] =	stream.indirect.gather [hbm4b:s3+s13], $0x40, s26, s13, $0xb8;
	[tilespmem:$0x17800] =	vst v63  }
0x13f: {  	s16 =	simm.s32 $0x8A0;
	s18 =	simm.s32 $0xC880  }
0x140: {  	[tilespmem:s18], [sflag:$0x2] =	stream.indirect.gather [hbm4b:s3+s13], $0x40, s16, s13, $0xb8;
	[tilespmem:$0x17800] =	vst v63  }
0x141: {  	s26 =	simm.s32 $0x8C0;
	s14 =	simm.s32 $0xCF00  }
0x142: {  	[tilespmem:s14], [sflag:$0x2] =	stream.indirect.gather [hbm4b:s3+s13], $0x40, s26, s13, $0xb8;
	[tilespmem:$0x17800] =	vst v63  }
0x143: {  	s16 =	simm.s32 $0x8E0;
	s18 =	simm.s32 $0xD580  }
0x144: {  	[tilespmem:s18], [sflag:$0x2] =	stream.indirect.gather [hbm4b:s3+s13], $0x40, s16, s13, $0xb8;
	[tilespmem:$0x17800] =	vst v63  }
0x145: {  	s26 =	simm.s32 $0x900;
	s14 =	simm.s32 $0xDC00  }
0x146: {  	[tilespmem:s14], [sflag:$0x2] =	stream.indirect.gather [hbm4b:s3+s13], $0x40, s26, s13, $0xb8;
	[tilespmem:$0x17800] =	vst v63  }
0x147: {  	s16 =	simm.s32 $0x920;
	s18 =	simm.s32 $0xE280  }
0x148: {  	[tilespmem:s18], [sflag:$0x2] =	stream.indirect.gather [hbm4b:s3+s13], $0x40, s16, s13, $0xb8;
	[tilespmem:$0x17800] =	vst v63  }
0x149: {  	s26 =	simm.s32 $0x940;
	s14 =	simm.s32 $0xE900  }
0x14a: {  	[tilespmem:s14], [sflag:$0x2] =	stream.indirect.gather [hbm4b:s3+s13], $0x40, s26, s13, $0xb8;
	[tilespmem:$0x17800] =	vst v63  }
0x14b: {  	s16 =	simm.s32 $0x960;
	s18 =	simm.s32 $0xEF80  }
0x14c: {  	[tilespmem:s18], [sflag:$0x2] =	stream.indirect.gather [hbm4b:s3+s13], $0x40, s16, s13, $0xb8;
	[tilespmem:$0x17800] =	vst v63  }
0x14d: {  	s26 =	simm.s32 $0x980;
	s14 =	simm.s32 $0xF600  }
0x14e: {  	[tilespmem:s14], [sflag:$0x2] =	stream.indirect.gather [hbm4b:s3+s13], $0x40, s26, s13, $0xb8;
	[tilespmem:$0x17800] =	vst v63  }
0x14f: {  	s16 =	simm.s32 $0x9A0;
	s18 =	simm.s32 $0xFC80  }
0x150: {  	[tilespmem:s18], [sflag:$0x2] =	stream.indirect.gather [hbm4b:s3+s13], $0x40, s16, s13, $0xb8;
	[tilespmem:$0x17800] =	vst v63  }
0x151: {  	s26 =	simm.s32 $0x9C0;
	s14 =	simm.s32 $0x10300  }
0x152: {  	[tilespmem:s14], [sflag:$0x2] =	stream.indirect.gather [hbm4b:s3+s13], $0x40, s26, s13, $0xb8;
	[tilespmem:$0x17800] =	vst v63  }
0x153: {  	s16 =	simm.s32 $0x9E0;
	s18 =	simm.s32 $0x10980  }
0x154: {  	[tilespmem:s18], [sflag:$0x2] =	stream.indirect.gather [hbm4b:s3+s13], $0x40, s16, s13, $0xb8;
	[tilespmem:$0x17800] =	vst v63  }
0x155: {  	_ =	swait.ge [sflag:s24], $0x680  }
0x156: {  	[sflag:s24] =	ssyncset.done $0x0  }
0x157: {  	[sflag:s24] =	ssyncadd.s32 $0xFFFFF980  }
0x158: {  	_ =	swait.ge [sflag:s24], $0x680  }
0x159: {  	[sflag:s24] =	ssyncset.done $0x0  }
0x15a: {  	[sflag:s24] =	ssyncadd.s32 $0xFFFFF980  }
0x15b: {  	_ =	swait.ge [sflag:s24], $0x680  }
0x15c: {  	[sflag:s24] =	ssyncset.done $0x0  }
0x15d: {  	[sflag:s24] =	ssyncadd.s32 $0xFFFFF980  }
0x15e: {  	_ =	swait.ge [sflag:s24], $0x680  }
0x15f: {  	[sflag:s24] =	ssyncset.done $0x0  }
0x160: {  	[sflag:s24] =	ssyncadd.s32 $0xFFFFF980  }
0x161: {  	_ =	swait.ge [sflag:s24], $0x680  }
0x162: {  	[sflag:s24] =	ssyncset.done $0x0  }
0x163: {  	[sflag:s24] =	ssyncadd.s32 $0xFFFFF980  }
0x164: {  	_ =	swait.ge [sflag:s24], $0x680  }
0x165: {  	[sflag:s24] =	ssyncset.done $0x0  }
0x166: {  	[sflag:s24] =	ssyncadd.s32 $0xFFFFF980  }
0x167: {  	_ =	swait.ge [sflag:s24], $0x680  }
0x168: {  	[sflag:s24] =	ssyncset.done $0x0  }
0x169: {  	[sflag:s24] =	ssyncadd.s32 $0xFFFFF980  }
0x16a: {  	_ =	swait.ge [sflag:s24], $0x680  }
0x16b: {  	[sflag:s24] =	ssyncset.done $0x0  }
0x16c: {  	[sflag:s24] =	ssyncadd.s32 $0xFFFFF980  }
0x16d: {  	_ =	swait.ge [sflag:s24], $0x680  }
0x16e: {  	[sflag:s24] =	ssyncset.done $0x0  }
0x16f: {  	[sflag:s24] =	ssyncadd.s32 $0xFFFFF980  }
0x170: {  	_ =	swait.ge [sflag:s24], $0x680  }
0x171: {  	[sflag:s24] =	ssyncset.done $0x0  }
0x172: {  	[sflag:s24] =	ssyncadd.s32 $0xFFFFF980  }
0x173: {  	_ =	swait.ge [sflag:s24], $0x680  }
0x174: {  	[sflag:s24] =	ssyncset.done $0x0  }
0x175: {  	[sflag:s24] =	ssyncadd.s32 $0xFFFFF980  }
0x176: {  	_ =	swait.ge [sflag:s24], $0x680  }
0x177: {  	[sflag:s24] =	ssyncset.done $0x0  }
0x178: {  	[sflag:s24] =	ssyncadd.s32 $0xFFFFF980  }
0x179: {  	_ =	swait.ge [sflag:s24], $0x680  }
0x17a: {  	[sflag:s24] =	ssyncset.done $0x0  }
0x17b: {  	[sflag:s24] =	ssyncadd.s32 $0xFFFFF980  }
0x17c: {  	_ =	swait.ge [sflag:s24], $0x680  }
0x17d: {  	[sflag:s24] =	ssyncset.done $0x0  }
0x17e: {  	[sflag:s24] =	ssyncadd.s32 $0xFFFFF980  }
0x17f: {  	_ =	swait.ge [sflag:s24], $0x680  }
0x180: {  	[sflag:s24] =	ssyncset.done $0x0  }
0x181: {  	[sflag:s24] =	ssyncadd.s32 $0xFFFFF980  }
0x182: {  	_ =	swait.ge [sflag:s24], $0x680  }
0x183: {  	[sflag:s24] =	ssyncset.done $0x0  }
0x184: {  	s14 =	simm.s32 $0x4000;
	s18 =	rddreg [dreg:$0xa];
	[sflag:s24] =	ssyncadd.s32 $0xFFFFF980  }
0x185: {  	[hbm4b:s18+s2] =	stream.linear.scatter [tilespmem:s14], [sflag:$0x4], $0x6800, $0x38;
	[tilespmem:$0x17800] =	vst v63  }
0x186: {  	_ =	swait.ge [sflag:s11], $0x6800  }
0x187: {  	[sflag:s11] =	ssyncset.done $0x0  }
0x188: {  	s26 =	simm.s32 $0xA00;
	[sflag:s11] =	ssyncadd.s32 $0xFFFF9800  }
0x189: {  	[tilespmem:s17], [sflag:$0x3] =	stream.indirect.gather [hbm4b:s3+s13], $0x40, s26, s13, $0xb8;
	[tilespmem:$0x17800] =	vst v63  }
0x18a: {  	s16 =	simm.s32 $0xA20;
	s26 =	simm.s32 $0x11680  }
0x18b: {  	[tilespmem:s26], [sflag:$0x3] =	stream.indirect.gather [hbm4b:s3+s13], $0x40, s16, s13, $0xb8;
	[tilespmem:$0x17800] =	vst v63  }
0x18c: {  	s16 =	simm.s32 $0xA40;
	s26 =	simm.s32 $0x11D00  }
0x18d: {  	[tilespmem:s26], [sflag:$0x3] =	stream.indirect.gather [hbm4b:s3+s13], $0x40, s16, s13, $0xb8;
	[tilespmem:$0x17800] =	vst v63  }
0x18e: {  	s16 =	simm.s32 $0xA60;
	s26 =	simm.s32 $0x12380  }
0x18f: {  	[tilespmem:s26], [sflag:$0x3] =	stream.indirect.gather [hbm4b:s3+s13], $0x40, s16, s13, $0xb8;
	[tilespmem:$0x17800] =	vst v63  }
0x190: {  	s16 =	simm.s32 $0xA80;
	s26 =	simm.s32 $0x12A00  }
0x191: {  	[tilespmem:s26], [sflag:$0x3] =	stream.indirect.gather [hbm4b:s3+s13], $0x40, s16, s13, $0xb8;
	[tilespmem:$0x17800] =	vst v63  }
0x192: {  	s16 =	simm.s32 $0xAA0;
	s26 =	simm.s32 $0x13080  }
0x193: {  	[tilespmem:s26], [sflag:$0x3] =	stream.indirect.gather [hbm4b:s3+s13], $0x40, s16, s13, $0xb8;
	[tilespmem:$0x17800] =	vst v63  }
0x194: {  	s16 =	simm.s32 $0xAC0;
	s26 =	simm.s32 $0x13700  }
0x195: {  	[tilespmem:s26], [sflag:$0x3] =	stream.indirect.gather [hbm4b:s3+s13], $0x40, s16, s13, $0xb8;
	[tilespmem:$0x17800] =	vst v63  }
0x196: {  	s16 =	simm.s32 $0xAE0;
	s26 =	simm.s32 $0x13D80  }
0x197: {  	[tilespmem:s26], [sflag:$0x3] =	stream.indirect.gather [hbm4b:s3+s13], $0x40, s16, s13, $0xb8;
	[tilespmem:$0x17800] =	vst v63  }
0x198: {  	s16 =	simm.s32 $0xB00;
	s26 =	simm.s32 $0x14400  }
0x199: {  	[tilespmem:s26], [sflag:$0x3] =	stream.indirect.gather [hbm4b:s3+s13], $0x40, s16, s13, $0xb8;
	[tilespmem:$0x17800] =	vst v63  }
0x19a: {  	s16 =	simm.s32 $0xB20;
	s26 =	simm.s32 $0x14A80  }
0x19b: {  	[tilespmem:s26], [sflag:$0x3] =	stream.indirect.gather [hbm4b:s3+s13], $0x40, s16, s13, $0xb8;
	[tilespmem:$0x17800] =	vst v63  }
0x19c: {  	s16 =	simm.s32 $0xB40;
	s26 =	simm.s32 $0x15100  }
0x19d: {  	[tilespmem:s26], [sflag:$0x3] =	stream.indirect.gather [hbm4b:s3+s13], $0x40, s16, s13, $0xb8;
	[tilespmem:$0x17800] =	vst v63  }
0x19e: {  	s16 =	simm.s32 $0xB60;
	s26 =	simm.s32 $0x15780  }
0x19f: {  	[tilespmem:s26], [sflag:$0x3] =	stream.indirect.gather [hbm4b:s3+s13], $0x40, s16, s13, $0xb8;
	[tilespmem:$0x17800] =	vst v63  }
0x1a0: {  	s16 =	simm.s32 $0xB80;
	s26 =	simm.s32 $0x15E00  }
0x1a1: {  	[tilespmem:s26], [sflag:$0x3] =	stream.indirect.gather [hbm4b:s3+s13], $0x40, s16, s13, $0xb8;
	[tilespmem:$0x17800] =	vst v63  }
0x1a2: {  	s16 =	simm.s32 $0xBA0;
	s26 =	simm.s32 $0x16480  }
0x1a3: {  	[tilespmem:s26], [sflag:$0x3] =	stream.indirect.gather [hbm4b:s3+s13], $0x40, s16, s13, $0xb8;
	[tilespmem:$0x17800] =	vst v63  }
0x1a4: {  	s16 =	simm.s32 $0xBC0;
	s26 =	simm.s32 $0x16B00  }
0x1a5: {  	[tilespmem:s26], [sflag:$0x3] =	stream.indirect.gather [hbm4b:s3+s13], $0x40, s16, s13, $0xb8;
	[tilespmem:$0x17800] =	vst v63  }
0x1a6: {  	s16 =	simm.s32 $0xBE0;
	s26 =	simm.s32 $0x17180  }
0x1a7: {  	[tilespmem:s26], [sflag:$0x3] =	stream.indirect.gather [hbm4b:s3+s13], $0x40, s16, s13, $0xb8;
	[tilespmem:$0x17800] =	vst v63  }
0x1a8: {  	_ =	swait.ge [sflag:s9], $0x680  }
0x1a9: {  	[sflag:s9] =	ssyncset.done $0x0  }
0x1aa: {  	[sflag:s9] =	ssyncadd.s32 $0xFFFFF980  }
0x1ab: {  	_ =	swait.ge [sflag:s9], $0x680  }
0x1ac: {  	[sflag:s9] =	ssyncset.done $0x0  }
0x1ad: {  	[sflag:s9] =	ssyncadd.s32 $0xFFFFF980  }
0x1ae: {  	_ =	swait.ge [sflag:s9], $0x680  }
0x1af: {  	[sflag:s9] =	ssyncset.done $0x0  }
0x1b0: {  	[sflag:s9] =	ssyncadd.s32 $0xFFFFF980  }
0x1b1: {  	_ =	swait.ge [sflag:s9], $0x680  }
0x1b2: {  	[sflag:s9] =	ssyncset.done $0x0  }
0x1b3: {  	[sflag:s9] =	ssyncadd.s32 $0xFFFFF980  }
0x1b4: {  	_ =	swait.ge [sflag:s9], $0x680  }
0x1b5: {  	[sflag:s9] =	ssyncset.done $0x0  }
0x1b6: {  	[sflag:s9] =	ssyncadd.s32 $0xFFFFF980  }
0x1b7: {  	_ =	swait.ge [sflag:s9], $0x680  }
0x1b8: {  	[sflag:s9] =	ssyncset.done $0x0  }
0x1b9: {  	[sflag:s9] =	ssyncadd.s32 $0xFFFFF980  }
0x1ba: {  	_ =	swait.ge [sflag:s9], $0x680  }
0x1bb: {  	[sflag:s9] =	ssyncset.done $0x0  }
0x1bc: {  	[sflag:s9] =	ssyncadd.s32 $0xFFFFF980  }
0x1bd: {  	_ =	swait.ge [sflag:s9], $0x680  }
0x1be: {  	[sflag:s9] =	ssyncset.done $0x0  }
0x1bf: {  	[sflag:s9] =	ssyncadd.s32 $0xFFFFF980  }
0x1c0: {  	_ =	swait.ge [sflag:s9], $0x680  }
0x1c1: {  	[sflag:s9] =	ssyncset.done $0x0  }
0x1c2: {  	[sflag:s9] =	ssyncadd.s32 $0xFFFFF980  }
0x1c3: {  	_ =	swait.ge [sflag:s9], $0x680  }
0x1c4: {  	[sflag:s9] =	ssyncset.done $0x0  }
0x1c5: {  	[sflag:s9] =	ssyncadd.s32 $0xFFFFF980  }
0x1c6: {  	_ =	swait.ge [sflag:s9], $0x680  }
0x1c7: {  	[sflag:s9] =	ssyncset.done $0x0  }
0x1c8: {  	[sflag:s9] =	ssyncadd.s32 $0xFFFFF980  }
0x1c9: {  	_ =	swait.ge [sflag:s9], $0x680  }
0x1ca: {  	[sflag:s9] =	ssyncset.done $0x0  }
0x1cb: {  	[sflag:s9] =	ssyncadd.s32 $0xFFFFF980  }
0x1cc: {  	_ =	swait.ge [sflag:s9], $0x680  }
0x1cd: {  	[sflag:s9] =	ssyncset.done $0x0  }
0x1ce: {  	[sflag:s9] =	ssyncadd.s32 $0xFFFFF980  }
0x1cf: {  	_ =	swait.ge [sflag:s9], $0x680  }
0x1d0: {  	[sflag:s9] =	ssyncset.done $0x0  }
0x1d1: {  	[sflag:s9] =	ssyncadd.s32 $0xFFFFF980  }
0x1d2: {  	_ =	swait.ge [sflag:s9], $0x680  }
0x1d3: {  	[sflag:s9] =	ssyncset.done $0x0  }
0x1d4: {  	[sflag:s9] =	ssyncadd.s32 $0xFFFFF980  }
0x1d5: {  	_ =	swait.ge [sflag:s9], $0x680  }
0x1d6: {  	[sflag:s9] =	ssyncset.done $0x0  }
0x1d7: {  	s16 =	sadd.s32 $0xD00, s18;
	s26 =	simm.s32 $0xA800;
	[sflag:s9] =	ssyncadd.s32 $0xFFFFF980  }
0x1d8: {  	[hbm4b:s16+s2] =	stream.linear.scatter [tilespmem:s26], [sflag:$0x5], $0x6800, $0x38;
	[tilespmem:$0x17800] =	vst v63  }
0x1d9: {  	_ =	swait.ge [sflag:s10], $0x6800  }
0x1da: {  	[sflag:s10] =	ssyncset.done $0x0  }
0x1db: {  	s16 =	simm.s32 $0xC00;
	[sflag:s10] =	ssyncadd.s32 $0xFFFF9800  }
0x1dc: {  	[tilespmem:s14], [sflag:$0x1] =	stream.indirect.gather [hbm4b:s3+s13], $0x40, s16, s13, $0xb8;
	[tilespmem:$0x17800] =	vst v63  }
0x1dd: {  	s14 =	simm.s32 $0xC20  }
0x1de: {  	[tilespmem:s20], [sflag:$0x1] =	stream.indirect.gather [hbm4b:s3+s13], $0x40, s14, s13, $0xb8;
	[tilespmem:$0x17800] =	vst v63  }
0x1df: {  	s20 =	simm.s32 $0xC40  }
0x1e0: {  	[tilespmem:s22], [sflag:$0x1] =	stream.indirect.gather [hbm4b:s3+s13], $0x40, s20, s13, $0xb8;
	[tilespmem:$0x17800] =	vst v63  }
0x1e1: {  	s22 =	simm.s32 $0xC60  }
0x1e2: {  	[tilespmem:s1], [sflag:$0x1] =	stream.indirect.gather [hbm4b:s3+s13], $0x40, s22, s13, $0xb8;
	[tilespmem:$0x17800] =	vst v63  }
0x1e3: {  	s14 =	simm.s32 $0xC80  }
0x1e4: {  	[tilespmem:s0], [sflag:$0x1] =	stream.indirect.gather [hbm4b:s3+s13], $0x40, s14, s13, $0xb8;
	[tilespmem:$0x17800] =	vst v63  }
0x1e5: {  	s20 =	simm.s32 $0xCA0  }
0x1e6: {  	[tilespmem:s21], [sflag:$0x1] =	stream.indirect.gather [hbm4b:s3+s13], $0x40, s20, s13, $0xb8;
	[tilespmem:$0x17800] =	vst v63  }
0x1e7: {  	s22 =	simm.s32 $0xCC0  }
0x1e8: {  	[tilespmem:s25], [sflag:$0x1] =	stream.indirect.gather [hbm4b:s3+s13], $0x40, s22, s13, $0xb8;
	[tilespmem:$0x17800] =	vst v63  }
0x1e9: {  	s0 =	simm.s32 $0xCE0  }
0x1ea: {  	[tilespmem:s29], [sflag:$0x1] =	stream.indirect.gather [hbm4b:s3+s13], $0x40, s0, s13, $0xb8;
	[tilespmem:$0x17800] =	vst v63  }
0x1eb: {  	s1 =	simm.s32 $0xD00  }
0x1ec: {  	[tilespmem:s15], [sflag:$0x1] =	stream.indirect.gather [hbm4b:s3+s13], $0x40, s1, s13, $0xb8;
	[tilespmem:$0x17800] =	vst v63  }
0x1ed: {  	s14 =	simm.s32 $0xD20  }
0x1ee: {  	[tilespmem:s23], [sflag:$0x1] =	stream.indirect.gather [hbm4b:s3+s13], $0x40, s14, s13, $0xb8;
	[tilespmem:$0x17800] =	vst v63  }
0x1ef: {  	s15 =	simm.s32 $0xD40  }
0x1f0: {  	[tilespmem:s30], [sflag:$0x1] =	stream.indirect.gather [hbm4b:s3+s13], $0x40, s15, s13, $0xb8;
	[tilespmem:$0x17800] =	vst v63  }
0x1f1: {  	s20 =	simm.s32 $0xD60  }
0x1f2: {  	[tilespmem:s28], [sflag:$0x1] =	stream.indirect.gather [hbm4b:s3+s13], $0x40, s20, s13, $0xb8;
	[tilespmem:$0x17800] =	vst v63  }
0x1f3: {  	s21 =	simm.s32 $0xD80  }
0x1f4: {  	[tilespmem:s19], [sflag:$0x1] =	stream.indirect.gather [hbm4b:s3+s13], $0x40, s21, s13, $0xb8;
	[tilespmem:$0x17800] =	vst v63  }
0x1f5: {  	s22 =	simm.s32 $0xDA0  }
0x1f6: {  	[tilespmem:s31], [sflag:$0x1] =	stream.indirect.gather [hbm4b:s3+s13], $0x40, s22, s13, $0xb8;
	[tilespmem:$0x17800] =	vst v63  }
0x1f7: {  	s23 =	simm.s32 $0xDC0  }
0x1f8: {  	[tilespmem:s6], [sflag:$0x1] =	stream.indirect.gather [hbm4b:s3+s13], $0x40, s23, s13, $0xb8;
	[tilespmem:$0x17800] =	vst v63  }
0x1f9: {  	s25 =	simm.s32 $0xDE0  }
0x1fa: {  	[tilespmem:s7], [sflag:$0x1] =	stream.indirect.gather [hbm4b:s3+s13], $0x40, s25, s13, $0xb8;
	[tilespmem:$0x17800] =	vst v63  }
0x1fb: {  	_ =	swait.ge [sflag:s5], $0x680  }
0x1fc: {  	[sflag:s5] =	ssyncset.done $0x0  }
0x1fd: {  	[sflag:s5] =	ssyncadd.s32 $0xFFFFF980  }
0x1fe: {  	_ =	swait.ge [sflag:s5], $0x680  }
0x1ff: {  	[sflag:s5] =	ssyncset.done $0x0  }
0x200: {  	[sflag:s5] =	ssyncadd.s32 $0xFFFFF980  }
0x201: {  	_ =	swait.ge [sflag:s5], $0x680  }
0x202: {  	[sflag:s5] =	ssyncset.done $0x0  }
0x203: {  	[sflag:s5] =	ssyncadd.s32 $0xFFFFF980  }
0x204: {  	_ =	swait.ge [sflag:s5], $0x680  }
0x205: {  	[sflag:s5] =	ssyncset.done $0x0  }
0x206: {  	[sflag:s5] =	ssyncadd.s32 $0xFFFFF980  }
0x207: {  	_ =	swait.ge [sflag:s5], $0x680  }
0x208: {  	[sflag:s5] =	ssyncset.done $0x0  }
0x209: {  	[sflag:s5] =	ssyncadd.s32 $0xFFFFF980  }
0x20a: {  	_ =	swait.ge [sflag:s5], $0x680  }
0x20b: {  	[sflag:s5] =	ssyncset.done $0x0  }
0x20c: {  	[sflag:s5] =	ssyncadd.s32 $0xFFFFF980  }
0x20d: {  	_ =	swait.ge [sflag:s5], $0x680  }
0x20e: {  	[sflag:s5] =	ssyncset.done $0x0  }
0x20f: {  	[sflag:s5] =	ssyncadd.s32 $0xFFFFF980  }
0x210: {  	_ =	swait.ge [sflag:s5], $0x680  }
0x211: {  	[sflag:s5] =	ssyncset.done $0x0  }
0x212: {  	[sflag:s5] =	ssyncadd.s32 $0xFFFFF980  }
0x213: {  	_ =	swait.ge [sflag:s5], $0x680  }
0x214: {  	[sflag:s5] =	ssyncset.done $0x0  }
0x215: {  	[sflag:s5] =	ssyncadd.s32 $0xFFFFF980  }
0x216: {  	_ =	swait.ge [sflag:s5], $0x680  }
0x217: {  	[sflag:s5] =	ssyncset.done $0x0  }
0x218: {  	[sflag:s5] =	ssyncadd.s32 $0xFFFFF980  }
0x219: {  	_ =	swait.ge [sflag:s5], $0x680  }
0x21a: {  	[sflag:s5] =	ssyncset.done $0x0  }
0x21b: {  	[sflag:s5] =	ssyncadd.s32 $0xFFFFF980  }
0x21c: {  	_ =	swait.ge [sflag:s5], $0x680  }
0x21d: {  	[sflag:s5] =	ssyncset.done $0x0  }
0x21e: {  	[sflag:s5] =	ssyncadd.s32 $0xFFFFF980  }
0x21f: {  	_ =	swait.ge [sflag:s5], $0x680  }
0x220: {  	[sflag:s5] =	ssyncset.done $0x0  }
0x221: {  	[sflag:s5] =	ssyncadd.s32 $0xFFFFF980  }
0x222: {  	_ =	swait.ge [sflag:s5], $0x680  }
0x223: {  	[sflag:s5] =	ssyncset.done $0x0  }
0x224: {  	[sflag:s5] =	ssyncadd.s32 $0xFFFFF980  }
0x225: {  	_ =	swait.ge [sflag:s5], $0x680  }
0x226: {  	[sflag:s5] =	ssyncset.done $0x0  }
0x227: {  	[sflag:s5] =	ssyncadd.s32 $0xFFFFF980  }
0x228: {  	_ =	swait.ge [sflag:s5], $0x680  }
0x229: {  	[sflag:s5] =	ssyncset.done $0x0  }
0x22a: {  	s0 =	sadd.s32 $0x1A00, s18;
	[sflag:s5] =	ssyncadd.s32 $0xFFFFF980  }
0x22b: {  	[hbm4b:s0+s2] =	stream.linear.scatter [tilespmem:s17], [sflag:$0x6], $0x6800, $0x38;
	[tilespmem:$0x17800] =	vst v63  }
0x22c: {  	_ =	swait.ge [sflag:s12], $0x6800  }
0x22d: {  	[sflag:s12] =	ssyncset.done $0x0  }
0x22e: {  	s1 =	simm.s32 $0xE00;
	[sflag:s12] =	ssyncadd.s32 $0xFFFF9800  }
0x22f: {  	[tilespmem:s26], [sflag:$0x2] =	stream.indirect.gather [hbm4b:s3+s13], $0x40, s1, s13, $0xb8;
	[tilespmem:$0x17800] =	vst v63  }
0x230: {  	s4 =	simm.s32 $0xB500;
	s8 =	simm.s32 $0xAE80;
	s6 =	simm.s32 $0xE20  }
0x231: {  	[tilespmem:s8], [sflag:$0x2] =	stream.indirect.gather [hbm4b:s3+s13], $0x40, s6, s13, $0xb8;
	[tilespmem:$0x17800] =	vst v63  }
0x232: {  	s16 =	simm.s32 $0x1800;
	s18 =	sadd.s32 $0x2700, s18;
	s7 =	simm.s32 $0xE40  }
0x233: {  	[tilespmem:s4], [sflag:$0x2] =	stream.indirect.gather [hbm4b:s3+s13], $0x40, s7, s13, $0xb8;
	[tilespmem:$0x17800] =	vst v63  }
0x234: {  	s29 =	simm.s32 $0xB500;
	s14 =	simm.s32 $0xBB80;
	s8 =	simm.s32 $0xE60  }
0x235: {  	[tilespmem:s14], [sflag:$0x2] =	stream.indirect.gather [hbm4b:s3+s13], $0x40, s8, s13, $0xb8;
	[tilespmem:$0x17800] =	vst v63  }
0x236: {  	s15 =	simm.s32 $0xE80;
	s30 =	simm.s32 $0x6D80;
	s19 =	simm.s32 $0xC200  }
0x237: {  	[tilespmem:s19], [sflag:$0x2] =	stream.indirect.gather [hbm4b:s3+s13], $0x40, s15, s13, $0xb8;
	[tilespmem:$0x17800] =	vst v63  }
0x238: {  	s20 =	simm.s32 $0xEA0;
	s28 =	simm.s32 $0x8100;
	s21 =	simm.s32 $0xC880  }
0x239: {  	[tilespmem:s21], [sflag:$0x2] =	stream.indirect.gather [hbm4b:s3+s13], $0x40, s20, s13, $0xb8;
	[tilespmem:$0x17800] =	vst v63  }
0x23a: {  	s22 =	simm.s32 $0xEC0;
	s31 =	simm.s32 $0x4D00;
	s23 =	simm.s32 $0xCF00  }
0x23b: {  	[tilespmem:s23], [sflag:$0x2] =	stream.indirect.gather [hbm4b:s3+s13], $0x40, s22, s13, $0xb8;
	[tilespmem:$0x17800] =	vst v63  }
0x23c: {  	s25 =	simm.s32 $0xEE0;
	s26 =	simm.s32 $0xD580;
	s1 =	simm.s32 $0xF00  }
0x23d: {  	[tilespmem:s26], [sflag:$0x2] =	stream.indirect.gather [hbm4b:s3+s13], $0x40, s25, s13, $0xb8;
	[tilespmem:$0x17800] =	vst v63  }
0x23e: {  	s6 =	simm.s32 $0xF20;
	s4 =	simm.s32 $0xDC00;
	s7 =	simm.s32 $0xE280  }
0x23f: {  	[tilespmem:s4], [sflag:$0x2] =	stream.indirect.gather [hbm4b:s3+s13], $0x40, s1, s13, $0xb8;
	[tilespmem:$0x17800] =	vst v63  }
0x240: {  	s8 =	simm.s32 $0xF40;
	s14 =	simm.s32 $0xE900;
	s15 =	simm.s32 $0xF60  }
0x241: {  	[tilespmem:s7], [sflag:$0x2] =	stream.indirect.gather [hbm4b:s3+s13], $0x40, s6, s13, $0xb8;
	[tilespmem:$0x17800] =	vst v63  }
0x242: {  	s19 =	simm.s32 $0xEF80;
	s20 =	simm.s32 $0xF80;
	s21 =	simm.s32 $0xF600  }
0x243: {  	[tilespmem:s14], [sflag:$0x2] =	stream.indirect.gather [hbm4b:s3+s13], $0x40, s8, s13, $0xb8;
	[tilespmem:$0x17800] =	vst v63  }
0x244: {  	s22 =	simm.s32 $0xFA0;
	s23 =	simm.s32 $0xFC80;
	s25 =	simm.s32 $0xFC0  }
0x245: {  	[tilespmem:s19], [sflag:$0x2] =	stream.indirect.gather [hbm4b:s3+s13], $0x40, s15, s13, $0xb8;
	[tilespmem:$0x17800] =	vst v63  }
0x246: {  	s26 =	simm.s32 $0x10300;
	s4 =	simm.s32 $0x8E00;
	s7 =	simm.s32 $0x9B00  }
0x247: {  	[tilespmem:s21], [sflag:$0x2] =	stream.indirect.gather [hbm4b:s3+s13], $0x40, s20, s13, $0xb8;
	[tilespmem:$0x17800] =	vst v63  }
0x248: {  	s6 =	simm.s32 $0x9480;
	s14 =	simm.s32 $0xAE80;
	s8 =	simm.s32 $0xA180  }
0x249: {  	[tilespmem:s23], [sflag:$0x2] =	stream.indirect.gather [hbm4b:s3+s13], $0x40, s22, s13, $0xb8;
	[tilespmem:$0x17800] =	vst v63  }
0x24a: {  	s15 =	simm.s32 $0x7400;
	s19 =	simm.s32 $0x8780;
	s21 =	simm.s32 $0x6080  }
0x24b: {  	[tilespmem:s26], [sflag:$0x2] =	stream.indirect.gather [hbm4b:s3+s13], $0x40, s25, s13, $0xb8;
	[tilespmem:$0x17800] =	vst v63  }
0x24c: {  	s20 =	simm.s32 $0xFE0;
	s23 =	simm.s32 $0x7A80;
	s25 =	simm.s32 $0x6700  }
.LBB2_2:
0x24d: {  	s0 =	simm.s32 $0x10980  }
0x24e: {  	[tilespmem:s0], [sflag:$0x2] =	stream.indirect.gather [hbm4b:s3+s13], $0x40, s20, s13, $0xb8;
	[tilespmem:$0x17800] =	vst v63  }
0x24f: {  	s20 =	smov.u32 s16  }
0x250: {  	p0 =	sne.s32 s16, $0xC000;
	s16 =	sadd.s32 $0x1800, s16;
	_ =	swait.ge [sflag:s24], $0x680  }
0x251: {  	[sflag:s24] =	ssyncset.done $0x0  }
0x252: {  	[sflag:s24] =	ssyncadd.s32 $0xFFFFF980  }
0x253: {  	_ =	swait.ge [sflag:s24], $0x680  }
0x254: {  	[sflag:s24] =	ssyncset.done $0x0  }
0x255: {  	[sflag:s24] =	ssyncadd.s32 $0xFFFFF980  }
0x256: {  	_ =	swait.ge [sflag:s24], $0x680  }
0x257: {  	[sflag:s24] =	ssyncset.done $0x0  }
0x258: {  	[sflag:s24] =	ssyncadd.s32 $0xFFFFF980  }
0x259: {  	_ =	swait.ge [sflag:s24], $0x680  }
0x25a: {  	[sflag:s24] =	ssyncset.done $0x0  }
0x25b: {  	[sflag:s24] =	ssyncadd.s32 $0xFFFFF980  }
0x25c: {  	_ =	swait.ge [sflag:s24], $0x680  }
0x25d: {  	[sflag:s24] =	ssyncset.done $0x0  }
0x25e: {  	[sflag:s24] =	ssyncadd.s32 $0xFFFFF980  }
0x25f: {  	_ =	swait.ge [sflag:s24], $0x680  }
0x260: {  	[sflag:s24] =	ssyncset.done $0x0  }
0x261: {  	[sflag:s24] =	ssyncadd.s32 $0xFFFFF980  }
0x262: {  	_ =	swait.ge [sflag:s24], $0x680  }
0x263: {  	[sflag:s24] =	ssyncset.done $0x0  }
0x264: {  	[sflag:s24] =	ssyncadd.s32 $0xFFFFF980  }
0x265: {  	_ =	swait.ge [sflag:s24], $0x680  }
0x266: {  	[sflag:s24] =	ssyncset.done $0x0  }
0x267: {  	[sflag:s24] =	ssyncadd.s32 $0xFFFFF980  }
0x268: {  	_ =	swait.ge [sflag:s24], $0x680  }
0x269: {  	[sflag:s24] =	ssyncset.done $0x0  }
0x26a: {  	[sflag:s24] =	ssyncadd.s32 $0xFFFFF980  }
0x26b: {  	_ =	swait.ge [sflag:s24], $0x680  }
0x26c: {  	[sflag:s24] =	ssyncset.done $0x0  }
0x26d: {  	[sflag:s24] =	ssyncadd.s32 $0xFFFFF980  }
0x26e: {  	_ =	swait.ge [sflag:s24], $0x680  }
0x26f: {  	[sflag:s24] =	ssyncset.done $0x0  }
0x270: {  	[sflag:s24] =	ssyncadd.s32 $0xFFFFF980  }
0x271: {  	_ =	swait.ge [sflag:s24], $0x680  }
0x272: {  	[sflag:s24] =	ssyncset.done $0x0  }
0x273: {  	[sflag:s24] =	ssyncadd.s32 $0xFFFFF980  }
0x274: {  	_ =	swait.ge [sflag:s24], $0x680  }
0x275: {  	[sflag:s24] =	ssyncset.done $0x0  }
0x276: {  	[sflag:s24] =	ssyncadd.s32 $0xFFFFF980  }
0x277: {  	_ =	swait.ge [sflag:s24], $0x680  }
0x278: {  	[sflag:s24] =	ssyncset.done $0x0  }
0x279: {  	[sflag:s24] =	ssyncadd.s32 $0xFFFFF980  }
0x27a: {  	_ =	swait.ge [sflag:s24], $0x680  }
0x27b: {  	[sflag:s24] =	ssyncset.done $0x0  }
0x27c: {  	[sflag:s24] =	ssyncadd.s32 $0xFFFFF980  }
0x27d: {  	_ =	swait.ge [sflag:s24], $0x680  }
0x27e: {  	[sflag:s24] =	ssyncset.done $0x0  }
0x27f: {  	s26 =	simm.s32 $0x4000;
	[sflag:s24] =	ssyncadd.s32 $0xFFFFF980  }
0x280: {  	[hbm4b:s18+s2] =	stream.linear.scatter [tilespmem:s26], [sflag:$0x4], $0x6800, $0x38;
	[tilespmem:$0x17800] =	vst v63  }
0x281: {  	_ =	swait.ge [sflag:s11], $0x6800  }
0x282: {  	s20 =	sshra.s32 s20, $0x2;
	[sflag:s11] =	ssyncset.done $0x0  }
0x283: {  	s22 =	sadd.s32 $0xA00, s20;
	[sflag:s11] =	ssyncadd.s32 $0xFFFF9800  }
0x284: {  	[tilespmem:s17], [sflag:$0x3] =	stream.indirect.gather [hbm4b:s3+s13], $0x40, s22, s13, $0xb8;
	[tilespmem:$0x17800] =	vst v63  }
0x285: {  	s0 =	simm.s32 $0x11680;
	s22 =	sadd.s32 $0xA20, s20  }
0x286: {  	[tilespmem:s0], [sflag:$0x3] =	stream.indirect.gather [hbm4b:s3+s13], $0x40, s22, s13, $0xb8;
	[tilespmem:$0x17800] =	vst v63  }
0x287: {  	s22 =	sadd.s32 $0xA40, s20;
	s0 =	simm.s32 $0x11D00  }
0x288: {  	[tilespmem:s0], [sflag:$0x3] =	stream.indirect.gather [hbm4b:s3+s13], $0x40, s22, s13, $0xb8;
	[tilespmem:$0x17800] =	vst v63  }
0x289: {  	s22 =	sadd.s32 $0xA60, s20;
	s0 =	simm.s32 $0x12380  }
0x28a: {  	[tilespmem:s0], [sflag:$0x3] =	stream.indirect.gather [hbm4b:s3+s13], $0x40, s22, s13, $0xb8;
	[tilespmem:$0x17800] =	vst v63  }
0x28b: {  	s22 =	sadd.s32 $0xA80, s20;
	s0 =	simm.s32 $0x12A00  }
0x28c: {  	[tilespmem:s0], [sflag:$0x3] =	stream.indirect.gather [hbm4b:s3+s13], $0x40, s22, s13, $0xb8;
	[tilespmem:$0x17800] =	vst v63  }
0x28d: {  	s22 =	sadd.s32 $0xAA0, s20;
	s0 =	simm.s32 $0x13080  }
0x28e: {  	[tilespmem:s0], [sflag:$0x3] =	stream.indirect.gather [hbm4b:s3+s13], $0x40, s22, s13, $0xb8;
	[tilespmem:$0x17800] =	vst v63  }
0x28f: {  	s22 =	sadd.s32 $0xAC0, s20;
	s0 =	simm.s32 $0x13700  }
0x290: {  	[tilespmem:s0], [sflag:$0x3] =	stream.indirect.gather [hbm4b:s3+s13], $0x40, s22, s13, $0xb8;
	[tilespmem:$0x17800] =	vst v63  }
0x291: {  	s22 =	sadd.s32 $0xAE0, s20;
	s0 =	simm.s32 $0x13D80  }
0x292: {  	[tilespmem:s0], [sflag:$0x3] =	stream.indirect.gather [hbm4b:s3+s13], $0x40, s22, s13, $0xb8;
	[tilespmem:$0x17800] =	vst v63  }
0x293: {  	s22 =	sadd.s32 $0xB00, s20;
	s0 =	simm.s32 $0x14400  }
0x294: {  	[tilespmem:s0], [sflag:$0x3] =	stream.indirect.gather [hbm4b:s3+s13], $0x40, s22, s13, $0xb8;
	[tilespmem:$0x17800] =	vst v63  }
0x295: {  	s22 =	sadd.s32 $0xB20, s20;
	s0 =	simm.s32 $0x14A80  }
0x296: {  	[tilespmem:s0], [sflag:$0x3] =	stream.indirect.gather [hbm4b:s3+s13], $0x40, s22, s13, $0xb8;
	[tilespmem:$0x17800] =	vst v63  }
0x297: {  	s22 =	sadd.s32 $0xB40, s20;
	s0 =	simm.s32 $0x15100  }
0x298: {  	[tilespmem:s0], [sflag:$0x3] =	stream.indirect.gather [hbm4b:s3+s13], $0x40, s22, s13, $0xb8;
	[tilespmem:$0x17800] =	vst v63  }
0x299: {  	s22 =	sadd.s32 $0xB60, s20;
	s0 =	simm.s32 $0x15780  }
0x29a: {  	[tilespmem:s0], [sflag:$0x3] =	stream.indirect.gather [hbm4b:s3+s13], $0x40, s22, s13, $0xb8;
	[tilespmem:$0x17800] =	vst v63  }
0x29b: {  	s22 =	sadd.s32 $0xB80, s20;
	s0 =	simm.s32 $0x15E00  }
0x29c: {  	[tilespmem:s0], [sflag:$0x3] =	stream.indirect.gather [hbm4b:s3+s13], $0x40, s22, s13, $0xb8;
	[tilespmem:$0x17800] =	vst v63  }
0x29d: {  	s22 =	sadd.s32 $0xBA0, s20;
	s0 =	simm.s32 $0x16480  }
0x29e: {  	[tilespmem:s0], [sflag:$0x3] =	stream.indirect.gather [hbm4b:s3+s13], $0x40, s22, s13, $0xb8;
	[tilespmem:$0x17800] =	vst v63  }
0x29f: {  	s22 =	sadd.s32 $0xBC0, s20;
	s0 =	simm.s32 $0x16B00  }
0x2a0: {  	[tilespmem:s0], [sflag:$0x3] =	stream.indirect.gather [hbm4b:s3+s13], $0x40, s22, s13, $0xb8;
	[tilespmem:$0x17800] =	vst v63  }
0x2a1: {  	s22 =	sadd.s32 $0xBE0, s20;
	s0 =	simm.s32 $0x17180  }
0x2a2: {  	[tilespmem:s0], [sflag:$0x3] =	stream.indirect.gather [hbm4b:s3+s13], $0x40, s22, s13, $0xb8;
	[tilespmem:$0x17800] =	vst v63  }
0x2a3: {  	_ =	swait.ge [sflag:s9], $0x680  }
0x2a4: {  	[sflag:s9] =	ssyncset.done $0x0  }
0x2a5: {  	[sflag:s9] =	ssyncadd.s32 $0xFFFFF980  }
0x2a6: {  	_ =	swait.ge [sflag:s9], $0x680  }
0x2a7: {  	[sflag:s9] =	ssyncset.done $0x0  }
0x2a8: {  	[sflag:s9] =	ssyncadd.s32 $0xFFFFF980  }
0x2a9: {  	_ =	swait.ge [sflag:s9], $0x680  }
0x2aa: {  	[sflag:s9] =	ssyncset.done $0x0  }
0x2ab: {  	[sflag:s9] =	ssyncadd.s32 $0xFFFFF980  }
0x2ac: {  	_ =	swait.ge [sflag:s9], $0x680  }
0x2ad: {  	[sflag:s9] =	ssyncset.done $0x0  }
0x2ae: {  	[sflag:s9] =	ssyncadd.s32 $0xFFFFF980  }
0x2af: {  	_ =	swait.ge [sflag:s9], $0x680  }
0x2b0: {  	[sflag:s9] =	ssyncset.done $0x0  }
0x2b1: {  	[sflag:s9] =	ssyncadd.s32 $0xFFFFF980  }
0x2b2: {  	_ =	swait.ge [sflag:s9], $0x680  }
0x2b3: {  	[sflag:s9] =	ssyncset.done $0x0  }
0x2b4: {  	[sflag:s9] =	ssyncadd.s32 $0xFFFFF980  }
0x2b5: {  	_ =	swait.ge [sflag:s9], $0x680  }
0x2b6: {  	[sflag:s9] =	ssyncset.done $0x0  }
0x2b7: {  	[sflag:s9] =	ssyncadd.s32 $0xFFFFF980  }
0x2b8: {  	_ =	swait.ge [sflag:s9], $0x680  }
0x2b9: {  	[sflag:s9] =	ssyncset.done $0x0  }
0x2ba: {  	[sflag:s9] =	ssyncadd.s32 $0xFFFFF980  }
0x2bb: {  	_ =	swait.ge [sflag:s9], $0x680  }
0x2bc: {  	[sflag:s9] =	ssyncset.done $0x0  }
0x2bd: {  	[sflag:s9] =	ssyncadd.s32 $0xFFFFF980  }
0x2be: {  	_ =	swait.ge [sflag:s9], $0x680  }
0x2bf: {  	[sflag:s9] =	ssyncset.done $0x0  }
0x2c0: {  	[sflag:s9] =	ssyncadd.s32 $0xFFFFF980  }
0x2c1: {  	_ =	swait.ge [sflag:s9], $0x680  }
0x2c2: {  	[sflag:s9] =	ssyncset.done $0x0  }
0x2c3: {  	[sflag:s9] =	ssyncadd.s32 $0xFFFFF980  }
0x2c4: {  	_ =	swait.ge [sflag:s9], $0x680  }
0x2c5: {  	[sflag:s9] =	ssyncset.done $0x0  }
0x2c6: {  	[sflag:s9] =	ssyncadd.s32 $0xFFFFF980  }
0x2c7: {  	_ =	swait.ge [sflag:s9], $0x680  }
0x2c8: {  	[sflag:s9] =	ssyncset.done $0x0  }
0x2c9: {  	[sflag:s9] =	ssyncadd.s32 $0xFFFFF980  }
0x2ca: {  	_ =	swait.ge [sflag:s9], $0x680  }
0x2cb: {  	[sflag:s9] =	ssyncset.done $0x0  }
0x2cc: {  	[sflag:s9] =	ssyncadd.s32 $0xFFFFF980  }
0x2cd: {  	_ =	swait.ge [sflag:s9], $0x680  }
0x2ce: {  	[sflag:s9] =	ssyncset.done $0x0  }
0x2cf: {  	[sflag:s9] =	ssyncadd.s32 $0xFFFFF980  }
0x2d0: {  	_ =	swait.ge [sflag:s9], $0x680  }
0x2d1: {  	[sflag:s9] =	ssyncset.done $0x0  }
0x2d2: {  	s1 =	simm.s32 $0xA800;
	s22 =	sadd.s32 $0xD00, s18;
	[sflag:s9] =	ssyncadd.s32 $0xFFFFF980  }
0x2d3: {  	[hbm4b:s22+s2] =	stream.linear.scatter [tilespmem:s1], [sflag:$0x5], $0x6800, $0x38;
	[tilespmem:$0x17800] =	vst v63  }
0x2d4: {  	_ =	swait.ge [sflag:s10], $0x6800  }
0x2d5: {  	[sflag:s10] =	ssyncset.done $0x0  }
0x2d6: {  	s0 =	simm.s32 $0x4000;
	s22 =	sadd.s32 $0xC00, s20;
	[sflag:s10] =	ssyncadd.s32 $0xFFFF9800  }
0x2d7: {  	[tilespmem:s26], [sflag:$0x1] =	stream.indirect.gather [hbm4b:s3+s13], $0x40, s22, s13, $0xb8;
	[tilespmem:$0x17800] =	vst v63  }
0x2d8: {  	s22 =	sadd.s32 $0xC20, s20;
	s26 =	simm.s32 $0x4680  }
0x2d9: {  	[tilespmem:s26], [sflag:$0x1] =	stream.indirect.gather [hbm4b:s3+s13], $0x40, s22, s13, $0xb8;
	[tilespmem:$0x17800] =	vst v63  }
0x2da: {  	s22 =	sadd.s32 $0xC40, s20  }
0x2db: {  	[tilespmem:s31], [sflag:$0x1] =	stream.indirect.gather [hbm4b:s3+s13], $0x40, s22, s13, $0xb8;
	[tilespmem:$0x17800] =	vst v63  }
0x2dc: {  	s26 =	simm.s32 $0x5380;
	s22 =	sadd.s32 $0xC60, s20  }
0x2dd: {  	[tilespmem:s26], [sflag:$0x1] =	stream.indirect.gather [hbm4b:s3+s13], $0x40, s22, s13, $0xb8;
	[tilespmem:$0x17800] =	vst v63  }
0x2de: {  	s22 =	sadd.s32 $0xC80, s20;
	s26 =	simm.s32 $0x5A00  }
0x2df: {  	[tilespmem:s26], [sflag:$0x1] =	stream.indirect.gather [hbm4b:s3+s13], $0x40, s22, s13, $0xb8;
	[tilespmem:$0x17800] =	vst v63  }
0x2e0: {  	s22 =	sadd.s32 $0xCA0, s20  }
0x2e1: {  	[tilespmem:s21], [sflag:$0x1] =	stream.indirect.gather [hbm4b:s3+s13], $0x40, s22, s13, $0xb8;
	[tilespmem:$0x17800] =	vst v63  }
0x2e2: {  	s22 =	sadd.s32 $0xCC0, s20  }
0x2e3: {  	[tilespmem:s25], [sflag:$0x1] =	stream.indirect.gather [hbm4b:s3+s13], $0x40, s22, s13, $0xb8;
	[tilespmem:$0x17800] =	vst v63  }
0x2e4: {  	s22 =	sadd.s32 $0xCE0, s20  }
0x2e5: {  	[tilespmem:s30], [sflag:$0x1] =	stream.indirect.gather [hbm4b:s3+s13], $0x40, s22, s13, $0xb8;
	[tilespmem:$0x17800] =	vst v63  }
0x2e6: {  	s22 =	sadd.s32 $0xD00, s20  }
0x2e7: {  	[tilespmem:s15], [sflag:$0x1] =	stream.indirect.gather [hbm4b:s3+s13], $0x40, s22, s13, $0xb8;
	[tilespmem:$0x17800] =	vst v63  }
0x2e8: {  	s22 =	sadd.s32 $0xD20, s20  }
0x2e9: {  	[tilespmem:s23], [sflag:$0x1] =	stream.indirect.gather [hbm4b:s3+s13], $0x40, s22, s13, $0xb8;
	[tilespmem:$0x17800] =	vst v63  }
0x2ea: {  	s22 =	sadd.s32 $0xD40, s20  }
0x2eb: {  	[tilespmem:s28], [sflag:$0x1] =	stream.indirect.gather [hbm4b:s3+s13], $0x40, s22, s13, $0xb8;
	[tilespmem:$0x17800] =	vst v63  }
0x2ec: {  	s22 =	sadd.s32 $0xD60, s20  }
0x2ed: {  	[tilespmem:s19], [sflag:$0x1] =	stream.indirect.gather [hbm4b:s3+s13], $0x40, s22, s13, $0xb8;
	[tilespmem:$0x17800] =	vst v63  }
0x2ee: {  	s22 =	sadd.s32 $0xD80, s20  }
0x2ef: {  	[tilespmem:s4], [sflag:$0x1] =	stream.indirect.gather [hbm4b:s3+s13], $0x40, s22, s13, $0xb8;
	[tilespmem:$0x17800] =	vst v63  }
0x2f0: {  	s22 =	sadd.s32 $0xDA0, s20  }
0x2f1: {  	[tilespmem:s6], [sflag:$0x1] =	stream.indirect.gather [hbm4b:s3+s13], $0x40, s22, s13, $0xb8;
	[tilespmem:$0x17800] =	vst v63  }
0x2f2: {  	s22 =	sadd.s32 $0xDC0, s20  }
0x2f3: {  	[tilespmem:s7], [sflag:$0x1] =	stream.indirect.gather [hbm4b:s3+s13], $0x40, s22, s13, $0xb8;
	[tilespmem:$0x17800] =	vst v63  }
0x2f4: {  	s22 =	sadd.s32 $0xDE0, s20  }
0x2f5: {  	[tilespmem:s8], [sflag:$0x1] =	stream.indirect.gather [hbm4b:s3+s13], $0x40, s22, s13, $0xb8;
	[tilespmem:$0x17800] =	vst v63  }
0x2f6: {  	_ =	swait.ge [sflag:s5], $0x680  }
0x2f7: {  	[sflag:s5] =	ssyncset.done $0x0  }
0x2f8: {  	[sflag:s5] =	ssyncadd.s32 $0xFFFFF980  }
0x2f9: {  	_ =	swait.ge [sflag:s5], $0x680  }
0x2fa: {  	[sflag:s5] =	ssyncset.done $0x0  }
0x2fb: {  	[sflag:s5] =	ssyncadd.s32 $0xFFFFF980  }
0x2fc: {  	_ =	swait.ge [sflag:s5], $0x680  }
0x2fd: {  	[sflag:s5] =	ssyncset.done $0x0  }
0x2fe: {  	[sflag:s5] =	ssyncadd.s32 $0xFFFFF980  }
0x2ff: {  	_ =	swait.ge [sflag:s5], $0x680  }
0x300: {  	[sflag:s5] =	ssyncset.done $0x0  }
0x301: {  	[sflag:s5] =	ssyncadd.s32 $0xFFFFF980  }
0x302: {  	_ =	swait.ge [sflag:s5], $0x680  }
0x303: {  	[sflag:s5] =	ssyncset.done $0x0  }
0x304: {  	[sflag:s5] =	ssyncadd.s32 $0xFFFFF980  }
0x305: {  	_ =	swait.ge [sflag:s5], $0x680  }
0x306: {  	[sflag:s5] =	ssyncset.done $0x0  }
0x307: {  	[sflag:s5] =	ssyncadd.s32 $0xFFFFF980  }
0x308: {  	_ =	swait.ge [sflag:s5], $0x680  }
0x309: {  	[sflag:s5] =	ssyncset.done $0x0  }
0x30a: {  	[sflag:s5] =	ssyncadd.s32 $0xFFFFF980  }
0x30b: {  	_ =	swait.ge [sflag:s5], $0x680  }
0x30c: {  	[sflag:s5] =	ssyncset.done $0x0  }
0x30d: {  	[sflag:s5] =	ssyncadd.s32 $0xFFFFF980  }
0x30e: {  	_ =	swait.ge [sflag:s5], $0x680  }
0x30f: {  	[sflag:s5] =	ssyncset.done $0x0  }
0x310: {  	[sflag:s5] =	ssyncadd.s32 $0xFFFFF980  }
0x311: {  	_ =	swait.ge [sflag:s5], $0x680  }
0x312: {  	[sflag:s5] =	ssyncset.done $0x0  }
0x313: {  	[sflag:s5] =	ssyncadd.s32 $0xFFFFF980  }
0x314: {  	_ =	swait.ge [sflag:s5], $0x680  }
0x315: {  	[sflag:s5] =	ssyncset.done $0x0  }
0x316: {  	[sflag:s5] =	ssyncadd.s32 $0xFFFFF980  }
0x317: {  	_ =	swait.ge [sflag:s5], $0x680  }
0x318: {  	[sflag:s5] =	ssyncset.done $0x0  }
0x319: {  	[sflag:s5] =	ssyncadd.s32 $0xFFFFF980  }
0x31a: {  	_ =	swait.ge [sflag:s5], $0x680  }
0x31b: {  	[sflag:s5] =	ssyncset.done $0x0  }
0x31c: {  	[sflag:s5] =	ssyncadd.s32 $0xFFFFF980  }
0x31d: {  	_ =	swait.ge [sflag:s5], $0x680  }
0x31e: {  	[sflag:s5] =	ssyncset.done $0x0  }
0x31f: {  	[sflag:s5] =	ssyncadd.s32 $0xFFFFF980  }
0x320: {  	_ =	swait.ge [sflag:s5], $0x680  }
0x321: {  	[sflag:s5] =	ssyncset.done $0x0  }
0x322: {  	[sflag:s5] =	ssyncadd.s32 $0xFFFFF980  }
0x323: {  	_ =	swait.ge [sflag:s5], $0x680  }
0x324: {  	[sflag:s5] =	ssyncset.done $0x0  }
0x325: {  	s22 =	sadd.s32 $0x1A00, s18;
	[sflag:s5] =	ssyncadd.s32 $0xFFFFF980  }
0x326: {  	[hbm4b:s22+s2] =	stream.linear.scatter [tilespmem:s17], [sflag:$0x6], $0x6800, $0x38;
	[tilespmem:$0x17800] =	vst v63  }
0x327: {  	_ =	swait.ge [sflag:s12], $0x6800  }
0x328: {  	[sflag:s12] =	ssyncset.done $0x0  }
0x329: {  	s26 =	simm.s32 $0xA800;
	s22 =	sadd.s32 $0xE00, s20;
	[sflag:s12] =	ssyncadd.s32 $0xFFFF9800  }
0x32a: {  	[tilespmem:s1], [sflag:$0x2] =	stream.indirect.gather [hbm4b:s3+s13], $0x40, s22, s13, $0xb8;
	[tilespmem:$0x17800] =	vst v63  }
0x32b: {  	s22 =	sadd.s32 $0xE20, s20  }
0x32c: {  	[tilespmem:s14], [sflag:$0x2] =	stream.indirect.gather [hbm4b:s3+s13], $0x40, s22, s13, $0xb8;
	[tilespmem:$0x17800] =	vst v63  }
0x32d: {  	s22 =	sadd.s32 $0xE40, s20  }
0x32e: {  	[tilespmem:s29], [sflag:$0x2] =	stream.indirect.gather [hbm4b:s3+s13], $0x40, s22, s13, $0xb8;
	[tilespmem:$0x17800] =	vst v63  }
0x32f: {  	s1 =	simm.s32 $0xBB80;
	s22 =	sadd.s32 $0xE60, s20  }
0x330: {  	[tilespmem:s1], [sflag:$0x2] =	stream.indirect.gather [hbm4b:s3+s13], $0x40, s22, s13, $0xb8;
	[tilespmem:$0x17800] =	vst v63  }
0x331: {  	s22 =	sadd.s32 $0xE80, s20;
	s1 =	simm.s32 $0xC200  }
0x332: {  	[tilespmem:s1], [sflag:$0x2] =	stream.indirect.gather [hbm4b:s3+s13], $0x40, s22, s13, $0xb8;
	[tilespmem:$0x17800] =	vst v63  }
0x333: {  	s22 =	sadd.s32 $0xEA0, s20;
	s1 =	simm.s32 $0xC880  }
0x334: {  	[tilespmem:s1], [sflag:$0x2] =	stream.indirect.gather [hbm4b:s3+s13], $0x40, s22, s13, $0xb8;
	[tilespmem:$0x17800] =	vst v63  }
0x335: {  	s22 =	sadd.s32 $0xEC0, s20;
	s1 =	simm.s32 $0xCF00  }
0x336: {  	[tilespmem:s1], [sflag:$0x2] =	stream.indirect.gather [hbm4b:s3+s13], $0x40, s22, s13, $0xb8;
	[tilespmem:$0x17800] =	vst v63  }
0x337: {  	s22 =	sadd.s32 $0xEE0, s20;
	s1 =	simm.s32 $0xD580  }
0x338: {  	[tilespmem:s1], [sflag:$0x2] =	stream.indirect.gather [hbm4b:s3+s13], $0x40, s22, s13, $0xb8;
	[tilespmem:$0x17800] =	vst v63  }
0x339: {  	s22 =	sadd.s32 $0xF00, s20;
	s1 =	simm.s32 $0xDC00  }
0x33a: {  	[tilespmem:s1], [sflag:$0x2] =	stream.indirect.gather [hbm4b:s3+s13], $0x40, s22, s13, $0xb8;
	[tilespmem:$0x17800] =	vst v63  }
0x33b: {  	s22 =	sadd.s32 $0xF20, s20;
	s1 =	simm.s32 $0xE280  }
0x33c: {  	[tilespmem:s1], [sflag:$0x2] =	stream.indirect.gather [hbm4b:s3+s13], $0x40, s22, s13, $0xb8;
	[tilespmem:$0x17800] =	vst v63  }
0x33d: {  	s22 =	sadd.s32 $0xF40, s20;
	s1 =	simm.s32 $0xE900  }
0x33e: {  	[tilespmem:s1], [sflag:$0x2] =	stream.indirect.gather [hbm4b:s3+s13], $0x40, s22, s13, $0xb8;
	[tilespmem:$0x17800] =	vst v63  }
0x33f: {  	s22 =	sadd.s32 $0xF60, s20;
	s1 =	simm.s32 $0xEF80  }
0x340: {  	[tilespmem:s1], [sflag:$0x2] =	stream.indirect.gather [hbm4b:s3+s13], $0x40, s22, s13, $0xb8;
	[tilespmem:$0x17800] =	vst v63  }
0x341: {  	s22 =	sadd.s32 $0xF80, s20;
	s1 =	simm.s32 $0xF600  }
0x342: {  	[tilespmem:s1], [sflag:$0x2] =	stream.indirect.gather [hbm4b:s3+s13], $0x40, s22, s13, $0xb8;
	[tilespmem:$0x17800] =	vst v63  }
.Ltmp0:
0x343: {  	s22 =	sadd.s32 $0xFA0, s20;
	s1 =	simm.s32 $0xFC80;
	(pc) =	sbr.rel @p0 .LBB2_2-.Ltmp0, $4  }
0x344: {  	[tilespmem:s1], [sflag:$0x2] =	stream.indirect.gather [hbm4b:s3+s13], $0x40, s22, s13, $0xb8;
	[tilespmem:$0x17800] =	vst v63  }
0x345: {  	s22 =	sadd.s32 $0xFC0, s20;
	s1 =	simm.s32 $0x10300  }
0x346: {  	[tilespmem:s1], [sflag:$0x2] =	stream.indirect.gather [hbm4b:s3+s13], $0x40, s22, s13, $0xb8;
	[tilespmem:$0x17800] =	vst v63  }
0x347: {  	s18 =	sadd.s32 $0x2700, s18;
	s20 =	sadd.s32 $0xFE0, s20  }
0x348: {  	s1 =	simm.s32 $0x10980  }
0x349: {  	[tilespmem:s1], [sflag:$0x2] =	stream.indirect.gather [hbm4b:s3+s13], $0x40, s20, s13, $0xb8;
	[tilespmem:$0x17800] =	vst v63  }
0x34a: {  	_ =	swait.ge [sflag:s24], $0x680  }
0x34b: {  	[sflag:s24] =	ssyncset.done $0x0  }
0x34c: {  	[sflag:s24] =	ssyncadd.s32 $0xFFFFF980  }
0x34d: {  	_ =	swait.ge [sflag:s24], $0x680  }
0x34e: {  	[sflag:s24] =	ssyncset.done $0x0  }
0x34f: {  	[sflag:s24] =	ssyncadd.s32 $0xFFFFF980  }
0x350: {  	_ =	swait.ge [sflag:s24], $0x680  }
0x351: {  	[sflag:s24] =	ssyncset.done $0x0  }
0x352: {  	[sflag:s24] =	ssyncadd.s32 $0xFFFFF980  }
0x353: {  	_ =	swait.ge [sflag:s24], $0x680  }
0x354: {  	[sflag:s24] =	ssyncset.done $0x0  }
0x355: {  	[sflag:s24] =	ssyncadd.s32 $0xFFFFF980  }
0x356: {  	_ =	swait.ge [sflag:s24], $0x680  }
0x357: {  	[sflag:s24] =	ssyncset.done $0x0  }
0x358: {  	[sflag:s24] =	ssyncadd.s32 $0xFFFFF980  }
0x359: {  	_ =	swait.ge [sflag:s24], $0x680  }
0x35a: {  	[sflag:s24] =	ssyncset.done $0x0  }
0x35b: {  	[sflag:s24] =	ssyncadd.s32 $0xFFFFF980  }
0x35c: {  	_ =	swait.ge [sflag:s24], $0x680  }
0x35d: {  	[sflag:s24] =	ssyncset.done $0x0  }
0x35e: {  	[sflag:s24] =	ssyncadd.s32 $0xFFFFF980  }
0x35f: {  	_ =	swait.ge [sflag:s24], $0x680  }
0x360: {  	[sflag:s24] =	ssyncset.done $0x0  }
0x361: {  	[sflag:s24] =	ssyncadd.s32 $0xFFFFF980  }
0x362: {  	_ =	swait.ge [sflag:s24], $0x680  }
0x363: {  	[sflag:s24] =	ssyncset.done $0x0  }
0x364: {  	[sflag:s24] =	ssyncadd.s32 $0xFFFFF980  }
0x365: {  	_ =	swait.ge [sflag:s24], $0x680  }
0x366: {  	[sflag:s24] =	ssyncset.done $0x0  }
0x367: {  	[sflag:s24] =	ssyncadd.s32 $0xFFFFF980  }
0x368: {  	_ =	swait.ge [sflag:s24], $0x680  }
0x369: {  	[sflag:s24] =	ssyncset.done $0x0  }
0x36a: {  	[sflag:s24] =	ssyncadd.s32 $0xFFFFF980  }
0x36b: {  	_ =	swait.ge [sflag:s24], $0x680  }
0x36c: {  	[sflag:s24] =	ssyncset.done $0x0  }
0x36d: {  	[sflag:s24] =	ssyncadd.s32 $0xFFFFF980  }
0x36e: {  	_ =	swait.ge [sflag:s24], $0x680  }
0x36f: {  	[sflag:s24] =	ssyncset.done $0x0  }
0x370: {  	[sflag:s24] =	ssyncadd.s32 $0xFFFFF980  }
0x371: {  	_ =	swait.ge [sflag:s24], $0x680  }
0x372: {  	[sflag:s24] =	ssyncset.done $0x0  }
0x373: {  	[sflag:s24] =	ssyncadd.s32 $0xFFFFF980  }
0x374: {  	_ =	swait.ge [sflag:s24], $0x680  }
0x375: {  	[sflag:s24] =	ssyncset.done $0x0  }
0x376: {  	[sflag:s24] =	ssyncadd.s32 $0xFFFFF980  }
0x377: {  	_ =	swait.ge [sflag:s24], $0x680  }
0x378: {  	[sflag:s24] =	ssyncset.done $0x0  }
0x379: {  	s16 =	rddreg [dreg:$0x7];
	[sflag:s24] =	ssyncadd.s32 $0xFFFFF980  }
0x37a: {  	[hbm4b:s16+s2] =	stream.linear.scatter [tilespmem:s0], [sflag:$0x4], $0x6800, $0x38;
	[tilespmem:$0x17800] =	vst v63  }
0x37b: {  	_ =	swait.ge [sflag:s9], $0x680  }
0x37c: {  	[sflag:s9] =	ssyncset.done $0x0  }
0x37d: {  	[sflag:s9] =	ssyncadd.s32 $0xFFFFF980  }
0x37e: {  	_ =	swait.ge [sflag:s9], $0x680  }
0x37f: {  	[sflag:s9] =	ssyncset.done $0x0  }
0x380: {  	[sflag:s9] =	ssyncadd.s32 $0xFFFFF980  }
0x381: {  	_ =	swait.ge [sflag:s9], $0x680  }
0x382: {  	[sflag:s9] =	ssyncset.done $0x0  }
0x383: {  	[sflag:s9] =	ssyncadd.s32 $0xFFFFF980  }
0x384: {  	_ =	swait.ge [sflag:s9], $0x680  }
0x385: {  	[sflag:s9] =	ssyncset.done $0x0  }
0x386: {  	[sflag:s9] =	ssyncadd.s32 $0xFFFFF980  }
0x387: {  	_ =	swait.ge [sflag:s9], $0x680  }
0x388: {  	[sflag:s9] =	ssyncset.done $0x0  }
0x389: {  	[sflag:s9] =	ssyncadd.s32 $0xFFFFF980  }
0x38a: {  	_ =	swait.ge [sflag:s9], $0x680  }
0x38b: {  	[sflag:s9] =	ssyncset.done $0x0  }
0x38c: {  	[sflag:s9] =	ssyncadd.s32 $0xFFFFF980  }
0x38d: {  	_ =	swait.ge [sflag:s9], $0x680  }
0x38e: {  	[sflag:s9] =	ssyncset.done $0x0  }
0x38f: {  	[sflag:s9] =	ssyncadd.s32 $0xFFFFF980  }
0x390: {  	_ =	swait.ge [sflag:s9], $0x680  }
0x391: {  	[sflag:s9] =	ssyncset.done $0x0  }
0x392: {  	[sflag:s9] =	ssyncadd.s32 $0xFFFFF980  }
0x393: {  	_ =	swait.ge [sflag:s9], $0x680  }
0x394: {  	[sflag:s9] =	ssyncset.done $0x0  }
0x395: {  	[sflag:s9] =	ssyncadd.s32 $0xFFFFF980  }
0x396: {  	_ =	swait.ge [sflag:s9], $0x680  }
0x397: {  	[sflag:s9] =	ssyncset.done $0x0  }
0x398: {  	[sflag:s9] =	ssyncadd.s32 $0xFFFFF980  }
0x399: {  	_ =	swait.ge [sflag:s9], $0x680  }
0x39a: {  	[sflag:s9] =	ssyncset.done $0x0  }
0x39b: {  	[sflag:s9] =	ssyncadd.s32 $0xFFFFF980  }
0x39c: {  	_ =	swait.ge [sflag:s9], $0x680  }
0x39d: {  	[sflag:s9] =	ssyncset.done $0x0  }
0x39e: {  	[sflag:s9] =	ssyncadd.s32 $0xFFFFF980  }
0x39f: {  	_ =	swait.ge [sflag:s9], $0x680  }
0x3a0: {  	[sflag:s9] =	ssyncset.done $0x0  }
0x3a1: {  	[sflag:s9] =	ssyncadd.s32 $0xFFFFF980  }
0x3a2: {  	_ =	swait.ge [sflag:s9], $0x680  }
0x3a3: {  	[sflag:s9] =	ssyncset.done $0x0  }
0x3a4: {  	[sflag:s9] =	ssyncadd.s32 $0xFFFFF980  }
0x3a5: {  	_ =	swait.ge [sflag:s9], $0x680  }
0x3a6: {  	[sflag:s9] =	ssyncset.done $0x0  }
0x3a7: {  	[sflag:s9] =	ssyncadd.s32 $0xFFFFF980  }
0x3a8: {  	_ =	swait.ge [sflag:s9], $0x680  }
0x3a9: {  	[sflag:s9] =	ssyncset.done $0x0  }
0x3aa: {  	s25 =	rddreg [dreg:$0x8];
	[sflag:s9] =	ssyncadd.s32 $0xFFFFF980  }
0x3ab: {  	[hbm4b:s25+s2] =	stream.linear.scatter [tilespmem:s26], [sflag:$0x5], $0x6800, $0x38;
	[tilespmem:$0x17800] =	vst v63  }
0x3ac: {  	_ =	swait.ge [sflag:s11], $0x6800  }
0x3ad: {  	[sflag:s11] =	ssyncset.done $0x0  }
0x3ae: {  	[sflag:s11] =	ssyncadd.s32 $0xFFFF9800  }
0x3af: {  	_ =	swait.ge [sflag:s10], $0x6800  }
0x3b0: {  	[sflag:s10] =	ssyncset.done $0x0  }
0x3b1: {  	[sflag:s10] =	ssyncadd.s32 $0xFFFF9800  }
0x3b2: {  	s22 =	simm.s32 $0x4D00;
	_ =	swait.ge [sflag:s12], $0x6800  }
0x3b3: {  	s21 =	simm.s32 $0x6080;
	s29 =	simm.s32 $0x6D80;
	s4 =	rddreg [dreg:$0xb]  }
0x3b4: {  	s15 =	simm.s32 $0x7400;
	s26 =	rddreg [dreg:$0x9];
	s4 =	sadd.s32 $0x1, s4  }
0x3b5: {  	s23 =	simm.s32 $0x7A80;
	s30 =	simm.s32 $0x8100;
	p0 =	sne.s32 s4, s26  }
.Ltmp1:
0x3b6: {  	s28 =	simm.s32 $0x8780;
	s19 =	simm.s32 $0x8E00;
	(pc) =	sbr.rel @p0 .LBB2_1-.Ltmp1, $4  }
0x3b7: {  	s31 =	simm.s32 $0x9480;
	s6 =	simm.s32 $0x9B00;
	s7 =	simm.s32 $0xA180  }
0x3b8: {  	s8 =	simm.s32 $0xAE80;
	s14 =	simm.s32 $0xB500;
	s18 =	simm.s32 $0xBB80  }
0x3b9: {  	s20 =	simm.s32 $0x4680;
	s1 =	simm.s32 $0x5380;
	[sflag:s12] =	ssyncset.done $0x0  }
0x3ba: {  	s0 =	simm.s32 $0x5A00;
	s25 =	simm.s32 $0x6700;
	[sflag:s12] =	ssyncadd.s32 $0xFFFF9800  }
0x3bb: {  	_ =	sfence.sel $0x180000  }
0x3bc: {  	[bflag:$0x0] =	sbarrier.arrive $0xFFFF  }
0x3bd: {  	_ =	strace $0x90000047  }
0x3be: {  	s0 =	stileid.u32;
	[bflag:$0x2] =	sbarrier.arrive $0xFFFF  }
0x3bf: {  	p0 =	sne.s32 s0, $0x0;
	s0 =	rddreg [dreg:$0x2]  }
0x3c0: {  	s0 =	sadd.s32 @!p0 $0x100000, s0  }
0x3c1: {  	[sflag:s0] =	ssyncadd.tile.s32 @!p0 $0x1;
	_ =	shalt  }
.Lfunc_end2:
_tile_overlayer_lowered:
.L_overlay_start_2:
0x3c2: {  	(tag) =	ssettag $0x2  }
0x3c3: {  	s0 =	rddreg [dreg:$0x0];
	s2 =	stileid.u32  }
0x3c4: {  	s1 =	rddreg [dreg:$0x1];
	p0 =	sne.s32 s2, $0x0  }
0x3c5: {  	s3 =	rddreg [dreg:$0x2];
	[bflag:$0x3] =	sbarrier.arrive $0xFFFF;
	s2 =	simm.s32 @!p0 $0x1C07  }
0x3c6: {  	[timem:s3], [sflag:s2] =	dma.local @!p0 [hbm:s0], s1  }
0x3c7: {  	s0 =	simm.s32 @!p0 $0x7  }
0x3c8: {  	_ =	swait.ge @!p0 [sflag:s0], s1  }
0x3c9: {  	s1 =	ssub.s32 @!p0 $0x0, s1;
	[sflag:s0] =	ssyncset.done @!p0 $0x0  }
0x3ca: {  	[sflag:s0] =	ssyncadd.s32 @!p0 s1  }
0x3cb: {  	[bflag:$0x3] =	sbarrier.arrive $0xFFFF  }
0x3cc: {  	_ =	shalt  }

// kernel: sparse-core-data-format-call.cloned.1.call-start
scs
called_computation_lowered:
.L_overlay_start_0:
0x0: {  	s2 =	sld [smem:$0x3FD9]  }
0x1: {  	s3 =	sld [smem:$0x3FFE];
	_ =	sdelay $0x1  }
0x2: {  	s1 =	srdreg.scid  }
0x3: {  	s0 =	sand.u32 $0x1, s1  }
0x4: {  	s18 =	sshll.u32 s0, $0xA;
	s2 =	sadd.s32 s3, s2  }
0x5: {  	s2 =	sadd.s32 s2, s18  }
0x6: {  	[smem:$0x3FC6] =	sst s2  }
0x7: {  	_ = 	snop  }
0x8: {  	s2 =	sld [smem:$0x3FD0];
	(tm) =	ssettm $0x1  }
0x9: {  	s19 =	sld [smem:$0x3FFB];
	_ =	sdelay $0x3  }
0xa: {  	_ =	strace s19  }
0xb: {  	s3 =	sld [smem:$0x3FFC];
	_ =	sdelay $0x3  }
0xc: {  	_ =	strace s3  }
0xd: {  	s3 =	sld [smem:$0x3FFD];
	_ =	sdelay $0x3  }
0xe: {  	_ =	strace s3  }
0xf: {  	_ =	strace $0x8FFFFFFF  }
0x10: {  	s20 =	sld [smem:$0x3FDB];
	_ =	sdelay $0x1  }
0x11: {  	s4 =	simm.s32 $_scs_section_size  }
0x12: {  	s5 =	simm.s32 $_size__tile_overlayer_lowered;
	s6 =	simm.s32 $_tile_overlayer_lowered  }
0x13: {  	s23 =	simm.s32 $0x1BFF;
	s22 =	sshll.u32 s6, $0x1;
	s3 =	sadd.s32 s4, s20  }
0x14: {  	s7 =	simm.s32 $0x0;
	s21 =	sshll.u32 s5, $0x1;
	s5 =	sadd.s32 s22, s3  }
0x15: {  	[timem:s7], [sflag:s23] =	dma.local [hbm:s5], s21  }
0x16: {  	_ =	swait.ge [sflag:s23], s21  }
0x17: {  	s4 =	ssub.s32 $0x0, s21;
	[sflag:s23] =	ssyncset.done $0x0  }
0x18: {  	[sflag:s23] =	ssyncadd.s32 s4;
	_ =	sdelay $0x1  }
0x19: {  	s24 =	simm.s32 $0x1B8B  }
0x1a: {  	_ =	swait.ge [sflag:s24], $0x1  }
0x1b: {  	[sflag:s24] =	ssyncset.done $0x0  }
0x1c: {  	s26 =	simm.s32 $0x1B8E;
	s25 =	sld [smem:$0x3FFE];
	[sflag:s24] =	ssyncadd.s32 $0xFFFFFFFF  }
0x1d: {  	s27 =	simm.s32 $execute0_lowered;
	[smem:$0x3FD2] =	sst s26  }
0x1e: {  	s5 =	sshll.u32 s27, $0x1;
	_ =	strace $0x80000049;
	[dreg:$0x1] =	wrdreg $0xFFFFFFFF  }
0x1f: {  	s28 =	simm.s32 $_size_execute0_lowered;
	s3 =	sadd.s32 s3, s5;
	[dreg:$0x0] =	wrdreg $0x0  }
0x20: {  	s5 =	sshll.u32 s28, $0x1;
	[dreg:$0x2] =	wrdreg s3  }
0x21: {  	[dreg:$0x3] =	wrdreg s5  }
0x22: {  	[dreg:$0x4] =	wrdreg $0xC0  }
0x23: {  	_ =	task [dreg:s7], $0x5FFFF  }
0x24: {  	[dreg:$0x1] =	wrdreg $0xFFFFFFFF  }
0x25: {  	[dreg:$0x0] =	wrdreg $0x60  }
0x26: {  	[dreg:$0x2] =	wrdreg s25  }
0x27: {  	[dreg:$0x3] =	wrdreg s2  }
0x28: {  	[dreg:$0x4] =	wrdreg $0x9  }
0x29: {  	_ =	task.clear_ibuf [dreg:s7], $0x5FFFF;
	_ =	strace $0x90000049  }
0x2a: {  	s29 =	simm.s32 $0x9;
	_ =	strace $0x8000004B  }
0x2b: {  	_ =	swait.ge [sflag:s29], $0x1  }
0x2c: {  	[sflag:s29] =	ssyncadd.s32 $0xFFFFFFFF  }
0x2d: {  	_ =	strace $0x9000004B  }
0x2e: {  	_ =	sfence  }
0x2f: {  	s30 =	sld [smem:$0x0];
	_ =	sdelay $0x2  }
0x30: {  	s31 =	sshll.u32 s1, $0xD;
	s1 =	sshrl.u32 s1, $0x2  }
0x31: {  	s3 =	sand.u32 $0x4000, s31;
	s1 =	sadd.s32 s1, s30  }
0x32: {  	s0 =	sor.u32 s3, s0;
	s1 =	sshll.u32 s1, $0x11  }
0x33: {  	s0 =	sor.u32 s1, s0  }
0x34: {  	s0 =	sadd.s32 $0x8F2B, s0  }
0x35: {  	[sflag:s0] =	ssyncadd.remote.s32 $0x1  }
0x36: {  	_ =	sfence.sel $0xFFFF  }
0x37: {  	[dreg:$0x0] =	wrdreg $0xFFFFFFFF;
	(pc) =	sbr.abs _section_cstart, $3  }
0x38: {  	[dreg:$0x1] =	wrdreg $0xFFFFFFFF  }
0x39: {  	_ =	task.clear_ibuf [dreg:s7], $0x2FFFF;
	_ =	strace $0x9FFFFFFF  }
0x3a: {  	(tm) =	ssettm $0x7FFFFFFF  }
0x3b: {  	_ =	shalt  }
tec
execute0_lowered:
.L_overlay_start_1:
0x0: {  	(tag) =	ssettag $0x1  }
0x1: {  	s0 =	srdreg.scid  }
0x2: {  	s1 =	sshll.u32 s0, $0x4  }
0x3: {  	s0 =	stileid.u32;
	s1 =	sand.u32 $0x10, s1  }
0x4: {  	s1 =	sor.u32 s0, s1  }
0x5: {  	s6 =	rddreg [dreg:$0x0];
	s4 =	simm.s32 $0x1;
	s2 =	sshll.u32 s1, $0x7  }
0x6: {  	s7 =	simm.s32 $0x2;
	s12 =	simm.s32 $0x0;
	s1 =	ssub.s32 $0x4000, s2  }
0x7: {  	s8 =	simm.s32 $0x20000;
	s13 =	simm.s32 $0x0;
	s3 =	sand.u32 $0xF80, s1  }
0x8: {  	s9 =	simm.s32 $0x0;
	s5 =	sshrl.u32 s1, $0xC;
	p0 =	sne.s32 s3, $0x0  }
.Ltmp0:
0x9: {  	s1 =	rddreg [dreg:$0x2];
	s4 =	simm.s32 @!p0 $0x0;
	(pc) =	sbr.rel .LBB1_1-.Ltmp0, $4  }
0xa: {  	s11 =	simm.s32 $0x0;
	s3 =	rddreg [dreg:$0x1];
	s5 =	sadd.s32 s4, s5  }
0xb: {  	_ =	strace $0x8000004A;
	s4 =	simm.s32 $0x1;
	s5 =	smul.u32 $0x1A, s5  }
0xc: {  	s6 =	sadd.s32 $0xA00, s6;
	s10 =	smov.u32 s2;
	[sflag:s4] =	ssyncpa.u1 $0x0  }
0xd: {  	p0 =	por $0x0, $0x0;
	[sflag:s7] =	ssyncpa.u1 $0x0;
	s7 =	sor.u32 $0x1, s5  }
.LBB1_4:
0xe: {  	s16 =	sshll.u32 s13, $0x3;
	s17 =	sand.u32 $0x78, s13  }
0xf: {  	s30 =	sand.u32 $0x1F800, s13;
	s12 =	sshll.u32 s12, $0x11;
	s16 =	sand.u32 $0x3C00, s16  }
0x10: {  	[tilespmem:s15+$0x810 ss:$0x81] =	vst.msk $0xffff, v2;
	s31 =	sand.u32 $0x7, s13;
	s16 =	sor.u32 s17, s16;
	s17 =	sadd.s32 s3, s30  }
0x11: {  	[tilespmem:s15+$0x1020 ss:$0x81] =	vst.msk $0xffff, v0;
	s13 =	sshll.u32 s31, $0x12;
	s12 =	sadd.s32 s12, s17;
	s16 =	sshrl.u32 s16, $0x3  }
0x12: {  	[tilespmem:s15+$0x0 ss:$0x81] =	vst.msk $0xffff, v1;
	s13 =	sor.u32 $0x400, s13;
	s12 =	sadd.s32 s16, s12  }
0x13: {  	[hbm4b:s12+s13] =	stream.strided.scatter [tilespmem:s14], [sflag:$0x2], $0x2000, s8, s13, $0x20;
	[tilespmem:$0x8080] =	vst v63  }
.LBB1_5:
0x14: {  	s14 =	sadd.s32 $0x1, s9  }
0x15: {  	s12 =	sadd.s32 $0x1000, s10;
	s16 =	smov.u32 s10;
	p2 =	sgt.s32 s14, $0x19  }
0x16: {  	s16 =	smov.u32 @p2 s12  }
0x17: {  	s14 =	simm.s32 @p2 $0x0;
	p2 =	sgt.s32 s16, $0x3FFF  }
0x18: {  	s16 =	smov.u32 @p2 s2;
	p2 =	sne.s32 s11, s7  }
.Ltmp1:
0x19: {  	p1 =	slt.u32 s11, $0x2;
	(pc) =	sbr.rel @!p2 .LBB1_6-.Ltmp1, $4  }
0x1a: {  	s15 =	simm.s32 @!p1 $0x2  }
0x1b: {  	s13 =	smov.u32 s10;
	p0 =	por !p0, !p0;
	_ =	swait.ge @!p1 [sflag:s15], $0x2000  }
0x1c: {  	s12 =	smov.u32 s9;
	[sflag:s15] =	ssyncset.done @!p1 $0x0;
	s9 =	smov.u32 s14  }
0x1d: {  	s11 =	sadd.s32 $0x1, s11;
	[sflag:s15] =	ssyncadd.s32 @!p1 $0xFFFFE000;
	s10 =	smov.u32 s16  }
.LBB1_1:
0x1e: {  	p1 =	sge.u32 s11, s5  }
0x1f: {  	s31 =	sadd.s32 $0xFFFFFFFF, s11;
	s14 =	sxor.u32 @!p1 $0xFFFFFFFF, s11  }
0x20: {  	s15 =	sshll.u32 @!p1 s10, $0x9;
	s16 =	sshll.u32 @!p1 s9, $0x4;
	s17 =	simm.s32 @!p1 $0x1000  }
0x21: {  	s14 =	sshll.u32 @!p1 s14, $0xD;
	s16 =	sand.u32 @!p1 $0x1F0, s16;
	s15 =	sadd.s32 @!p1 s6, s15  }
0x22: {  	s14 =	sand.u32 @!p1 $0x2000, s14;
	s15 =	sadd.s32 @!p1 s16, s15;
	s16 =	simm.s32 @!p1 $0x40  }
0x23: {  	[tilespmem:s14], [sflag:$0x1] =	stream.strided.gather @!p1 [hbm4b:s15+s16], $0x2000, s17, s16, $0x38;
	[tilespmem:$0x8080] =	vst v63  }
0x24: {  	p1 =	sge.u32 s31, s5  }
.Ltmp2:
0x25: {  	_ = 	snop;
	(pc) =	sbr.rel @p1 .LBB1_5-.Ltmp2, $1  }
0x26: {  	_ =	sdelay $0x3  }
0x27: {  	s14 =	simm.s32 $0x1  }
0x28: {  	_ =	swait.ge [sflag:s4], $0x2000;
	s14 =	simm.s32 @!p0 $0x0  }
0x29: {  	[sflag:s4] =	ssyncset.done $0x0;
	s15 =	sshll.u32 s14, $0xD  }
0x2a: {  	[sflag:s4] =	ssyncadd.s32 $0xFFFFE000;
	s18 =	sor.u32 $0x20, s15  }
0x2b: {  	s14 =	smul.u32 $0x8100, s14;
	v3 =	vld [tilespmem:s18+$0x10]  }
0x2c: {  	s30 =	sand.u32 $0x1, s11;
	v2 =	vld [tilespmem:s18+$0xFFFFFFF0]  }
0x2d: {  	s15 =	smul.u32 $0x8100, s30;
	s14 =	sshrl.u32 s14, $0x2;
	v0 =	vld [tilespmem:s18+$0x0]  }
0x2e: {  	v1 =	vld [tilespmem:s18+$0xFFFFFFE0];
	s16 =	sor.u32 $0x4000, s14  }
0x2f: {  	s31 =	sshrl.u32 s15, $0x2;
	s15 =	sadd.s32 $0x0, s16  }
0x30: {  	s17 =	simm.s32 $0x4;
	s18 =	sadd.s32 $0x40, s18;
	s14 =	sor.u32 $0x4000, s31;
	[tilespmem:s15+$0x1830 ss:$0x81] =	vst.msk $0xffff, v3  }
.LBB1_3:
0x31: {  	v3 =	vld [tilespmem:s18+$0x10];
	p1 =	sne.s32 s17, $0x1FC;
	[tilespmem:s15+$0x810 ss:$0x81] =	vst.msk $0xffff, v2;
	s19 =	smov.u32 s17;
	s17 =	sadd.s32 $0x4, s17  }
.Ltmp3:
0x32: {  	v2 =	vld [tilespmem:s18+$0xFFFFFFF0];
	[tilespmem:s15+$0x1020 ss:$0x81] =	vst.msk $0xffff, v0;
	(pc) =	sbr.rel @p1 .LBB1_3-.Ltmp3, $4  }
0x33: {  	v0 =	vld [tilespmem:s18+$0x0];
	[tilespmem:s15+$0x0 ss:$0x81] =	vst.msk $0xffff, v1  }
0x34: {  	s15 =	sshra.s32 s19, $0x2;
	v1 =	vld [tilespmem:s18+$0xFFFFFFE0]  }
0x35: {  	s15 =	sadd.s32 s15, s16  }
0x36: {  	s18 =	sadd.s32 $0x40, s18;
	[tilespmem:s15+$0x1830 ss:$0x81] =	vst.msk $0xffff, v3  }
.Ltmp4:
0x37: {  	_ = 	snop;
	(pc) =	sbr.rel .LBB1_4-.Ltmp4, $1  }
0x38: {  	_ =	sdelay $0x3  }
.LBB1_6:
0x39: {  	_ =	sfence.sel $0x180000  }
0x3a: {  	s2 =	simm.s32 $0x1;
	[bflag:$0x0] =	sbarrier.arrive $0xFFFF  }
0x3b: {  	s31 =	simm.s32 $0x2;
	[sflag:s2] =	ssyncpa.u1 $0x1  }
0x3c: {  	[sflag:s31] =	ssyncpa.u1 $0x1  }
0x3d: {  	p0 =	sne.s32 s0, $0x0;
	_ =	strace $0x9000004A  }
0x3e: {  	s0 =	sadd.s32 @!p0 $0x100000, s1;
	[bflag:$0x2] =	sbarrier.arrive $0xFFFF  }
0x3f: {  	[sflag:s0] =	ssyncadd.tile.s32 @!p0 $0x1;
	_ =	shalt  }
.Lfunc_end1:
_tile_overlayer_lowered:
.L_overlay_start_2:
0x40: {  	(tag) =	ssettag $0x2  }
0x41: {  	s0 =	rddreg [dreg:$0x0];
	s2 =	stileid.u32  }
0x42: {  	s1 =	rddreg [dreg:$0x1];
	p0 =	sne.s32 s2, $0x0  }
0x43: {  	s3 =	rddreg [dreg:$0x2];
	[bflag:$0x3] =	sbarrier.arrive $0xFFFF;
	s2 =	simm.s32 @!p0 $0x1C01  }
0x44: {  	[timem:s3], [sflag:s2] =	dma.local @!p0 [hbm:s0], s1  }
0x45: {  	s0 =	simm.s32 @!p0 $0x1  }
0x46: {  	_ =	swait.ge @!p0 [sflag:s0], s1  }
0x47: {  	s1 =	ssub.s32 @!p0 $0x0, s1;
	[sflag:s0] =	ssyncset.done @!p0 $0x0  }
0x48: {  	[sflag:s0] =	ssyncadd.s32 @!p0 s1  }
0x49: {  	[bflag:$0x3] =	sbarrier.arrive $0xFFFF  }
0x4a: {  	_ =	shalt  }

</sc_bundles>
